<compile_context>
chip_gen: v7x
topology: tpu7x:2x2x1
jax: 0.10.2.dev20260603
libtpu: 0.0.44.dev20260713+nightly
codegen_flags: <defaults>
</compile_context>

<pallas_src>
import functools

import jax
import jax.numpy as jnp
from jax import lax
from jax.experimental import pallas as pl
from jax.experimental.pallas import tpu as pltpu
from jax.experimental.pallas import tpu_sc as plsc

_NUM_CLASSES = 1000000
_FEAT_DIM = 64
_BATCH = 16384
_ALPHA = 0.01
_PD = 128

_NS = 16
_PER = _BATCH // _NS
_NCH = 8
_CH = _PER // _NCH

_TBLK = 2048



def _tpad_body(ct_ref, out_ref):
    out_ref[:, 0:_FEAT_DIM] = jnp.transpose(ct_ref[...])
    out_ref[:, _FEAT_DIM:_PD] = jnp.zeros(
        (out_ref.shape[0], _PD - _FEAT_DIM), jnp.float32)


@functools.cache
def _make_tpad(nrows):
    grid = pl.cdiv(nrows, _TBLK)
    return pl.pallas_call(
        _tpad_body,
        grid=(grid,),
        in_specs=[pl.BlockSpec((_FEAT_DIM, _TBLK), lambda i: (0, i))],
        out_specs=pl.BlockSpec((_TBLK, _PD), lambda i: (i, 0)),
        out_shape=jax.ShapeDtypeStruct((nrows, _PD), jnp.float32),
        name="center_loss_tpad",
    )



def _tag_body(labels_ref, t_ref, lbl, idx):
    sid = lax.axis_index("s")
    base = sid * _PER
    pltpu.sync_copy(labels_ref.at[pl.ds(sid * _NCH, _NCH)], lbl)
    for r in range(_NCH):
        for g in range(_CH // 16):
            off = base + r * _CH + g * 16
            idx[r, pl.ds(g * 16, 16)] = lax.iota(jnp.int32, 16) + off
    for r in range(_NCH):
        pltpu.sync_copy(idx.at[r], t_ref.at[lbl.at[r]])


def _update_body(labels_ref, feat_ref, t_ref, centers_ref, loss_ref,
                 lbl, w, obuf, fbuf, sbuf, lv, lbv, acc_sh, lossbuf):
    sid = lax.axis_index("s")
    base = sid * _PER

    pltpu.sync_copy(labels_ref.at[pl.ds(sid * _NCH, _NCH)], lbl)
    for r in range(_NCH):
        pltpu.sync_copy(t_ref.at[lbl.at[r]], w.at[r])

    for r in range(_NCH):
        pltpu.sync_copy(centers_ref.at[lbl.at[r]], obuf)

        def _seed_row(rr, c):
            for cc in range(_FEAT_DIM // 16):
                sbuf[rr, pl.ds(cc * 16, 16)] = obuf[rr, pl.ds(cc * 16, 16)]
            return c
        lax.fori_loop(0, _CH, _seed_row, 0)
        pltpu.sync_copy(sbuf, acc_sh.at[w.at[r]])

    plsc.subcore_barrier()

    lacc = jnp.zeros((16,), jnp.float32)
    for r in range(_NCH):
        pltpu.sync_copy(feat_ref.at[pl.ds(base + r * _CH, _CH)], fbuf)
        pltpu.sync_copy(centers_ref.at[lbl.at[r]], obuf)

        def _diff_row(rr, a):
            for cc in range(_FEAT_DIM // 16):
                f = fbuf[rr, pl.ds(cc * 16, 16)]
                o = obuf[rr, pl.ds(cc * 16, 16)]
                d = f - o
                sbuf[rr, pl.ds(cc * 16, 16)] = d * _ALPHA
                a = a + d * d
            return a
        lacc = lax.fori_loop(0, _CH, _diff_row, lacc)
        pltpu.sync_copy(sbuf, acc_sh.at[w.at[r]], add=True)

    lv[...] = lacc
    pltpu.sync_copy(lv, lossbuf.at[sid])

    plsc.subcore_barrier()

    zv = jnp.zeros((16,), jnp.float32)
    for r in range(_NCH):
        pltpu.sync_copy(acc_sh.at[w.at[r]], sbuf)

        def _fin_row(rr, c):
            for cc in range(_FEAT_DIM // 16):
                obuf[rr, pl.ds(cc * 16, 16)] = sbuf[rr, pl.ds(cc * 16, 16)]
            for cc in range(_FEAT_DIM // 16, _PD // 16):
                obuf[rr, pl.ds(cc * 16, 16)] = zv
            return c
        lax.fori_loop(0, _CH, _fin_row, 0)
        pltpu.sync_copy(obuf, centers_ref.at[lbl.at[r]])

    @pl.when(sid == 0)
    def _():
        pltpu.sync_copy(lossbuf, lbv)
        s = jnp.zeros((16,), jnp.float32)
        for t in range(_NS):
            s = s + lbv[t]
        total = jnp.sum(s)
        lv[...] = jnp.full((16,), total, jnp.float32)
        pltpu.sync_copy(lv, loss_ref)


@functools.cache
def _make_sc_kernels():
    mesh = plsc.VectorSubcoreMesh(
        core_axis_name="c", subcore_axis_name="s",
        num_cores=1, num_subcores=_NS)
    cp = pltpu.CompilerParams(
        needs_layout_passes=False, use_tc_tiling_on_sc=False)
    tag = pl.kernel(
        _tag_body,
        out_type=(jax.ShapeDtypeStruct((_NUM_CLASSES,), jnp.int32),),
        mesh=mesh,
        compiler_params=cp,
        scratch_types=[
            pltpu.VMEM((_NCH, _CH), jnp.int32),
            pltpu.VMEM((_NCH, _CH), jnp.int32),
        ],
        name="center_loss_tag",
    )
    upd = pl.kernel(
        _update_body,
        out_type=(jax.ShapeDtypeStruct((16,), jnp.float32),),
        mesh=mesh,
        compiler_params=cp,
        scratch_types=[
            pltpu.VMEM((_NCH, _CH), jnp.int32),
            pltpu.VMEM((_NCH, _CH), jnp.int32),
            pltpu.VMEM((_CH, _PD), jnp.float32),
            pltpu.VMEM((_CH, _PD), jnp.float32),
            pltpu.VMEM((_CH, _FEAT_DIM), jnp.float32),
            pltpu.VMEM((16,), jnp.float32),
            pltpu.VMEM((_NS, 16), jnp.float32),
            pltpu.VMEM_SHARED((_BATCH, _FEAT_DIM), jnp.float32),
            pltpu.VMEM_SHARED((_NS, 16), jnp.float32),
        ],
        name="center_loss_update",
    )
    return tag, upd


def kernel(feat, labels, centers):
    tag, upd = _make_sc_kernels()
    labels2d = labels.reshape(_BATCH // _CH, _CH)

    cpad = jnp.pad(centers, ((0, 0), (0, _PD - _FEAT_DIM)))
    fpad = _make_tpad(_BATCH)(feat.T)

    t, = tag(labels2d)
    cref = jax.new_ref(cpad)
    lossv, = upd(labels2d, fpad, t, cref)

    return lossv[0], cref[:, 0:_FEAT_DIM]

# --- scband reference (transcript-rebuilt; emitter-appended) ---
"""Pipeline reference for scband-center-loss-50122268344326 (READ-ONLY COPY).

The authoritative reference and input builder live on the scoring server;
editing this copy changes nothing except your own understanding.
"""

import jax, jax.numpy as jnp
import numpy as np

NUM_CLASSES = 1000000
FEAT_DIM = 64
BATCH = 16384
ALPHA = 0.01


def setup_inputs(seed: int = 0) -> dict:
    key = jax.random.key(seed)
    k1, k2, k3 = jax.random.split(key, 3)
    feat = jax.random.normal(k1, (BATCH, FEAT_DIM), dtype=jnp.float32)
    labels = jax.random.randint(k2, (BATCH,), 0, NUM_CLASSES, dtype=jnp.int32)
    centers_raw = jax.random.normal(k3, (NUM_CLASSES, FEAT_DIM), dtype=jnp.float32)
    # F.normalize(..., dim=1)
    norms = jnp.sqrt(jnp.sum(centers_raw ** 2, axis=1, keepdims=True))
    centers = centers_raw / jnp.maximum(norms, 1e-12)
    return {"feat": feat, "labels": labels, "centers": centers}


def reference(feat, labels, centers):
    # labels.clamp(0, num_classes - 1).long()
    labels = jnp.clip(labels, 0, NUM_CLASSES - 1)
    # torch.index_select(self.centers, 0, labels) under no_grad
    batch_centers = jnp.take(centers, labels, axis=0)
    diff = feat - batch_centers
    # self.centers.index_add_(0, labels, diff, alpha=self.alpha) under no_grad
    new_centers = centers.at[labels].add(ALPHA * diff)
    loss = jnp.sum(diff ** 2)
    # return loss plus the updated buffer (the in-place buffer mutation is part of forward semantics)
    return loss, new_centers

if __name__ == "__main__":
    import jax
    _d = setup_inputs()
    print(jax.jit(kernel)(*tuple(_d.values())))

</pallas_src>

<mosaic_0001>
#map = affine_map<(d0, d1) -> (0, 0)>
#map1 = affine_map<(d0, d1) -> (0)>
module attributes {stable_mosaic.version = 14 : i64} {
  func.func @center_loss_tag(%arg0: i32, %arg1: i32, %arg2: memref<128x128xi32, #tpu.memory_space<hbm>>, %arg3: memref<1000000xi32, #tpu.memory_space<hbm>>, %arg4: memref<8x128xi32, #tpu.memory_space<vmem>>, %arg5: memref<8x128xi32, #tpu.memory_space<vmem>>) attributes {dimension_semantics = [#tpu.dimension_semantics<core_parallel>, #tpu.dimension_semantics<subcore_parallel>], iteration_bounds = array<i64: 1, 16>, scalar_prefetch = 0 : i64, scratch_operands = 2 : i64, tpu.core_type = #tpu.core_type<sc_vector_subcore>, window_params = [{transform_indices = #map}, {transform_indices = #map1}]} {
    %mul3A = arith.constant 1024 : i32
    %mul3A_0 = arith.muli %arg1, %mul3A : i32
    %mul3A_1 = arith.constant 8 : i32
    %mul3A_2 = arith.muli %arg1, %mul3A_1 : i32
    "tpu.region"() ({
      %run_scoped3A_719 = tpu.sem_alloc : memref<!tpu.dma_semaphore, #tpu.memory_space<semaphore_mem>>
      %dma_start3A = arith.constant 0 : i32
      %dma_start3A_720 = tpu.memref_slice %arg2[%mul3A_2, %dma_start3A] : memref<128x128xi32, #tpu.memory_space<hbm>> -> memref<8x128xi32, #tpu.memory_space<hbm>>
      %dma_start3A_721 = arith.constant 0 : i32
      %dma_start3A_722 = tpu.memref_slice %arg2[%mul3A_2, %dma_start3A_721] : memref<128x128xi32, #tpu.memory_space<hbm>> -> memref<8x128xi32, #tpu.memory_space<hbm>>
      tpu.enqueue_dma source(%dma_start3A_722 : memref<8x128xi32, #tpu.memory_space<hbm>>) target(%arg4 : memref<8x128xi32, #tpu.memory_space<vmem>>) target_semaphore(%run_scoped3A_719 : memref<!tpu.dma_semaphore, #tpu.memory_space<semaphore_mem>>)
      %dma_wait3A = arith.constant 0 : i32
      %dma_wait3A_723 = tpu.memref_slice %arg2[%mul3A_2, %dma_wait3A] : memref<128x128xi32, #tpu.memory_space<hbm>> -> memref<8x128xi32, #tpu.memory_space<hbm>>
      %dma_wait3A_724 = arith.constant 0 : i32
      %dma_wait3A_725 = tpu.memref_slice %arg2[%mul3A_2, %dma_wait3A_724] : memref<128x128xi32, #tpu.memory_space<hbm>> -> memref<8x128xi32, #tpu.memory_space<hbm>>
      tpu.wait_dma2 semaphore(%run_scoped3A_719 : memref<!tpu.dma_semaphore, #tpu.memory_space<semaphore_mem>>) src(%dma_wait3A_725 : memref<8x128xi32, #tpu.memory_space<hbm>>) dst(%arg4 : memref<8x128xi32, #tpu.memory_space<vmem>>)
      tpu.yield
    }) : () -> ()
    %add3A = arith.constant 0 : i32
    %add3A_3 = arith.addi %mul3A_0, %add3A : i32
    %add3A_4 = arith.constant 0 : i32
    %add3A_5 = arith.addi %add3A_3, %add3A_4 : i32
    %iota3A = tpu.iota {dimensions = array<i32: 0>} : vector<16xi32>
    %add3A_6 = vector.broadcast %add3A_5 : i32 to vector<16xi32>
    %add3A_7 = arith.addi %iota3A, %add3A_6 : vector<16xi32>
    %swap3A = arith.constant 0 : i32
    %swap3A_8 = arith.index_cast %swap3A : i32 to index
    %swap3A_9 = arith.constant 0 : index
    %swap3A_10 = tpu.vector_load %arg5[%swap3A_8, %swap3A_9] {strides = array<i32>} : memref<8x128xi32, #tpu.memory_space<vmem>>, vector<16xi32>,
    tpu.vector_store %arg5[%swap3A_8, %swap3A_9], %add3A_7 {strides = array<i32>} : memref<8x128xi32, #tpu.memory_space<vmem>>, vector<16xi32>,
    %add3A_11 = arith.constant 0 : i32
    %add3A_12 = arith.addi %mul3A_0, %add3A_11 : i32
    %add3A_13 = arith.constant 16 : i32
    %add3A_14 = arith.addi %add3A_12, %add3A_13 : i32
    %iota3A_15 = tpu.iota {dimensions = array<i32: 0>} : vector<16xi32>
    %add3A_16 = vector.broadcast %add3A_14 : i32 to vector<16xi32>
    %add3A_17 = arith.addi %iota3A_15, %add3A_16 : vector<16xi32>
    %swap3A_18 = arith.constant 0 : i32
    %swap3A_19 = arith.index_cast %swap3A_18 : i32 to index
    %swap3A_20 = arith.constant 16 : index
    %swap3A_21 = tpu.vector_load %arg5[%swap3A_19, %swap3A_20] {strides = array<i32>} : memref<8x128xi32, #tpu.memory_space<vmem>>, vector<16xi32>,
    tpu.vector_store %arg5[%swap3A_19, %swap3A_20], %add3A_17 {strides = array<i32>} : memref<8x128xi32, #tpu.memory_space<vmem>>, vector<16xi32>,
    %add3A_22 = arith.constant 0 : i32
    %add3A_23 = arith.addi %mul3A_0, %add3A_22 : i32
    %add3A_24 = arith.constant 32 : i32
    %add3A_25 = arith.addi %add3A_23, %add3A_24 : i32
    %iota3A_26 = tpu.iota {dimensions = array<i32: 0>} : vector<16xi32>
    %add3A_27 = vector.broadcast %add3A_25 : i32 to vector<16xi32>
    %add3A_28 = arith.addi %iota3A_26, %add3A_27 : vector<16xi32>
    %swap3A_29 = arith.constant 0 : i32
    %swap3A_30 = arith.index_cast %swap3A_29 : i32 to index
    %swap3A_31 = arith.constant 32 : index
    %swap3A_32 = tpu.vector_load %arg5[%swap3A_30, %swap3A_31] {strides = array<i32>} : memref<8x128xi32, #tpu.memory_space<vmem>>, vector<16xi32>,
    tpu.vector_store %arg5[%swap3A_30, %swap3A_31], %add3A_28 {strides = array<i32>} : memref<8x128xi32, #tpu.memory_space<vmem>>, vector<16xi32>,
    %add3A_33 = arith.constant 0 : i32
    %add3A_34 = arith.addi %mul3A_0, %add3A_33 : i32
    %add3A_35 = arith.constant 48 : i32
    %add3A_36 = arith.addi %add3A_34, %add3A_35 : i32
    %iota3A_37 = tpu.iota {dimensions = array<i32: 0>} : vector<16xi32>
    %add3A_38 = vector.broadcast %add3A_36 : i32 to vector<16xi32>
    %add3A_39 = arith.addi %iota3A_37, %add3A_38 : vector<16xi32>
    %swap3A_40 = arith.constant 0 : i32
    %swap3A_41 = arith.index_cast %swap3A_40 : i32 to index
    %swap3A_42 = arith.constant 48 : index
    %swap3A_43 = tpu.vector_load %arg5[%swap3A_41, %swap3A_42] {strides = array<i32>} : memref<8x128xi32, #tpu.memory_space<vmem>>, vector<16xi32>,
    tpu.vector_store %arg5[%swap3A_41, %swap3A_42], %add3A_39 {strides = array<i32>} : memref<8x128xi32, #tpu.memory_space<vmem>>, vector<16xi32>,
    %add3A_44 = arith.constant 0 : i32
    %add3A_45 = arith.addi %mul3A_0, %add3A_44 : i32
    %add3A_46 = arith.constant 64 : i32
    %add3A_47 = arith.addi %add3A_45, %add3A_46 : i32
    %iota3A_48 = tpu.iota {dimensions = array<i32: 0>} : vector<16xi32>
    %add3A_49 = vector.broadcast %add3A_47 : i32 to vector<16xi32>
    %add3A_50 = arith.addi %iota3A_48, %add3A_49 : vector<16xi32>
    %swap3A_51 = arith.constant 0 : i32
    %swap3A_52 = arith.index_cast %swap3A_51 : i32 to index
    %swap3A_53 = arith.constant 64 : index
    %swap3A_54 = tpu.vector_load %arg5[%swap3A_52, %swap3A_53] {strides = array<i32>} : memref<8x128xi32, #tpu.memory_space<vmem>>, vector<16xi32>,
    tpu.vector_store %arg5[%swap3A_52, %swap3A_53], %add3A_50 {strides = array<i32>} : memref<8x128xi32, #tpu.memory_space<vmem>>, vector<16xi32>,
    %add3A_55 = arith.constant 0 : i32
    %add3A_56 = arith.addi %mul3A_0, %add3A_55 : i32
    %add3A_57 = arith.constant 80 : i32
    %add3A_58 = arith.addi %add3A_56, %add3A_57 : i32
    %iota3A_59 = tpu.iota {dimensions = array<i32: 0>} : vector<16xi32>
    %add3A_60 = vector.broadcast %add3A_58 : i32 to vector<16xi32>
    %add3A_61 = arith.addi %iota3A_59, %add3A_60 : vector<16xi32>
    %swap3A_62 = arith.constant 0 : i32
    %swap3A_63 = arith.index_cast %swap3A_62 : i32 to index
    %swap3A_64 = arith.constant 80 : index
    %swap3A_65 = tpu.vector_load %arg5[%swap3A_63, %swap3A_64] {strides = array<i32>} : memref<8x128xi32, #tpu.memory_space<vmem>>, vector<16xi32>,
    tpu.vector_store %arg5[%swap3A_63, %swap3A_64], %add3A_61 {strides = array<i32>} : memref<8x128xi32, #tpu.memory_space<vmem>>, vector<16xi32>,
    %add3A_66 = arith.constant 0 : i32
    %add3A_67 = arith.addi %mul3A_0, %add3A_66 : i32
    %add3A_68 = arith.constant 96 : i32
    %add3A_69 = arith.addi %add3A_67, %add3A_68 : i32
    %iota3A_70 = tpu.iota {dimensions = array<i32: 0>} : vector<16xi32>
    %add3A_71 = vector.broadcast %add3A_69 : i32 to vector<16xi32>
    %add3A_72 = arith.addi %iota3A_70, %add3A_71 : vector<16xi32>
    %swap3A_73 = arith.constant 0 : i32
    %swap3A_74 = arith.index_cast %swap3A_73 : i32 to index
    %swap3A_75 = arith.constant 96 : index
    %swap3A_76 = tpu.vector_load %arg5[%swap3A_74, %swap3A_75] {strides = array<i32>} : memref<8x128xi32, #tpu.memory_space<vmem>>, vector<16xi32>,
    tpu.vector_store %arg5[%swap3A_74, %swap3A_75], %add3A_72 {strides = array<i32>} : memref<8x128xi32, #tpu.memory_space<vmem>>, vector<16xi32>,
    %add3A_77 = arith.constant 0 : i32
    %add3A_78 = arith.addi %mul3A_0, %add3A_77 : i32
    %add3A_79 = arith.constant 112 : i32
    %add3A_80 = arith.addi %add3A_78, %add3A_79 : i32
    %iota3A_81 = tpu.iota {dimensions = array<i32: 0>} : vector<16xi32>
    %add3A_82 = vector.broadcast %add3A_80 : i32 to vector<16xi32>
    %add3A_83 = arith.addi %iota3A_81, %add3A_82 : vector<16xi32>
    %swap3A_84 = arith.constant 0 : i32
    %swap3A_85 = arith.index_cast %swap3A_84 : i32 to index
    %swap3A_86 = arith.constant 112 : index
    %swap3A_87 = tpu.vector_load %arg5[%swap3A_85, %swap3A_86] {strides = array<i32>} : memref<8x128xi32, #tpu.memory_space<vmem>>, vector<16xi32>,
    tpu.vector_store %arg5[%swap3A_85, %swap3A_86], %add3A_83 {strides = array<i32>} : memref<8x128xi32, #tpu.memory_space<vmem>>, vector<16xi32>,
    %add3A_88 = arith.constant 128 : i32
    %add3A_89 = arith.addi %mul3A_0, %add3A_88 : i32
    %add3A_90 = arith.constant 0 : i32
    %add3A_91 = arith.addi %add3A_89, %add3A_90 : i32
    %iota3A_92 = tpu.iota {dimensions = array<i32: 0>} : vector<16xi32>
    %add3A_93 = vector.broadcast %add3A_91 : i32 to vector<16xi32>
    %add3A_94 = arith.addi %iota3A_92, %add3A_93 : vector<16xi32>
    %swap3A_95 = arith.constant 1 : i32
    %swap3A_96 = arith.index_cast %swap3A_95 : i32 to index
    %swap3A_97 = arith.constant 0 : index
    %swap3A_98 = tpu.vector_load %arg5[%swap3A_96, %swap3A_97] {strides = array<i32>} : memref<8x128xi32, #tpu.memory_space<vmem>>, vector<16xi32>,
    tpu.vector_store %arg5[%swap3A_96, %swap3A_97], %add3A_94 {strides = array<i32>} : memref<8x128xi32, #tpu.memory_space<vmem>>, vector<16xi32>,
    %add3A_99 = arith.constant 128 : i32
    %add3A_100 = arith.addi %mul3A_0, %add3A_99 : i32
    %add3A_101 = arith.constant 16 : i32
    %add3A_102 = arith.addi %add3A_100, %add3A_101 : i32
    %iota3A_103 = tpu.iota {dimensions = array<i32: 0>} : vector<16xi32>
    %add3A_104 = vector.broadcast %add3A_102 : i32 to vector<16xi32>
    %add3A_105 = arith.addi %iota3A_103, %add3A_104 : vector<16xi32>
    %swap3A_106 = arith.constant 1 : i32
    %swap3A_107 = arith.index_cast %swap3A_106 : i32 to index
    %swap3A_108 = arith.constant 16 : index
    %swap3A_109 = tpu.vector_load %arg5[%swap3A_107, %swap3A_108] {strides = array<i32>} : memref<8x128xi32, #tpu.memory_space<vmem>>, vector<16xi32>,
    tpu.vector_store %arg5[%swap3A_107, %swap3A_108], %add3A_105 {strides = array<i32>} : memref<8x128xi32, #tpu.memory_space<vmem>>, vector<16xi32>,
    %add3A_110 = arith.constant 128 : i32
    %add3A_111 = arith.addi %mul3A_0, %add3A_110 : i32
    %add3A_112 = arith.constant 32 : i32
    %add3A_113 = arith.addi %add3A_111, %add3A_112 : i32
    %iota3A_114 = tpu.iota {dimensions = array<i32: 0>} : vector<16xi32>
    %add3A_115 = vector.broadcast %add3A_113 : i32 to vector<16xi32>
    %add3A_116 = arith.addi %iota3A_114, %add3A_115 : vector<16xi32>
    %swap3A_117 = arith.constant 1 : i32
    %swap3A_118 = arith.index_cast %swap3A_117 : i32 to index
    %swap3A_119 = arith.constant 32 : index
    %swap3A_120 = tpu.vector_load %arg5[%swap3A_118, %swap3A_119] {strides = array<i32>} : memref<8x128xi32, #tpu.memory_space<vmem>>, vector<16xi32>,
    tpu.vector_store %arg5[%swap3A_118, %swap3A_119], %add3A_116 {strides = array<i32>} : memref<8x128xi32, #tpu.memory_space<vmem>>, vector<16xi32>,
    %add3A_121 = arith.constant 128 : i32
    %add3A_122 = arith.addi %mul3A_0, %add3A_121 : i32
    %add3A_123 = arith.constant 48 : i32
    %add3A_124 = arith.addi %add3A_122, %add3A_123 : i32
    %iota3A_125 = tpu.iota {dimensions = array<i32: 0>} : vector<16xi32>
    %add3A_126 = vector.broadcast %add3A_124 : i32 to vector<16xi32>
    %add3A_127 = arith.addi %iota3A_125, %add3A_126 : vector<16xi32>
    %swap3A_128 = arith.constant 1 : i32
    %swap3A_129 = arith.index_cast %swap3A_128 : i32 to index
    %swap3A_130 = arith.constant 48 : index
    %swap3A_131 = tpu.vector_load %arg5[%swap3A_129, %swap3A_130] {strides = array<i32>} : memref<8x128xi32, #tpu.memory_space<vmem>>, vector<16xi32>,
    tpu.vector_store %arg5[%swap3A_129, %swap3A_130], %add3A_127 {strides = array<i32>} : memref<8x128xi32, #tpu.memory_space<vmem>>, vector<16xi32>,
    %add3A_132 = arith.constant 128 : i32
    %add3A_133 = arith.addi %mul3A_0, %add3A_132 : i32
    %add3A_134 = arith.constant 64 : i32
    %add3A_135 = arith.addi %add3A_133, %add3A_134 : i32
    %iota3A_136 = tpu.iota {dimensions = array<i32: 0>} : vector<16xi32>
    %add3A_137 = vector.broadcast %add3A_135 : i32 to vector<16xi32>
    %add3A_138 = arith.addi %iota3A_136, %add3A_137 : vector<16xi32>
    %swap3A_139 = arith.constant 1 : i32
    %swap3A_140 = arith.index_cast %swap3A_139 : i32 to index
    %swap3A_141 = arith.constant 64 : index
    %swap3A_142 = tpu.vector_load %arg5[%swap3A_140, %swap3A_141] {strides = array<i32>} : memref<8x128xi32, #tpu.memory_space<vmem>>, vector<16xi32>,
    tpu.vector_store %arg5[%swap3A_140, %swap3A_141], %add3A_138 {strides = array<i32>} : memref<8x128xi32, #tpu.memory_space<vmem>>, vector<16xi32>,
    %add3A_143 = arith.constant 128 : i32
    %add3A_144 = arith.addi %mul3A_0, %add3A_143 : i32
    %add3A_145 = arith.constant 80 : i32
    %add3A_146 = arith.addi %add3A_144, %add3A_145 : i32
    %iota3A_147 = tpu.iota {dimensions = array<i32: 0>} : vector<16xi32>
    %add3A_148 = vector.broadcast %add3A_146 : i32 to vector<16xi32>
    %add3A_149 = arith.addi %iota3A_147, %add3A_148 : vector<16xi32>
    %swap3A_150 = arith.constant 1 : i32
    %swap3A_151 = arith.index_cast %swap3A_150 : i32 to index
    %swap3A_152 = arith.constant 80 : index
    %swap3A_153 = tpu.vector_load %arg5[%swap3A_151, %swap3A_152] {strides = array<i32>} : memref<8x128xi32, #tpu.memory_space<vmem>>, vector<16xi32>,
    tpu.vector_store %arg5[%swap3A_151, %swap3A_152], %add3A_149 {strides = array<i32>} : memref<8x128xi32, #tpu.memory_space<vmem>>, vector<16xi32>,
    %add3A_154 = arith.constant 128 : i32
    %add3A_155 = arith.addi %mul3A_0, %add3A_154 : i32
    %add3A_156 = arith.constant 96 : i32
    %add3A_157 = arith.addi %add3A_155, %add3A_156 : i32
    %iota3A_158 = tpu.iota {dimensions = array<i32: 0>} : vector<16xi32>
    %add3A_159 = vector.broadcast %add3A_157 : i32 to vector<16xi32>
    %add3A_160 = arith.addi %iota3A_158, %add3A_159 : vector<16xi32>
    %swap3A_161 = arith.constant 1 : i32
    %swap3A_162 = arith.index_cast %swap3A_161 : i32 to index
    %swap3A_163 = arith.constant 96 : index
    %swap3A_164 = tpu.vector_load %arg5[%swap3A_162, %swap3A_163] {strides = array<i32>} : memref<8x128xi32, #tpu.memory_space<vmem>>, vector<16xi32>,
    tpu.vector_store %arg5[%swap3A_162, %swap3A_163], %add3A_160 {strides = array<i32>} : memref<8x128xi32, #tpu.memory_space<vmem>>, vector<16xi32>,
    %add3A_165 = arith.constant 128 : i32
    %add3A_166 = arith.addi %mul3A_0, %add3A_165 : i32
    %add3A_167 = arith.constant 112 : i32
    %add3A_168 = arith.addi %add3A_166, %add3A_167 : i32
    %iota3A_169 = tpu.iota {dimensions = array<i32: 0>} : vector<16xi32>
    %add3A_170 = vector.broadcast %add3A_168 : i32 to vector<16xi32>
    %add3A_171 = arith.addi %iota3A_169, %add3A_170 : vector<16xi32>
    %swap3A_172 = arith.constant 1 : i32
    %swap3A_173 = arith.index_cast %swap3A_172 : i32 to index
    %swap3A_174 = arith.constant 112 : index
    %swap3A_175 = tpu.vector_load %arg5[%swap3A_173, %swap3A_174] {strides = array<i32>} : memref<8x128xi32, #tpu.memory_space<vmem>>, vector<16xi32>,
    tpu.vector_store %arg5[%swap3A_173, %swap3A_174], %add3A_171 {strides = array<i32>} : memref<8x128xi32, #tpu.memory_space<vmem>>, vector<16xi32>,
    %add3A_176 = arith.constant 256 : i32
    %add3A_177 = arith.addi %mul3A_0, %add3A_176 : i32
    %add3A_178 = arith.constant 0 : i32
    %add3A_179 = arith.addi %add3A_177, %add3A_178 : i32
    %iota3A_180 = tpu.iota {dimensions = array<i32: 0>} : vector<16xi32>
    %add3A_181 = vector.broadcast %add3A_179 : i32 to vector<16xi32>
    %add3A_182 = arith.addi %iota3A_180, %add3A_181 : vector<16xi32>
    %swap3A_183 = arith.constant 2 : i32
    %swap3A_184 = arith.index_cast %swap3A_183 : i32 to index
    %swap3A_185 = arith.constant 0 : index
    %swap3A_186 = tpu.vector_load %arg5[%swap3A_184, %swap3A_185] {strides = array<i32>} : memref<8x128xi32, #tpu.memory_space<vmem>>, vector<16xi32>,
    tpu.vector_store %arg5[%swap3A_184, %swap3A_185], %add3A_182 {strides = array<i32>} : memref<8x128xi32, #tpu.memory_space<vmem>>, vector<16xi32>,
    %add3A_187 = arith.constant 256 : i32
    %add3A_188 = arith.addi %mul3A_0, %add3A_187 : i32
    %add3A_189 = arith.constant 16 : i32
    %add3A_190 = arith.addi %add3A_188, %add3A_189 : i32
    %iota3A_191 = tpu.iota {dimensions = array<i32: 0>} : vector<16xi32>
    %add3A_192 = vector.broadcast %add3A_190 : i32 to vector<16xi32>
    %add3A_193 = arith.addi %iota3A_191, %add3A_192 : vector<16xi32>
    %swap3A_194 = arith.constant 2 : i32
    %swap3A_195 = arith.index_cast %swap3A_194 : i32 to index
    %swap3A_196 = arith.constant 16 : index
    %swap3A_197 = tpu.vector_load %arg5[%swap3A_195, %swap3A_196] {strides = array<i32>} : memref<8x128xi32, #tpu.memory_space<vmem>>, vector<16xi32>,
    tpu.vector_store %arg5[%swap3A_195, %swap3A_196], %add3A_193 {strides = array<i32>} : memref<8x128xi32, #tpu.memory_space<vmem>>, vector<16xi32>,
    %add3A_198 = arith.constant 256 : i32
    %add3A_199 = arith.addi %mul3A_0, %add3A_198 : i32
    %add3A_200 = arith.constant 32 : i32
    %add3A_201 = arith.addi %add3A_199, %add3A_200 : i32
    %iota3A_202 = tpu.iota {dimensions = array<i32: 0>} : vector<16xi32>
    %add3A_203 = vector.broadcast %add3A_201 : i32 to vector<16xi32>
    %add3A_204 = arith.addi %iota3A_202, %add3A_203 : vector<16xi32>
    %swap3A_205 = arith.constant 2 : i32
    %swap3A_206 = arith.index_cast %swap3A_205 : i32 to index
    %swap3A_207 = arith.constant 32 : index
    %swap3A_208 = tpu.vector_load %arg5[%swap3A_206, %swap3A_207] {strides = array<i32>} : memref<8x128xi32, #tpu.memory_space<vmem>>, vector<16xi32>,
    tpu.vector_store %arg5[%swap3A_206, %swap3A_207], %add3A_204 {strides = array<i32>} : memref<8x128xi32, #tpu.memory_space<vmem>>, vector<16xi32>,
    %add3A_209 = arith.constant 256 : i32
    %add3A_210 = arith.addi %mul3A_0, %add3A_209 : i32
    %add3A_211 = arith.constant 48 : i32
    %add3A_212 = arith.addi %add3A_210, %add3A_211 : i32
    %iota3A_213 = tpu.iota {dimensions = array<i32: 0>} : vector<16xi32>
    %add3A_214 = vector.broadcast %add3A_212 : i32 to vector<16xi32>
    %add3A_215 = arith.addi %iota3A_213, %add3A_214 : vector<16xi32>
    %swap3A_216 = arith.constant 2 : i32
    %swap3A_217 = arith.index_cast %swap3A_216 : i32 to index
    %swap3A_218 = arith.constant 48 : index
    %swap3A_219 = tpu.vector_load %arg5[%swap3A_217, %swap3A_218] {strides = array<i32>} : memref<8x128xi32, #tpu.memory_space<vmem>>, vector<16xi32>,
    tpu.vector_store %arg5[%swap3A_217, %swap3A_218], %add3A_215 {strides = array<i32>} : memref<8x128xi32, #tpu.memory_space<vmem>>, vector<16xi32>,
    %add3A_220 = arith.constant 256 : i32
    %add3A_221 = arith.addi %mul3A_0, %add3A_220 : i32
    %add3A_222 = arith.constant 64 : i32
    %add3A_223 = arith.addi %add3A_221, %add3A_222 : i32
    %iota3A_224 = tpu.iota {dimensions = array<i32: 0>} : vector<16xi32>
    %add3A_225 = vector.broadcast %add3A_223 : i32 to vector<16xi32>
    %add3A_226 = arith.addi %iota3A_224, %add3A_225 : vector<16xi32>
    %swap3A_227 = arith.constant 2 : i32
    %swap3A_228 = arith.index_cast %swap3A_227 : i32 to index
    %swap3A_229 = arith.constant 64 : index
    %swap3A_230 = tpu.vector_load %arg5[%swap3A_228, %swap3A_229] {strides = array<i32>} : memref<8x128xi32, #tpu.memory_space<vmem>>, vector<16xi32>,
    tpu.vector_store %arg5[%swap3A_228, %swap3A_229], %add3A_226 {strides = array<i32>} : memref<8x128xi32, #tpu.memory_space<vmem>>, vector<16xi32>,
    %add3A_231 = arith.constant 256 : i32
    %add3A_232 = arith.addi %mul3A_0, %add3A_231 : i32
    %add3A_233 = arith.constant 80 : i32
    %add3A_234 = arith.addi %add3A_232, %add3A_233 : i32
    %iota3A_235 = tpu.iota {dimensions = array<i32: 0>} : vector<16xi32>
    %add3A_236 = vector.broadcast %add3A_234 : i32 to vector<16xi32>
    %add3A_237 = arith.addi %iota3A_235, %add3A_236 : vector<16xi32>
    %swap3A_238 = arith.constant 2 : i32
    %swap3A_239 = arith.index_cast %swap3A_238 : i32 to index
    %swap3A_240 = arith.constant 80 : index
    %swap3A_241 = tpu.vector_load %arg5[%swap3A_239, %swap3A_240] {strides = array<i32>} : memref<8x128xi32, #tpu.memory_space<vmem>>, vector<16xi32>,
    tpu.vector_store %arg5[%swap3A_239, %swap3A_240], %add3A_237 {strides = array<i32>} : memref<8x128xi32, #tpu.memory_space<vmem>>, vector<16xi32>,
    %add3A_242 = arith.constant 256 : i32
    %add3A_243 = arith.addi %mul3A_0, %add3A_242 : i32
    %add3A_244 = arith.constant 96 : i32
    %add3A_245 = arith.addi %add3A_243, %add3A_244 : i32
    %iota3A_246 = tpu.iota {dimensions = array<i32: 0>} : vector<16xi32>
    %add3A_247 = vector.broadcast %add3A_245 : i32 to vector<16xi32>
    %add3A_248 = arith.addi %iota3A_246, %add3A_247 : vector<16xi32>
    %swap3A_249 = arith.constant 2 : i32
    %swap3A_250 = arith.index_cast %swap3A_249 : i32 to index
    %swap3A_251 = arith.constant 96 : index
    %swap3A_252 = tpu.vector_load %arg5[%swap3A_250, %swap3A_251] {strides = array<i32>} : memref<8x128xi32, #tpu.memory_space<vmem>>, vector<16xi32>,
    tpu.vector_store %arg5[%swap3A_250, %swap3A_251], %add3A_248 {strides = array<i32>} : memref<8x128xi32, #tpu.memory_space<vmem>>, vector<16xi32>,
    %add3A_253 = arith.constant 256 : i32
    %add3A_254 = arith.addi %mul3A_0, %add3A_253 : i32
    %add3A_255 = arith.constant 112 : i32
    %add3A_256 = arith.addi %add3A_254, %add3A_255 : i32
    %iota3A_257 = tpu.iota {dimensions = array<i32: 0>} : vector<16xi32>
    %add3A_258 = vector.broadcast %add3A_256 : i32 to vector<16xi32>
    %add3A_259 = arith.addi %iota3A_257, %add3A_258 : vector<16xi32>
    %swap3A_260 = arith.constant 2 : i32
    %swap3A_261 = arith.index_cast %swap3A_260 : i32 to index
    %swap3A_262 = arith.constant 112 : index
    %swap3A_263 = tpu.vector_load %arg5[%swap3A_261, %swap3A_262] {strides = array<i32>} : memref<8x128xi32, #tpu.memory_space<vmem>>, vector<16xi32>,
    tpu.vector_store %arg5[%swap3A_261, %swap3A_262], %add3A_259 {strides = array<i32>} : memref<8x128xi32, #tpu.memory_space<vmem>>, vector<16xi32>,
    %add3A_264 = arith.constant 384 : i32
    %add3A_265 = arith.addi %mul3A_0, %add3A_264 : i32
    %add3A_266 = arith.constant 0 : i32
    %add3A_267 = arith.addi %add3A_265, %add3A_266 : i32
    %iota3A_268 = tpu.iota {dimensions = array<i32: 0>} : vector<16xi32>
    %add3A_269 = vector.broadcast %add3A_267 : i32 to vector<16xi32>
    %add3A_270 = arith.addi %iota3A_268, %add3A_269 : vector<16xi32>
    %swap3A_271 = arith.constant 3 : i32
    %swap3A_272 = arith.index_cast %swap3A_271 : i32 to index
    %swap3A_273 = arith.constant 0 : index
    %swap3A_274 = tpu.vector_load %arg5[%swap3A_272, %swap3A_273] {strides = array<i32>} : memref<8x128xi32, #tpu.memory_space<vmem>>, vector<16xi32>,
    tpu.vector_store %arg5[%swap3A_272, %swap3A_273], %add3A_270 {strides = array<i32>} : memref<8x128xi32, #tpu.memory_space<vmem>>, vector<16xi32>,
    %add3A_275 = arith.constant 384 : i32
    %add3A_276 = arith.addi %mul3A_0, %add3A_275 : i32
    %add3A_277 = arith.constant 16 : i32
    %add3A_278 = arith.addi %add3A_276, %add3A_277 : i32
    %iota3A_279 = tpu.iota {dimensions = array<i32: 0>} : vector<16xi32>
    %add3A_280 = vector.broadcast %add3A_278 : i32 to vector<16xi32>
    %add3A_281 = arith.addi %iota3A_279, %add3A_280 : vector<16xi32>
    %swap3A_282 = arith.constant 3 : i32
    %swap3A_283 = arith.index_cast %swap3A_282 : i32 to index
    %swap3A_284 = arith.constant 16 : index
    %swap3A_285 = tpu.vector_load %arg5[%swap3A_283, %swap3A_284] {strides = array<i32>} : memref<8x128xi32, #tpu.memory_space<vmem>>, vector<16xi32>,
    tpu.vector_store %arg5[%swap3A_283, %swap3A_284], %add3A_281 {strides = array<i32>} : memref<8x128xi32, #tpu.memory_space<vmem>>, vector<16xi32>,
    %add3A_286 = arith.constant 384 : i32
    %add3A_287 = arith.addi %mul3A_0, %add3A_286 : i32
    %add3A_288 = arith.constant 32 : i32
    %add3A_289 = arith.addi %add3A_287, %add3A_288 : i32
    %iota3A_290 = tpu.iota {dimensions = array<i32: 0>} : vector<16xi32>
    %add3A_291 = vector.broadcast %add3A_289 : i32 to vector<16xi32>
    %add3A_292 = arith.addi %iota3A_290, %add3A_291 : vector<16xi32>
    %swap3A_293 = arith.constant 3 : i32
    %swap3A_294 = arith.index_cast %swap3A_293 : i32 to index
    %swap3A_295 = arith.constant 32 : index
    %swap3A_296 = tpu.vector_load %arg5[%swap3A_294, %swap3A_295] {strides = array<i32>} : memref<8x128xi32, #tpu.memory_space<vmem>>, vector<16xi32>,
    tpu.vector_store %arg5[%swap3A_294, %swap3A_295], %add3A_292 {strides = array<i32>} : memref<8x128xi32, #tpu.memory_space<vmem>>, vector<16xi32>,
    %add3A_297 = arith.constant 384 : i32
    %add3A_298 = arith.addi %mul3A_0, %add3A_297 : i32
    %add3A_299 = arith.constant 48 : i32
    %add3A_300 = arith.addi %add3A_298, %add3A_299 : i32
    %iota3A_301 = tpu.iota {dimensions = array<i32: 0>} : vector<16xi32>
    %add3A_302 = vector.broadcast %add3A_300 : i32 to vector<16xi32>
    %add3A_303 = arith.addi %iota3A_301, %add3A_302 : vector<16xi32>
    %swap3A_304 = arith.constant 3 : i32
    %swap3A_305 = arith.index_cast %swap3A_304 : i32 to index
    %swap3A_306 = arith.constant 48 : index
    %swap3A_307 = tpu.vector_load %arg5[%swap3A_305, %swap3A_306] {strides = array<i32>} : memref<8x128xi32, #tpu.memory_space<vmem>>, vector<16xi32>,
    tpu.vector_store %arg5[%swap3A_305, %swap3A_306], %add3A_303 {strides = array<i32>} : memref<8x128xi32, #tpu.memory_space<vmem>>, vector<16xi32>,
    %add3A_308 = arith.constant 384 : i32
    %add3A_309 = arith.addi %mul3A_0, %add3A_308 : i32
    %add3A_310 = arith.constant 64 : i32
    %add3A_311 = arith.addi %add3A_309, %add3A_310 : i32
    %iota3A_312 = tpu.iota {dimensions = array<i32: 0>} : vector<16xi32>
    %add3A_313 = vector.broadcast %add3A_311 : i32 to vector<16xi32>
    %add3A_314 = arith.addi %iota3A_312, %add3A_313 : vector<16xi32>
    %swap3A_315 = arith.constant 3 : i32
    %swap3A_316 = arith.index_cast %swap3A_315 : i32 to index
    %swap3A_317 = arith.constant 64 : index
    %swap3A_318 = tpu.vector_load %arg5[%swap3A_316, %swap3A_317] {strides = array<i32>} : memref<8x128xi32, #tpu.memory_space<vmem>>, vector<16xi32>,
    tpu.vector_store %arg5[%swap3A_316, %swap3A_317], %add3A_314 {strides = array<i32>} : memref<8x128xi32, #tpu.memory_space<vmem>>, vector<16xi32>,
    %add3A_319 = arith.constant 384 : i32
    %add3A_320 = arith.addi %mul3A_0, %add3A_319 : i32
    %add3A_321 = arith.constant 80 : i32
    %add3A_322 = arith.addi %add3A_320, %add3A_321 : i32
    %iota3A_323 = tpu.iota {dimensions = array<i32: 0>} : vector<16xi32>
    %add3A_324 = vector.broadcast %add3A_322 : i32 to vector<16xi32>
    %add3A_325 = arith.addi %iota3A_323, %add3A_324 : vector<16xi32>
    %swap3A_326 = arith.constant 3 : i32
    %swap3A_327 = arith.index_cast %swap3A_326 : i32 to index
    %swap3A_328 = arith.constant 80 : index
    %swap3A_329 = tpu.vector_load %arg5[%swap3A_327, %swap3A_328] {strides = array<i32>} : memref<8x128xi32, #tpu.memory_space<vmem>>, vector<16xi32>,
    tpu.vector_store %arg5[%swap3A_327, %swap3A_328], %add3A_325 {strides = array<i32>} : memref<8x128xi32, #tpu.memory_space<vmem>>, vector<16xi32>,
    %add3A_330 = arith.constant 384 : i32
    %add3A_331 = arith.addi %mul3A_0, %add3A_330 : i32
    %add3A_332 = arith.constant 96 : i32
    %add3A_333 = arith.addi %add3A_331, %add3A_332 : i32
    %iota3A_334 = tpu.iota {dimensions = array<i32: 0>} : vector<16xi32>
    %add3A_335 = vector.broadcast %add3A_333 : i32 to vector<16xi32>
    %add3A_336 = arith.addi %iota3A_334, %add3A_335 : vector<16xi32>
    %swap3A_337 = arith.constant 3 : i32
    %swap3A_338 = arith.index_cast %swap3A_337 : i32 to index
    %swap3A_339 = arith.constant 96 : index
    %swap3A_340 = tpu.vector_load %arg5[%swap3A_338, %swap3A_339] {strides = array<i32>} : memref<8x128xi32, #tpu.memory_space<vmem>>, vector<16xi32>,
    tpu.vector_store %arg5[%swap3A_338, %swap3A_339], %add3A_336 {strides = array<i32>} : memref<8x128xi32, #tpu.memory_space<vmem>>, vector<16xi32>,
    %add3A_341 = arith.constant 384 : i32
    %add3A_342 = arith.addi %mul3A_0, %add3A_341 : i32
    %add3A_343 = arith.constant 112 : i32
    %add3A_344 = arith.addi %add3A_342, %add3A_343 : i32
    %iota3A_345 = tpu.iota {dimensions = array<i32: 0>} : vector<16xi32>
    %add3A_346 = vector.broadcast %add3A_344 : i32 to vector<16xi32>
    %add3A_347 = arith.addi %iota3A_345, %add3A_346 : vector<16xi32>
    %swap3A_348 = arith.constant 3 : i32
    %swap3A_349 = arith.index_cast %swap3A_348 : i32 to index
    %swap3A_350 = arith.constant 112 : index
    %swap3A_351 = tpu.vector_load %arg5[%swap3A_349, %swap3A_350] {strides = array<i32>} : memref<8x128xi32, #tpu.memory_space<vmem>>, vector<16xi32>,
    tpu.vector_store %arg5[%swap3A_349, %swap3A_350], %add3A_347 {strides = array<i32>} : memref<8x128xi32, #tpu.memory_space<vmem>>, vector<16xi32>,
    %add3A_352 = arith.constant 512 : i32
    %add3A_353 = arith.addi %mul3A_0, %add3A_352 : i32
    %add3A_354 = arith.constant 0 : i32
    %add3A_355 = arith.addi %add3A_353, %add3A_354 : i32
    %iota3A_356 = tpu.iota {dimensions = array<i32: 0>} : vector<16xi32>
    %add3A_357 = vector.broadcast %add3A_355 : i32 to vector<16xi32>
    %add3A_358 = arith.addi %iota3A_356, %add3A_357 : vector<16xi32>
    %swap3A_359 = arith.constant 4 : i32
    %swap3A_360 = arith.index_cast %swap3A_359 : i32 to index
    %swap3A_361 = arith.constant 0 : index
    %swap3A_362 = tpu.vector_load %arg5[%swap3A_360, %swap3A_361] {strides = array<i32>} : memref<8x128xi32, #tpu.memory_space<vmem>>, vector<16xi32>,
    tpu.vector_store %arg5[%swap3A_360, %swap3A_361], %add3A_358 {strides = array<i32>} : memref<8x128xi32, #tpu.memory_space<vmem>>, vector<16xi32>,
    %add3A_363 = arith.constant 512 : i32
    %add3A_364 = arith.addi %mul3A_0, %add3A_363 : i32
    %add3A_365 = arith.constant 16 : i32
    %add3A_366 = arith.addi %add3A_364, %add3A_365 : i32
    %iota3A_367 = tpu.iota {dimensions = array<i32: 0>} : vector<16xi32>
    %add3A_368 = vector.broadcast %add3A_366 : i32 to vector<16xi32>
    %add3A_369 = arith.addi %iota3A_367, %add3A_368 : vector<16xi32>
    %swap3A_370 = arith.constant 4 : i32
    %swap3A_371 = arith.index_cast %swap3A_370 : i32 to index
    %swap3A_372 = arith.constant 16 : index
    %swap3A_373 = tpu.vector_load %arg5[%swap3A_371, %swap3A_372] {strides = array<i32>} : memref<8x128xi32, #tpu.memory_space<vmem>>, vector<16xi32>,
    tpu.vector_store %arg5[%swap3A_371, %swap3A_372], %add3A_369 {strides = array<i32>} : memref<8x128xi32, #tpu.memory_space<vmem>>, vector<16xi32>,
    %add3A_374 = arith.constant 512 : i32
    %add3A_375 = arith.addi %mul3A_0, %add3A_374 : i32
    %add3A_376 = arith.constant 32 : i32
    %add3A_377 = arith.addi %add3A_375, %add3A_376 : i32
    %iota3A_378 = tpu.iota {dimensions = array<i32: 0>} : vector<16xi32>
    %add3A_379 = vector.broadcast %add3A_377 : i32 to vector<16xi32>
    %add3A_380 = arith.addi %iota3A_378, %add3A_379 : vector<16xi32>
    %swap3A_381 = arith.constant 4 : i32
    %swap3A_382 = arith.index_cast %swap3A_381 : i32 to index
    %swap3A_383 = arith.constant 32 : index
    %swap3A_384 = tpu.vector_load %arg5[%swap3A_382, %swap3A_383] {strides = array<i32>} : memref<8x128xi32, #tpu.memory_space<vmem>>, vector<16xi32>,
    tpu.vector_store %arg5[%swap3A_382, %swap3A_383], %add3A_380 {strides = array<i32>} : memref<8x128xi32, #tpu.memory_space<vmem>>, vector<16xi32>,
    %add3A_385 = arith.constant 512 : i32
    %add3A_386 = arith.addi %mul3A_0, %add3A_385 : i32
    %add3A_387 = arith.constant 48 : i32
    %add3A_388 = arith.addi %add3A_386, %add3A_387 : i32
    %iota3A_389 = tpu.iota {dimensions = array<i32: 0>} : vector<16xi32>
    %add3A_390 = vector.broadcast %add3A_388 : i32 to vector<16xi32>
    %add3A_391 = arith.addi %iota3A_389, %add3A_390 : vector<16xi32>
    %swap3A_392 = arith.constant 4 : i32
    %swap3A_393 = arith.index_cast %swap3A_392 : i32 to index
    %swap3A_394 = arith.constant 48 : index
    %swap3A_395 = tpu.vector_load %arg5[%swap3A_393, %swap3A_394] {strides = array<i32>} : memref<8x128xi32, #tpu.memory_space<vmem>>, vector<16xi32>,
    tpu.vector_store %arg5[%swap3A_393, %swap3A_394], %add3A_391 {strides = array<i32>} : memref<8x128xi32, #tpu.memory_space<vmem>>, vector<16xi32>,
    %add3A_396 = arith.constant 512 : i32
    %add3A_397 = arith.addi %mul3A_0, %add3A_396 : i32
    %add3A_398 = arith.constant 64 : i32
    %add3A_399 = arith.addi %add3A_397, %add3A_398 : i32
    %iota3A_400 = tpu.iota {dimensions = array<i32: 0>} : vector<16xi32>
    %add3A_401 = vector.broadcast %add3A_399 : i32 to vector<16xi32>
    %add3A_402 = arith.addi %iota3A_400, %add3A_401 : vector<16xi32>
    %swap3A_403 = arith.constant 4 : i32
    %swap3A_404 = arith.index_cast %swap3A_403 : i32 to index
    %swap3A_405 = arith.constant 64 : index
    %swap3A_406 = tpu.vector_load %arg5[%swap3A_404, %swap3A_405] {strides = array<i32>} : memref<8x128xi32, #tpu.memory_space<vmem>>, vector<16xi32>,
    tpu.vector_store %arg5[%swap3A_404, %swap3A_405], %add3A_402 {strides = array<i32>} : memref<8x128xi32, #tpu.memory_space<vmem>>, vector<16xi32>,
    %add3A_407 = arith.constant 512 : i32
    %add3A_408 = arith.addi %mul3A_0, %add3A_407 : i32
    %add3A_409 = arith.constant 80 : i32
    %add3A_410 = arith.addi %add3A_408, %add3A_409 : i32
    %iota3A_411 = tpu.iota {dimensions = array<i32: 0>} : vector<16xi32>
    %add3A_412 = vector.broadcast %add3A_410 : i32 to vector<16xi32>
    %add3A_413 = arith.addi %iota3A_411, %add3A_412 : vector<16xi32>
    %swap3A_414 = arith.constant 4 : i32
    %swap3A_415 = arith.index_cast %swap3A_414 : i32 to index
    %swap3A_416 = arith.constant 80 : index
    %swap3A_417 = tpu.vector_load %arg5[%swap3A_415, %swap3A_416] {strides = array<i32>} : memref<8x128xi32, #tpu.memory_space<vmem>>, vector<16xi32>,
    tpu.vector_store %arg5[%swap3A_415, %swap3A_416], %add3A_413 {strides = array<i32>} : memref<8x128xi32, #tpu.memory_space<vmem>>, vector<16xi32>,
    %add3A_418 = arith.constant 512 : i32
    %add3A_419 = arith.addi %mul3A_0, %add3A_418 : i32
    %add3A_420 = arith.constant 96 : i32
    %add3A_421 = arith.addi %add3A_419, %add3A_420 : i32
    %iota3A_422 = tpu.iota {dimensions = array<i32: 0>} : vector<16xi32>
    %add3A_423 = vector.broadcast %add3A_421 : i32 to vector<16xi32>
    %add3A_424 = arith.addi %iota3A_422, %add3A_423 : vector<16xi32>
    %swap3A_425 = arith.constant 4 : i32
    %swap3A_426 = arith.index_cast %swap3A_425 : i32 to index
    %swap3A_427 = arith.constant 96 : index
    %swap3A_428 = tpu.vector_load %arg5[%swap3A_426, %swap3A_427] {strides = array<i32>} : memref<8x128xi32, #tpu.memory_space<vmem>>, vector<16xi32>,
    tpu.vector_store %arg5[%swap3A_426, %swap3A_427], %add3A_424 {strides = array<i32>} : memref<8x128xi32, #tpu.memory_space<vmem>>, vector<16xi32>,
    %add3A_429 = arith.constant 512 : i32
    %add3A_430 = arith.addi %mul3A_0, %add3A_429 : i32
    %add3A_431 = arith.constant 112 : i32
    %add3A_432 = arith.addi %add3A_430, %add3A_431 : i32
    %iota3A_433 = tpu.iota {dimensions = array<i32: 0>} : vector<16xi32>
    %add3A_434 = vector.broadcast %add3A_432 : i32 to vector<16xi32>
    %add3A_435 = arith.addi %iota3A_433, %add3A_434 : vector<16xi32>
    %swap3A_436 = arith.constant 4 : i32
    %swap3A_437 = arith.index_cast %swap3A_436 : i32 to index
    %swap3A_438 = arith.constant 112 : index
    %swap3A_439 = tpu.vector_load %arg5[%swap3A_437, %swap3A_438] {strides = array<i32>} : memref<8x128xi32, #tpu.memory_space<vmem>>, vector<16xi32>,
    tpu.vector_store %arg5[%swap3A_437, %swap3A_438], %add3A_435 {strides = array<i32>} : memref<8x128xi32, #tpu.memory_space<vmem>>, vector<16xi32>,
    %add3A_440 = arith.constant 640 : i32
    %add3A_441 = arith.addi %mul3A_0, %add3A_440 : i32
    %add3A_442 = arith.constant 0 : i32
    %add3A_443 = arith.addi %add3A_441, %add3A_442 : i32
    %iota3A_444 = tpu.iota {dimensions = array<i32: 0>} : vector<16xi32>
    %add3A_445 = vector.broadcast %add3A_443 : i32 to vector<16xi32>
    %add3A_446 = arith.addi %iota3A_444, %add3A_445 : vector<16xi32>
    %swap3A_447 = arith.constant 5 : i32
    %swap3A_448 = arith.index_cast %swap3A_447 : i32 to index
    %swap3A_449 = arith.constant 0 : index
    %swap3A_450 = tpu.vector_load %arg5[%swap3A_448, %swap3A_449] {strides = array<i32>} : memref<8x128xi32, #tpu.memory_space<vmem>>, vector<16xi32>,
    tpu.vector_store %arg5[%swap3A_448, %swap3A_449], %add3A_446 {strides = array<i32>} : memref<8x128xi32, #tpu.memory_space<vmem>>, vector<16xi32>,
    %add3A_451 = arith.constant 640 : i32
    %add3A_452 = arith.addi %mul3A_0, %add3A_451 : i32
    %add3A_453 = arith.constant 16 : i32
    %add3A_454 = arith.addi %add3A_452, %add3A_453 : i32
    %iota3A_455 = tpu.iota {dimensions = array<i32: 0>} : vector<16xi32>
    %add3A_456 = vector.broadcast %add3A_454 : i32 to vector<16xi32>
    %add3A_457 = arith.addi %iota3A_455, %add3A_456 : vector<16xi32>
    %swap3A_458 = arith.constant 5 : i32
    %swap3A_459 = arith.index_cast %swap3A_458 : i32 to index
    %swap3A_460 = arith.constant 16 : index
    %swap3A_461 = tpu.vector_load %arg5[%swap3A_459, %swap3A_460] {strides = array<i32>} : memref<8x128xi32, #tpu.memory_space<vmem>>, vector<16xi32>,
    tpu.vector_store %arg5[%swap3A_459, %swap3A_460], %add3A_457 {strides = array<i32>} : memref<8x128xi32, #tpu.memory_space<vmem>>, vector<16xi32>,
    %add3A_462 = arith.constant 640 : i32
    %add3A_463 = arith.addi %mul3A_0, %add3A_462 : i32
    %add3A_464 = arith.constant 32 : i32
    %add3A_465 = arith.addi %add3A_463, %add3A_464 : i32
    %iota3A_466 = tpu.iota {dimensions = array<i32: 0>} : vector<16xi32>
    %add3A_467 = vector.broadcast %add3A_465 : i32 to vector<16xi32>
    %add3A_468 = arith.addi %iota3A_466, %add3A_467 : vector<16xi32>
    %swap3A_469 = arith.constant 5 : i32
    %swap3A_470 = arith.index_cast %swap3A_469 : i32 to index
    %swap3A_471 = arith.constant 32 : index
    %swap3A_472 = tpu.vector_load %arg5[%swap3A_470, %swap3A_471] {strides = array<i32>} : memref<8x128xi32, #tpu.memory_space<vmem>>, vector<16xi32>,
    tpu.vector_store %arg5[%swap3A_470, %swap3A_471], %add3A_468 {strides = array<i32>} : memref<8x128xi32, #tpu.memory_space<vmem>>, vector<16xi32>,
    %add3A_473 = arith.constant 640 : i32
    %add3A_474 = arith.addi %mul3A_0, %add3A_473 : i32
    %add3A_475 = arith.constant 48 : i32
    %add3A_476 = arith.addi %add3A_474, %add3A_475 : i32
    %iota3A_477 = tpu.iota {dimensions = array<i32: 0>} : vector<16xi32>
    %add3A_478 = vector.broadcast %add3A_476 : i32 to vector<16xi32>
    %add3A_479 = arith.addi %iota3A_477, %add3A_478 : vector<16xi32>
    %swap3A_480 = arith.constant 5 : i32
    %swap3A_481 = arith.index_cast %swap3A_480 : i32 to index
    %swap3A_482 = arith.constant 48 : index
    %swap3A_483 = tpu.vector_load %arg5[%swap3A_481, %swap3A_482] {strides = array<i32>} : memref<8x128xi32, #tpu.memory_space<vmem>>, vector<16xi32>,
    tpu.vector_store %arg5[%swap3A_481, %swap3A_482], %add3A_479 {strides = array<i32>} : memref<8x128xi32, #tpu.memory_space<vmem>>, vector<16xi32>,
    %add3A_484 = arith.constant 640 : i32
    %add3A_485 = arith.addi %mul3A_0, %add3A_484 : i32
    %add3A_486 = arith.constant 64 : i32
    %add3A_487 = arith.addi %add3A_485, %add3A_486 : i32
    %iota3A_488 = tpu.iota {dimensions = array<i32: 0>} : vector<16xi32>
    %add3A_489 = vector.broadcast %add3A_487 : i32 to vector<16xi32>
    %add3A_490 = arith.addi %iota3A_488, %add3A_489 : vector<16xi32>
    %swap3A_491 = arith.constant 5 : i32
    %swap3A_492 = arith.index_cast %swap3A_491 : i32 to index
    %swap3A_493 = arith.constant 64 : index
    %swap3A_494 = tpu.vector_load %arg5[%swap3A_492, %swap3A_493] {strides = array<i32>} : memref<8x128xi32, #tpu.memory_space<vmem>>, vector<16xi32>,
    tpu.vector_store %arg5[%swap3A_492, %swap3A_493], %add3A_490 {strides = array<i32>} : memref<8x128xi32, #tpu.memory_space<vmem>>, vector<16xi32>,
    %add3A_495 = arith.constant 640 : i32
    %add3A_496 = arith.addi %mul3A_0, %add3A_495 : i32
    %add3A_497 = arith.constant 80 : i32
    %add3A_498 = arith.addi %add3A_496, %add3A_497 : i32
    %iota3A_499 = tpu.iota {dimensions = array<i32: 0>} : vector<16xi32>
    %add3A_500 = vector.broadcast %add3A_498 : i32 to vector<16xi32>
    %add3A_501 = arith.addi %iota3A_499, %add3A_500 : vector<16xi32>
    %swap3A_502 = arith.constant 5 : i32
    %swap3A_503 = arith.index_cast %swap3A_502 : i32 to index
    %swap3A_504 = arith.constant 80 : index
    %swap3A_505 = tpu.vector_load %arg5[%swap3A_503, %swap3A_504] {strides = array<i32>} : memref<8x128xi32, #tpu.memory_space<vmem>>, vector<16xi32>,
    tpu.vector_store %arg5[%swap3A_503, %swap3A_504], %add3A_501 {strides = array<i32>} : memref<8x128xi32, #tpu.memory_space<vmem>>, vector<16xi32>,
    %add3A_506 = arith.constant 640 : i32
    %add3A_507 = arith.addi %mul3A_0, %add3A_506 : i32
    %add3A_508 = arith.constant 96 : i32
    %add3A_509 = arith.addi %add3A_507, %add3A_508 : i32
    %iota3A_510 = tpu.iota {dimensions = array<i32: 0>} : vector<16xi32>
    %add3A_511 = vector.broadcast %add3A_509 : i32 to vector<16xi32>
    %add3A_512 = arith.addi %iota3A_510, %add3A_511 : vector<16xi32>
    %swap3A_513 = arith.constant 5 : i32
    %swap3A_514 = arith.index_cast %swap3A_513 : i32 to index
    %swap3A_515 = arith.constant 96 : index
    %swap3A_516 = tpu.vector_load %arg5[%swap3A_514, %swap3A_515] {strides = array<i32>} : memref<8x128xi32, #tpu.memory_space<vmem>>, vector<16xi32>,
    tpu.vector_store %arg5[%swap3A_514, %swap3A_515], %add3A_512 {strides = array<i32>} : memref<8x128xi32, #tpu.memory_space<vmem>>, vector<16xi32>,
    %add3A_517 = arith.constant 640 : i32
    %add3A_518 = arith.addi %mul3A_0, %add3A_517 : i32
    %add3A_519 = arith.constant 112 : i32
    %add3A_520 = arith.addi %add3A_518, %add3A_519 : i32
    %iota3A_521 = tpu.iota {dimensions = array<i32: 0>} : vector<16xi32>
    %add3A_522 = vector.broadcast %add3A_520 : i32 to vector<16xi32>
    %add3A_523 = arith.addi %iota3A_521, %add3A_522 : vector<16xi32>
    %swap3A_524 = arith.constant 5 : i32
    %swap3A_525 = arith.index_cast %swap3A_524 : i32 to index
    %swap3A_526 = arith.constant 112 : index
    %swap3A_527 = tpu.vector_load %arg5[%swap3A_525, %swap3A_526] {strides = array<i32>} : memref<8x128xi32, #tpu.memory_space<vmem>>, vector<16xi32>,
    tpu.vector_store %arg5[%swap3A_525, %swap3A_526], %add3A_523 {strides = array<i32>} : memref<8x128xi32, #tpu.memory_space<vmem>>, vector<16xi32>,
    %add3A_528 = arith.constant 768 : i32
    %add3A_529 = arith.addi %mul3A_0, %add3A_528 : i32
    %add3A_530 = arith.constant 0 : i32
    %add3A_531 = arith.addi %add3A_529, %add3A_530 : i32
    %iota3A_532 = tpu.iota {dimensions = array<i32: 0>} : vector<16xi32>
    %add3A_533 = vector.broadcast %add3A_531 : i32 to vector<16xi32>
    %add3A_534 = arith.addi %iota3A_532, %add3A_533 : vector<16xi32>
    %swap3A_535 = arith.constant 6 : i32
    %swap3A_536 = arith.index_cast %swap3A_535 : i32 to index
    %swap3A_537 = arith.constant 0 : index
    %swap3A_538 = tpu.vector_load %arg5[%swap3A_536, %swap3A_537] {strides = array<i32>} : memref<8x128xi32, #tpu.memory_space<vmem>>, vector<16xi32>,
    tpu.vector_store %arg5[%swap3A_536, %swap3A_537], %add3A_534 {strides = array<i32>} : memref<8x128xi32, #tpu.memory_space<vmem>>, vector<16xi32>,
    %add3A_539 = arith.constant 768 : i32
    %add3A_540 = arith.addi %mul3A_0, %add3A_539 : i32
    %add3A_541 = arith.constant 16 : i32
    %add3A_542 = arith.addi %add3A_540, %add3A_541 : i32
    %iota3A_543 = tpu.iota {dimensions = array<i32: 0>} : vector<16xi32>
    %add3A_544 = vector.broadcast %add3A_542 : i32 to vector<16xi32>
    %add3A_545 = arith.addi %iota3A_543, %add3A_544 : vector<16xi32>
    %swap3A_546 = arith.constant 6 : i32
    %swap3A_547 = arith.index_cast %swap3A_546 : i32 to index
    %swap3A_548 = arith.constant 16 : index
    %swap3A_549 = tpu.vector_load %arg5[%swap3A_547, %swap3A_548] {strides = array<i32>} : memref<8x128xi32, #tpu.memory_space<vmem>>, vector<16xi32>,
    tpu.vector_store %arg5[%swap3A_547, %swap3A_548], %add3A_545 {strides = array<i32>} : memref<8x128xi32, #tpu.memory_space<vmem>>, vector<16xi32>,
    %add3A_550 = arith.constant 768 : i32
    %add3A_551 = arith.addi %mul3A_0, %add3A_550 : i32
    %add3A_552 = arith.constant 32 : i32
    %add3A_553 = arith.addi %add3A_551, %add3A_552 : i32
    %iota3A_554 = tpu.iota {dimensions = array<i32: 0>} : vector<16xi32>
    %add3A_555 = vector.broadcast %add3A_553 : i32 to vector<16xi32>
    %add3A_556 = arith.addi %iota3A_554, %add3A_555 : vector<16xi32>
    %swap3A_557 = arith.constant 6 : i32
    %swap3A_558 = arith.index_cast %swap3A_557 : i32 to index
    %swap3A_559 = arith.constant 32 : index
    %swap3A_560 = tpu.vector_load %arg5[%swap3A_558, %swap3A_559] {strides = array<i32>} : memref<8x128xi32, #tpu.memory_space<vmem>>, vector<16xi32>,
    tpu.vector_store %arg5[%swap3A_558, %swap3A_559], %add3A_556 {strides = array<i32>} : memref<8x128xi32, #tpu.memory_space<vmem>>, vector<16xi32>,
    %add3A_561 = arith.constant 768 : i32
    %add3A_562 = arith.addi %mul3A_0, %add3A_561 : i32
    %add3A_563 = arith.constant 48 : i32
    %add3A_564 = arith.addi %add3A_562, %add3A_563 : i32
    %iota3A_565 = tpu.iota {dimensions = array<i32: 0>} : vector<16xi32>
    %add3A_566 = vector.broadcast %add3A_564 : i32 to vector<16xi32>
    %add3A_567 = arith.addi %iota3A_565, %add3A_566 : vector<16xi32>
    %swap3A_568 = arith.constant 6 : i32
    %swap3A_569 = arith.index_cast %swap3A_568 : i32 to index
    %swap3A_570 = arith.constant 48 : index
    %swap3A_571 = tpu.vector_load %arg5[%swap3A_569, %swap3A_570] {strides = array<i32>} : memref<8x128xi32, #tpu.memory_space<vmem>>, vector<16xi32>,
    tpu.vector_store %arg5[%swap3A_569, %swap3A_570], %add3A_567 {strides = array<i32>} : memref<8x128xi32, #tpu.memory_space<vmem>>, vector<16xi32>,
    %add3A_572 = arith.constant 768 : i32
    %add3A_573 = arith.addi %mul3A_0, %add3A_572 : i32
    %add3A_574 = arith.constant 64 : i32
    %add3A_575 = arith.addi %add3A_573, %add3A_574 : i32
    %iota3A_576 = tpu.iota {dimensions = array<i32: 0>} : vector<16xi32>
    %add3A_577 = vector.broadcast %add3A_575 : i32 to vector<16xi32>
    %add3A_578 = arith.addi %iota3A_576, %add3A_577 : vector<16xi32>
    %swap3A_579 = arith.constant 6 : i32
    %swap3A_580 = arith.index_cast %swap3A_579 : i32 to index
    %swap3A_581 = arith.constant 64 : index
    %swap3A_582 = tpu.vector_load %arg5[%swap3A_580, %swap3A_581] {strides = array<i32>} : memref<8x128xi32, #tpu.memory_space<vmem>>, vector<16xi32>,
    tpu.vector_store %arg5[%swap3A_580, %swap3A_581], %add3A_578 {strides = array<i32>} : memref<8x128xi32, #tpu.memory_space<vmem>>, vector<16xi32>,
    %add3A_583 = arith.constant 768 : i32
    %add3A_584 = arith.addi %mul3A_0, %add3A_583 : i32
    %add3A_585 = arith.constant 80 : i32
    %add3A_586 = arith.addi %add3A_584, %add3A_585 : i32
    %iota3A_587 = tpu.iota {dimensions = array<i32: 0>} : vector<16xi32>
    %add3A_588 = vector.broadcast %add3A_586 : i32 to vector<16xi32>
    %add3A_589 = arith.addi %iota3A_587, %add3A_588 : vector<16xi32>
    %swap3A_590 = arith.constant 6 : i32
    %swap3A_591 = arith.index_cast %swap3A_590 : i32 to index
    %swap3A_592 = arith.constant 80 : index
    %swap3A_593 = tpu.vector_load %arg5[%swap3A_591, %swap3A_592] {strides = array<i32>} : memref<8x128xi32, #tpu.memory_space<vmem>>, vector<16xi32>,
    tpu.vector_store %arg5[%swap3A_591, %swap3A_592], %add3A_589 {strides = array<i32>} : memref<8x128xi32, #tpu.memory_space<vmem>>, vector<16xi32>,
    %add3A_594 = arith.constant 768 : i32
    %add3A_595 = arith.addi %mul3A_0, %add3A_594 : i32
    %add3A_596 = arith.constant 96 : i32
    %add3A_597 = arith.addi %add3A_595, %add3A_596 : i32
    %iota3A_598 = tpu.iota {dimensions = array<i32: 0>} : vector<16xi32>
    %add3A_599 = vector.broadcast %add3A_597 : i32 to vector<16xi32>
    %add3A_600 = arith.addi %iota3A_598, %add3A_599 : vector<16xi32>
    %swap3A_601 = arith.constant 6 : i32
    %swap3A_602 = arith.index_cast %swap3A_601 : i32 to index
    %swap3A_603 = arith.constant 96 : index
    %swap3A_604 = tpu.vector_load %arg5[%swap3A_602, %swap3A_603] {strides = array<i32>} : memref<8x128xi32, #tpu.memory_space<vmem>>, vector<16xi32>,
    tpu.vector_store %arg5[%swap3A_602, %swap3A_603], %add3A_600 {strides = array<i32>} : memref<8x128xi32, #tpu.memory_space<vmem>>, vector<16xi32>,
    %add3A_605 = arith.constant 768 : i32
    %add3A_606 = arith.addi %mul3A_0, %add3A_605 : i32
    %add3A_607 = arith.constant 112 : i32
    %add3A_608 = arith.addi %add3A_606, %add3A_607 : i32
    %iota3A_609 = tpu.iota {dimensions = array<i32: 0>} : vector<16xi32>
    %add3A_610 = vector.broadcast %add3A_608 : i32 to vector<16xi32>
    %add3A_611 = arith.addi %iota3A_609, %add3A_610 : vector<16xi32>
    %swap3A_612 = arith.constant 6 : i32
    %swap3A_613 = arith.index_cast %swap3A_612 : i32 to index
    %swap3A_614 = arith.constant 112 : index
    %swap3A_615 = tpu.vector_load %arg5[%swap3A_613, %swap3A_614] {strides = array<i32>} : memref<8x128xi32, #tpu.memory_space<vmem>>, vector<16xi32>,
    tpu.vector_store %arg5[%swap3A_613, %swap3A_614], %add3A_611 {strides = array<i32>} : memref<8x128xi32, #tpu.memory_space<vmem>>, vector<16xi32>,
    %add3A_616 = arith.constant 896 : i32
    %add3A_617 = arith.addi %mul3A_0, %add3A_616 : i32
    %add3A_618 = arith.constant 0 : i32
    %add3A_619 = arith.addi %add3A_617, %add3A_618 : i32
    %iota3A_620 = tpu.iota {dimensions = array<i32: 0>} : vector<16xi32>
    %add3A_621 = vector.broadcast %add3A_619 : i32 to vector<16xi32>
    %add3A_622 = arith.addi %iota3A_620, %add3A_621 : vector<16xi32>
    %swap3A_623 = arith.constant 7 : i32
    %swap3A_624 = arith.index_cast %swap3A_623 : i32 to index
    %swap3A_625 = arith.constant 0 : index
    %swap3A_626 = tpu.vector_load %arg5[%swap3A_624, %swap3A_625] {strides = array<i32>} : memref<8x128xi32, #tpu.memory_space<vmem>>, vector<16xi32>,
    tpu.vector_store %arg5[%swap3A_624, %swap3A_625], %add3A_622 {strides = array<i32>} : memref<8x128xi32, #tpu.memory_space<vmem>>, vector<16xi32>,
    %add3A_627 = arith.constant 896 : i32
    %add3A_628 = arith.addi %mul3A_0, %add3A_627 : i32
    %add3A_629 = arith.constant 16 : i32
    %add3A_630 = arith.addi %add3A_628, %add3A_629 : i32
    %iota3A_631 = tpu.iota {dimensions = array<i32: 0>} : vector<16xi32>
    %add3A_632 = vector.broadcast %add3A_630 : i32 to vector<16xi32>
    %add3A_633 = arith.addi %iota3A_631, %add3A_632 : vector<16xi32>
    %swap3A_634 = arith.constant 7 : i32
    %swap3A_635 = arith.index_cast %swap3A_634 : i32 to index
    %swap3A_636 = arith.constant 16 : index
    %swap3A_637 = tpu.vector_load %arg5[%swap3A_635, %swap3A_636] {strides = array<i32>} : memref<8x128xi32, #tpu.memory_space<vmem>>, vector<16xi32>,
    tpu.vector_store %arg5[%swap3A_635, %swap3A_636], %add3A_633 {strides = array<i32>} : memref<8x128xi32, #tpu.memory_space<vmem>>, vector<16xi32>,
    %add3A_638 = arith.constant 896 : i32
    %add3A_639 = arith.addi %mul3A_0, %add3A_638 : i32
    %add3A_640 = arith.constant 32 : i32
    %add3A_641 = arith.addi %add3A_639, %add3A_640 : i32
    %iota3A_642 = tpu.iota {dimensions = array<i32: 0>} : vector<16xi32>
    %add3A_643 = vector.broadcast %add3A_641 : i32 to vector<16xi32>
    %add3A_644 = arith.addi %iota3A_642, %add3A_643 : vector<16xi32>
    %swap3A_645 = arith.constant 7 : i32
    %swap3A_646 = arith.index_cast %swap3A_645 : i32 to index
    %swap3A_647 = arith.constant 32 : index
    %swap3A_648 = tpu.vector_load %arg5[%swap3A_646, %swap3A_647] {strides = array<i32>} : memref<8x128xi32, #tpu.memory_space<vmem>>, vector<16xi32>,
    tpu.vector_store %arg5[%swap3A_646, %swap3A_647], %add3A_644 {strides = array<i32>} : memref<8x128xi32, #tpu.memory_space<vmem>>, vector<16xi32>,
    %add3A_649 = arith.constant 896 : i32
    %add3A_650 = arith.addi %mul3A_0, %add3A_649 : i32
    %add3A_651 = arith.constant 48 : i32
    %add3A_652 = arith.addi %add3A_650, %add3A_651 : i32
    %iota3A_653 = tpu.iota {dimensions = array<i32: 0>} : vector<16xi32>
    %add3A_654 = vector.broadcast %add3A_652 : i32 to vector<16xi32>
    %add3A_655 = arith.addi %iota3A_653, %add3A_654 : vector<16xi32>
    %swap3A_656 = arith.constant 7 : i32
    %swap3A_657 = arith.index_cast %swap3A_656 : i32 to index
    %swap3A_658 = arith.constant 48 : index
    %swap3A_659 = tpu.vector_load %arg5[%swap3A_657, %swap3A_658] {strides = array<i32>} : memref<8x128xi32, #tpu.memory_space<vmem>>, vector<16xi32>,
    tpu.vector_store %arg5[%swap3A_657, %swap3A_658], %add3A_655 {strides = array<i32>} : memref<8x128xi32, #tpu.memory_space<vmem>>, vector<16xi32>,
    %add3A_660 = arith.constant 896 : i32
    %add3A_661 = arith.addi %mul3A_0, %add3A_660 : i32
    %add3A_662 = arith.constant 64 : i32
    %add3A_663 = arith.addi %add3A_661, %add3A_662 : i32
    %iota3A_664 = tpu.iota {dimensions = array<i32: 0>} : vector<16xi32>
    %add3A_665 = vector.broadcast %add3A_663 : i32 to vector<16xi32>
    %add3A_666 = arith.addi %iota3A_664, %add3A_665 : vector<16xi32>
    %swap3A_667 = arith.constant 7 : i32
    %swap3A_668 = arith.index_cast %swap3A_667 : i32 to index
    %swap3A_669 = arith.constant 64 : index
    %swap3A_670 = tpu.vector_load %arg5[%swap3A_668, %swap3A_669] {strides = array<i32>} : memref<8x128xi32, #tpu.memory_space<vmem>>, vector<16xi32>,
    tpu.vector_store %arg5[%swap3A_668, %swap3A_669], %add3A_666 {strides = array<i32>} : memref<8x128xi32, #tpu.memory_space<vmem>>, vector<16xi32>,
    %add3A_671 = arith.constant 896 : i32
    %add3A_672 = arith.addi %mul3A_0, %add3A_671 : i32
    %add3A_673 = arith.constant 80 : i32
    %add3A_674 = arith.addi %add3A_672, %add3A_673 : i32
    %iota3A_675 = tpu.iota {dimensions = array<i32: 0>} : vector<16xi32>
    %add3A_676 = vector.broadcast %add3A_674 : i32 to vector<16xi32>
    %add3A_677 = arith.addi %iota3A_675, %add3A_676 : vector<16xi32>
    %swap3A_678 = arith.constant 7 : i32
    %swap3A_679 = arith.index_cast %swap3A_678 : i32 to index
    %swap3A_680 = arith.constant 80 : index
    %swap3A_681 = tpu.vector_load %arg5[%swap3A_679, %swap3A_680] {strides = array<i32>} : memref<8x128xi32, #tpu.memory_space<vmem>>, vector<16xi32>,
    tpu.vector_store %arg5[%swap3A_679, %swap3A_680], %add3A_677 {strides = array<i32>} : memref<8x128xi32, #tpu.memory_space<vmem>>, vector<16xi32>,
    %add3A_682 = arith.constant 896 : i32
    %add3A_683 = arith.addi %mul3A_0, %add3A_682 : i32
    %add3A_684 = arith.constant 96 : i32
    %add3A_685 = arith.addi %add3A_683, %add3A_684 : i32
    %iota3A_686 = tpu.iota {dimensions = array<i32: 0>} : vector<16xi32>
    %add3A_687 = vector.broadcast %add3A_685 : i32 to vector<16xi32>
    %add3A_688 = arith.addi %iota3A_686, %add3A_687 : vector<16xi32>
    %swap3A_689 = arith.constant 7 : i32
    %swap3A_690 = arith.index_cast %swap3A_689 : i32 to index
    %swap3A_691 = arith.constant 96 : index
    %swap3A_692 = tpu.vector_load %arg5[%swap3A_690, %swap3A_691] {strides = array<i32>} : memref<8x128xi32, #tpu.memory_space<vmem>>, vector<16xi32>,
    tpu.vector_store %arg5[%swap3A_690, %swap3A_691], %add3A_688 {strides = array<i32>} : memref<8x128xi32, #tpu.memory_space<vmem>>, vector<16xi32>,
    %add3A_693 = arith.constant 896 : i32
    %add3A_694 = arith.addi %mul3A_0, %add3A_693 : i32
    %add3A_695 = arith.constant 112 : i32
    %add3A_696 = arith.addi %add3A_694, %add3A_695 : i32
    %iota3A_697 = tpu.iota {dimensions = array<i32: 0>} : vector<16xi32>
    %add3A_698 = vector.broadcast %add3A_696 : i32 to vector<16xi32>
    %add3A_699 = arith.addi %iota3A_697, %add3A_698 : vector<16xi32>
    %swap3A_700 = arith.constant 7 : i32
    %swap3A_701 = arith.index_cast %swap3A_700 : i32 to index
    %swap3A_702 = arith.constant 112 : index
    %swap3A_703 = tpu.vector_load %arg5[%swap3A_701, %swap3A_702] {strides = array<i32>} : memref<8x128xi32, #tpu.memory_space<vmem>>, vector<16xi32>,
    tpu.vector_store %arg5[%swap3A_701, %swap3A_702], %add3A_699 {strides = array<i32>} : memref<8x128xi32, #tpu.memory_space<vmem>>, vector<16xi32>,
    %run_scoped3A = arith.constant 0 : i32
    %run_scoped3A_704 = arith.constant 0 : i32
    "tpu.region"() ({
      %run_scoped3A_719 = tpu.sem_alloc : memref<!tpu.dma_semaphore, #tpu.memory_space<semaphore_mem>>
      %dma_start3A = arith.constant 0 : i32
      %dma_start3A_720 = tpu.memref_slice %arg5[%run_scoped3A, %dma_start3A] : memref<8x128xi32, #tpu.memory_space<vmem>> -> memref<1x128xi32, #tpu.memory_space<vmem>>
      %dma_start3A_721 = tpu.memref_squeeze %dma_start3A_720 : memref<1x128xi32, #tpu.memory_space<vmem>> -> memref<128xi32, #tpu.memory_space<vmem>>
      %dma_start3A_722 = arith.constant 0 : i32
      %dma_start3A_723 = tpu.memref_slice %arg4[%run_scoped3A_704, %dma_start3A_722] : memref<8x128xi32, #tpu.memory_space<vmem>> -> memref<1x128xi32, #tpu.memory_space<vmem>>
      %dma_start3A_724 = tpu.memref_squeeze %dma_start3A_723 : memref<1x128xi32, #tpu.memory_space<vmem>> -> memref<128xi32, #tpu.memory_space<vmem>>
      %dma_start3A_725 = arith.constant 0 : i32
      %dma_start3A_726 = tpu.memref_slice %arg3[%dma_start3A_725] : memref<1000000xi32, #tpu.memory_space<hbm>> -> memref<1000000xi32, #tpu.memory_space<hbm>>
      tpu.enqueue_indirect_dma source(%dma_start3A_721 : memref<128xi32, #tpu.memory_space<vmem>>) target(%dma_start3A_726 : memref<1000000xi32, #tpu.memory_space<hbm>>) offsets(%dma_start3A_724 : memref<128xi32, #tpu.memory_space<vmem>>) semaphore(%run_scoped3A_719 : memref<!tpu.dma_semaphore, #tpu.memory_space<semaphore_mem>>)
      %dma_wait3A = arith.constant 0 : i32
      %dma_wait3A_727 = tpu.memref_slice %arg5[%run_scoped3A, %dma_wait3A] : memref<8x128xi32, #tpu.memory_space<vmem>> -> memref<1x128xi32, #tpu.memory_space<vmem>>
      %dma_wait3A_728 = tpu.memref_squeeze %dma_wait3A_727 : memref<1x128xi32, #tpu.memory_space<vmem>> -> memref<128xi32, #tpu.memory_space<vmem>>
      %dma_wait3A_729 = arith.constant 0 : i32
      %dma_wait3A_730 = tpu.memref_slice %arg4[%run_scoped3A_704, %dma_wait3A_729] : memref<8x128xi32, #tpu.memory_space<vmem>> -> memref<1x128xi32, #tpu.memory_space<vmem>>
      %dma_wait3A_731 = tpu.memref_squeeze %dma_wait3A_730 : memref<1x128xi32, #tpu.memory_space<vmem>> -> memref<128xi32, #tpu.memory_space<vmem>>
      %dma_wait3A_732 = arith.constant 0 : i32
      %dma_wait3A_733 = tpu.memref_slice %arg3[%dma_wait3A_732] : memref<1000000xi32, #tpu.memory_space<hbm>> -> memref<1000000xi32, #tpu.memory_space<hbm>>
      tpu.wait_indirect_dma semaphore(%run_scoped3A_719 : memref<!tpu.dma_semaphore, #tpu.memory_space<semaphore_mem>>) src(%dma_wait3A_728 : memref<128xi32, #tpu.memory_space<vmem>>) dst(%dma_wait3A_733 : memref<1000000xi32, #tpu.memory_space<hbm>>)
      tpu.yield
    }) : () -> ()
    %run_scoped3A_705 = arith.constant 1 : i32
    %run_scoped3A_706 = arith.constant 1 : i32
    "tpu.region"() ({
      %run_scoped3A_719 = tpu.sem_alloc : memref<!tpu.dma_semaphore, #tpu.memory_space<semaphore_mem>>
      %dma_start3A = arith.constant 0 : i32
      %dma_start3A_720 = tpu.memref_slice %arg5[%run_scoped3A_705, %dma_start3A] : memref<8x128xi32, #tpu.memory_space<vmem>> -> memref<1x128xi32, #tpu.memory_space<vmem>>
      %dma_start3A_721 = tpu.memref_squeeze %dma_start3A_720 : memref<1x128xi32, #tpu.memory_space<vmem>> -> memref<128xi32, #tpu.memory_space<vmem>>
      %dma_start3A_722 = arith.constant 0 : i32
      %dma_start3A_723 = tpu.memref_slice %arg4[%run_scoped3A_706, %dma_start3A_722] : memref<8x128xi32, #tpu.memory_space<vmem>> -> memref<1x128xi32, #tpu.memory_space<vmem>>
      %dma_start3A_724 = tpu.memref_squeeze %dma_start3A_723 : memref<1x128xi32, #tpu.memory_space<vmem>> -> memref<128xi32, #tpu.memory_space<vmem>>
      %dma_start3A_725 = arith.constant 0 : i32
      %dma_start3A_726 = tpu.memref_slice %arg3[%dma_start3A_725] : memref<1000000xi32, #tpu.memory_space<hbm>> -> memref<1000000xi32, #tpu.memory_space<hbm>>
      tpu.enqueue_indirect_dma source(%dma_start3A_721 : memref<128xi32, #tpu.memory_space<vmem>>) target(%dma_start3A_726 : memref<1000000xi32, #tpu.memory_space<hbm>>) offsets(%dma_start3A_724 : memref<128xi32, #tpu.memory_space<vmem>>) semaphore(%run_scoped3A_719 : memref<!tpu.dma_semaphore, #tpu.memory_space<semaphore_mem>>)
      %dma_wait3A = arith.constant 0 : i32
      %dma_wait3A_727 = tpu.memref_slice %arg5[%run_scoped3A_705, %dma_wait3A] : memref<8x128xi32, #tpu.memory_space<vmem>> -> memref<1x128xi32, #tpu.memory_space<vmem>>
      %dma_wait3A_728 = tpu.memref_squeeze %dma_wait3A_727 : memref<1x128xi32, #tpu.memory_space<vmem>> -> memref<128xi32, #tpu.memory_space<vmem>>
      %dma_wait3A_729 = arith.constant 0 : i32
      %dma_wait3A_730 = tpu.memref_slice %arg4[%run_scoped3A_706, %dma_wait3A_729] : memref<8x128xi32, #tpu.memory_space<vmem>> -> memref<1x128xi32, #tpu.memory_space<vmem>>
      %dma_wait3A_731 = tpu.memref_squeeze %dma_wait3A_730 : memref<1x128xi32, #tpu.memory_space<vmem>> -> memref<128xi32, #tpu.memory_space<vmem>>
      %dma_wait3A_732 = arith.constant 0 : i32
      %dma_wait3A_733 = tpu.memref_slice %arg3[%dma_wait3A_732] : memref<1000000xi32, #tpu.memory_space<hbm>> -> memref<1000000xi32, #tpu.memory_space<hbm>>
      tpu.wait_indirect_dma semaphore(%run_scoped3A_719 : memref<!tpu.dma_semaphore, #tpu.memory_space<semaphore_mem>>) src(%dma_wait3A_728 : memref<128xi32, #tpu.memory_space<vmem>>) dst(%dma_wait3A_733 : memref<1000000xi32, #tpu.memory_space<hbm>>)
      tpu.yield
    }) : () -> ()
    %run_scoped3A_707 = arith.constant 2 : i32
    %run_scoped3A_708 = arith.constant 2 : i32
    "tpu.region"() ({
      %run_scoped3A_719 = tpu.sem_alloc : memref<!tpu.dma_semaphore, #tpu.memory_space<semaphore_mem>>
      %dma_start3A = arith.constant 0 : i32
      %dma_start3A_720 = tpu.memref_slice %arg5[%run_scoped3A_707, %dma_start3A] : memref<8x128xi32, #tpu.memory_space<vmem>> -> memref<1x128xi32, #tpu.memory_space<vmem>>
      %dma_start3A_721 = tpu.memref_squeeze %dma_start3A_720 : memref<1x128xi32, #tpu.memory_space<vmem>> -> memref<128xi32, #tpu.memory_space<vmem>>
      %dma_start3A_722 = arith.constant 0 : i32
      %dma_start3A_723 = tpu.memref_slice %arg4[%run_scoped3A_708, %dma_start3A_722] : memref<8x128xi32, #tpu.memory_space<vmem>> -> memref<1x128xi32, #tpu.memory_space<vmem>>
      %dma_start3A_724 = tpu.memref_squeeze %dma_start3A_723 : memref<1x128xi32, #tpu.memory_space<vmem>> -> memref<128xi32, #tpu.memory_space<vmem>>
      %dma_start3A_725 = arith.constant 0 : i32
      %dma_start3A_726 = tpu.memref_slice %arg3[%dma_start3A_725] : memref<1000000xi32, #tpu.memory_space<hbm>> -> memref<1000000xi32, #tpu.memory_space<hbm>>
      tpu.enqueue_indirect_dma source(%dma_start3A_721 : memref<128xi32, #tpu.memory_space<vmem>>) target(%dma_start3A_726 : memref<1000000xi32, #tpu.memory_space<hbm>>) offsets(%dma_start3A_724 : memref<128xi32, #tpu.memory_space<vmem>>) semaphore(%run_scoped3A_719 : memref<!tpu.dma_semaphore, #tpu.memory_space<semaphore_mem>>)
      %dma_wait3A = arith.constant 0 : i32
      %dma_wait3A_727 = tpu.memref_slice %arg5[%run_scoped3A_707, %dma_wait3A] : memref<8x128xi32, #tpu.memory_space<vmem>> -> memref<1x128xi32, #tpu.memory_space<vmem>>
      %dma_wait3A_728 = tpu.memref_squeeze %dma_wait3A_727 : memref<1x128xi32, #tpu.memory_space<vmem>> -> memref<128xi32, #tpu.memory_space<vmem>>
      %dma_wait3A_729 = arith.constant 0 : i32
      %dma_wait3A_730 = tpu.memref_slice %arg4[%run_scoped3A_708, %dma_wait3A_729] : memref<8x128xi32, #tpu.memory_space<vmem>> -> memref<1x128xi32, #tpu.memory_space<vmem>>
      %dma_wait3A_731 = tpu.memref_squeeze %dma_wait3A_730 : memref<1x128xi32, #tpu.memory_space<vmem>> -> memref<128xi32, #tpu.memory_space<vmem>>
      %dma_wait3A_732 = arith.constant 0 : i32
      %dma_wait3A_733 = tpu.memref_slice %arg3[%dma_wait3A_732] : memref<1000000xi32, #tpu.memory_space<hbm>> -> memref<1000000xi32, #tpu.memory_space<hbm>>
      tpu.wait_indirect_dma semaphore(%run_scoped3A_719 : memref<!tpu.dma_semaphore, #tpu.memory_space<semaphore_mem>>) src(%dma_wait3A_728 : memref<128xi32, #tpu.memory_space<vmem>>) dst(%dma_wait3A_733 : memref<1000000xi32, #tpu.memory_space<hbm>>)
      tpu.yield
    }) : () -> ()
    %run_scoped3A_709 = arith.constant 3 : i32
    %run_scoped3A_710 = arith.constant 3 : i32
    "tpu.region"() ({
      %run_scoped3A_719 = tpu.sem_alloc : memref<!tpu.dma_semaphore, #tpu.memory_space<semaphore_mem>>
      %dma_start3A = arith.constant 0 : i32
      %dma_start3A_720 = tpu.memref_slice %arg5[%run_scoped3A_709, %dma_start3A] : memref<8x128xi32, #tpu.memory_space<vmem>> -> memref<1x128xi32, #tpu.memory_space<vmem>>
      %dma_start3A_721 = tpu.memref_squeeze %dma_start3A_720 : memref<1x128xi32, #tpu.memory_space<vmem>> -> memref<128xi32, #tpu.memory_space<vmem>>
      %dma_start3A_722 = arith.constant 0 : i32
      %dma_start3A_723 = tpu.memref_slice %arg4[%run_scoped3A_710, %dma_start3A_722] : memref<8x128xi32, #tpu.memory_space<vmem>> -> memref<1x128xi32, #tpu.memory_space<vmem>>
      %dma_start3A_724 = tpu.memref_squeeze %dma_start3A_723 : memref<1x128xi32, #tpu.memory_space<vmem>> -> memref<128xi32, #tpu.memory_space<vmem>>
      %dma_start3A_725 = arith.constant 0 : i32
      %dma_start3A_726 = tpu.memref_slice %arg3[%dma_start3A_725] : memref<1000000xi32, #tpu.memory_space<hbm>> -> memref<1000000xi32, #tpu.memory_space<hbm>>
      tpu.enqueue_indirect_dma source(%dma_start3A_721 : memref<128xi32, #tpu.memory_space<vmem>>) target(%dma_start3A_726 : memref<1000000xi32, #tpu.memory_space<hbm>>) offsets(%dma_start3A_724 : memref<128xi32, #tpu.memory_space<vmem>>) semaphore(%run_scoped3A_719 : memref<!tpu.dma_semaphore, #tpu.memory_space<semaphore_mem>>)
      %dma_wait3A = arith.constant 0 : i32
      %dma_wait3A_727 = tpu.memref_slice %arg5[%run_scoped3A_709, %dma_wait3A] : memref<8x128xi32, #tpu.memory_space<vmem>> -> memref<1x128xi32, #tpu.memory_space<vmem>>
      %dma_wait3A_728 = tpu.memref_squeeze %dma_wait3A_727 : memref<1x128xi32, #tpu.memory_space<vmem>> -> memref<128xi32, #tpu.memory_space<vmem>>
      %dma_wait3A_729 = arith.constant 0 : i32
      %dma_wait3A_730 = tpu.memref_slice %arg4[%run_scoped3A_710, %dma_wait3A_729] : memref<8x128xi32, #tpu.memory_space<vmem>> -> memref<1x128xi32, #tpu.memory_space<vmem>>
      %dma_wait3A_731 = tpu.memref_squeeze %dma_wait3A_730 : memref<1x128xi32, #tpu.memory_space<vmem>> -> memref<128xi32, #tpu.memory_space<vmem>>
      %dma_wait3A_732 = arith.constant 0 : i32
      %dma_wait3A_733 = tpu.memref_slice %arg3[%dma_wait3A_732] : memref<1000000xi32, #tpu.memory_space<hbm>> -> memref<1000000xi32, #tpu.memory_space<hbm>>
      tpu.wait_indirect_dma semaphore(%run_scoped3A_719 : memref<!tpu.dma_semaphore, #tpu.memory_space<semaphore_mem>>) src(%dma_wait3A_728 : memref<128xi32, #tpu.memory_space<vmem>>) dst(%dma_wait3A_733 : memref<1000000xi32, #tpu.memory_space<hbm>>)
      tpu.yield
    }) : () -> ()
    %run_scoped3A_711 = arith.constant 4 : i32
    %run_scoped3A_712 = arith.constant 4 : i32
    "tpu.region"() ({
      %run_scoped3A_719 = tpu.sem_alloc : memref<!tpu.dma_semaphore, #tpu.memory_space<semaphore_mem>>
      %dma_start3A = arith.constant 0 : i32
      %dma_start3A_720 = tpu.memref_slice %arg5[%run_scoped3A_711, %dma_start3A] : memref<8x128xi32, #tpu.memory_space<vmem>> -> memref<1x128xi32, #tpu.memory_space<vmem>>
      %dma_start3A_721 = tpu.memref_squeeze %dma_start3A_720 : memref<1x128xi32, #tpu.memory_space<vmem>> -> memref<128xi32, #tpu.memory_space<vmem>>
      %dma_start3A_722 = arith.constant 0 : i32
      %dma_start3A_723 = tpu.memref_slice %arg4[%run_scoped3A_712, %dma_start3A_722] : memref<8x128xi32, #tpu.memory_space<vmem>> -> memref<1x128xi32, #tpu.memory_space<vmem>>
      %dma_start3A_724 = tpu.memref_squeeze %dma_start3A_723 : memref<1x128xi32, #tpu.memory_space<vmem>> -> memref<128xi32, #tpu.memory_space<vmem>>
      %dma_start3A_725 = arith.constant 0 : i32
      %dma_start3A_726 = tpu.memref_slice %arg3[%dma_start3A_725] : memref<1000000xi32, #tpu.memory_space<hbm>> -> memref<1000000xi32, #tpu.memory_space<hbm>>
      tpu.enqueue_indirect_dma source(%dma_start3A_721 : memref<128xi32, #tpu.memory_space<vmem>>) target(%dma_start3A_726 : memref<1000000xi32, #tpu.memory_space<hbm>>) offsets(%dma_start3A_724 : memref<128xi32, #tpu.memory_space<vmem>>) semaphore(%run_scoped3A_719 : memref<!tpu.dma_semaphore, #tpu.memory_space<semaphore_mem>>)
      %dma_wait3A = arith.constant 0 : i32
      %dma_wait3A_727 = tpu.memref_slice %arg5[%run_scoped3A_711, %dma_wait3A] : memref<8x128xi32, #tpu.memory_space<vmem>> -> memref<1x128xi32, #tpu.memory_space<vmem>>
      %dma_wait3A_728 = tpu.memref_squeeze %dma_wait3A_727 : memref<1x128xi32, #tpu.memory_space<vmem>> -> memref<128xi32, #tpu.memory_space<vmem>>
      %dma_wait3A_729 = arith.constant 0 : i32
      %dma_wait3A_730 = tpu.memref_slice %arg4[%run_scoped3A_712, %dma_wait3A_729] : memref<8x128xi32, #tpu.memory_space<vmem>> -> memref<1x128xi32, #tpu.memory_space<vmem>>
      %dma_wait3A_731 = tpu.memref_squeeze %dma_wait3A_730 : memref<1x128xi32, #tpu.memory_space<vmem>> -> memref<128xi32, #tpu.memory_space<vmem>>
      %dma_wait3A_732 = arith.constant 0 : i32
      %dma_wait3A_733 = tpu.memref_slice %arg3[%dma_wait3A_732] : memref<1000000xi32, #tpu.memory_space<hbm>> -> memref<1000000xi32, #tpu.memory_space<hbm>>
      tpu.wait_indirect_dma semaphore(%run_scoped3A_719 : memref<!tpu.dma_semaphore, #tpu.memory_space<semaphore_mem>>) src(%dma_wait3A_728 : memref<128xi32, #tpu.memory_space<vmem>>) dst(%dma_wait3A_733 : memref<1000000xi32, #tpu.memory_space<hbm>>)
      tpu.yield
    }) : () -> ()
    %run_scoped3A_713 = arith.constant 5 : i32
    %run_scoped3A_714 = arith.constant 5 : i32
    "tpu.region"() ({
      %run_scoped3A_719 = tpu.sem_alloc : memref<!tpu.dma_semaphore, #tpu.memory_space<semaphore_mem>>
      %dma_start3A = arith.constant 0 : i32
      %dma_start3A_720 = tpu.memref_slice %arg5[%run_scoped3A_713, %dma_start3A] : memref<8x128xi32, #tpu.memory_space<vmem>> -> memref<1x128xi32, #tpu.memory_space<vmem>>
      %dma_start3A_721 = tpu.memref_squeeze %dma_start3A_720 : memref<1x128xi32, #tpu.memory_space<vmem>> -> memref<128xi32, #tpu.memory_space<vmem>>
      %dma_start3A_722 = arith.constant 0 : i32
      %dma_start3A_723 = tpu.memref_slice %arg4[%run_scoped3A_714, %dma_start3A_722] : memref<8x128xi32, #tpu.memory_space<vmem>> -> memref<1x128xi32, #tpu.memory_space<vmem>>
      %dma_start3A_724 = tpu.memref_squeeze %dma_start3A_723 : memref<1x128xi32, #tpu.memory_space<vmem>> -> memref<128xi32, #tpu.memory_space<vmem>>
      %dma_start3A_725 = arith.constant 0 : i32
      %dma_start3A_726 = tpu.memref_slice %arg3[%dma_start3A_725] : memref<1000000xi32, #tpu.memory_space<hbm>> -> memref<1000000xi32, #tpu.memory_space<hbm>>
      tpu.enqueue_indirect_dma source(%dma_start3A_721 : memref<128xi32, #tpu.memory_space<vmem>>) target(%dma_start3A_726 : memref<1000000xi32, #tpu.memory_space<hbm>>) offsets(%dma_start3A_724 : memref<128xi32, #tpu.memory_space<vmem>>) semaphore(%run_scoped3A_719 : memref<!tpu.dma_semaphore, #tpu.memory_space<semaphore_mem>>)
      %dma_wait3A = arith.constant 0 : i32
      %dma_wait3A_727 = tpu.memref_slice %arg5[%run_scoped3A_713, %dma_wait3A] : memref<8x128xi32, #tpu.memory_space<vmem>> -> memref<1x128xi32, #tpu.memory_space<vmem>>
      %dma_wait3A_728 = tpu.memref_squeeze %dma_wait3A_727 : memref<1x128xi32, #tpu.memory_space<vmem>> -> memref<128xi32, #tpu.memory_space<vmem>>
      %dma_wait3A_729 = arith.constant 0 : i32
      %dma_wait3A_730 = tpu.memref_slice %arg4[%run_scoped3A_714, %dma_wait3A_729] : memref<8x128xi32, #tpu.memory_space<vmem>> -> memref<1x128xi32, #tpu.memory_space<vmem>>
      %dma_wait3A_731 = tpu.memref_squeeze %dma_wait3A_730 : memref<1x128xi32, #tpu.memory_space<vmem>> -> memref<128xi32, #tpu.memory_space<vmem>>
      %dma_wait3A_732 = arith.constant 0 : i32
      %dma_wait3A_733 = tpu.memref_slice %arg3[%dma_wait3A_732] : memref<1000000xi32, #tpu.memory_space<hbm>> -> memref<1000000xi32, #tpu.memory_space<hbm>>
      tpu.wait_indirect_dma semaphore(%run_scoped3A_719 : memref<!tpu.dma_semaphore, #tpu.memory_space<semaphore_mem>>) src(%dma_wait3A_728 : memref<128xi32, #tpu.memory_space<vmem>>) dst(%dma_wait3A_733 : memref<1000000xi32, #tpu.memory_space<hbm>>)
      tpu.yield
    }) : () -> ()
    %run_scoped3A_715 = arith.constant 6 : i32
    %run_scoped3A_716 = arith.constant 6 : i32
    "tpu.region"() ({
      %run_scoped3A_719 = tpu.sem_alloc : memref<!tpu.dma_semaphore, #tpu.memory_space<semaphore_mem>>
      %dma_start3A = arith.constant 0 : i32
      %dma_start3A_720 = tpu.memref_slice %arg5[%run_scoped3A_715, %dma_start3A] : memref<8x128xi32, #tpu.memory_space<vmem>> -> memref<1x128xi32, #tpu.memory_space<vmem>>
      %dma_start3A_721 = tpu.memref_squeeze %dma_start3A_720 : memref<1x128xi32, #tpu.memory_space<vmem>> -> memref<128xi32, #tpu.memory_space<vmem>>
      %dma_start3A_722 = arith.constant 0 : i32
      %dma_start3A_723 = tpu.memref_slice %arg4[%run_scoped3A_716, %dma_start3A_722] : memref<8x128xi32, #tpu.memory_space<vmem>> -> memref<1x128xi32, #tpu.memory_space<vmem>>
      %dma_start3A_724 = tpu.memref_squeeze %dma_start3A_723 : memref<1x128xi32, #tpu.memory_space<vmem>> -> memref<128xi32, #tpu.memory_space<vmem>>
      %dma_start3A_725 = arith.constant 0 : i32
      %dma_start3A_726 = tpu.memref_slice %arg3[%dma_start3A_725] : memref<1000000xi32, #tpu.memory_space<hbm>> -> memref<1000000xi32, #tpu.memory_space<hbm>>
      tpu.enqueue_indirect_dma source(%dma_start3A_721 : memref<128xi32, #tpu.memory_space<vmem>>) target(%dma_start3A_726 : memref<1000000xi32, #tpu.memory_space<hbm>>) offsets(%dma_start3A_724 : memref<128xi32, #tpu.memory_space<vmem>>) semaphore(%run_scoped3A_719 : memref<!tpu.dma_semaphore, #tpu.memory_space<semaphore_mem>>)
      %dma_wait3A = arith.constant 0 : i32
      %dma_wait3A_727 = tpu.memref_slice %arg5[%run_scoped3A_715, %dma_wait3A] : memref<8x128xi32, #tpu.memory_space<vmem>> -> memref<1x128xi32, #tpu.memory_space<vmem>>
      %dma_wait3A_728 = tpu.memref_squeeze %dma_wait3A_727 : memref<1x128xi32, #tpu.memory_space<vmem>> -> memref<128xi32, #tpu.memory_space<vmem>>
      %dma_wait3A_729 = arith.constant 0 : i32
      %dma_wait3A_730 = tpu.memref_slice %arg4[%run_scoped3A_716, %dma_wait3A_729] : memref<8x128xi32, #tpu.memory_space<vmem>> -> memref<1x128xi32, #tpu.memory_space<vmem>>
      %dma_wait3A_731 = tpu.memref_squeeze %dma_wait3A_730 : memref<1x128xi32, #tpu.memory_space<vmem>> -> memref<128xi32, #tpu.memory_space<vmem>>
      %dma_wait3A_732 = arith.constant 0 : i32
      %dma_wait3A_733 = tpu.memref_slice %arg3[%dma_wait3A_732] : memref<1000000xi32, #tpu.memory_space<hbm>> -> memref<1000000xi32, #tpu.memory_space<hbm>>
      tpu.wait_indirect_dma semaphore(%run_scoped3A_719 : memref<!tpu.dma_semaphore, #tpu.memory_space<semaphore_mem>>) src(%dma_wait3A_728 : memref<128xi32, #tpu.memory_space<vmem>>) dst(%dma_wait3A_733 : memref<1000000xi32, #tpu.memory_space<hbm>>)
      tpu.yield
    }) : () -> ()
    %run_scoped3A_717 = arith.constant 7 : i32
    %run_scoped3A_718 = arith.constant 7 : i32
    "tpu.region"() ({
      %run_scoped3A_719 = tpu.sem_alloc : memref<!tpu.dma_semaphore, #tpu.memory_space<semaphore_mem>>
      %dma_start3A = arith.constant 0 : i32
      %dma_start3A_720 = tpu.memref_slice %arg5[%run_scoped3A_717, %dma_start3A] : memref<8x128xi32, #tpu.memory_space<vmem>> -> memref<1x128xi32, #tpu.memory_space<vmem>>
      %dma_start3A_721 = tpu.memref_squeeze %dma_start3A_720 : memref<1x128xi32, #tpu.memory_space<vmem>> -> memref<128xi32, #tpu.memory_space<vmem>>
      %dma_start3A_722 = arith.constant 0 : i32
      %dma_start3A_723 = tpu.memref_slice %arg4[%run_scoped3A_718, %dma_start3A_722] : memref<8x128xi32, #tpu.memory_space<vmem>> -> memref<1x128xi32, #tpu.memory_space<vmem>>
      %dma_start3A_724 = tpu.memref_squeeze %dma_start3A_723 : memref<1x128xi32, #tpu.memory_space<vmem>> -> memref<128xi32, #tpu.memory_space<vmem>>
      %dma_start3A_725 = arith.constant 0 : i32
      %dma_start3A_726 = tpu.memref_slice %arg3[%dma_start3A_725] : memref<1000000xi32, #tpu.memory_space<hbm>> -> memref<1000000xi32, #tpu.memory_space<hbm>>
      tpu.enqueue_indirect_dma source(%dma_start3A_721 : memref<128xi32, #tpu.memory_space<vmem>>) target(%dma_start3A_726 : memref<1000000xi32, #tpu.memory_space<hbm>>) offsets(%dma_start3A_724 : memref<128xi32, #tpu.memory_space<vmem>>) semaphore(%run_scoped3A_719 : memref<!tpu.dma_semaphore, #tpu.memory_space<semaphore_mem>>)
      %dma_wait3A = arith.constant 0 : i32
      %dma_wait3A_727 = tpu.memref_slice %arg5[%run_scoped3A_717, %dma_wait3A] : memref<8x128xi32, #tpu.memory_space<vmem>> -> memref<1x128xi32, #tpu.memory_space<vmem>>
      %dma_wait3A_728 = tpu.memref_squeeze %dma_wait3A_727 : memref<1x128xi32, #tpu.memory_space<vmem>> -> memref<128xi32, #tpu.memory_space<vmem>>
      %dma_wait3A_729 = arith.constant 0 : i32
      %dma_wait3A_730 = tpu.memref_slice %arg4[%run_scoped3A_718, %dma_wait3A_729] : memref<8x128xi32, #tpu.memory_space<vmem>> -> memref<1x128xi32, #tpu.memory_space<vmem>>
      %dma_wait3A_731 = tpu.memref_squeeze %dma_wait3A_730 : memref<1x128xi32, #tpu.memory_space<vmem>> -> memref<128xi32, #tpu.memory_space<vmem>>
      %dma_wait3A_732 = arith.constant 0 : i32
      %dma_wait3A_733 = tpu.memref_slice %arg3[%dma_wait3A_732] : memref<1000000xi32, #tpu.memory_space<hbm>> -> memref<1000000xi32, #tpu.memory_space<hbm>>
      tpu.wait_indirect_dma semaphore(%run_scoped3A_719 : memref<!tpu.dma_semaphore, #tpu.memory_space<semaphore_mem>>) src(%dma_wait3A_728 : memref<128xi32, #tpu.memory_space<vmem>>) dst(%dma_wait3A_733 : memref<1000000xi32, #tpu.memory_space<hbm>>)
      tpu.yield
    }) : () -> ()
    return
  }
}

#map = affine_map<(d0, d1) -> (0, 0)>
#map1 = affine_map<(d0, d1) -> (0)>
module attributes {stable_mosaic.version = 14 : i64} {
  func.func @new_body(%arg0: i32, %arg1: i32, %arg2: memref<128x128xi32, #tpu.memory_space<hbm>>, %arg3: memref<16384x128xf32, #tpu.memory_space<hbm>>, %arg4: memref<1000000xi32, #tpu.memory_space<hbm>>, %arg5: memref<1000000x128xf32, #tpu.memory_space<hbm>>, %arg6: memref<16xf32, #tpu.memory_space<hbm>>, %arg7: memref<1000000x128xf32, #tpu.memory_space<hbm>>, %arg8: memref<8x128xi32, #tpu.memory_space<vmem>>, %arg9: memref<8x128xi32, #tpu.memory_space<vmem>>, %arg10: memref<128x128xf32, #tpu.memory_space<vmem>>, %arg11: memref<128x128xf32, #tpu.memory_space<vmem>>, %arg12: memref<128x64xf32, #tpu.memory_space<vmem>>, %arg13: memref<16xf32, #tpu.memory_space<vmem>>, %arg14: memref<16x16xf32, #tpu.memory_space<vmem>>, %arg15: memref<16384x64xf32, #tpu.memory_space<vmem_shared>>, %arg16: memref<16x16xf32, #tpu.memory_space<vmem_shared>>) attributes {dimension_semantics = [#tpu.dimension_semantics<core_parallel>, #tpu.dimension_semantics<subcore_parallel>], iteration_bounds = array<i64: 1, 16>, scalar_prefetch = 0 : i64, scratch_operands = 9 : i64, tpu.core_type = #tpu.core_type<sc_vector_subcore>, window_params = [{transform_indices = #map}, {transform_indices = #map}, {transform_indices = #map1}, {transform_indices = #map}, {transform_indices = #map1}, {transform_indices = #map}]} {
    %mul3A = arith.constant 1024 : i32
    %mul3A_0 = arith.muli %arg1, %mul3A : i32
    %mul3A_1 = arith.constant 8 : i32
    %mul3A_2 = arith.muli %arg1, %mul3A_1 : i32
    "tpu.region"() ({
      %run_scoped3A_231 = tpu.sem_alloc : memref<!tpu.dma_semaphore, #tpu.memory_space<semaphore_mem>>
      %dma_start3A = arith.constant 0 : i32
      %dma_start3A_232 = tpu.memref_slice %arg2[%mul3A_2, %dma_start3A] : memref<128x128xi32, #tpu.memory_space<hbm>> -> memref<8x128xi32, #tpu.memory_space<hbm>>
      %dma_start3A_233 = arith.constant 0 : i32
      %dma_start3A_234 = tpu.memref_slice %arg2[%mul3A_2, %dma_start3A_233] : memref<128x128xi32, #tpu.memory_space<hbm>> -> memref<8x128xi32, #tpu.memory_space<hbm>>
      tpu.enqueue_dma source(%dma_start3A_234 : memref<8x128xi32, #tpu.memory_space<hbm>>) target(%arg8 : memref<8x128xi32, #tpu.memory_space<vmem>>) target_semaphore(%run_scoped3A_231 : memref<!tpu.dma_semaphore, #tpu.memory_space<semaphore_mem>>)
      %dma_wait3A = arith.constant 0 : i32
      %dma_wait3A_235 = tpu.memref_slice %arg2[%mul3A_2, %dma_wait3A] : memref<128x128xi32, #tpu.memory_space<hbm>> -> memref<8x128xi32, #tpu.memory_space<hbm>>
      %dma_wait3A_236 = arith.constant 0 : i32
      %dma_wait3A_237 = tpu.memref_slice %arg2[%mul3A_2, %dma_wait3A_236] : memref<128x128xi32, #tpu.memory_space<hbm>> -> memref<8x128xi32, #tpu.memory_space<hbm>>
      tpu.wait_dma2 semaphore(%run_scoped3A_231 : memref<!tpu.dma_semaphore, #tpu.memory_space<semaphore_mem>>) src(%dma_wait3A_237 : memref<8x128xi32, #tpu.memory_space<hbm>>) dst(%arg8 : memref<8x128xi32, #tpu.memory_space<vmem>>)
      tpu.yield
    }) : () -> ()
    %run_scoped3A = arith.constant 0 : i32
    %run_scoped3A_3 = arith.constant 0 : i32
    "tpu.region"() ({
      %run_scoped3A_231 = tpu.sem_alloc : memref<!tpu.dma_semaphore, #tpu.memory_space<semaphore_mem>>
      %dma_start3A = arith.constant 0 : i32
      %dma_start3A_232 = tpu.memref_slice %arg9[%run_scoped3A_3, %dma_start3A] : memref<8x128xi32, #tpu.memory_space<vmem>> -> memref<1x128xi32, #tpu.memory_space<vmem>>
      %dma_start3A_233 = tpu.memref_squeeze %dma_start3A_232 : memref<1x128xi32, #tpu.memory_space<vmem>> -> memref<128xi32, #tpu.memory_space<vmem>>
      %dma_start3A_234 = arith.constant 0 : i32
      %dma_start3A_235 = tpu.memref_slice %arg8[%run_scoped3A, %dma_start3A_234] : memref<8x128xi32, #tpu.memory_space<vmem>> -> memref<1x128xi32, #tpu.memory_space<vmem>>
      %dma_start3A_236 = tpu.memref_squeeze %dma_start3A_235 : memref<1x128xi32, #tpu.memory_space<vmem>> -> memref<128xi32, #tpu.memory_space<vmem>>
      %dma_start3A_237 = arith.constant 0 : i32
      %dma_start3A_238 = tpu.memref_slice %arg4[%dma_start3A_237] : memref<1000000xi32, #tpu.memory_space<hbm>> -> memref<1000000xi32, #tpu.memory_space<hbm>>
      tpu.enqueue_indirect_dma source(%dma_start3A_238 : memref<1000000xi32, #tpu.memory_space<hbm>>) target(%dma_start3A_233 : memref<128xi32, #tpu.memory_space<vmem>>) offsets(%dma_start3A_236 : memref<128xi32, #tpu.memory_space<vmem>>) semaphore(%run_scoped3A_231 : memref<!tpu.dma_semaphore, #tpu.memory_space<semaphore_mem>>)
      %dma_wait3A = arith.constant 0 : i32
      %dma_wait3A_239 = tpu.memref_slice %arg9[%run_scoped3A_3, %dma_wait3A] : memref<8x128xi32, #tpu.memory_space<vmem>> -> memref<1x128xi32, #tpu.memory_space<vmem>>
      %dma_wait3A_240 = tpu.memref_squeeze %dma_wait3A_239 : memref<1x128xi32, #tpu.memory_space<vmem>> -> memref<128xi32, #tpu.memory_space<vmem>>
      %dma_wait3A_241 = arith.constant 0 : i32
      %dma_wait3A_242 = tpu.memref_slice %arg8[%run_scoped3A, %dma_wait3A_241] : memref<8x128xi32, #tpu.memory_space<vmem>> -> memref<1x128xi32, #tpu.memory_space<vmem>>
      %dma_wait3A_243 = tpu.memref_squeeze %dma_wait3A_242 : memref<1x128xi32, #tpu.memory_space<vmem>> -> memref<128xi32, #tpu.memory_space<vmem>>
      %dma_wait3A_244 = arith.constant 0 : i32
      %dma_wait3A_245 = tpu.memref_slice %arg4[%dma_wait3A_244] : memref<1000000xi32, #tpu.memory_space<hbm>> -> memref<1000000xi32, #tpu.memory_space<hbm>>
      tpu.wait_indirect_dma semaphore(%run_scoped3A_231 : memref<!tpu.dma_semaphore, #tpu.memory_space<semaphore_mem>>) src(%dma_wait3A_245 : memref<1000000xi32, #tpu.memory_space<hbm>>) dst(%dma_wait3A_240 : memref<128xi32, #tpu.memory_space<vmem>>)
      tpu.yield
    }) : () -> ()
    %run_scoped3A_4 = arith.constant 1 : i32
    %run_scoped3A_5 = arith.constant 1 : i32
    "tpu.region"() ({
      %run_scoped3A_231 = tpu.sem_alloc : memref<!tpu.dma_semaphore, #tpu.memory_space<semaphore_mem>>
      %dma_start3A = arith.constant 0 : i32
      %dma_start3A_232 = tpu.memref_slice %arg9[%run_scoped3A_5, %dma_start3A] : memref<8x128xi32, #tpu.memory_space<vmem>> -> memref<1x128xi32, #tpu.memory_space<vmem>>
      %dma_start3A_233 = tpu.memref_squeeze %dma_start3A_232 : memref<1x128xi32, #tpu.memory_space<vmem>> -> memref<128xi32, #tpu.memory_space<vmem>>
      %dma_start3A_234 = arith.constant 0 : i32
      %dma_start3A_235 = tpu.memref_slice %arg8[%run_scoped3A_4, %dma_start3A_234] : memref<8x128xi32, #tpu.memory_space<vmem>> -> memref<1x128xi32, #tpu.memory_space<vmem>>
      %dma_start3A_236 = tpu.memref_squeeze %dma_start3A_235 : memref<1x128xi32, #tpu.memory_space<vmem>> -> memref<128xi32, #tpu.memory_space<vmem>>
      %dma_start3A_237 = arith.constant 0 : i32
      %dma_start3A_238 = tpu.memref_slice %arg4[%dma_start3A_237] : memref<1000000xi32, #tpu.memory_space<hbm>> -> memref<1000000xi32, #tpu.memory_space<hbm>>
      tpu.enqueue_indirect_dma source(%dma_start3A_238 : memref<1000000xi32, #tpu.memory_space<hbm>>) target(%dma_start3A_233 : memref<128xi32, #tpu.memory_space<vmem>>) offsets(%dma_start3A_236 : memref<128xi32, #tpu.memory_space<vmem>>) semaphore(%run_scoped3A_231 : memref<!tpu.dma_semaphore, #tpu.memory_space<semaphore_mem>>)
      %dma_wait3A = arith.constant 0 : i32
      %dma_wait3A_239 = tpu.memref_slice %arg9[%run_scoped3A_5, %dma_wait3A] : memref<8x128xi32, #tpu.memory_space<vmem>> -> memref<1x128xi32, #tpu.memory_space<vmem>>
      %dma_wait3A_240 = tpu.memref_squeeze %dma_wait3A_239 : memref<1x128xi32, #tpu.memory_space<vmem>> -> memref<128xi32, #tpu.memory_space<vmem>>
      %dma_wait3A_241 = arith.constant 0 : i32
      %dma_wait3A_242 = tpu.memref_slice %arg8[%run_scoped3A_4, %dma_wait3A_241] : memref<8x128xi32, #tpu.memory_space<vmem>> -> memref<1x128xi32, #tpu.memory_space<vmem>>
      %dma_wait3A_243 = tpu.memref_squeeze %dma_wait3A_242 : memref<1x128xi32, #tpu.memory_space<vmem>> -> memref<128xi32, #tpu.memory_space<vmem>>
      %dma_wait3A_244 = arith.constant 0 : i32
      %dma_wait3A_245 = tpu.memref_slice %arg4[%dma_wait3A_244] : memref<1000000xi32, #tpu.memory_space<hbm>> -> memref<1000000xi32, #tpu.memory_space<hbm>>
      tpu.wait_indirect_dma semaphore(%run_scoped3A_231 : memref<!tpu.dma_semaphore, #tpu.memory_space<semaphore_mem>>) src(%dma_wait3A_245 : memref<1000000xi32, #tpu.memory_space<hbm>>) dst(%dma_wait3A_240 : memref<128xi32, #tpu.memory_space<vmem>>)
      tpu.yield
    }) : () -> ()
    %run_scoped3A_6 = arith.constant 2 : i32
    %run_scoped3A_7 = arith.constant 2 : i32
    "tpu.region"() ({
      %run_scoped3A_231 = tpu.sem_alloc : memref<!tpu.dma_semaphore, #tpu.memory_space<semaphore_mem>>
      %dma_start3A = arith.constant 0 : i32
      %dma_start3A_232 = tpu.memref_slice %arg9[%run_scoped3A_7, %dma_start3A] : memref<8x128xi32, #tpu.memory_space<vmem>> -> memref<1x128xi32, #tpu.memory_space<vmem>>
      %dma_start3A_233 = tpu.memref_squeeze %dma_start3A_232 : memref<1x128xi32, #tpu.memory_space<vmem>> -> memref<128xi32, #tpu.memory_space<vmem>>
      %dma_start3A_234 = arith.constant 0 : i32
      %dma_start3A_235 = tpu.memref_slice %arg8[%run_scoped3A_6, %dma_start3A_234] : memref<8x128xi32, #tpu.memory_space<vmem>> -> memref<1x128xi32, #tpu.memory_space<vmem>>
      %dma_start3A_236 = tpu.memref_squeeze %dma_start3A_235 : memref<1x128xi32, #tpu.memory_space<vmem>> -> memref<128xi32, #tpu.memory_space<vmem>>
      %dma_start3A_237 = arith.constant 0 : i32
      %dma_start3A_238 = tpu.memref_slice %arg4[%dma_start3A_237] : memref<1000000xi32, #tpu.memory_space<hbm>> -> memref<1000000xi32, #tpu.memory_space<hbm>>
      tpu.enqueue_indirect_dma source(%dma_start3A_238 : memref<1000000xi32, #tpu.memory_space<hbm>>) target(%dma_start3A_233 : memref<128xi32, #tpu.memory_space<vmem>>) offsets(%dma_start3A_236 : memref<128xi32, #tpu.memory_space<vmem>>) semaphore(%run_scoped3A_231 : memref<!tpu.dma_semaphore, #tpu.memory_space<semaphore_mem>>)
      %dma_wait3A = arith.constant 0 : i32
      %dma_wait3A_239 = tpu.memref_slice %arg9[%run_scoped3A_7, %dma_wait3A] : memref<8x128xi32, #tpu.memory_space<vmem>> -> memref<1x128xi32, #tpu.memory_space<vmem>>
      %dma_wait3A_240 = tpu.memref_squeeze %dma_wait3A_239 : memref<1x128xi32, #tpu.memory_space<vmem>> -> memref<128xi32, #tpu.memory_space<vmem>>
      %dma_wait3A_241 = arith.constant 0 : i32
      %dma_wait3A_242 = tpu.memref_slice %arg8[%run_scoped3A_6, %dma_wait3A_241] : memref<8x128xi32, #tpu.memory_space<vmem>> -> memref<1x128xi32, #tpu.memory_space<vmem>>
      %dma_wait3A_243 = tpu.memref_squeeze %dma_wait3A_242 : memref<1x128xi32, #tpu.memory_space<vmem>> -> memref<128xi32, #tpu.memory_space<vmem>>
      %dma_wait3A_244 = arith.constant 0 : i32
      %dma_wait3A_245 = tpu.memref_slice %arg4[%dma_wait3A_244] : memref<1000000xi32, #tpu.memory_space<hbm>> -> memref<1000000xi32, #tpu.memory_space<hbm>>
      tpu.wait_indirect_dma semaphore(%run_scoped3A_231 : memref<!tpu.dma_semaphore, #tpu.memory_space<semaphore_mem>>) src(%dma_wait3A_245 : memref<1000000xi32, #tpu.memory_space<hbm>>) dst(%dma_wait3A_240 : memref<128xi32, #tpu.memory_space<vmem>>)
      tpu.yield
    }) : () -> ()
    %run_scoped3A_8 = arith.constant 3 : i32
    %run_scoped3A_9 = arith.constant 3 : i32
    "tpu.region"() ({
      %run_scoped3A_231 = tpu.sem_alloc : memref<!tpu.dma_semaphore, #tpu.memory_space<semaphore_mem>>
      %dma_start3A = arith.constant 0 : i32
      %dma_start3A_232 = tpu.memref_slice %arg9[%run_scoped3A_9, %dma_start3A] : memref<8x128xi32, #tpu.memory_space<vmem>> -> memref<1x128xi32, #tpu.memory_space<vmem>>
      %dma_start3A_233 = tpu.memref_squeeze %dma_start3A_232 : memref<1x128xi32, #tpu.memory_space<vmem>> -> memref<128xi32, #tpu.memory_space<vmem>>
      %dma_start3A_234 = arith.constant 0 : i32
      %dma_start3A_235 = tpu.memref_slice %arg8[%run_scoped3A_8, %dma_start3A_234] : memref<8x128xi32, #tpu.memory_space<vmem>> -> memref<1x128xi32, #tpu.memory_space<vmem>>
      %dma_start3A_236 = tpu.memref_squeeze %dma_start3A_235 : memref<1x128xi32, #tpu.memory_space<vmem>> -> memref<128xi32, #tpu.memory_space<vmem>>
      %dma_start3A_237 = arith.constant 0 : i32
      %dma_start3A_238 = tpu.memref_slice %arg4[%dma_start3A_237] : memref<1000000xi32, #tpu.memory_space<hbm>> -> memref<1000000xi32, #tpu.memory_space<hbm>>
      tpu.enqueue_indirect_dma source(%dma_start3A_238 : memref<1000000xi32, #tpu.memory_space<hbm>>) target(%dma_start3A_233 : memref<128xi32, #tpu.memory_space<vmem>>) offsets(%dma_start3A_236 : memref<128xi32, #tpu.memory_space<vmem>>) semaphore(%run_scoped3A_231 : memref<!tpu.dma_semaphore, #tpu.memory_space<semaphore_mem>>)
      %dma_wait3A = arith.constant 0 : i32
      %dma_wait3A_239 = tpu.memref_slice %arg9[%run_scoped3A_9, %dma_wait3A] : memref<8x128xi32, #tpu.memory_space<vmem>> -> memref<1x128xi32, #tpu.memory_space<vmem>>
      %dma_wait3A_240 = tpu.memref_squeeze %dma_wait3A_239 : memref<1x128xi32, #tpu.memory_space<vmem>> -> memref<128xi32, #tpu.memory_space<vmem>>
      %dma_wait3A_241 = arith.constant 0 : i32
      %dma_wait3A_242 = tpu.memref_slice %arg8[%run_scoped3A_8, %dma_wait3A_241] : memref<8x128xi32, #tpu.memory_space<vmem>> -> memref<1x128xi32, #tpu.memory_space<vmem>>
      %dma_wait3A_243 = tpu.memref_squeeze %dma_wait3A_242 : memref<1x128xi32, #tpu.memory_space<vmem>> -> memref<128xi32, #tpu.memory_space<vmem>>
      %dma_wait3A_244 = arith.constant 0 : i32
      %dma_wait3A_245 = tpu.memref_slice %arg4[%dma_wait3A_244] : memref<1000000xi32, #tpu.memory_space<hbm>> -> memref<1000000xi32, #tpu.memory_space<hbm>>
      tpu.wait_indirect_dma semaphore(%run_scoped3A_231 : memref<!tpu.dma_semaphore, #tpu.memory_space<semaphore_mem>>) src(%dma_wait3A_245 : memref<1000000xi32, #tpu.memory_space<hbm>>) dst(%dma_wait3A_240 : memref<128xi32, #tpu.memory_space<vmem>>)
      tpu.yield
    }) : () -> ()
    %run_scoped3A_10 = arith.constant 4 : i32
    %run_scoped3A_11 = arith.constant 4 : i32
    "tpu.region"() ({
      %run_scoped3A_231 = tpu.sem_alloc : memref<!tpu.dma_semaphore, #tpu.memory_space<semaphore_mem>>
      %dma_start3A = arith.constant 0 : i32
      %dma_start3A_232 = tpu.memref_slice %arg9[%run_scoped3A_11, %dma_start3A] : memref<8x128xi32, #tpu.memory_space<vmem>> -> memref<1x128xi32, #tpu.memory_space<vmem>>
      %dma_start3A_233 = tpu.memref_squeeze %dma_start3A_232 : memref<1x128xi32, #tpu.memory_space<vmem>> -> memref<128xi32, #tpu.memory_space<vmem>>
      %dma_start3A_234 = arith.constant 0 : i32
      %dma_start3A_235 = tpu.memref_slice %arg8[%run_scoped3A_10, %dma_start3A_234] : memref<8x128xi32, #tpu.memory_space<vmem>> -> memref<1x128xi32, #tpu.memory_space<vmem>>
      %dma_start3A_236 = tpu.memref_squeeze %dma_start3A_235 : memref<1x128xi32, #tpu.memory_space<vmem>> -> memref<128xi32, #tpu.memory_space<vmem>>
      %dma_start3A_237 = arith.constant 0 : i32
      %dma_start3A_238 = tpu.memref_slice %arg4[%dma_start3A_237] : memref<1000000xi32, #tpu.memory_space<hbm>> -> memref<1000000xi32, #tpu.memory_space<hbm>>
      tpu.enqueue_indirect_dma source(%dma_start3A_238 : memref<1000000xi32, #tpu.memory_space<hbm>>) target(%dma_start3A_233 : memref<128xi32, #tpu.memory_space<vmem>>) offsets(%dma_start3A_236 : memref<128xi32, #tpu.memory_space<vmem>>) semaphore(%run_scoped3A_231 : memref<!tpu.dma_semaphore, #tpu.memory_space<semaphore_mem>>)
      %dma_wait3A = arith.constant 0 : i32
      %dma_wait3A_239 = tpu.memref_slice %arg9[%run_scoped3A_11, %dma_wait3A] : memref<8x128xi32, #tpu.memory_space<vmem>> -> memref<1x128xi32, #tpu.memory_space<vmem>>
      %dma_wait3A_240 = tpu.memref_squeeze %dma_wait3A_239 : memref<1x128xi32, #tpu.memory_space<vmem>> -> memref<128xi32, #tpu.memory_space<vmem>>
      %dma_wait3A_241 = arith.constant 0 : i32
      %dma_wait3A_242 = tpu.memref_slice %arg8[%run_scoped3A_10, %dma_wait3A_241] : memref<8x128xi32, #tpu.memory_space<vmem>> -> memref<1x128xi32, #tpu.memory_space<vmem>>
      %dma_wait3A_243 = tpu.memref_squeeze %dma_wait3A_242 : memref<1x128xi32, #tpu.memory_space<vmem>> -> memref<128xi32, #tpu.memory_space<vmem>>
      %dma_wait3A_244 = arith.constant 0 : i32
      %dma_wait3A_245 = tpu.memref_slice %arg4[%dma_wait3A_244] : memref<1000000xi32, #tpu.memory_space<hbm>> -> memref<1000000xi32, #tpu.memory_space<hbm>>
      tpu.wait_indirect_dma semaphore(%run_scoped3A_231 : memref<!tpu.dma_semaphore, #tpu.memory_space<semaphore_mem>>) src(%dma_wait3A_245 : memref<1000000xi32, #tpu.memory_space<hbm>>) dst(%dma_wait3A_240 : memref<128xi32, #tpu.memory_space<vmem>>)
      tpu.yield
    }) : () -> ()
    %run_scoped3A_12 = arith.constant 5 : i32
    %run_scoped3A_13 = arith.constant 5 : i32
    "tpu.region"() ({
      %run_scoped3A_231 = tpu.sem_alloc : memref<!tpu.dma_semaphore, #tpu.memory_space<semaphore_mem>>
      %dma_start3A = arith.constant 0 : i32
      %dma_start3A_232 = tpu.memref_slice %arg9[%run_scoped3A_13, %dma_start3A] : memref<8x128xi32, #tpu.memory_space<vmem>> -> memref<1x128xi32, #tpu.memory_space<vmem>>
      %dma_start3A_233 = tpu.memref_squeeze %dma_start3A_232 : memref<1x128xi32, #tpu.memory_space<vmem>> -> memref<128xi32, #tpu.memory_space<vmem>>
      %dma_start3A_234 = arith.constant 0 : i32
      %dma_start3A_235 = tpu.memref_slice %arg8[%run_scoped3A_12, %dma_start3A_234] : memref<8x128xi32, #tpu.memory_space<vmem>> -> memref<1x128xi32, #tpu.memory_space<vmem>>
      %dma_start3A_236 = tpu.memref_squeeze %dma_start3A_235 : memref<1x128xi32, #tpu.memory_space<vmem>> -> memref<128xi32, #tpu.memory_space<vmem>>
      %dma_start3A_237 = arith.constant 0 : i32
      %dma_start3A_238 = tpu.memref_slice %arg4[%dma_start3A_237] : memref<1000000xi32, #tpu.memory_space<hbm>> -> memref<1000000xi32, #tpu.memory_space<hbm>>
      tpu.enqueue_indirect_dma source(%dma_start3A_238 : memref<1000000xi32, #tpu.memory_space<hbm>>) target(%dma_start3A_233 : memref<128xi32, #tpu.memory_space<vmem>>) offsets(%dma_start3A_236 : memref<128xi32, #tpu.memory_space<vmem>>) semaphore(%run_scoped3A_231 : memref<!tpu.dma_semaphore, #tpu.memory_space<semaphore_mem>>)
      %dma_wait3A = arith.constant 0 : i32
      %dma_wait3A_239 = tpu.memref_slice %arg9[%run_scoped3A_13, %dma_wait3A] : memref<8x128xi32, #tpu.memory_space<vmem>> -> memref<1x128xi32, #tpu.memory_space<vmem>>
      %dma_wait3A_240 = tpu.memref_squeeze %dma_wait3A_239 : memref<1x128xi32, #tpu.memory_space<vmem>> -> memref<128xi32, #tpu.memory_space<vmem>>
      %dma_wait3A_241 = arith.constant 0 : i32
      %dma_wait3A_242 = tpu.memref_slice %arg8[%run_scoped3A_12, %dma_wait3A_241] : memref<8x128xi32, #tpu.memory_space<vmem>> -> memref<1x128xi32, #tpu.memory_space<vmem>>
      %dma_wait3A_243 = tpu.memref_squeeze %dma_wait3A_242 : memref<1x128xi32, #tpu.memory_space<vmem>> -> memref<128xi32, #tpu.memory_space<vmem>>
      %dma_wait3A_244 = arith.constant 0 : i32
      %dma_wait3A_245 = tpu.memref_slice %arg4[%dma_wait3A_244] : memref<1000000xi32, #tpu.memory_space<hbm>> -> memref<1000000xi32, #tpu.memory_space<hbm>>
      tpu.wait_indirect_dma semaphore(%run_scoped3A_231 : memref<!tpu.dma_semaphore, #tpu.memory_space<semaphore_mem>>) src(%dma_wait3A_245 : memref<1000000xi32, #tpu.memory_space<hbm>>) dst(%dma_wait3A_240 : memref<128xi32, #tpu.memory_space<vmem>>)
      tpu.yield
    }) : () -> ()
    %run_scoped3A_14 = arith.constant 6 : i32
    %run_scoped3A_15 = arith.constant 6 : i32
    "tpu.region"() ({
      %run_scoped3A_231 = tpu.sem_alloc : memref<!tpu.dma_semaphore, #tpu.memory_space<semaphore_mem>>
      %dma_start3A = arith.constant 0 : i32
      %dma_start3A_232 = tpu.memref_slice %arg9[%run_scoped3A_15, %dma_start3A] : memref<8x128xi32, #tpu.memory_space<vmem>> -> memref<1x128xi32, #tpu.memory_space<vmem>>
      %dma_start3A_233 = tpu.memref_squeeze %dma_start3A_232 : memref<1x128xi32, #tpu.memory_space<vmem>> -> memref<128xi32, #tpu.memory_space<vmem>>
      %dma_start3A_234 = arith.constant 0 : i32
      %dma_start3A_235 = tpu.memref_slice %arg8[%run_scoped3A_14, %dma_start3A_234] : memref<8x128xi32, #tpu.memory_space<vmem>> -> memref<1x128xi32, #tpu.memory_space<vmem>>
      %dma_start3A_236 = tpu.memref_squeeze %dma_start3A_235 : memref<1x128xi32, #tpu.memory_space<vmem>> -> memref<128xi32, #tpu.memory_space<vmem>>
      %dma_start3A_237 = arith.constant 0 : i32
      %dma_start3A_238 = tpu.memref_slice %arg4[%dma_start3A_237] : memref<1000000xi32, #tpu.memory_space<hbm>> -> memref<1000000xi32, #tpu.memory_space<hbm>>
      tpu.enqueue_indirect_dma source(%dma_start3A_238 : memref<1000000xi32, #tpu.memory_space<hbm>>) target(%dma_start3A_233 : memref<128xi32, #tpu.memory_space<vmem>>) offsets(%dma_start3A_236 : memref<128xi32, #tpu.memory_space<vmem>>) semaphore(%run_scoped3A_231 : memref<!tpu.dma_semaphore, #tpu.memory_space<semaphore_mem>>)
      %dma_wait3A = arith.constant 0 : i32
      %dma_wait3A_239 = tpu.memref_slice %arg9[%run_scoped3A_15, %dma_wait3A] : memref<8x128xi32, #tpu.memory_space<vmem>> -> memref<1x128xi32, #tpu.memory_space<vmem>>
      %dma_wait3A_240 = tpu.memref_squeeze %dma_wait3A_239 : memref<1x128xi32, #tpu.memory_space<vmem>> -> memref<128xi32, #tpu.memory_space<vmem>>
      %dma_wait3A_241 = arith.constant 0 : i32
      %dma_wait3A_242 = tpu.memref_slice %arg8[%run_scoped3A_14, %dma_wait3A_241] : memref<8x128xi32, #tpu.memory_space<vmem>> -> memref<1x128xi32, #tpu.memory_space<vmem>>
      %dma_wait3A_243 = tpu.memref_squeeze %dma_wait3A_242 : memref<1x128xi32, #tpu.memory_space<vmem>> -> memref<128xi32, #tpu.memory_space<vmem>>
      %dma_wait3A_244 = arith.constant 0 : i32
      %dma_wait3A_245 = tpu.memref_slice %arg4[%dma_wait3A_244] : memref<1000000xi32, #tpu.memory_space<hbm>> -> memref<1000000xi32, #tpu.memory_space<hbm>>
      tpu.wait_indirect_dma semaphore(%run_scoped3A_231 : memref<!tpu.dma_semaphore, #tpu.memory_space<semaphore_mem>>) src(%dma_wait3A_245 : memref<1000000xi32, #tpu.memory_space<hbm>>) dst(%dma_wait3A_240 : memref<128xi32, #tpu.memory_space<vmem>>)
      tpu.yield
    }) : () -> ()
    %run_scoped3A_16 = arith.constant 7 : i32
    %run_scoped3A_17 = arith.constant 7 : i32
    "tpu.region"() ({
      %run_scoped3A_231 = tpu.sem_alloc : memref<!tpu.dma_semaphore, #tpu.memory_space<semaphore_mem>>
      %dma_start3A = arith.constant 0 : i32
      %dma_start3A_232 = tpu.memref_slice %arg9[%run_scoped3A_17, %dma_start3A] : memref<8x128xi32, #tpu.memory_space<vmem>> -> memref<1x128xi32, #tpu.memory_space<vmem>>
      %dma_start3A_233 = tpu.memref_squeeze %dma_start3A_232 : memref<1x128xi32, #tpu.memory_space<vmem>> -> memref<128xi32, #tpu.memory_space<vmem>>
      %dma_start3A_234 = arith.constant 0 : i32
      %dma_start3A_235 = tpu.memref_slice %arg8[%run_scoped3A_16, %dma_start3A_234] : memref<8x128xi32, #tpu.memory_space<vmem>> -> memref<1x128xi32, #tpu.memory_space<vmem>>
      %dma_start3A_236 = tpu.memref_squeeze %dma_start3A_235 : memref<1x128xi32, #tpu.memory_space<vmem>> -> memref<128xi32, #tpu.memory_space<vmem>>
      %dma_start3A_237 = arith.constant 0 : i32
      %dma_start3A_238 = tpu.memref_slice %arg4[%dma_start3A_237] : memref<1000000xi32, #tpu.memory_space<hbm>> -> memref<1000000xi32, #tpu.memory_space<hbm>>
      tpu.enqueue_indirect_dma source(%dma_start3A_238 : memref<1000000xi32, #tpu.memory_space<hbm>>) target(%dma_start3A_233 : memref<128xi32, #tpu.memory_space<vmem>>) offsets(%dma_start3A_236 : memref<128xi32, #tpu.memory_space<vmem>>) semaphore(%run_scoped3A_231 : memref<!tpu.dma_semaphore, #tpu.memory_space<semaphore_mem>>)
      %dma_wait3A = arith.constant 0 : i32
      %dma_wait3A_239 = tpu.memref_slice %arg9[%run_scoped3A_17, %dma_wait3A] : memref<8x128xi32, #tpu.memory_space<vmem>> -> memref<1x128xi32, #tpu.memory_space<vmem>>
      %dma_wait3A_240 = tpu.memref_squeeze %dma_wait3A_239 : memref<1x128xi32, #tpu.memory_space<vmem>> -> memref<128xi32, #tpu.memory_space<vmem>>
      %dma_wait3A_241 = arith.constant 0 : i32
      %dma_wait3A_242 = tpu.memref_slice %arg8[%run_scoped3A_16, %dma_wait3A_241] : memref<8x128xi32, #tpu.memory_space<vmem>> -> memref<1x128xi32, #tpu.memory_space<vmem>>
      %dma_wait3A_243 = tpu.memref_squeeze %dma_wait3A_242 : memref<1x128xi32, #tpu.memory_space<vmem>> -> memref<128xi32, #tpu.memory_space<vmem>>
      %dma_wait3A_244 = arith.constant 0 : i32
      %dma_wait3A_245 = tpu.memref_slice %arg4[%dma_wait3A_244] : memref<1000000xi32, #tpu.memory_space<hbm>> -> memref<1000000xi32, #tpu.memory_space<hbm>>
      tpu.wait_indirect_dma semaphore(%run_scoped3A_231 : memref<!tpu.dma_semaphore, #tpu.memory_space<semaphore_mem>>) src(%dma_wait3A_245 : memref<1000000xi32, #tpu.memory_space<hbm>>) dst(%dma_wait3A_240 : memref<128xi32, #tpu.memory_space<vmem>>)
      tpu.yield
    }) : () -> ()
    %run_scoped3A_18 = arith.constant 0 : i32
    "tpu.region"() ({
      %run_scoped3A_231 = tpu.sem_alloc : memref<!tpu.dma_semaphore, #tpu.memory_space<semaphore_mem>>
      %dma_start3A = arith.constant 0 : i32
      %dma_start3A_232 = tpu.memref_slice %arg8[%run_scoped3A_18, %dma_start3A] : memref<8x128xi32, #tpu.memory_space<vmem>> -> memref<1x128xi32, #tpu.memory_space<vmem>>
      %dma_start3A_233 = tpu.memref_squeeze %dma_start3A_232 : memref<1x128xi32, #tpu.memory_space<vmem>> -> memref<128xi32, #tpu.memory_space<vmem>>
      %dma_start3A_234 = arith.constant 0 : i32
      %dma_start3A_235 = arith.constant 0 : i32
      %dma_start3A_236 = tpu.memref_slice %arg5[%dma_start3A_234, %dma_start3A_235] : memref<1000000x128xf32, #tpu.memory_space<hbm>> -> memref<1000000x128xf32, #tpu.memory_space<hbm>>
      tpu.enqueue_indirect_dma source(%dma_start3A_236 : memref<1000000x128xf32, #tpu.memory_space<hbm>>) target(%arg10 : memref<128x128xf32, #tpu.memory_space<vmem>>) offsets(%dma_start3A_233 : memref<128xi32, #tpu.memory_space<vmem>>) semaphore(%run_scoped3A_231 : memref<!tpu.dma_semaphore, #tpu.memory_space<semaphore_mem>>)
      %dma_wait3A = arith.constant 0 : i32
      %dma_wait3A_237 = tpu.memref_slice %arg8[%run_scoped3A_18, %dma_wait3A] : memref<8x128xi32, #tpu.memory_space<vmem>> -> memref<1x128xi32, #tpu.memory_space<vmem>>
      %dma_wait3A_238 = tpu.memref_squeeze %dma_wait3A_237 : memref<1x128xi32, #tpu.memory_space<vmem>> -> memref<128xi32, #tpu.memory_space<vmem>>
      %dma_wait3A_239 = arith.constant 0 : i32
      %dma_wait3A_240 = arith.constant 0 : i32
      %dma_wait3A_241 = tpu.memref_slice %arg5[%dma_wait3A_239, %dma_wait3A_240] : memref<1000000x128xf32, #tpu.memory_space<hbm>> -> memref<1000000x128xf32, #tpu.memory_space<hbm>>
      tpu.wait_indirect_dma semaphore(%run_scoped3A_231 : memref<!tpu.dma_semaphore, #tpu.memory_space<semaphore_mem>>) src(%dma_wait3A_241 : memref<1000000x128xf32, #tpu.memory_space<hbm>>) dst(%arg10 : memref<128x128xf32, #tpu.memory_space<vmem>>)
      tpu.yield
    }) : () -> ()
    %scan3A = arith.constant 0 : i32
    %scan3A_19 = arith.constant 0 : i32
    %scan3A_20 = arith.constant 128 : i32
    %scan3A_21 = arith.addi %scan3A_19, %scan3A_20 : i32
    %scan3A_22 = arith.constant 1 : i32
    scf.for %scan3A_231 = %scan3A_19 to %scan3A_21 step %scan3A_22  : i32 {
      %get3A = arith.index_cast %scan3A_231 : i32 to index
      %get3A_232 = arith.constant 0 : index
      %get3A_233 = tpu.vector_load %arg10[%get3A, %get3A_232] {strides = array<i32>} : memref<128x128xf32, #tpu.memory_space<vmem>>, vector<16xf32>,
      %swap3A_234 = arith.index_cast %scan3A_231 : i32 to index
      %swap3A_235 = arith.constant 0 : index
      %swap3A_236 = tpu.vector_load %arg12[%swap3A_234, %swap3A_235] {strides = array<i32>} : memref<128x64xf32, #tpu.memory_space<vmem>>, vector<16xf32>,
      tpu.vector_store %arg12[%swap3A_234, %swap3A_235], %get3A_233 {strides = array<i32>} : memref<128x64xf32, #tpu.memory_space<vmem>>, vector<16xf32>,
      %get3A_237 = arith.index_cast %scan3A_231 : i32 to index
      %get3A_238 = arith.constant 16 : index
      %get3A_239 = tpu.vector_load %arg10[%get3A_237, %get3A_238] {strides = array<i32>} : memref<128x128xf32, #tpu.memory_space<vmem>>, vector<16xf32>,
      %swap3A_240 = arith.index_cast %scan3A_231 : i32 to index
      %swap3A_241 = arith.constant 16 : index
      %swap3A_242 = tpu.vector_load %arg12[%swap3A_240, %swap3A_241] {strides = array<i32>} : memref<128x64xf32, #tpu.memory_space<vmem>>, vector<16xf32>,
      tpu.vector_store %arg12[%swap3A_240, %swap3A_241], %get3A_239 {strides = array<i32>} : memref<128x64xf32, #tpu.memory_space<vmem>>, vector<16xf32>,
      %get3A_243 = arith.index_cast %scan3A_231 : i32 to index
      %get3A_244 = arith.constant 32 : index
      %get3A_245 = tpu.vector_load %arg10[%get3A_243, %get3A_244] {strides = array<i32>} : memref<128x128xf32, #tpu.memory_space<vmem>>, vector<16xf32>,
      %swap3A_246 = arith.index_cast %scan3A_231 : i32 to index
      %swap3A_247 = arith.constant 32 : index
      %swap3A_248 = tpu.vector_load %arg12[%swap3A_246, %swap3A_247] {strides = array<i32>} : memref<128x64xf32, #tpu.memory_space<vmem>>, vector<16xf32>,
      tpu.vector_store %arg12[%swap3A_246, %swap3A_247], %get3A_245 {strides = array<i32>} : memref<128x64xf32, #tpu.memory_space<vmem>>, vector<16xf32>,
      %get3A_249 = arith.index_cast %scan3A_231 : i32 to index
      %get3A_250 = arith.constant 48 : index
      %get3A_251 = tpu.vector_load %arg10[%get3A_249, %get3A_250] {strides = array<i32>} : memref<128x128xf32, #tpu.memory_space<vmem>>, vector<16xf32>,
      %swap3A_252 = arith.index_cast %scan3A_231 : i32 to index
      %swap3A_253 = arith.constant 48 : index
      %swap3A_254 = tpu.vector_load %arg12[%swap3A_252, %swap3A_253] {strides = array<i32>} : memref<128x64xf32, #tpu.memory_space<vmem>>, vector<16xf32>,
      tpu.vector_store %arg12[%swap3A_252, %swap3A_253], %get3A_251 {strides = array<i32>} : memref<128x64xf32, #tpu.memory_space<vmem>>, vector<16xf32>,
    }
    %scan3A_23 = arith.constant 128 : i32
    %run_scoped3A_24 = arith.constant 0 : i32
    "tpu.region"() ({
      %run_scoped3A_231 = tpu.sem_alloc : memref<!tpu.dma_semaphore, #tpu.memory_space<semaphore_mem>>
      %dma_start3A = arith.constant 0 : i32
      %dma_start3A_232 = tpu.memref_slice %arg9[%run_scoped3A_24, %dma_start3A] : memref<8x128xi32, #tpu.memory_space<vmem>> -> memref<1x128xi32, #tpu.memory_space<vmem>>
      %dma_start3A_233 = tpu.memref_squeeze %dma_start3A_232 : memref<1x128xi32, #tpu.memory_space<vmem>> -> memref<128xi32, #tpu.memory_space<vmem>>
      %dma_start3A_234 = arith.constant 0 : i32
      %dma_start3A_235 = arith.constant 0 : i32
      %dma_start3A_236 = tpu.memref_slice %arg15[%dma_start3A_234, %dma_start3A_235] : memref<16384x64xf32, #tpu.memory_space<vmem_shared>> -> memref<16384x64xf32, #tpu.memory_space<vmem_shared>>
      tpu.enqueue_indirect_dma source(%arg12 : memref<128x64xf32, #tpu.memory_space<vmem>>) target(%dma_start3A_236 : memref<16384x64xf32, #tpu.memory_space<vmem_shared>>) offsets(%dma_start3A_233 : memref<128xi32, #tpu.memory_space<vmem>>) semaphore(%run_scoped3A_231 : memref<!tpu.dma_semaphore, #tpu.memory_space<semaphore_mem>>)
      %dma_wait3A = arith.constant 0 : i32
      %dma_wait3A_237 = tpu.memref_slice %arg9[%run_scoped3A_24, %dma_wait3A] : memref<8x128xi32, #tpu.memory_space<vmem>> -> memref<1x128xi32, #tpu.memory_space<vmem>>
      %dma_wait3A_238 = tpu.memref_squeeze %dma_wait3A_237 : memref<1x128xi32, #tpu.memory_space<vmem>> -> memref<128xi32, #tpu.memory_space<vmem>>
      %dma_wait3A_239 = arith.constant 0 : i32
      %dma_wait3A_240 = arith.constant 0 : i32
      %dma_wait3A_241 = tpu.memref_slice %arg15[%dma_wait3A_239, %dma_wait3A_240] : memref<16384x64xf32, #tpu.memory_space<vmem_shared>> -> memref<16384x64xf32, #tpu.memory_space<vmem_shared>>
      tpu.wait_indirect_dma semaphore(%run_scoped3A_231 : memref<!tpu.dma_semaphore, #tpu.memory_space<semaphore_mem>>) src(%arg12 : memref<128x64xf32, #tpu.memory_space<vmem>>) dst(%dma_wait3A_241 : memref<16384x64xf32, #tpu.memory_space<vmem_shared>>)
      tpu.yield
    }) : () -> ()
    %run_scoped3A_25 = arith.constant 1 : i32
    "tpu.region"() ({
      %run_scoped3A_231 = tpu.sem_alloc : memref<!tpu.dma_semaphore, #tpu.memory_space<semaphore_mem>>
      %dma_start3A = arith.constant 0 : i32
      %dma_start3A_232 = tpu.memref_slice %arg8[%run_scoped3A_25, %dma_start3A] : memref<8x128xi32, #tpu.memory_space<vmem>> -> memref<1x128xi32, #tpu.memory_space<vmem>>
      %dma_start3A_233 = tpu.memref_squeeze %dma_start3A_232 : memref<1x128xi32, #tpu.memory_space<vmem>> -> memref<128xi32, #tpu.memory_space<vmem>>
      %dma_start3A_234 = arith.constant 0 : i32
      %dma_start3A_235 = arith.constant 0 : i32
      %dma_start3A_236 = tpu.memref_slice %arg5[%dma_start3A_234, %dma_start3A_235] : memref<1000000x128xf32, #tpu.memory_space<hbm>> -> memref<1000000x128xf32, #tpu.memory_space<hbm>>
      tpu.enqueue_indirect_dma source(%dma_start3A_236 : memref<1000000x128xf32, #tpu.memory_space<hbm>>) target(%arg10 : memref<128x128xf32, #tpu.memory_space<vmem>>) offsets(%dma_start3A_233 : memref<128xi32, #tpu.memory_space<vmem>>) semaphore(%run_scoped3A_231 : memref<!tpu.dma_semaphore, #tpu.memory_space<semaphore_mem>>)
      %dma_wait3A = arith.constant 0 : i32
      %dma_wait3A_237 = tpu.memref_slice %arg8[%run_scoped3A_25, %dma_wait3A] : memref<8x128xi32, #tpu.memory_space<vmem>> -> memref<1x128xi32, #tpu.memory_space<vmem>>
      %dma_wait3A_238 = tpu.memref_squeeze %dma_wait3A_237 : memref<1x128xi32, #tpu.memory_space<vmem>> -> memref<128xi32, #tpu.memory_space<vmem>>
      %dma_wait3A_239 = arith.constant 0 : i32
      %dma_wait3A_240 = arith.constant 0 : i32
      %dma_wait3A_241 = tpu.memref_slice %arg5[%dma_wait3A_239, %dma_wait3A_240] : memref<1000000x128xf32, #tpu.memory_space<hbm>> -> memref<1000000x128xf32, #tpu.memory_space<hbm>>
      tpu.wait_indirect_dma semaphore(%run_scoped3A_231 : memref<!tpu.dma_semaphore, #tpu.memory_space<semaphore_mem>>) src(%dma_wait3A_241 : memref<1000000x128xf32, #tpu.memory_space<hbm>>) dst(%arg10 : memref<128x128xf32, #tpu.memory_space<vmem>>)
      tpu.yield
    }) : () -> ()
    %scan3A_26 = arith.constant 0 : i32
    %scan3A_27 = arith.constant 0 : i32
    %scan3A_28 = arith.constant 128 : i32
    %scan3A_29 = arith.addi %scan3A_27, %scan3A_28 : i32
    %scan3A_30 = arith.constant 1 : i32
    scf.for %scan3A_231 = %scan3A_27 to %scan3A_29 step %scan3A_30  : i32 {
      %get3A = arith.index_cast %scan3A_231 : i32 to index
      %get3A_232 = arith.constant 0 : index
      %get3A_233 = tpu.vector_load %arg10[%get3A, %get3A_232] {strides = array<i32>} : memref<128x128xf32, #tpu.memory_space<vmem>>, vector<16xf32>,
      %swap3A_234 = arith.index_cast %scan3A_231 : i32 to index
      %swap3A_235 = arith.constant 0 : index
      %swap3A_236 = tpu.vector_load %arg12[%swap3A_234, %swap3A_235] {strides = array<i32>} : memref<128x64xf32, #tpu.memory_space<vmem>>, vector<16xf32>,
      tpu.vector_store %arg12[%swap3A_234, %swap3A_235], %get3A_233 {strides = array<i32>} : memref<128x64xf32, #tpu.memory_space<vmem>>, vector<16xf32>,
      %get3A_237 = arith.index_cast %scan3A_231 : i32 to index
      %get3A_238 = arith.constant 16 : index
      %get3A_239 = tpu.vector_load %arg10[%get3A_237, %get3A_238] {strides = array<i32>} : memref<128x128xf32, #tpu.memory_space<vmem>>, vector<16xf32>,
      %swap3A_240 = arith.index_cast %scan3A_231 : i32 to index
      %swap3A_241 = arith.constant 16 : index
      %swap3A_242 = tpu.vector_load %arg12[%swap3A_240, %swap3A_241] {strides = array<i32>} : memref<128x64xf32, #tpu.memory_space<vmem>>, vector<16xf32>,
      tpu.vector_store %arg12[%swap3A_240, %swap3A_241], %get3A_239 {strides = array<i32>} : memref<128x64xf32, #tpu.memory_space<vmem>>, vector<16xf32>,
      %get3A_243 = arith.index_cast %scan3A_231 : i32 to index
      %get3A_244 = arith.constant 32 : index
      %get3A_245 = tpu.vector_load %arg10[%get3A_243, %get3A_244] {strides = array<i32>} : memref<128x128xf32, #tpu.memory_space<vmem>>, vector<16xf32>,
      %swap3A_246 = arith.index_cast %scan3A_231 : i32 to index
      %swap3A_247 = arith.constant 32 : index
      %swap3A_248 = tpu.vector_load %arg12[%swap3A_246, %swap3A_247] {strides = array<i32>} : memref<128x64xf32, #tpu.memory_space<vmem>>, vector<16xf32>,
      tpu.vector_store %arg12[%swap3A_246, %swap3A_247], %get3A_245 {strides = array<i32>} : memref<128x64xf32, #tpu.memory_space<vmem>>, vector<16xf32>,
      %get3A_249 = arith.index_cast %scan3A_231 : i32 to index
      %get3A_250 = arith.constant 48 : index
      %get3A_251 = tpu.vector_load %arg10[%get3A_249, %get3A_250] {strides = array<i32>} : memref<128x128xf32, #tpu.memory_space<vmem>>, vector<16xf32>,
      %swap3A_252 = arith.index_cast %scan3A_231 : i32 to index
      %swap3A_253 = arith.constant 48 : index
      %swap3A_254 = tpu.vector_load %arg12[%swap3A_252, %swap3A_253] {strides = array<i32>} : memref<128x64xf32, #tpu.memory_space<vmem>>, vector<16xf32>,
      tpu.vector_store %arg12[%swap3A_252, %swap3A_253], %get3A_251 {strides = array<i32>} : memref<128x64xf32, #tpu.memory_space<vmem>>, vector<16xf32>,
    }
    %scan3A_31 = arith.constant 128 : i32
    %run_scoped3A_32 = arith.constant 1 : i32
    "tpu.region"() ({
      %run_scoped3A_231 = tpu.sem_alloc : memref<!tpu.dma_semaphore, #tpu.memory_space<semaphore_mem>>
      %dma_start3A = arith.constant 0 : i32
      %dma_start3A_232 = tpu.memref_slice %arg9[%run_scoped3A_32, %dma_start3A] : memref<8x128xi32, #tpu.memory_space<vmem>> -> memref<1x128xi32, #tpu.memory_space<vmem>>
      %dma_start3A_233 = tpu.memref_squeeze %dma_start3A_232 : memref<1x128xi32, #tpu.memory_space<vmem>> -> memref<128xi32, #tpu.memory_space<vmem>>
      %dma_start3A_234 = arith.constant 0 : i32
      %dma_start3A_235 = arith.constant 0 : i32
      %dma_start3A_236 = tpu.memref_slice %arg15[%dma_start3A_234, %dma_start3A_235] : memref<16384x64xf32, #tpu.memory_space<vmem_shared>> -> memref<16384x64xf32, #tpu.memory_space<vmem_shared>>
      tpu.enqueue_indirect_dma source(%arg12 : memref<128x64xf32, #tpu.memory_space<vmem>>) target(%dma_start3A_236 : memref<16384x64xf32, #tpu.memory_space<vmem_shared>>) offsets(%dma_start3A_233 : memref<128xi32, #tpu.memory_space<vmem>>) semaphore(%run_scoped3A_231 : memref<!tpu.dma_semaphore, #tpu.memory_space<semaphore_mem>>)
      %dma_wait3A = arith.constant 0 : i32
      %dma_wait3A_237 = tpu.memref_slice %arg9[%run_scoped3A_32, %dma_wait3A] : memref<8x128xi32, #tpu.memory_space<vmem>> -> memref<1x128xi32, #tpu.memory_space<vmem>>
      %dma_wait3A_238 = tpu.memref_squeeze %dma_wait3A_237 : memref<1x128xi32, #tpu.memory_space<vmem>> -> memref<128xi32, #tpu.memory_space<vmem>>
      %dma_wait3A_239 = arith.constant 0 : i32
      %dma_wait3A_240 = arith.constant 0 : i32
      %dma_wait3A_241 = tpu.memref_slice %arg15[%dma_wait3A_239, %dma_wait3A_240] : memref<16384x64xf32, #tpu.memory_space<vmem_shared>> -> memref<16384x64xf32, #tpu.memory_space<vmem_shared>>
      tpu.wait_indirect_dma semaphore(%run_scoped3A_231 : memref<!tpu.dma_semaphore, #tpu.memory_space<semaphore_mem>>) src(%arg12 : memref<128x64xf32, #tpu.memory_space<vmem>>) dst(%dma_wait3A_241 : memref<16384x64xf32, #tpu.memory_space<vmem_shared>>)
      tpu.yield
    }) : () -> ()
    %run_scoped3A_33 = arith.constant 2 : i32
    "tpu.region"() ({
      %run_scoped3A_231 = tpu.sem_alloc : memref<!tpu.dma_semaphore, #tpu.memory_space<semaphore_mem>>
      %dma_start3A = arith.constant 0 : i32
      %dma_start3A_232 = tpu.memref_slice %arg8[%run_scoped3A_33, %dma_start3A] : memref<8x128xi32, #tpu.memory_space<vmem>> -> memref<1x128xi32, #tpu.memory_space<vmem>>
      %dma_start3A_233 = tpu.memref_squeeze %dma_start3A_232 : memref<1x128xi32, #tpu.memory_space<vmem>> -> memref<128xi32, #tpu.memory_space<vmem>>
      %dma_start3A_234 = arith.constant 0 : i32
      %dma_start3A_235 = arith.constant 0 : i32
      %dma_start3A_236 = tpu.memref_slice %arg5[%dma_start3A_234, %dma_start3A_235] : memref<1000000x128xf32, #tpu.memory_space<hbm>> -> memref<1000000x128xf32, #tpu.memory_space<hbm>>
      tpu.enqueue_indirect_dma source(%dma_start3A_236 : memref<1000000x128xf32, #tpu.memory_space<hbm>>) target(%arg10 : memref<128x128xf32, #tpu.memory_space<vmem>>) offsets(%dma_start3A_233 : memref<128xi32, #tpu.memory_space<vmem>>) semaphore(%run_scoped3A_231 : memref<!tpu.dma_semaphore, #tpu.memory_space<semaphore_mem>>)
      %dma_wait3A = arith.constant 0 : i32
      %dma_wait3A_237 = tpu.memref_slice %arg8[%run_scoped3A_33, %dma_wait3A] : memref<8x128xi32, #tpu.memory_space<vmem>> -> memref<1x128xi32, #tpu.memory_space<vmem>>
      %dma_wait3A_238 = tpu.memref_squeeze %dma_wait3A_237 : memref<1x128xi32, #tpu.memory_space<vmem>> -> memref<128xi32, #tpu.memory_space<vmem>>
      %dma_wait3A_239 = arith.constant 0 : i32
      %dma_wait3A_240 = arith.constant 0 : i32
      %dma_wait3A_241 = tpu.memref_slice %arg5[%dma_wait3A_239, %dma_wait3A_240] : memref<1000000x128xf32, #tpu.memory_space<hbm>> -> memref<1000000x128xf32, #tpu.memory_space<hbm>>
      tpu.wait_indirect_dma semaphore(%run_scoped3A_231 : memref<!tpu.dma_semaphore, #tpu.memory_space<semaphore_mem>>) src(%dma_wait3A_241 : memref<1000000x128xf32, #tpu.memory_space<hbm>>) dst(%arg10 : memref<128x128xf32, #tpu.memory_space<vmem>>)
      tpu.yield
    }) : () -> ()
    %scan3A_34 = arith.constant 0 : i32
    %scan3A_35 = arith.constant 0 : i32
    %scan3A_36 = arith.constant 128 : i32
    %scan3A_37 = arith.addi %scan3A_35, %scan3A_36 : i32
    %scan3A_38 = arith.constant 1 : i32
    scf.for %scan3A_231 = %scan3A_35 to %scan3A_37 step %scan3A_38  : i32 {
      %get3A = arith.index_cast %scan3A_231 : i32 to index
      %get3A_232 = arith.constant 0 : index
      %get3A_233 = tpu.vector_load %arg10[%get3A, %get3A_232] {strides = array<i32>} : memref<128x128xf32, #tpu.memory_space<vmem>>, vector<16xf32>,
      %swap3A_234 = arith.index_cast %scan3A_231 : i32 to index
      %swap3A_235 = arith.constant 0 : index
      %swap3A_236 = tpu.vector_load %arg12[%swap3A_234, %swap3A_235] {strides = array<i32>} : memref<128x64xf32, #tpu.memory_space<vmem>>, vector<16xf32>,
      tpu.vector_store %arg12[%swap3A_234, %swap3A_235], %get3A_233 {strides = array<i32>} : memref<128x64xf32, #tpu.memory_space<vmem>>, vector<16xf32>,
      %get3A_237 = arith.index_cast %scan3A_231 : i32 to index
      %get3A_238 = arith.constant 16 : index
      %get3A_239 = tpu.vector_load %arg10[%get3A_237, %get3A_238] {strides = array<i32>} : memref<128x128xf32, #tpu.memory_space<vmem>>, vector<16xf32>,
      %swap3A_240 = arith.index_cast %scan3A_231 : i32 to index
      %swap3A_241 = arith.constant 16 : index
      %swap3A_242 = tpu.vector_load %arg12[%swap3A_240, %swap3A_241] {strides = array<i32>} : memref<128x64xf32, #tpu.memory_space<vmem>>, vector<16xf32>,
      tpu.vector_store %arg12[%swap3A_240, %swap3A_241], %get3A_239 {strides = array<i32>} : memref<128x64xf32, #tpu.memory_space<vmem>>, vector<16xf32>,
      %get3A_243 = arith.index_cast %scan3A_231 : i32 to index
      %get3A_244 = arith.constant 32 : index
      %get3A_245 = tpu.vector_load %arg10[%get3A_243, %get3A_244] {strides = array<i32>} : memref<128x128xf32, #tpu.memory_space<vmem>>, vector<16xf32>,
      %swap3A_246 = arith.index_cast %scan3A_231 : i32 to index
      %swap3A_247 = arith.constant 32 : index
      %swap3A_248 = tpu.vector_load %arg12[%swap3A_246, %swap3A_247] {strides = array<i32>} : memref<128x64xf32, #tpu.memory_space<vmem>>, vector<16xf32>,
      tpu.vector_store %arg12[%swap3A_246, %swap3A_247], %get3A_245 {strides = array<i32>} : memref<128x64xf32, #tpu.memory_space<vmem>>, vector<16xf32>,
      %get3A_249 = arith.index_cast %scan3A_231 : i32 to index
      %get3A_250 = arith.constant 48 : index
      %get3A_251 = tpu.vector_load %arg10[%get3A_249, %get3A_250] {strides = array<i32>} : memref<128x128xf32, #tpu.memory_space<vmem>>, vector<16xf32>,
      %swap3A_252 = arith.index_cast %scan3A_231 : i32 to index
      %swap3A_253 = arith.constant 48 : index
      %swap3A_254 = tpu.vector_load %arg12[%swap3A_252, %swap3A_253] {strides = array<i32>} : memref<128x64xf32, #tpu.memory_space<vmem>>, vector<16xf32>,
      tpu.vector_store %arg12[%swap3A_252, %swap3A_253], %get3A_251 {strides = array<i32>} : memref<128x64xf32, #tpu.memory_space<vmem>>, vector<16xf32>,
    }
    %scan3A_39 = arith.constant 128 : i32
    %run_scoped3A_40 = arith.constant 2 : i32
    "tpu.region"() ({
      %run_scoped3A_231 = tpu.sem_alloc : memref<!tpu.dma_semaphore, #tpu.memory_space<semaphore_mem>>
      %dma_start3A = arith.constant 0 : i32
      %dma_start3A_232 = tpu.memref_slice %arg9[%run_scoped3A_40, %dma_start3A] : memref<8x128xi32, #tpu.memory_space<vmem>> -> memref<1x128xi32, #tpu.memory_space<vmem>>
      %dma_start3A_233 = tpu.memref_squeeze %dma_start3A_232 : memref<1x128xi32, #tpu.memory_space<vmem>> -> memref<128xi32, #tpu.memory_space<vmem>>
      %dma_start3A_234 = arith.constant 0 : i32
      %dma_start3A_235 = arith.constant 0 : i32
      %dma_start3A_236 = tpu.memref_slice %arg15[%dma_start3A_234, %dma_start3A_235] : memref<16384x64xf32, #tpu.memory_space<vmem_shared>> -> memref<16384x64xf32, #tpu.memory_space<vmem_shared>>
      tpu.enqueue_indirect_dma source(%arg12 : memref<128x64xf32, #tpu.memory_space<vmem>>) target(%dma_start3A_236 : memref<16384x64xf32, #tpu.memory_space<vmem_shared>>) offsets(%dma_start3A_233 : memref<128xi32, #tpu.memory_space<vmem>>) semaphore(%run_scoped3A_231 : memref<!tpu.dma_semaphore, #tpu.memory_space<semaphore_mem>>)
      %dma_wait3A = arith.constant 0 : i32
      %dma_wait3A_237 = tpu.memref_slice %arg9[%run_scoped3A_40, %dma_wait3A] : memref<8x128xi32, #tpu.memory_space<vmem>> -> memref<1x128xi32, #tpu.memory_space<vmem>>
      %dma_wait3A_238 = tpu.memref_squeeze %dma_wait3A_237 : memref<1x128xi32, #tpu.memory_space<vmem>> -> memref<128xi32, #tpu.memory_space<vmem>>
      %dma_wait3A_239 = arith.constant 0 : i32
      %dma_wait3A_240 = arith.constant 0 : i32
      %dma_wait3A_241 = tpu.memref_slice %arg15[%dma_wait3A_239, %dma_wait3A_240] : memref<16384x64xf32, #tpu.memory_space<vmem_shared>> -> memref<16384x64xf32, #tpu.memory_space<vmem_shared>>
      tpu.wait_indirect_dma semaphore(%run_scoped3A_231 : memref<!tpu.dma_semaphore, #tpu.memory_space<semaphore_mem>>) src(%arg12 : memref<128x64xf32, #tpu.memory_space<vmem>>) dst(%dma_wait3A_241 : memref<16384x64xf32, #tpu.memory_space<vmem_shared>>)
      tpu.yield
    }) : () -> ()
    %run_scoped3A_41 = arith.constant 3 : i32
    "tpu.region"() ({
      %run_scoped3A_231 = tpu.sem_alloc : memref<!tpu.dma_semaphore, #tpu.memory_space<semaphore_mem>>
      %dma_start3A = arith.constant 0 : i32
      %dma_start3A_232 = tpu.memref_slice %arg8[%run_scoped3A_41, %dma_start3A] : memref<8x128xi32, #tpu.memory_space<vmem>> -> memref<1x128xi32, #tpu.memory_space<vmem>>
      %dma_start3A_233 = tpu.memref_squeeze %dma_start3A_232 : memref<1x128xi32, #tpu.memory_space<vmem>> -> memref<128xi32, #tpu.memory_space<vmem>>
      %dma_start3A_234 = arith.constant 0 : i32
      %dma_start3A_235 = arith.constant 0 : i32
      %dma_start3A_236 = tpu.memref_slice %arg5[%dma_start3A_234, %dma_start3A_235] : memref<1000000x128xf32, #tpu.memory_space<hbm>> -> memref<1000000x128xf32, #tpu.memory_space<hbm>>
      tpu.enqueue_indirect_dma source(%dma_start3A_236 : memref<1000000x128xf32, #tpu.memory_space<hbm>>) target(%arg10 : memref<128x128xf32, #tpu.memory_space<vmem>>) offsets(%dma_start3A_233 : memref<128xi32, #tpu.memory_space<vmem>>) semaphore(%run_scoped3A_231 : memref<!tpu.dma_semaphore, #tpu.memory_space<semaphore_mem>>)
      %dma_wait3A = arith.constant 0 : i32
      %dma_wait3A_237 = tpu.memref_slice %arg8[%run_scoped3A_41, %dma_wait3A] : memref<8x128xi32, #tpu.memory_space<vmem>> -> memref<1x128xi32, #tpu.memory_space<vmem>>
      %dma_wait3A_238 = tpu.memref_squeeze %dma_wait3A_237 : memref<1x128xi32, #tpu.memory_space<vmem>> -> memref<128xi32, #tpu.memory_space<vmem>>
      %dma_wait3A_239 = arith.constant 0 : i32
      %dma_wait3A_240 = arith.constant 0 : i32
      %dma_wait3A_241 = tpu.memref_slice %arg5[%dma_wait3A_239, %dma_wait3A_240] : memref<1000000x128xf32, #tpu.memory_space<hbm>> -> memref<1000000x128xf32, #tpu.memory_space<hbm>>
      tpu.wait_indirect_dma semaphore(%run_scoped3A_231 : memref<!tpu.dma_semaphore, #tpu.memory_space<semaphore_mem>>) src(%dma_wait3A_241 : memref<1000000x128xf32, #tpu.memory_space<hbm>>) dst(%arg10 : memref<128x128xf32, #tpu.memory_space<vmem>>)
      tpu.yield
    }) : () -> ()
    %scan3A_42 = arith.constant 0 : i32
    %scan3A_43 = arith.constant 0 : i32
    %scan3A_44 = arith.constant 128 : i32
    %scan3A_45 = arith.addi %scan3A_43, %scan3A_44 : i32
    %scan3A_46 = arith.constant 1 : i32
    scf.for %scan3A_231 = %scan3A_43 to %scan3A_45 step %scan3A_46  : i32 {
      %get3A = arith.index_cast %scan3A_231 : i32 to index
      %get3A_232 = arith.constant 0 : index
      %get3A_233 = tpu.vector_load %arg10[%get3A, %get3A_232] {strides = array<i32>} : memref<128x128xf32, #tpu.memory_space<vmem>>, vector<16xf32>,
      %swap3A_234 = arith.index_cast %scan3A_231 : i32 to index
      %swap3A_235 = arith.constant 0 : index
      %swap3A_236 = tpu.vector_load %arg12[%swap3A_234, %swap3A_235] {strides = array<i32>} : memref<128x64xf32, #tpu.memory_space<vmem>>, vector<16xf32>,
      tpu.vector_store %arg12[%swap3A_234, %swap3A_235], %get3A_233 {strides = array<i32>} : memref<128x64xf32, #tpu.memory_space<vmem>>, vector<16xf32>,
      %get3A_237 = arith.index_cast %scan3A_231 : i32 to index
      %get3A_238 = arith.constant 16 : index
      %get3A_239 = tpu.vector_load %arg10[%get3A_237, %get3A_238] {strides = array<i32>} : memref<128x128xf32, #tpu.memory_space<vmem>>, vector<16xf32>,
      %swap3A_240 = arith.index_cast %scan3A_231 : i32 to index
      %swap3A_241 = arith.constant 16 : index
      %swap3A_242 = tpu.vector_load %arg12[%swap3A_240, %swap3A_241] {strides = array<i32>} : memref<128x64xf32, #tpu.memory_space<vmem>>, vector<16xf32>,
      tpu.vector_store %arg12[%swap3A_240, %swap3A_241], %get3A_239 {strides = array<i32>} : memref<128x64xf32, #tpu.memory_space<vmem>>, vector<16xf32>,
      %get3A_243 = arith.index_cast %scan3A_231 : i32 to index
      %get3A_244 = arith.constant 32 : index
      %get3A_245 = tpu.vector_load %arg10[%get3A_243, %get3A_244] {strides = array<i32>} : memref<128x128xf32, #tpu.memory_space<vmem>>, vector<16xf32>,
      %swap3A_246 = arith.index_cast %scan3A_231 : i32 to index
      %swap3A_247 = arith.constant 32 : index
      %swap3A_248 = tpu.vector_load %arg12[%swap3A_246, %swap3A_247] {strides = array<i32>} : memref<128x64xf32, #tpu.memory_space<vmem>>, vector<16xf32>,
      tpu.vector_store %arg12[%swap3A_246, %swap3A_247], %get3A_245 {strides = array<i32>} : memref<128x64xf32, #tpu.memory_space<vmem>>, vector<16xf32>,
      %get3A_249 = arith.index_cast %scan3A_231 : i32 to index
      %get3A_250 = arith.constant 48 : index
      %get3A_251 = tpu.vector_load %arg10[%get3A_249, %get3A_250] {strides = array<i32>} : memref<128x128xf32, #tpu.memory_space<vmem>>, vector<16xf32>,
      %swap3A_252 = arith.index_cast %scan3A_231 : i32 to index
      %swap3A_253 = arith.constant 48 : index
      %swap3A_254 = tpu.vector_load %arg12[%swap3A_252, %swap3A_253] {strides = array<i32>} : memref<128x64xf32, #tpu.memory_space<vmem>>, vector<16xf32>,
      tpu.vector_store %arg12[%swap3A_252, %swap3A_253], %get3A_251 {strides = array<i32>} : memref<128x64xf32, #tpu.memory_space<vmem>>, vector<16xf32>,
    }
    %scan3A_47 = arith.constant 128 : i32
    %run_scoped3A_48 = arith.constant 3 : i32
    "tpu.region"() ({
      %run_scoped3A_231 = tpu.sem_alloc : memref<!tpu.dma_semaphore, #tpu.memory_space<semaphore_mem>>
      %dma_start3A = arith.constant 0 : i32
      %dma_start3A_232 = tpu.memref_slice %arg9[%run_scoped3A_48, %dma_start3A] : memref<8x128xi32, #tpu.memory_space<vmem>> -> memref<1x128xi32, #tpu.memory_space<vmem>>
      %dma_start3A_233 = tpu.memref_squeeze %dma_start3A_232 : memref<1x128xi32, #tpu.memory_space<vmem>> -> memref<128xi32, #tpu.memory_space<vmem>>
      %dma_start3A_234 = arith.constant 0 : i32
      %dma_start3A_235 = arith.constant 0 : i32
      %dma_start3A_236 = tpu.memref_slice %arg15[%dma_start3A_234, %dma_start3A_235] : memref<16384x64xf32, #tpu.memory_space<vmem_shared>> -> memref<16384x64xf32, #tpu.memory_space<vmem_shared>>
      tpu.enqueue_indirect_dma source(%arg12 : memref<128x64xf32, #tpu.memory_space<vmem>>) target(%dma_start3A_236 : memref<16384x64xf32, #tpu.memory_space<vmem_shared>>) offsets(%dma_start3A_233 : memref<128xi32, #tpu.memory_space<vmem>>) semaphore(%run_scoped3A_231 : memref<!tpu.dma_semaphore, #tpu.memory_space<semaphore_mem>>)
      %dma_wait3A = arith.constant 0 : i32
      %dma_wait3A_237 = tpu.memref_slice %arg9[%run_scoped3A_48, %dma_wait3A] : memref<8x128xi32, #tpu.memory_space<vmem>> -> memref<1x128xi32, #tpu.memory_space<vmem>>
      %dma_wait3A_238 = tpu.memref_squeeze %dma_wait3A_237 : memref<1x128xi32, #tpu.memory_space<vmem>> -> memref<128xi32, #tpu.memory_space<vmem>>
      %dma_wait3A_239 = arith.constant 0 : i32
      %dma_wait3A_240 = arith.constant 0 : i32
      %dma_wait3A_241 = tpu.memref_slice %arg15[%dma_wait3A_239, %dma_wait3A_240] : memref<16384x64xf32, #tpu.memory_space<vmem_shared>> -> memref<16384x64xf32, #tpu.memory_space<vmem_shared>>
      tpu.wait_indirect_dma semaphore(%run_scoped3A_231 : memref<!tpu.dma_semaphore, #tpu.memory_space<semaphore_mem>>) src(%arg12 : memref<128x64xf32, #tpu.memory_space<vmem>>) dst(%dma_wait3A_241 : memref<16384x64xf32, #tpu.memory_space<vmem_shared>>)
      tpu.yield
    }) : () -> ()
    %run_scoped3A_49 = arith.constant 4 : i32
    "tpu.region"() ({
      %run_scoped3A_231 = tpu.sem_alloc : memref<!tpu.dma_semaphore, #tpu.memory_space<semaphore_mem>>
      %dma_start3A = arith.constant 0 : i32
      %dma_start3A_232 = tpu.memref_slice %arg8[%run_scoped3A_49, %dma_start3A] : memref<8x128xi32, #tpu.memory_space<vmem>> -> memref<1x128xi32, #tpu.memory_space<vmem>>
      %dma_start3A_233 = tpu.memref_squeeze %dma_start3A_232 : memref<1x128xi32, #tpu.memory_space<vmem>> -> memref<128xi32, #tpu.memory_space<vmem>>
      %dma_start3A_234 = arith.constant 0 : i32
      %dma_start3A_235 = arith.constant 0 : i32
      %dma_start3A_236 = tpu.memref_slice %arg5[%dma_start3A_234, %dma_start3A_235] : memref<1000000x128xf32, #tpu.memory_space<hbm>> -> memref<1000000x128xf32, #tpu.memory_space<hbm>>
      tpu.enqueue_indirect_dma source(%dma_start3A_236 : memref<1000000x128xf32, #tpu.memory_space<hbm>>) target(%arg10 : memref<128x128xf32, #tpu.memory_space<vmem>>) offsets(%dma_start3A_233 : memref<128xi32, #tpu.memory_space<vmem>>) semaphore(%run_scoped3A_231 : memref<!tpu.dma_semaphore, #tpu.memory_space<semaphore_mem>>)
      %dma_wait3A = arith.constant 0 : i32
      %dma_wait3A_237 = tpu.memref_slice %arg8[%run_scoped3A_49, %dma_wait3A] : memref<8x128xi32, #tpu.memory_space<vmem>> -> memref<1x128xi32, #tpu.memory_space<vmem>>
      %dma_wait3A_238 = tpu.memref_squeeze %dma_wait3A_237 : memref<1x128xi32, #tpu.memory_space<vmem>> -> memref<128xi32, #tpu.memory_space<vmem>>
      %dma_wait3A_239 = arith.constant 0 : i32
      %dma_wait3A_240 = arith.constant 0 : i32
      %dma_wait3A_241 = tpu.memref_slice %arg5[%dma_wait3A_239, %dma_wait3A_240] : memref<1000000x128xf32, #tpu.memory_space<hbm>> -> memref<1000000x128xf32, #tpu.memory_space<hbm>>
      tpu.wait_indirect_dma semaphore(%run_scoped3A_231 : memref<!tpu.dma_semaphore, #tpu.memory_space<semaphore_mem>>) src(%dma_wait3A_241 : memref<1000000x128xf32, #tpu.memory_space<hbm>>) dst(%arg10 : memref<128x128xf32, #tpu.memory_space<vmem>>)
      tpu.yield
    }) : () -> ()
    %scan3A_50 = arith.constant 0 : i32
    %scan3A_51 = arith.constant 0 : i32
    %scan3A_52 = arith.constant 128 : i32
    %scan3A_53 = arith.addi %scan3A_51, %scan3A_52 : i32
    %scan3A_54 = arith.constant 1 : i32
    scf.for %scan3A_231 = %scan3A_51 to %scan3A_53 step %scan3A_54  : i32 {
      %get3A = arith.index_cast %scan3A_231 : i32 to index
      %get3A_232 = arith.constant 0 : index
      %get3A_233 = tpu.vector_load %arg10[%get3A, %get3A_232] {strides = array<i32>} : memref<128x128xf32, #tpu.memory_space<vmem>>, vector<16xf32>,
      %swap3A_234 = arith.index_cast %scan3A_231 : i32 to index
      %swap3A_235 = arith.constant 0 : index
      %swap3A_236 = tpu.vector_load %arg12[%swap3A_234, %swap3A_235] {strides = array<i32>} : memref<128x64xf32, #tpu.memory_space<vmem>>, vector<16xf32>,
      tpu.vector_store %arg12[%swap3A_234, %swap3A_235], %get3A_233 {strides = array<i32>} : memref<128x64xf32, #tpu.memory_space<vmem>>, vector<16xf32>,
      %get3A_237 = arith.index_cast %scan3A_231 : i32 to index
      %get3A_238 = arith.constant 16 : index
      %get3A_239 = tpu.vector_load %arg10[%get3A_237, %get3A_238] {strides = array<i32>} : memref<128x128xf32, #tpu.memory_space<vmem>>, vector<16xf32>,
      %swap3A_240 = arith.index_cast %scan3A_231 : i32 to index
      %swap3A_241 = arith.constant 16 : index
      %swap3A_242 = tpu.vector_load %arg12[%swap3A_240, %swap3A_241] {strides = array<i32>} : memref<128x64xf32, #tpu.memory_space<vmem>>, vector<16xf32>,
      tpu.vector_store %arg12[%swap3A_240, %swap3A_241], %get3A_239 {strides = array<i32>} : memref<128x64xf32, #tpu.memory_space<vmem>>, vector<16xf32>,
      %get3A_243 = arith.index_cast %scan3A_231 : i32 to index
      %get3A_244 = arith.constant 32 : index
      %get3A_245 = tpu.vector_load %arg10[%get3A_243, %get3A_244] {strides = array<i32>} : memref<128x128xf32, #tpu.memory_space<vmem>>, vector<16xf32>,
      %swap3A_246 = arith.index_cast %scan3A_231 : i32 to index
      %swap3A_247 = arith.constant 32 : index
      %swap3A_248 = tpu.vector_load %arg12[%swap3A_246, %swap3A_247] {strides = array<i32>} : memref<128x64xf32, #tpu.memory_space<vmem>>, vector<16xf32>,
      tpu.vector_store %arg12[%swap3A_246, %swap3A_247], %get3A_245 {strides = array<i32>} : memref<128x64xf32, #tpu.memory_space<vmem>>, vector<16xf32>,
      %get3A_249 = arith.index_cast %scan3A_231 : i32 to index
      %get3A_250 = arith.constant 48 : index
      %get3A_251 = tpu.vector_load %arg10[%get3A_249, %get3A_250] {strides = array<i32>} : memref<128x128xf32, #tpu.memory_space<vmem>>, vector<16xf32>,
      %swap3A_252 = arith.index_cast %scan3A_231 : i32 to index
      %swap3A_253 = arith.constant 48 : index
      %swap3A_254 = tpu.vector_load %arg12[%swap3A_252, %swap3A_253] {strides = array<i32>} : memref<128x64xf32, #tpu.memory_space<vmem>>, vector<16xf32>,
      tpu.vector_store %arg12[%swap3A_252, %swap3A_253], %get3A_251 {strides = array<i32>} : memref<128x64xf32, #tpu.memory_space<vmem>>, vector<16xf32>,
    }
    %scan3A_55 = arith.constant 128 : i32
    %run_scoped3A_56 = arith.constant 4 : i32
    "tpu.region"() ({
      %run_scoped3A_231 = tpu.sem_alloc : memref<!tpu.dma_semaphore, #tpu.memory_space<semaphore_mem>>
      %dma_start3A = arith.constant 0 : i32
      %dma_start3A_232 = tpu.memref_slice %arg9[%run_scoped3A_56, %dma_start3A] : memref<8x128xi32, #tpu.memory_space<vmem>> -> memref<1x128xi32, #tpu.memory_space<vmem>>
      %dma_start3A_233 = tpu.memref_squeeze %dma_start3A_232 : memref<1x128xi32, #tpu.memory_space<vmem>> -> memref<128xi32, #tpu.memory_space<vmem>>
      %dma_start3A_234 = arith.constant 0 : i32
      %dma_start3A_235 = arith.constant 0 : i32
      %dma_start3A_236 = tpu.memref_slice %arg15[%dma_start3A_234, %dma_start3A_235] : memref<16384x64xf32, #tpu.memory_space<vmem_shared>> -> memref<16384x64xf32, #tpu.memory_space<vmem_shared>>
      tpu.enqueue_indirect_dma source(%arg12 : memref<128x64xf32, #tpu.memory_space<vmem>>) target(%dma_start3A_236 : memref<16384x64xf32, #tpu.memory_space<vmem_shared>>) offsets(%dma_start3A_233 : memref<128xi32, #tpu.memory_space<vmem>>) semaphore(%run_scoped3A_231 : memref<!tpu.dma_semaphore, #tpu.memory_space<semaphore_mem>>)
      %dma_wait3A = arith.constant 0 : i32
      %dma_wait3A_237 = tpu.memref_slice %arg9[%run_scoped3A_56, %dma_wait3A] : memref<8x128xi32, #tpu.memory_space<vmem>> -> memref<1x128xi32, #tpu.memory_space<vmem>>
      %dma_wait3A_238 = tpu.memref_squeeze %dma_wait3A_237 : memref<1x128xi32, #tpu.memory_space<vmem>> -> memref<128xi32, #tpu.memory_space<vmem>>
      %dma_wait3A_239 = arith.constant 0 : i32
      %dma_wait3A_240 = arith.constant 0 : i32
      %dma_wait3A_241 = tpu.memref_slice %arg15[%dma_wait3A_239, %dma_wait3A_240] : memref<16384x64xf32, #tpu.memory_space<vmem_shared>> -> memref<16384x64xf32, #tpu.memory_space<vmem_shared>>
      tpu.wait_indirect_dma semaphore(%run_scoped3A_231 : memref<!tpu.dma_semaphore, #tpu.memory_space<semaphore_mem>>) src(%arg12 : memref<128x64xf32, #tpu.memory_space<vmem>>) dst(%dma_wait3A_241 : memref<16384x64xf32, #tpu.memory_space<vmem_shared>>)
      tpu.yield
    }) : () -> ()
    %run_scoped3A_57 = arith.constant 5 : i32
    "tpu.region"() ({
      %run_scoped3A_231 = tpu.sem_alloc : memref<!tpu.dma_semaphore, #tpu.memory_space<semaphore_mem>>
      %dma_start3A = arith.constant 0 : i32
      %dma_start3A_232 = tpu.memref_slice %arg8[%run_scoped3A_57, %dma_start3A] : memref<8x128xi32, #tpu.memory_space<vmem>> -> memref<1x128xi32, #tpu.memory_space<vmem>>
      %dma_start3A_233 = tpu.memref_squeeze %dma_start3A_232 : memref<1x128xi32, #tpu.memory_space<vmem>> -> memref<128xi32, #tpu.memory_space<vmem>>
      %dma_start3A_234 = arith.constant 0 : i32
      %dma_start3A_235 = arith.constant 0 : i32
      %dma_start3A_236 = tpu.memref_slice %arg5[%dma_start3A_234, %dma_start3A_235] : memref<1000000x128xf32, #tpu.memory_space<hbm>> -> memref<1000000x128xf32, #tpu.memory_space<hbm>>
      tpu.enqueue_indirect_dma source(%dma_start3A_236 : memref<1000000x128xf32, #tpu.memory_space<hbm>>) target(%arg10 : memref<128x128xf32, #tpu.memory_space<vmem>>) offsets(%dma_start3A_233 : memref<128xi32, #tpu.memory_space<vmem>>) semaphore(%run_scoped3A_231 : memref<!tpu.dma_semaphore, #tpu.memory_space<semaphore_mem>>)
      %dma_wait3A = arith.constant 0 : i32
      %dma_wait3A_237 = tpu.memref_slice %arg8[%run_scoped3A_57, %dma_wait3A] : memref<8x128xi32, #tpu.memory_space<vmem>> -> memref<1x128xi32, #tpu.memory_space<vmem>>
      %dma_wait3A_238 = tpu.memref_squeeze %dma_wait3A_237 : memref<1x128xi32, #tpu.memory_space<vmem>> -> memref<128xi32, #tpu.memory_space<vmem>>
      %dma_wait3A_239 = arith.constant 0 : i32
      %dma_wait3A_240 = arith.constant 0 : i32
      %dma_wait3A_241 = tpu.memref_slice %arg5[%dma_wait3A_239, %dma_wait3A_240] : memref<1000000x128xf32, #tpu.memory_space<hbm>> -> memref<1000000x128xf32, #tpu.memory_space<hbm>>
      tpu.wait_indirect_dma semaphore(%run_scoped3A_231 : memref<!tpu.dma_semaphore, #tpu.memory_space<semaphore_mem>>) src(%dma_wait3A_241 : memref<1000000x128xf32, #tpu.memory_space<hbm>>) dst(%arg10 : memref<128x128xf32, #tpu.memory_space<vmem>>)
      tpu.yield
    }) : () -> ()
    %scan3A_58 = arith.constant 0 : i32
    %scan3A_59 = arith.constant 0 : i32
    %scan3A_60 = arith.constant 128 : i32
    %scan3A_61 = arith.addi %scan3A_59, %scan3A_60 : i32
    %scan3A_62 = arith.constant 1 : i32
    scf.for %scan3A_231 = %scan3A_59 to %scan3A_61 step %scan3A_62  : i32 {
      %get3A = arith.index_cast %scan3A_231 : i32 to index
      %get3A_232 = arith.constant 0 : index
      %get3A_233 = tpu.vector_load %arg10[%get3A, %get3A_232] {strides = array<i32>} : memref<128x128xf32, #tpu.memory_space<vmem>>, vector<16xf32>,
      %swap3A_234 = arith.index_cast %scan3A_231 : i32 to index
      %swap3A_235 = arith.constant 0 : index
      %swap3A_236 = tpu.vector_load %arg12[%swap3A_234, %swap3A_235] {strides = array<i32>} : memref<128x64xf32, #tpu.memory_space<vmem>>, vector<16xf32>,
      tpu.vector_store %arg12[%swap3A_234, %swap3A_235], %get3A_233 {strides = array<i32>} : memref<128x64xf32, #tpu.memory_space<vmem>>, vector<16xf32>,
      %get3A_237 = arith.index_cast %scan3A_231 : i32 to index
      %get3A_238 = arith.constant 16 : index
      %get3A_239 = tpu.vector_load %arg10[%get3A_237, %get3A_238] {strides = array<i32>} : memref<128x128xf32, #tpu.memory_space<vmem>>, vector<16xf32>,
      %swap3A_240 = arith.index_cast %scan3A_231 : i32 to index
      %swap3A_241 = arith.constant 16 : index
      %swap3A_242 = tpu.vector_load %arg12[%swap3A_240, %swap3A_241] {strides = array<i32>} : memref<128x64xf32, #tpu.memory_space<vmem>>, vector<16xf32>,
      tpu.vector_store %arg12[%swap3A_240, %swap3A_241], %get3A_239 {strides = array<i32>} : memref<128x64xf32, #tpu.memory_space<vmem>>, vector<16xf32>,
      %get3A_243 = arith.index_cast %scan3A_231 : i32 to index
      %get3A_244 = arith.constant 32 : index
      %get3A_245 = tpu.vector_load %arg10[%get3A_243, %get3A_244] {strides = array<i32>} : memref<128x128xf32, #tpu.memory_space<vmem>>, vector<16xf32>,
      %swap3A_246 = arith.index_cast %scan3A_231 : i32 to index
      %swap3A_247 = arith.constant 32 : index
      %swap3A_248 = tpu.vector_load %arg12[%swap3A_246, %swap3A_247] {strides = array<i32>} : memref<128x64xf32, #tpu.memory_space<vmem>>, vector<16xf32>,
      tpu.vector_store %arg12[%swap3A_246, %swap3A_247], %get3A_245 {strides = array<i32>} : memref<128x64xf32, #tpu.memory_space<vmem>>, vector<16xf32>,
      %get3A_249 = arith.index_cast %scan3A_231 : i32 to index
      %get3A_250 = arith.constant 48 : index
      %get3A_251 = tpu.vector_load %arg10[%get3A_249, %get3A_250] {strides = array<i32>} : memref<128x128xf32, #tpu.memory_space<vmem>>, vector<16xf32>,
      %swap3A_252 = arith.index_cast %scan3A_231 : i32 to index
      %swap3A_253 = arith.constant 48 : index
      %swap3A_254 = tpu.vector_load %arg12[%swap3A_252, %swap3A_253] {strides = array<i32>} : memref<128x64xf32, #tpu.memory_space<vmem>>, vector<16xf32>,
      tpu.vector_store %arg12[%swap3A_252, %swap3A_253], %get3A_251 {strides = array<i32>} : memref<128x64xf32, #tpu.memory_space<vmem>>, vector<16xf32>,
    }
    %scan3A_63 = arith.constant 128 : i32
    %run_scoped3A_64 = arith.constant 5 : i32
    "tpu.region"() ({
      %run_scoped3A_231 = tpu.sem_alloc : memref<!tpu.dma_semaphore, #tpu.memory_space<semaphore_mem>>
      %dma_start3A = arith.constant 0 : i32
      %dma_start3A_232 = tpu.memref_slice %arg9[%run_scoped3A_64, %dma_start3A] : memref<8x128xi32, #tpu.memory_space<vmem>> -> memref<1x128xi32, #tpu.memory_space<vmem>>
      %dma_start3A_233 = tpu.memref_squeeze %dma_start3A_232 : memref<1x128xi32, #tpu.memory_space<vmem>> -> memref<128xi32, #tpu.memory_space<vmem>>
      %dma_start3A_234 = arith.constant 0 : i32
      %dma_start3A_235 = arith.constant 0 : i32
      %dma_start3A_236 = tpu.memref_slice %arg15[%dma_start3A_234, %dma_start3A_235] : memref<16384x64xf32, #tpu.memory_space<vmem_shared>> -> memref<16384x64xf32, #tpu.memory_space<vmem_shared>>
      tpu.enqueue_indirect_dma source(%arg12 : memref<128x64xf32, #tpu.memory_space<vmem>>) target(%dma_start3A_236 : memref<16384x64xf32, #tpu.memory_space<vmem_shared>>) offsets(%dma_start3A_233 : memref<128xi32, #tpu.memory_space<vmem>>) semaphore(%run_scoped3A_231 : memref<!tpu.dma_semaphore, #tpu.memory_space<semaphore_mem>>)
      %dma_wait3A = arith.constant 0 : i32
      %dma_wait3A_237 = tpu.memref_slice %arg9[%run_scoped3A_64, %dma_wait3A] : memref<8x128xi32, #tpu.memory_space<vmem>> -> memref<1x128xi32, #tpu.memory_space<vmem>>
      %dma_wait3A_238 = tpu.memref_squeeze %dma_wait3A_237 : memref<1x128xi32, #tpu.memory_space<vmem>> -> memref<128xi32, #tpu.memory_space<vmem>>
      %dma_wait3A_239 = arith.constant 0 : i32
      %dma_wait3A_240 = arith.constant 0 : i32
      %dma_wait3A_241 = tpu.memref_slice %arg15[%dma_wait3A_239, %dma_wait3A_240] : memref<16384x64xf32, #tpu.memory_space<vmem_shared>> -> memref<16384x64xf32, #tpu.memory_space<vmem_shared>>
      tpu.wait_indirect_dma semaphore(%run_scoped3A_231 : memref<!tpu.dma_semaphore, #tpu.memory_space<semaphore_mem>>) src(%arg12 : memref<128x64xf32, #tpu.memory_space<vmem>>) dst(%dma_wait3A_241 : memref<16384x64xf32, #tpu.memory_space<vmem_shared>>)
      tpu.yield
    }) : () -> ()
    %run_scoped3A_65 = arith.constant 6 : i32
    "tpu.region"() ({
      %run_scoped3A_231 = tpu.sem_alloc : memref<!tpu.dma_semaphore, #tpu.memory_space<semaphore_mem>>
      %dma_start3A = arith.constant 0 : i32
      %dma_start3A_232 = tpu.memref_slice %arg8[%run_scoped3A_65, %dma_start3A] : memref<8x128xi32, #tpu.memory_space<vmem>> -> memref<1x128xi32, #tpu.memory_space<vmem>>
      %dma_start3A_233 = tpu.memref_squeeze %dma_start3A_232 : memref<1x128xi32, #tpu.memory_space<vmem>> -> memref<128xi32, #tpu.memory_space<vmem>>
      %dma_start3A_234 = arith.constant 0 : i32
      %dma_start3A_235 = arith.constant 0 : i32
      %dma_start3A_236 = tpu.memref_slice %arg5[%dma_start3A_234, %dma_start3A_235] : memref<1000000x128xf32, #tpu.memory_space<hbm>> -> memref<1000000x128xf32, #tpu.memory_space<hbm>>
      tpu.enqueue_indirect_dma source(%dma_start3A_236 : memref<1000000x128xf32, #tpu.memory_space<hbm>>) target(%arg10 : memref<128x128xf32, #tpu.memory_space<vmem>>) offsets(%dma_start3A_233 : memref<128xi32, #tpu.memory_space<vmem>>) semaphore(%run_scoped3A_231 : memref<!tpu.dma_semaphore, #tpu.memory_space<semaphore_mem>>)
      %dma_wait3A = arith.constant 0 : i32
      %dma_wait3A_237 = tpu.memref_slice %arg8[%run_scoped3A_65, %dma_wait3A] : memref<8x128xi32, #tpu.memory_space<vmem>> -> memref<1x128xi32, #tpu.memory_space<vmem>>
      %dma_wait3A_238 = tpu.memref_squeeze %dma_wait3A_237 : memref<1x128xi32, #tpu.memory_space<vmem>> -> memref<128xi32, #tpu.memory_space<vmem>>
      %dma_wait3A_239 = arith.constant 0 : i32
      %dma_wait3A_240 = arith.constant 0 : i32
      %dma_wait3A_241 = tpu.memref_slice %arg5[%dma_wait3A_239, %dma_wait3A_240] : memref<1000000x128xf32, #tpu.memory_space<hbm>> -> memref<1000000x128xf32, #tpu.memory_space<hbm>>
      tpu.wait_indirect_dma semaphore(%run_scoped3A_231 : memref<!tpu.dma_semaphore, #tpu.memory_space<semaphore_mem>>) src(%dma_wait3A_241 : memref<1000000x128xf32, #tpu.memory_space<hbm>>) dst(%arg10 : memref<128x128xf32, #tpu.memory_space<vmem>>)
      tpu.yield
    }) : () -> ()
    %scan3A_66 = arith.constant 0 : i32
    %scan3A_67 = arith.constant 0 : i32
    %scan3A_68 = arith.constant 128 : i32
    %scan3A_69 = arith.addi %scan3A_67, %scan3A_68 : i32
    %scan3A_70 = arith.constant 1 : i32
    scf.for %scan3A_231 = %scan3A_67 to %scan3A_69 step %scan3A_70  : i32 {
      %get3A = arith.index_cast %scan3A_231 : i32 to index
      %get3A_232 = arith.constant 0 : index
      %get3A_233 = tpu.vector_load %arg10[%get3A, %get3A_232] {strides = array<i32>} : memref<128x128xf32, #tpu.memory_space<vmem>>, vector<16xf32>,
      %swap3A_234 = arith.index_cast %scan3A_231 : i32 to index
      %swap3A_235 = arith.constant 0 : index
      %swap3A_236 = tpu.vector_load %arg12[%swap3A_234, %swap3A_235] {strides = array<i32>} : memref<128x64xf32, #tpu.memory_space<vmem>>, vector<16xf32>,
      tpu.vector_store %arg12[%swap3A_234, %swap3A_235], %get3A_233 {strides = array<i32>} : memref<128x64xf32, #tpu.memory_space<vmem>>, vector<16xf32>,
      %get3A_237 = arith.index_cast %scan3A_231 : i32 to index
      %get3A_238 = arith.constant 16 : index
      %get3A_239 = tpu.vector_load %arg10[%get3A_237, %get3A_238] {strides = array<i32>} : memref<128x128xf32, #tpu.memory_space<vmem>>, vector<16xf32>,
      %swap3A_240 = arith.index_cast %scan3A_231 : i32 to index
      %swap3A_241 = arith.constant 16 : index
      %swap3A_242 = tpu.vector_load %arg12[%swap3A_240, %swap3A_241] {strides = array<i32>} : memref<128x64xf32, #tpu.memory_space<vmem>>, vector<16xf32>,
      tpu.vector_store %arg12[%swap3A_240, %swap3A_241], %get3A_239 {strides = array<i32>} : memref<128x64xf32, #tpu.memory_space<vmem>>, vector<16xf32>,
      %get3A_243 = arith.index_cast %scan3A_231 : i32 to index
      %get3A_244 = arith.constant 32 : index
      %get3A_245 = tpu.vector_load %arg10[%get3A_243, %get3A_244] {strides = array<i32>} : memref<128x128xf32, #tpu.memory_space<vmem>>, vector<16xf32>,
      %swap3A_246 = arith.index_cast %scan3A_231 : i32 to index
      %swap3A_247 = arith.constant 32 : index
      %swap3A_248 = tpu.vector_load %arg12[%swap3A_246, %swap3A_247] {strides = array<i32>} : memref<128x64xf32, #tpu.memory_space<vmem>>, vector<16xf32>,
      tpu.vector_store %arg12[%swap3A_246, %swap3A_247], %get3A_245 {strides = array<i32>} : memref<128x64xf32, #tpu.memory_space<vmem>>, vector<16xf32>,
      %get3A_249 = arith.index_cast %scan3A_231 : i32 to index
      %get3A_250 = arith.constant 48 : index
      %get3A_251 = tpu.vector_load %arg10[%get3A_249, %get3A_250] {strides = array<i32>} : memref<128x128xf32, #tpu.memory_space<vmem>>, vector<16xf32>,
      %swap3A_252 = arith.index_cast %scan3A_231 : i32 to index
      %swap3A_253 = arith.constant 48 : index
      %swap3A_254 = tpu.vector_load %arg12[%swap3A_252, %swap3A_253] {strides = array<i32>} : memref<128x64xf32, #tpu.memory_space<vmem>>, vector<16xf32>,
      tpu.vector_store %arg12[%swap3A_252, %swap3A_253], %get3A_251 {strides = array<i32>} : memref<128x64xf32, #tpu.memory_space<vmem>>, vector<16xf32>,
    }
    %scan3A_71 = arith.constant 128 : i32
    %run_scoped3A_72 = arith.constant 6 : i32
    "tpu.region"() ({
      %run_scoped3A_231 = tpu.sem_alloc : memref<!tpu.dma_semaphore, #tpu.memory_space<semaphore_mem>>
      %dma_start3A = arith.constant 0 : i32
      %dma_start3A_232 = tpu.memref_slice %arg9[%run_scoped3A_72, %dma_start3A] : memref<8x128xi32, #tpu.memory_space<vmem>> -> memref<1x128xi32, #tpu.memory_space<vmem>>
      %dma_start3A_233 = tpu.memref_squeeze %dma_start3A_232 : memref<1x128xi32, #tpu.memory_space<vmem>> -> memref<128xi32, #tpu.memory_space<vmem>>
      %dma_start3A_234 = arith.constant 0 : i32
      %dma_start3A_235 = arith.constant 0 : i32
      %dma_start3A_236 = tpu.memref_slice %arg15[%dma_start3A_234, %dma_start3A_235] : memref<16384x64xf32, #tpu.memory_space<vmem_shared>> -> memref<16384x64xf32, #tpu.memory_space<vmem_shared>>
      tpu.enqueue_indirect_dma source(%arg12 : memref<128x64xf32, #tpu.memory_space<vmem>>) target(%dma_start3A_236 : memref<16384x64xf32, #tpu.memory_space<vmem_shared>>) offsets(%dma_start3A_233 : memref<128xi32, #tpu.memory_space<vmem>>) semaphore(%run_scoped3A_231 : memref<!tpu.dma_semaphore, #tpu.memory_space<semaphore_mem>>)
      %dma_wait3A = arith.constant 0 : i32
      %dma_wait3A_237 = tpu.memref_slice %arg9[%run_scoped3A_72, %dma_wait3A] : memref<8x128xi32, #tpu.memory_space<vmem>> -> memref<1x128xi32, #tpu.memory_space<vmem>>
      %dma_wait3A_238 = tpu.memref_squeeze %dma_wait3A_237 : memref<1x128xi32, #tpu.memory_space<vmem>> -> memref<128xi32, #tpu.memory_space<vmem>>
      %dma_wait3A_239 = arith.constant 0 : i32
      %dma_wait3A_240 = arith.constant 0 : i32
      %dma_wait3A_241 = tpu.memref_slice %arg15[%dma_wait3A_239, %dma_wait3A_240] : memref<16384x64xf32, #tpu.memory_space<vmem_shared>> -> memref<16384x64xf32, #tpu.memory_space<vmem_shared>>
      tpu.wait_indirect_dma semaphore(%run_scoped3A_231 : memref<!tpu.dma_semaphore, #tpu.memory_space<semaphore_mem>>) src(%arg12 : memref<128x64xf32, #tpu.memory_space<vmem>>) dst(%dma_wait3A_241 : memref<16384x64xf32, #tpu.memory_space<vmem_shared>>)
      tpu.yield
    }) : () -> ()
    %run_scoped3A_73 = arith.constant 7 : i32
    "tpu.region"() ({
      %run_scoped3A_231 = tpu.sem_alloc : memref<!tpu.dma_semaphore, #tpu.memory_space<semaphore_mem>>
      %dma_start3A = arith.constant 0 : i32
      %dma_start3A_232 = tpu.memref_slice %arg8[%run_scoped3A_73, %dma_start3A] : memref<8x128xi32, #tpu.memory_space<vmem>> -> memref<1x128xi32, #tpu.memory_space<vmem>>
      %dma_start3A_233 = tpu.memref_squeeze %dma_start3A_232 : memref<1x128xi32, #tpu.memory_space<vmem>> -> memref<128xi32, #tpu.memory_space<vmem>>
      %dma_start3A_234 = arith.constant 0 : i32
      %dma_start3A_235 = arith.constant 0 : i32
      %dma_start3A_236 = tpu.memref_slice %arg5[%dma_start3A_234, %dma_start3A_235] : memref<1000000x128xf32, #tpu.memory_space<hbm>> -> memref<1000000x128xf32, #tpu.memory_space<hbm>>
      tpu.enqueue_indirect_dma source(%dma_start3A_236 : memref<1000000x128xf32, #tpu.memory_space<hbm>>) target(%arg10 : memref<128x128xf32, #tpu.memory_space<vmem>>) offsets(%dma_start3A_233 : memref<128xi32, #tpu.memory_space<vmem>>) semaphore(%run_scoped3A_231 : memref<!tpu.dma_semaphore, #tpu.memory_space<semaphore_mem>>)
      %dma_wait3A = arith.constant 0 : i32
      %dma_wait3A_237 = tpu.memref_slice %arg8[%run_scoped3A_73, %dma_wait3A] : memref<8x128xi32, #tpu.memory_space<vmem>> -> memref<1x128xi32, #tpu.memory_space<vmem>>
      %dma_wait3A_238 = tpu.memref_squeeze %dma_wait3A_237 : memref<1x128xi32, #tpu.memory_space<vmem>> -> memref<128xi32, #tpu.memory_space<vmem>>
      %dma_wait3A_239 = arith.constant 0 : i32
      %dma_wait3A_240 = arith.constant 0 : i32
      %dma_wait3A_241 = tpu.memref_slice %arg5[%dma_wait3A_239, %dma_wait3A_240] : memref<1000000x128xf32, #tpu.memory_space<hbm>> -> memref<1000000x128xf32, #tpu.memory_space<hbm>>
      tpu.wait_indirect_dma semaphore(%run_scoped3A_231 : memref<!tpu.dma_semaphore, #tpu.memory_space<semaphore_mem>>) src(%dma_wait3A_241 : memref<1000000x128xf32, #tpu.memory_space<hbm>>) dst(%arg10 : memref<128x128xf32, #tpu.memory_space<vmem>>)
      tpu.yield
    }) : () -> ()
    %scan3A_74 = arith.constant 0 : i32
    %scan3A_75 = arith.constant 0 : i32
    %scan3A_76 = arith.constant 128 : i32
    %scan3A_77 = arith.addi %scan3A_75, %scan3A_76 : i32
    %scan3A_78 = arith.constant 1 : i32
    scf.for %scan3A_231 = %scan3A_75 to %scan3A_77 step %scan3A_78  : i32 {
      %get3A = arith.index_cast %scan3A_231 : i32 to index
      %get3A_232 = arith.constant 0 : index
      %get3A_233 = tpu.vector_load %arg10[%get3A, %get3A_232] {strides = array<i32>} : memref<128x128xf32, #tpu.memory_space<vmem>>, vector<16xf32>,
      %swap3A_234 = arith.index_cast %scan3A_231 : i32 to index
      %swap3A_235 = arith.constant 0 : index
      %swap3A_236 = tpu.vector_load %arg12[%swap3A_234, %swap3A_235] {strides = array<i32>} : memref<128x64xf32, #tpu.memory_space<vmem>>, vector<16xf32>,
      tpu.vector_store %arg12[%swap3A_234, %swap3A_235], %get3A_233 {strides = array<i32>} : memref<128x64xf32, #tpu.memory_space<vmem>>, vector<16xf32>,
      %get3A_237 = arith.index_cast %scan3A_231 : i32 to index
      %get3A_238 = arith.constant 16 : index
      %get3A_239 = tpu.vector_load %arg10[%get3A_237, %get3A_238] {strides = array<i32>} : memref<128x128xf32, #tpu.memory_space<vmem>>, vector<16xf32>,
      %swap3A_240 = arith.index_cast %scan3A_231 : i32 to index
      %swap3A_241 = arith.constant 16 : index
      %swap3A_242 = tpu.vector_load %arg12[%swap3A_240, %swap3A_241] {strides = array<i32>} : memref<128x64xf32, #tpu.memory_space<vmem>>, vector<16xf32>,
      tpu.vector_store %arg12[%swap3A_240, %swap3A_241], %get3A_239 {strides = array<i32>} : memref<128x64xf32, #tpu.memory_space<vmem>>, vector<16xf32>,
      %get3A_243 = arith.index_cast %scan3A_231 : i32 to index
      %get3A_244 = arith.constant 32 : index
      %get3A_245 = tpu.vector_load %arg10[%get3A_243, %get3A_244] {strides = array<i32>} : memref<128x128xf32, #tpu.memory_space<vmem>>, vector<16xf32>,
      %swap3A_246 = arith.index_cast %scan3A_231 : i32 to index
      %swap3A_247 = arith.constant 32 : index
      %swap3A_248 = tpu.vector_load %arg12[%swap3A_246, %swap3A_247] {strides = array<i32>} : memref<128x64xf32, #tpu.memory_space<vmem>>, vector<16xf32>,
      tpu.vector_store %arg12[%swap3A_246, %swap3A_247], %get3A_245 {strides = array<i32>} : memref<128x64xf32, #tpu.memory_space<vmem>>, vector<16xf32>,
      %get3A_249 = arith.index_cast %scan3A_231 : i32 to index
      %get3A_250 = arith.constant 48 : index
      %get3A_251 = tpu.vector_load %arg10[%get3A_249, %get3A_250] {strides = array<i32>} : memref<128x128xf32, #tpu.memory_space<vmem>>, vector<16xf32>,
      %swap3A_252 = arith.index_cast %scan3A_231 : i32 to index
      %swap3A_253 = arith.constant 48 : index
      %swap3A_254 = tpu.vector_load %arg12[%swap3A_252, %swap3A_253] {strides = array<i32>} : memref<128x64xf32, #tpu.memory_space<vmem>>, vector<16xf32>,
      tpu.vector_store %arg12[%swap3A_252, %swap3A_253], %get3A_251 {strides = array<i32>} : memref<128x64xf32, #tpu.memory_space<vmem>>, vector<16xf32>,
    }
    %scan3A_79 = arith.constant 128 : i32
    %run_scoped3A_80 = arith.constant 7 : i32
    "tpu.region"() ({
      %run_scoped3A_231 = tpu.sem_alloc : memref<!tpu.dma_semaphore, #tpu.memory_space<semaphore_mem>>
      %dma_start3A = arith.constant 0 : i32
      %dma_start3A_232 = tpu.memref_slice %arg9[%run_scoped3A_80, %dma_start3A] : memref<8x128xi32, #tpu.memory_space<vmem>> -> memref<1x128xi32, #tpu.memory_space<vmem>>
      %dma_start3A_233 = tpu.memref_squeeze %dma_start3A_232 : memref<1x128xi32, #tpu.memory_space<vmem>> -> memref<128xi32, #tpu.memory_space<vmem>>
      %dma_start3A_234 = arith.constant 0 : i32
      %dma_start3A_235 = arith.constant 0 : i32
      %dma_start3A_236 = tpu.memref_slice %arg15[%dma_start3A_234, %dma_start3A_235] : memref<16384x64xf32, #tpu.memory_space<vmem_shared>> -> memref<16384x64xf32, #tpu.memory_space<vmem_shared>>
      tpu.enqueue_indirect_dma source(%arg12 : memref<128x64xf32, #tpu.memory_space<vmem>>) target(%dma_start3A_236 : memref<16384x64xf32, #tpu.memory_space<vmem_shared>>) offsets(%dma_start3A_233 : memref<128xi32, #tpu.memory_space<vmem>>) semaphore(%run_scoped3A_231 : memref<!tpu.dma_semaphore, #tpu.memory_space<semaphore_mem>>)
      %dma_wait3A = arith.constant 0 : i32
      %dma_wait3A_237 = tpu.memref_slice %arg9[%run_scoped3A_80, %dma_wait3A] : memref<8x128xi32, #tpu.memory_space<vmem>> -> memref<1x128xi32, #tpu.memory_space<vmem>>
      %dma_wait3A_238 = tpu.memref_squeeze %dma_wait3A_237 : memref<1x128xi32, #tpu.memory_space<vmem>> -> memref<128xi32, #tpu.memory_space<vmem>>
      %dma_wait3A_239 = arith.constant 0 : i32
      %dma_wait3A_240 = arith.constant 0 : i32
      %dma_wait3A_241 = tpu.memref_slice %arg15[%dma_wait3A_239, %dma_wait3A_240] : memref<16384x64xf32, #tpu.memory_space<vmem_shared>> -> memref<16384x64xf32, #tpu.memory_space<vmem_shared>>
      tpu.wait_indirect_dma semaphore(%run_scoped3A_231 : memref<!tpu.dma_semaphore, #tpu.memory_space<semaphore_mem>>) src(%arg12 : memref<128x64xf32, #tpu.memory_space<vmem>>) dst(%dma_wait3A_241 : memref<16384x64xf32, #tpu.memory_space<vmem_shared>>)
      tpu.yield
    }) : () -> ()
    %barrier3A = arith.constant 0 : index
    tpu.barrier barrier_id(%barrier3A)
    %broadcast_in_dim3A = arith.constant 0.000000e+00 : f32
    %broadcast_in_dim3A_81 = vector.broadcast %broadcast_in_dim3A : f32 to vector<16xf32>
    %add3A = arith.constant 0 : i32
    %add3A_82 = arith.addi %mul3A_0, %add3A : i32
    "tpu.region"() ({
      %run_scoped3A_231 = tpu.sem_alloc : memref<!tpu.dma_semaphore, #tpu.memory_space<semaphore_mem>>
      %dma_start3A = arith.constant 0 : i32
      %dma_start3A_232 = tpu.memref_slice %arg3[%add3A_82, %dma_start3A] : memref<16384x128xf32, #tpu.memory_space<hbm>> -> memref<128x128xf32, #tpu.memory_space<hbm>>
      %dma_start3A_233 = arith.constant 0 : i32
      %dma_start3A_234 = tpu.memref_slice %arg3[%add3A_82, %dma_start3A_233] : memref<16384x128xf32, #tpu.memory_space<hbm>> -> memref<128x128xf32, #tpu.memory_space<hbm>>
      tpu.enqueue_dma source(%dma_start3A_234 : memref<128x128xf32, #tpu.memory_space<hbm>>) target(%arg11 : memref<128x128xf32, #tpu.memory_space<vmem>>) target_semaphore(%run_scoped3A_231 : memref<!tpu.dma_semaphore, #tpu.memory_space<semaphore_mem>>)
      %dma_wait3A = arith.constant 0 : i32
      %dma_wait3A_235 = tpu.memref_slice %arg3[%add3A_82, %dma_wait3A] : memref<16384x128xf32, #tpu.memory_space<hbm>> -> memref<128x128xf32, #tpu.memory_space<hbm>>
      %dma_wait3A_236 = arith.constant 0 : i32
      %dma_wait3A_237 = tpu.memref_slice %arg3[%add3A_82, %dma_wait3A_236] : memref<16384x128xf32, #tpu.memory_space<hbm>> -> memref<128x128xf32, #tpu.memory_space<hbm>>
      tpu.wait_dma2 semaphore(%run_scoped3A_231 : memref<!tpu.dma_semaphore, #tpu.memory_space<semaphore_mem>>) src(%dma_wait3A_237 : memref<128x128xf32, #tpu.memory_space<hbm>>) dst(%arg11 : memref<128x128xf32, #tpu.memory_space<vmem>>)
      tpu.yield
    }) : () -> ()
    %run_scoped3A_83 = arith.constant 0 : i32
    "tpu.region"() ({
      %run_scoped3A_231 = tpu.sem_alloc : memref<!tpu.dma_semaphore, #tpu.memory_space<semaphore_mem>>
      %dma_start3A = arith.constant 0 : i32
      %dma_start3A_232 = tpu.memref_slice %arg8[%run_scoped3A_83, %dma_start3A] : memref<8x128xi32, #tpu.memory_space<vmem>> -> memref<1x128xi32, #tpu.memory_space<vmem>>
      %dma_start3A_233 = tpu.memref_squeeze %dma_start3A_232 : memref<1x128xi32, #tpu.memory_space<vmem>> -> memref<128xi32, #tpu.memory_space<vmem>>
      %dma_start3A_234 = arith.constant 0 : i32
      %dma_start3A_235 = arith.constant 0 : i32
      %dma_start3A_236 = tpu.memref_slice %arg5[%dma_start3A_234, %dma_start3A_235] : memref<1000000x128xf32, #tpu.memory_space<hbm>> -> memref<1000000x128xf32, #tpu.memory_space<hbm>>
      tpu.enqueue_indirect_dma source(%dma_start3A_236 : memref<1000000x128xf32, #tpu.memory_space<hbm>>) target(%arg10 : memref<128x128xf32, #tpu.memory_space<vmem>>) offsets(%dma_start3A_233 : memref<128xi32, #tpu.memory_space<vmem>>) semaphore(%run_scoped3A_231 : memref<!tpu.dma_semaphore, #tpu.memory_space<semaphore_mem>>)
      %dma_wait3A = arith.constant 0 : i32
      %dma_wait3A_237 = tpu.memref_slice %arg8[%run_scoped3A_83, %dma_wait3A] : memref<8x128xi32, #tpu.memory_space<vmem>> -> memref<1x128xi32, #tpu.memory_space<vmem>>
      %dma_wait3A_238 = tpu.memref_squeeze %dma_wait3A_237 : memref<1x128xi32, #tpu.memory_space<vmem>> -> memref<128xi32, #tpu.memory_space<vmem>>
      %dma_wait3A_239 = arith.constant 0 : i32
      %dma_wait3A_240 = arith.constant 0 : i32
      %dma_wait3A_241 = tpu.memref_slice %arg5[%dma_wait3A_239, %dma_wait3A_240] : memref<1000000x128xf32, #tpu.memory_space<hbm>> -> memref<1000000x128xf32, #tpu.memory_space<hbm>>
      tpu.wait_indirect_dma semaphore(%run_scoped3A_231 : memref<!tpu.dma_semaphore, #tpu.memory_space<semaphore_mem>>) src(%dma_wait3A_241 : memref<1000000x128xf32, #tpu.memory_space<hbm>>) dst(%arg10 : memref<128x128xf32, #tpu.memory_space<vmem>>)
      tpu.yield
    }) : () -> ()
    %scan3A_84 = arith.constant 0 : i32
    %scan3A_85 = arith.constant 128 : i32
    %scan3A_86 = arith.addi %scan3A_84, %scan3A_85 : i32
    %scan3A_87 = arith.constant 1 : i32
    %scan3A_88 = scf.for %scan3A_231 = %scan3A_84 to %scan3A_86 step %scan3A_87 iter_args(%scan3A_232 = %broadcast_in_dim3A_81) -> (vector<16xf32>)  : i32 {
      %get3A = arith.index_cast %scan3A_231 : i32 to index
      %get3A_233 = arith.constant 0 : index
      %get3A_234 = tpu.vector_load %arg11[%get3A, %get3A_233] {strides = array<i32>} : memref<128x128xf32, #tpu.memory_space<vmem>>, vector<16xf32>,
      %get3A_235 = arith.index_cast %scan3A_231 : i32 to index
      %get3A_236 = arith.constant 0 : index
      %get3A_237 = tpu.vector_load %arg10[%get3A_235, %get3A_236] {strides = array<i32>} : memref<128x128xf32, #tpu.memory_space<vmem>>, vector<16xf32>,
      %sub3A = arith.subf %get3A_234, %get3A_237 : vector<16xf32>
      %mul3A_238 = arith.constant 0.00999999977 : f32
      %mul3A_239 = vector.broadcast %mul3A_238 : f32 to vector<16xf32>
      %mul3A_240 = arith.mulf %sub3A, %mul3A_239 : vector<16xf32>
      %swap3A_241 = arith.index_cast %scan3A_231 : i32 to index
      %swap3A_242 = arith.constant 0 : index
      %swap3A_243 = tpu.vector_load %arg12[%swap3A_241, %swap3A_242] {strides = array<i32>} : memref<128x64xf32, #tpu.memory_space<vmem>>, vector<16xf32>,
      tpu.vector_store %arg12[%swap3A_241, %swap3A_242], %mul3A_240 {strides = array<i32>} : memref<128x64xf32, #tpu.memory_space<vmem>>, vector<16xf32>,
      %mul3A_244 = arith.mulf %sub3A, %sub3A : vector<16xf32>
      %add3A_245 = arith.addf %scan3A_232, %mul3A_244 : vector<16xf32>
      %get3A_246 = arith.index_cast %scan3A_231 : i32 to index
      %get3A_247 = arith.constant 16 : index
      %get3A_248 = tpu.vector_load %arg11[%get3A_246, %get3A_247] {strides = array<i32>} : memref<128x128xf32, #tpu.memory_space<vmem>>, vector<16xf32>,
      %get3A_249 = arith.index_cast %scan3A_231 : i32 to index
      %get3A_250 = arith.constant 16 : index
      %get3A_251 = tpu.vector_load %arg10[%get3A_249, %get3A_250] {strides = array<i32>} : memref<128x128xf32, #tpu.memory_space<vmem>>, vector<16xf32>,
      %sub3A_252 = arith.subf %get3A_248, %get3A_251 : vector<16xf32>
      %mul3A_253 = arith.constant 0.00999999977 : f32
      %mul3A_254 = vector.broadcast %mul3A_253 : f32 to vector<16xf32>
      %mul3A_255 = arith.mulf %sub3A_252, %mul3A_254 : vector<16xf32>
      %swap3A_256 = arith.index_cast %scan3A_231 : i32 to index
      %swap3A_257 = arith.constant 16 : index
      %swap3A_258 = tpu.vector_load %arg12[%swap3A_256, %swap3A_257] {strides = array<i32>} : memref<128x64xf32, #tpu.memory_space<vmem>>, vector<16xf32>,
      tpu.vector_store %arg12[%swap3A_256, %swap3A_257], %mul3A_255 {strides = array<i32>} : memref<128x64xf32, #tpu.memory_space<vmem>>, vector<16xf32>,
      %mul3A_259 = arith.mulf %sub3A_252, %sub3A_252 : vector<16xf32>
      %add3A_260 = arith.addf %add3A_245, %mul3A_259 : vector<16xf32>
      %get3A_261 = arith.index_cast %scan3A_231 : i32 to index
      %get3A_262 = arith.constant 32 : index
      %get3A_263 = tpu.vector_load %arg11[%get3A_261, %get3A_262] {strides = array<i32>} : memref<128x128xf32, #tpu.memory_space<vmem>>, vector<16xf32>,
      %get3A_264 = arith.index_cast %scan3A_231 : i32 to index
      %get3A_265 = arith.constant 32 : index
      %get3A_266 = tpu.vector_load %arg10[%get3A_264, %get3A_265] {strides = array<i32>} : memref<128x128xf32, #tpu.memory_space<vmem>>, vector<16xf32>,
      %sub3A_267 = arith.subf %get3A_263, %get3A_266 : vector<16xf32>
      %mul3A_268 = arith.constant 0.00999999977 : f32
      %mul3A_269 = vector.broadcast %mul3A_268 : f32 to vector<16xf32>
      %mul3A_270 = arith.mulf %sub3A_267, %mul3A_269 : vector<16xf32>
      %swap3A_271 = arith.index_cast %scan3A_231 : i32 to index
      %swap3A_272 = arith.constant 32 : index
      %swap3A_273 = tpu.vector_load %arg12[%swap3A_271, %swap3A_272] {strides = array<i32>} : memref<128x64xf32, #tpu.memory_space<vmem>>, vector<16xf32>,
      tpu.vector_store %arg12[%swap3A_271, %swap3A_272], %mul3A_270 {strides = array<i32>} : memref<128x64xf32, #tpu.memory_space<vmem>>, vector<16xf32>,
      %mul3A_274 = arith.mulf %sub3A_267, %sub3A_267 : vector<16xf32>
      %add3A_275 = arith.addf %add3A_260, %mul3A_274 : vector<16xf32>
      %get3A_276 = arith.index_cast %scan3A_231 : i32 to index
      %get3A_277 = arith.constant 48 : index
      %get3A_278 = tpu.vector_load %arg11[%get3A_276, %get3A_277] {strides = array<i32>} : memref<128x128xf32, #tpu.memory_space<vmem>>, vector<16xf32>,
      %get3A_279 = arith.index_cast %scan3A_231 : i32 to index
      %get3A_280 = arith.constant 48 : index
      %get3A_281 = tpu.vector_load %arg10[%get3A_279, %get3A_280] {strides = array<i32>} : memref<128x128xf32, #tpu.memory_space<vmem>>, vector<16xf32>,
      %sub3A_282 = arith.subf %get3A_278, %get3A_281 : vector<16xf32>
      %mul3A_283 = arith.constant 0.00999999977 : f32
      %mul3A_284 = vector.broadcast %mul3A_283 : f32 to vector<16xf32>
      %mul3A_285 = arith.mulf %sub3A_282, %mul3A_284 : vector<16xf32>
      %swap3A_286 = arith.index_cast %scan3A_231 : i32 to index
      %swap3A_287 = arith.constant 48 : index
      %swap3A_288 = tpu.vector_load %arg12[%swap3A_286, %swap3A_287] {strides = array<i32>} : memref<128x64xf32, #tpu.memory_space<vmem>>, vector<16xf32>,
      tpu.vector_store %arg12[%swap3A_286, %swap3A_287], %mul3A_285 {strides = array<i32>} : memref<128x64xf32, #tpu.memory_space<vmem>>, vector<16xf32>,
      %mul3A_289 = arith.mulf %sub3A_282, %sub3A_282 : vector<16xf32>
      %add3A_290 = arith.addf %add3A_275, %mul3A_289 : vector<16xf32>
      scf.yield %add3A_290 : vector<16xf32>
    }
    %scan3A_89 = arith.constant 128 : i32
    %run_scoped3A_90 = arith.constant 0 : i32
    "tpu.region"() ({
      %run_scoped3A_231 = tpu.sem_alloc : memref<!tpu.dma_semaphore, #tpu.memory_space<semaphore_mem>>
      %dma_start3A = arith.constant 0 : i32
      %dma_start3A_232 = tpu.memref_slice %arg9[%run_scoped3A_90, %dma_start3A] : memref<8x128xi32, #tpu.memory_space<vmem>> -> memref<1x128xi32, #tpu.memory_space<vmem>>
      %dma_start3A_233 = tpu.memref_squeeze %dma_start3A_232 : memref<1x128xi32, #tpu.memory_space<vmem>> -> memref<128xi32, #tpu.memory_space<vmem>>
      %dma_start3A_234 = arith.constant 0 : i32
      %dma_start3A_235 = arith.constant 0 : i32
      %dma_start3A_236 = tpu.memref_slice %arg15[%dma_start3A_234, %dma_start3A_235] : memref<16384x64xf32, #tpu.memory_space<vmem_shared>> -> memref<16384x64xf32, #tpu.memory_space<vmem_shared>>
      tpu.enqueue_indirect_dma source(%arg12 : memref<128x64xf32, #tpu.memory_space<vmem>>) target(%dma_start3A_236 : memref<16384x64xf32, #tpu.memory_space<vmem_shared>>) offsets(%dma_start3A_233 : memref<128xi32, #tpu.memory_space<vmem>>) semaphore(%run_scoped3A_231 : memref<!tpu.dma_semaphore, #tpu.memory_space<semaphore_mem>>) {add = true}
      %dma_wait3A = arith.constant 0 : i32
      %dma_wait3A_237 = tpu.memref_slice %arg9[%run_scoped3A_90, %dma_wait3A] : memref<8x128xi32, #tpu.memory_space<vmem>> -> memref<1x128xi32, #tpu.memory_space<vmem>>
      %dma_wait3A_238 = tpu.memref_squeeze %dma_wait3A_237 : memref<1x128xi32, #tpu.memory_space<vmem>> -> memref<128xi32, #tpu.memory_space<vmem>>
      %dma_wait3A_239 = arith.constant 0 : i32
      %dma_wait3A_240 = arith.constant 0 : i32
      %dma_wait3A_241 = tpu.memref_slice %arg15[%dma_wait3A_239, %dma_wait3A_240] : memref<16384x64xf32, #tpu.memory_space<vmem_shared>> -> memref<16384x64xf32, #tpu.memory_space<vmem_shared>>
      tpu.wait_indirect_dma semaphore(%run_scoped3A_231 : memref<!tpu.dma_semaphore, #tpu.memory_space<semaphore_mem>>) src(%arg12 : memref<128x64xf32, #tpu.memory_space<vmem>>) dst(%dma_wait3A_241 : memref<16384x64xf32, #tpu.memory_space<vmem_shared>>)
      tpu.yield
    }) : () -> ()
    %add3A_91 = arith.constant 128 : i32
    %add3A_92 = arith.addi %mul3A_0, %add3A_91 : i32
    "tpu.region"() ({
      %run_scoped3A_231 = tpu.sem_alloc : memref<!tpu.dma_semaphore, #tpu.memory_space<semaphore_mem>>
      %dma_start3A = arith.constant 0 : i32
      %dma_start3A_232 = tpu.memref_slice %arg3[%add3A_92, %dma_start3A] : memref<16384x128xf32, #tpu.memory_space<hbm>> -> memref<128x128xf32, #tpu.memory_space<hbm>>
      %dma_start3A_233 = arith.constant 0 : i32
      %dma_start3A_234 = tpu.memref_slice %arg3[%add3A_92, %dma_start3A_233] : memref<16384x128xf32, #tpu.memory_space<hbm>> -> memref<128x128xf32, #tpu.memory_space<hbm>>
      tpu.enqueue_dma source(%dma_start3A_234 : memref<128x128xf32, #tpu.memory_space<hbm>>) target(%arg11 : memref<128x128xf32, #tpu.memory_space<vmem>>) target_semaphore(%run_scoped3A_231 : memref<!tpu.dma_semaphore, #tpu.memory_space<semaphore_mem>>)
      %dma_wait3A = arith.constant 0 : i32
      %dma_wait3A_235 = tpu.memref_slice %arg3[%add3A_92, %dma_wait3A] : memref<16384x128xf32, #tpu.memory_space<hbm>> -> memref<128x128xf32, #tpu.memory_space<hbm>>
      %dma_wait3A_236 = arith.constant 0 : i32
      %dma_wait3A_237 = tpu.memref_slice %arg3[%add3A_92, %dma_wait3A_236] : memref<16384x128xf32, #tpu.memory_space<hbm>> -> memref<128x128xf32, #tpu.memory_space<hbm>>
      tpu.wait_dma2 semaphore(%run_scoped3A_231 : memref<!tpu.dma_semaphore, #tpu.memory_space<semaphore_mem>>) src(%dma_wait3A_237 : memref<128x128xf32, #tpu.memory_space<hbm>>) dst(%arg11 : memref<128x128xf32, #tpu.memory_space<vmem>>)
      tpu.yield
    }) : () -> ()
    %run_scoped3A_93 = arith.constant 1 : i32
    "tpu.region"() ({
      %run_scoped3A_231 = tpu.sem_alloc : memref<!tpu.dma_semaphore, #tpu.memory_space<semaphore_mem>>
      %dma_start3A = arith.constant 0 : i32
      %dma_start3A_232 = tpu.memref_slice %arg8[%run_scoped3A_93, %dma_start3A] : memref<8x128xi32, #tpu.memory_space<vmem>> -> memref<1x128xi32, #tpu.memory_space<vmem>>
      %dma_start3A_233 = tpu.memref_squeeze %dma_start3A_232 : memref<1x128xi32, #tpu.memory_space<vmem>> -> memref<128xi32, #tpu.memory_space<vmem>>
      %dma_start3A_234 = arith.constant 0 : i32
      %dma_start3A_235 = arith.constant 0 : i32
      %dma_start3A_236 = tpu.memref_slice %arg5[%dma_start3A_234, %dma_start3A_235] : memref<1000000x128xf32, #tpu.memory_space<hbm>> -> memref<1000000x128xf32, #tpu.memory_space<hbm>>
      tpu.enqueue_indirect_dma source(%dma_start3A_236 : memref<1000000x128xf32, #tpu.memory_space<hbm>>) target(%arg10 : memref<128x128xf32, #tpu.memory_space<vmem>>) offsets(%dma_start3A_233 : memref<128xi32, #tpu.memory_space<vmem>>) semaphore(%run_scoped3A_231 : memref<!tpu.dma_semaphore, #tpu.memory_space<semaphore_mem>>)
      %dma_wait3A = arith.constant 0 : i32
      %dma_wait3A_237 = tpu.memref_slice %arg8[%run_scoped3A_93, %dma_wait3A] : memref<8x128xi32, #tpu.memory_space<vmem>> -> memref<1x128xi32, #tpu.memory_space<vmem>>
      %dma_wait3A_238 = tpu.memref_squeeze %dma_wait3A_237 : memref<1x128xi32, #tpu.memory_space<vmem>> -> memref<128xi32, #tpu.memory_space<vmem>>
      %dma_wait3A_239 = arith.constant 0 : i32
      %dma_wait3A_240 = arith.constant 0 : i32
      %dma_wait3A_241 = tpu.memref_slice %arg5[%dma_wait3A_239, %dma_wait3A_240] : memref<1000000x128xf32, #tpu.memory_space<hbm>> -> memref<1000000x128xf32, #tpu.memory_space<hbm>>
      tpu.wait_indirect_dma semaphore(%run_scoped3A_231 : memref<!tpu.dma_semaphore, #tpu.memory_space<semaphore_mem>>) src(%dma_wait3A_241 : memref<1000000x128xf32, #tpu.memory_space<hbm>>) dst(%arg10 : memref<128x128xf32, #tpu.memory_space<vmem>>)
      tpu.yield
    }) : () -> ()
    %scan3A_94 = arith.constant 0 : i32
    %scan3A_95 = arith.constant 128 : i32
    %scan3A_96 = arith.addi %scan3A_94, %scan3A_95 : i32
    %scan3A_97 = arith.constant 1 : i32
    %scan3A_98 = scf.for %scan3A_231 = %scan3A_94 to %scan3A_96 step %scan3A_97 iter_args(%scan3A_232 = %scan3A_88) -> (vector<16xf32>)  : i32 {
      %get3A = arith.index_cast %scan3A_231 : i32 to index
      %get3A_233 = arith.constant 0 : index
      %get3A_234 = tpu.vector_load %arg11[%get3A, %get3A_233] {strides = array<i32>} : memref<128x128xf32, #tpu.memory_space<vmem>>, vector<16xf32>,
      %get3A_235 = arith.index_cast %scan3A_231 : i32 to index
      %get3A_236 = arith.constant 0 : index
      %get3A_237 = tpu.vector_load %arg10[%get3A_235, %get3A_236] {strides = array<i32>} : memref<128x128xf32, #tpu.memory_space<vmem>>, vector<16xf32>,
      %sub3A = arith.subf %get3A_234, %get3A_237 : vector<16xf32>
      %mul3A_238 = arith.constant 0.00999999977 : f32
      %mul3A_239 = vector.broadcast %mul3A_238 : f32 to vector<16xf32>
      %mul3A_240 = arith.mulf %sub3A, %mul3A_239 : vector<16xf32>
      %swap3A_241 = arith.index_cast %scan3A_231 : i32 to index
      %swap3A_242 = arith.constant 0 : index
      %swap3A_243 = tpu.vector_load %arg12[%swap3A_241, %swap3A_242] {strides = array<i32>} : memref<128x64xf32, #tpu.memory_space<vmem>>, vector<16xf32>,
      tpu.vector_store %arg12[%swap3A_241, %swap3A_242], %mul3A_240 {strides = array<i32>} : memref<128x64xf32, #tpu.memory_space<vmem>>, vector<16xf32>,
      %mul3A_244 = arith.mulf %sub3A, %sub3A : vector<16xf32>
      %add3A_245 = arith.addf %scan3A_232, %mul3A_244 : vector<16xf32>
      %get3A_246 = arith.index_cast %scan3A_231 : i32 to index
      %get3A_247 = arith.constant 16 : index
      %get3A_248 = tpu.vector_load %arg11[%get3A_246, %get3A_247] {strides = array<i32>} : memref<128x128xf32, #tpu.memory_space<vmem>>, vector<16xf32>,
      %get3A_249 = arith.index_cast %scan3A_231 : i32 to index
      %get3A_250 = arith.constant 16 : index
      %get3A_251 = tpu.vector_load %arg10[%get3A_249, %get3A_250] {strides = array<i32>} : memref<128x128xf32, #tpu.memory_space<vmem>>, vector<16xf32>,
      %sub3A_252 = arith.subf %get3A_248, %get3A_251 : vector<16xf32>
      %mul3A_253 = arith.constant 0.00999999977 : f32
      %mul3A_254 = vector.broadcast %mul3A_253 : f32 to vector<16xf32>
      %mul3A_255 = arith.mulf %sub3A_252, %mul3A_254 : vector<16xf32>
      %swap3A_256 = arith.index_cast %scan3A_231 : i32 to index
      %swap3A_257 = arith.constant 16 : index
      %swap3A_258 = tpu.vector_load %arg12[%swap3A_256, %swap3A_257] {strides = array<i32>} : memref<128x64xf32, #tpu.memory_space<vmem>>, vector<16xf32>,
      tpu.vector_store %arg12[%swap3A_256, %swap3A_257], %mul3A_255 {strides = array<i32>} : memref<128x64xf32, #tpu.memory_space<vmem>>, vector<16xf32>,
      %mul3A_259 = arith.mulf %sub3A_252, %sub3A_252 : vector<16xf32>
      %add3A_260 = arith.addf %add3A_245, %mul3A_259 : vector<16xf32>
      %get3A_261 = arith.index_cast %scan3A_231 : i32 to index
      %get3A_262 = arith.constant 32 : index
      %get3A_263 = tpu.vector_load %arg11[%get3A_261, %get3A_262] {strides = array<i32>} : memref<128x128xf32, #tpu.memory_space<vmem>>, vector<16xf32>,
      %get3A_264 = arith.index_cast %scan3A_231 : i32 to index
      %get3A_265 = arith.constant 32 : index
      %get3A_266 = tpu.vector_load %arg10[%get3A_264, %get3A_265] {strides = array<i32>} : memref<128x128xf32, #tpu.memory_space<vmem>>, vector<16xf32>,
      %sub3A_267 = arith.subf %get3A_263, %get3A_266 : vector<16xf32>
      %mul3A_268 = arith.constant 0.00999999977 : f32
      %mul3A_269 = vector.broadcast %mul3A_268 : f32 to vector<16xf32>
      %mul3A_270 = arith.mulf %sub3A_267, %mul3A_269 : vector<16xf32>
      %swap3A_271 = arith.index_cast %scan3A_231 : i32 to index
      %swap3A_272 = arith.constant 32 : index
      %swap3A_273 = tpu.vector_load %arg12[%swap3A_271, %swap3A_272] {strides = array<i32>} : memref<128x64xf32, #tpu.memory_space<vmem>>, vector<16xf32>,
      tpu.vector_store %arg12[%swap3A_271, %swap3A_272], %mul3A_270 {strides = array<i32>} : memref<128x64xf32, #tpu.memory_space<vmem>>, vector<16xf32>,
      %mul3A_274 = arith.mulf %sub3A_267, %sub3A_267 : vector<16xf32>
      %add3A_275 = arith.addf %add3A_260, %mul3A_274 : vector<16xf32>
      %get3A_276 = arith.index_cast %scan3A_231 : i32 to index
      %get3A_277 = arith.constant 48 : index
      %get3A_278 = tpu.vector_load %arg11[%get3A_276, %get3A_277] {strides = array<i32>} : memref<128x128xf32, #tpu.memory_space<vmem>>, vector<16xf32>,
      %get3A_279 = arith.index_cast %scan3A_231 : i32 to index
      %get3A_280 = arith.constant 48 : index
      %get3A_281 = tpu.vector_load %arg10[%get3A_279, %get3A_280] {strides = array<i32>} : memref<128x128xf32, #tpu.memory_space<vmem>>, vector<16xf32>,
      %sub3A_282 = arith.subf %get3A_278, %get3A_281 : vector<16xf32>
      %mul3A_283 = arith.constant 0.00999999977 : f32
      %mul3A_284 = vector.broadcast %mul3A_283 : f32 to vector<16xf32>
      %mul3A_285 = arith.mulf %sub3A_282, %mul3A_284 : vector<16xf32>
      %swap3A_286 = arith.index_cast %scan3A_231 : i32 to index
      %swap3A_287 = arith.constant 48 : index
      %swap3A_288 = tpu.vector_load %arg12[%swap3A_286, %swap3A_287] {strides = array<i32>} : memref<128x64xf32, #tpu.memory_space<vmem>>, vector<16xf32>,
      tpu.vector_store %arg12[%swap3A_286, %swap3A_287], %mul3A_285 {strides = array<i32>} : memref<128x64xf32, #tpu.memory_space<vmem>>, vector<16xf32>,
      %mul3A_289 = arith.mulf %sub3A_282, %sub3A_282 : vector<16xf32>
      %add3A_290 = arith.addf %add3A_275, %mul3A_289 : vector<16xf32>
      scf.yield %add3A_290 : vector<16xf32>
    }
    %scan3A_99 = arith.constant 128 : i32
    %run_scoped3A_100 = arith.constant 1 : i32
    "tpu.region"() ({
      %run_scoped3A_231 = tpu.sem_alloc : memref<!tpu.dma_semaphore, #tpu.memory_space<semaphore_mem>>
      %dma_start3A = arith.constant 0 : i32
      %dma_start3A_232 = tpu.memref_slice %arg9[%run_scoped3A_100, %dma_start3A] : memref<8x128xi32, #tpu.memory_space<vmem>> -> memref<1x128xi32, #tpu.memory_space<vmem>>
      %dma_start3A_233 = tpu.memref_squeeze %dma_start3A_232 : memref<1x128xi32, #tpu.memory_space<vmem>> -> memref<128xi32, #tpu.memory_space<vmem>>
      %dma_start3A_234 = arith.constant 0 : i32
      %dma_start3A_235 = arith.constant 0 : i32
      %dma_start3A_236 = tpu.memref_slice %arg15[%dma_start3A_234, %dma_start3A_235] : memref<16384x64xf32, #tpu.memory_space<vmem_shared>> -> memref<16384x64xf32, #tpu.memory_space<vmem_shared>>
      tpu.enqueue_indirect_dma source(%arg12 : memref<128x64xf32, #tpu.memory_space<vmem>>) target(%dma_start3A_236 : memref<16384x64xf32, #tpu.memory_space<vmem_shared>>) offsets(%dma_start3A_233 : memref<128xi32, #tpu.memory_space<vmem>>) semaphore(%run_scoped3A_231 : memref<!tpu.dma_semaphore, #tpu.memory_space<semaphore_mem>>) {add = true}
      %dma_wait3A = arith.constant 0 : i32
      %dma_wait3A_237 = tpu.memref_slice %arg9[%run_scoped3A_100, %dma_wait3A] : memref<8x128xi32, #tpu.memory_space<vmem>> -> memref<1x128xi32, #tpu.memory_space<vmem>>
      %dma_wait3A_238 = tpu.memref_squeeze %dma_wait3A_237 : memref<1x128xi32, #tpu.memory_space<vmem>> -> memref<128xi32, #tpu.memory_space<vmem>>
      %dma_wait3A_239 = arith.constant 0 : i32
      %dma_wait3A_240 = arith.constant 0 : i32
      %dma_wait3A_241 = tpu.memref_slice %arg15[%dma_wait3A_239, %dma_wait3A_240] : memref<16384x64xf32, #tpu.memory_space<vmem_shared>> -> memref<16384x64xf32, #tpu.memory_space<vmem_shared>>
      tpu.wait_indirect_dma semaphore(%run_scoped3A_231 : memref<!tpu.dma_semaphore, #tpu.memory_space<semaphore_mem>>) src(%arg12 : memref<128x64xf32, #tpu.memory_space<vmem>>) dst(%dma_wait3A_241 : memref<16384x64xf32, #tpu.memory_space<vmem_shared>>)
      tpu.yield
    }) : () -> ()
    %add3A_101 = arith.constant 256 : i32
    %add3A_102 = arith.addi %mul3A_0, %add3A_101 : i32
    "tpu.region"() ({
      %run_scoped3A_231 = tpu.sem_alloc : memref<!tpu.dma_semaphore, #tpu.memory_space<semaphore_mem>>
      %dma_start3A = arith.constant 0 : i32
      %dma_start3A_232 = tpu.memref_slice %arg3[%add3A_102, %dma_start3A] : memref<16384x128xf32, #tpu.memory_space<hbm>> -> memref<128x128xf32, #tpu.memory_space<hbm>>
      %dma_start3A_233 = arith.constant 0 : i32
      %dma_start3A_234 = tpu.memref_slice %arg3[%add3A_102, %dma_start3A_233] : memref<16384x128xf32, #tpu.memory_space<hbm>> -> memref<128x128xf32, #tpu.memory_space<hbm>>
      tpu.enqueue_dma source(%dma_start3A_234 : memref<128x128xf32, #tpu.memory_space<hbm>>) target(%arg11 : memref<128x128xf32, #tpu.memory_space<vmem>>) target_semaphore(%run_scoped3A_231 : memref<!tpu.dma_semaphore, #tpu.memory_space<semaphore_mem>>)
      %dma_wait3A = arith.constant 0 : i32
      %dma_wait3A_235 = tpu.memref_slice %arg3[%add3A_102, %dma_wait3A] : memref<16384x128xf32, #tpu.memory_space<hbm>> -> memref<128x128xf32, #tpu.memory_space<hbm>>
      %dma_wait3A_236 = arith.constant 0 : i32
      %dma_wait3A_237 = tpu.memref_slice %arg3[%add3A_102, %dma_wait3A_236] : memref<16384x128xf32, #tpu.memory_space<hbm>> -> memref<128x128xf32, #tpu.memory_space<hbm>>
      tpu.wait_dma2 semaphore(%run_scoped3A_231 : memref<!tpu.dma_semaphore, #tpu.memory_space<semaphore_mem>>) src(%dma_wait3A_237 : memref<128x128xf32, #tpu.memory_space<hbm>>) dst(%arg11 : memref<128x128xf32, #tpu.memory_space<vmem>>)
      tpu.yield
    }) : () -> ()
    %run_scoped3A_103 = arith.constant 2 : i32
    "tpu.region"() ({
      %run_scoped3A_231 = tpu.sem_alloc : memref<!tpu.dma_semaphore, #tpu.memory_space<semaphore_mem>>
      %dma_start3A = arith.constant 0 : i32
      %dma_start3A_232 = tpu.memref_slice %arg8[%run_scoped3A_103, %dma_start3A] : memref<8x128xi32, #tpu.memory_space<vmem>> -> memref<1x128xi32, #tpu.memory_space<vmem>>
      %dma_start3A_233 = tpu.memref_squeeze %dma_start3A_232 : memref<1x128xi32, #tpu.memory_space<vmem>> -> memref<128xi32, #tpu.memory_space<vmem>>
      %dma_start3A_234 = arith.constant 0 : i32
      %dma_start3A_235 = arith.constant 0 : i32
      %dma_start3A_236 = tpu.memref_slice %arg5[%dma_start3A_234, %dma_start3A_235] : memref<1000000x128xf32, #tpu.memory_space<hbm>> -> memref<1000000x128xf32, #tpu.memory_space<hbm>>
      tpu.enqueue_indirect_dma source(%dma_start3A_236 : memref<1000000x128xf32, #tpu.memory_space<hbm>>) target(%arg10 : memref<128x128xf32, #tpu.memory_space<vmem>>) offsets(%dma_start3A_233 : memref<128xi32, #tpu.memory_space<vmem>>) semaphore(%run_scoped3A_231 : memref<!tpu.dma_semaphore, #tpu.memory_space<semaphore_mem>>)
      %dma_wait3A = arith.constant 0 : i32
      %dma_wait3A_237 = tpu.memref_slice %arg8[%run_scoped3A_103, %dma_wait3A] : memref<8x128xi32, #tpu.memory_space<vmem>> -> memref<1x128xi32, #tpu.memory_space<vmem>>
      %dma_wait3A_238 = tpu.memref_squeeze %dma_wait3A_237 : memref<1x128xi32, #tpu.memory_space<vmem>> -> memref<128xi32, #tpu.memory_space<vmem>>
      %dma_wait3A_239 = arith.constant 0 : i32
      %dma_wait3A_240 = arith.constant 0 : i32
      %dma_wait3A_241 = tpu.memref_slice %arg5[%dma_wait3A_239, %dma_wait3A_240] : memref<1000000x128xf32, #tpu.memory_space<hbm>> -> memref<1000000x128xf32, #tpu.memory_space<hbm>>
      tpu.wait_indirect_dma semaphore(%run_scoped3A_231 : memref<!tpu.dma_semaphore, #tpu.memory_space<semaphore_mem>>) src(%dma_wait3A_241 : memref<1000000x128xf32, #tpu.memory_space<hbm>>) dst(%arg10 : memref<128x128xf32, #tpu.memory_space<vmem>>)
      tpu.yield
    }) : () -> ()
    %scan3A_104 = arith.constant 0 : i32
    %scan3A_105 = arith.constant 128 : i32
    %scan3A_106 = arith.addi %scan3A_104, %scan3A_105 : i32
    %scan3A_107 = arith.constant 1 : i32
    %scan3A_108 = scf.for %scan3A_231 = %scan3A_104 to %scan3A_106 step %scan3A_107 iter_args(%scan3A_232 = %scan3A_98) -> (vector<16xf32>)  : i32 {
      %get3A = arith.index_cast %scan3A_231 : i32 to index
      %get3A_233 = arith.constant 0 : index
      %get3A_234 = tpu.vector_load %arg11[%get3A, %get3A_233] {strides = array<i32>} : memref<128x128xf32, #tpu.memory_space<vmem>>, vector<16xf32>,
      %get3A_235 = arith.index_cast %scan3A_231 : i32 to index
      %get3A_236 = arith.constant 0 : index
      %get3A_237 = tpu.vector_load %arg10[%get3A_235, %get3A_236] {strides = array<i32>} : memref<128x128xf32, #tpu.memory_space<vmem>>, vector<16xf32>,
      %sub3A = arith.subf %get3A_234, %get3A_237 : vector<16xf32>
      %mul3A_238 = arith.constant 0.00999999977 : f32
      %mul3A_239 = vector.broadcast %mul3A_238 : f32 to vector<16xf32>
      %mul3A_240 = arith.mulf %sub3A, %mul3A_239 : vector<16xf32>
      %swap3A_241 = arith.index_cast %scan3A_231 : i32 to index
      %swap3A_242 = arith.constant 0 : index
      %swap3A_243 = tpu.vector_load %arg12[%swap3A_241, %swap3A_242] {strides = array<i32>} : memref<128x64xf32, #tpu.memory_space<vmem>>, vector<16xf32>,
      tpu.vector_store %arg12[%swap3A_241, %swap3A_242], %mul3A_240 {strides = array<i32>} : memref<128x64xf32, #tpu.memory_space<vmem>>, vector<16xf32>,
      %mul3A_244 = arith.mulf %sub3A, %sub3A : vector<16xf32>
      %add3A_245 = arith.addf %scan3A_232, %mul3A_244 : vector<16xf32>
      %get3A_246 = arith.index_cast %scan3A_231 : i32 to index
      %get3A_247 = arith.constant 16 : index
      %get3A_248 = tpu.vector_load %arg11[%get3A_246, %get3A_247] {strides = array<i32>} : memref<128x128xf32, #tpu.memory_space<vmem>>, vector<16xf32>,
      %get3A_249 = arith.index_cast %scan3A_231 : i32 to index
      %get3A_250 = arith.constant 16 : index
      %get3A_251 = tpu.vector_load %arg10[%get3A_249, %get3A_250] {strides = array<i32>} : memref<128x128xf32, #tpu.memory_space<vmem>>, vector<16xf32>,
      %sub3A_252 = arith.subf %get3A_248, %get3A_251 : vector<16xf32>
      %mul3A_253 = arith.constant 0.00999999977 : f32
      %mul3A_254 = vector.broadcast %mul3A_253 : f32 to vector<16xf32>
      %mul3A_255 = arith.mulf %sub3A_252, %mul3A_254 : vector<16xf32>
      %swap3A_256 = arith.index_cast %scan3A_231 : i32 to index
      %swap3A_257 = arith.constant 16 : index
      %swap3A_258 = tpu.vector_load %arg12[%swap3A_256, %swap3A_257] {strides = array<i32>} : memref<128x64xf32, #tpu.memory_space<vmem>>, vector<16xf32>,
      tpu.vector_store %arg12[%swap3A_256, %swap3A_257], %mul3A_255 {strides = array<i32>} : memref<128x64xf32, #tpu.memory_space<vmem>>, vector<16xf32>,
      %mul3A_259 = arith.mulf %sub3A_252, %sub3A_252 : vector<16xf32>
      %add3A_260 = arith.addf %add3A_245, %mul3A_259 : vector<16xf32>
      %get3A_261 = arith.index_cast %scan3A_231 : i32 to index
      %get3A_262 = arith.constant 32 : index
      %get3A_263 = tpu.vector_load %arg11[%get3A_261, %get3A_262] {strides = array<i32>} : memref<128x128xf32, #tpu.memory_space<vmem>>, vector<16xf32>,
      %get3A_264 = arith.index_cast %scan3A_231 : i32 to index
      %get3A_265 = arith.constant 32 : index
      %get3A_266 = tpu.vector_load %arg10[%get3A_264, %get3A_265] {strides = array<i32>} : memref<128x128xf32, #tpu.memory_space<vmem>>, vector<16xf32>,
      %sub3A_267 = arith.subf %get3A_263, %get3A_266 : vector<16xf32>
      %mul3A_268 = arith.constant 0.00999999977 : f32
      %mul3A_269 = vector.broadcast %mul3A_268 : f32 to vector<16xf32>
      %mul3A_270 = arith.mulf %sub3A_267, %mul3A_269 : vector<16xf32>
      %swap3A_271 = arith.index_cast %scan3A_231 : i32 to index
      %swap3A_272 = arith.constant 32 : index
      %swap3A_273 = tpu.vector_load %arg12[%swap3A_271, %swap3A_272] {strides = array<i32>} : memref<128x64xf32, #tpu.memory_space<vmem>>, vector<16xf32>,
      tpu.vector_store %arg12[%swap3A_271, %swap3A_272], %mul3A_270 {strides = array<i32>} : memref<128x64xf32, #tpu.memory_space<vmem>>, vector<16xf32>,
      %mul3A_274 = arith.mulf %sub3A_267, %sub3A_267 : vector<16xf32>
      %add3A_275 = arith.addf %add3A_260, %mul3A_274 : vector<16xf32>
      %get3A_276 = arith.index_cast %scan3A_231 : i32 to index
      %get3A_277 = arith.constant 48 : index
      %get3A_278 = tpu.vector_load %arg11[%get3A_276, %get3A_277] {strides = array<i32>} : memref<128x128xf32, #tpu.memory_space<vmem>>, vector<16xf32>,
      %get3A_279 = arith.index_cast %scan3A_231 : i32 to index
      %get3A_280 = arith.constant 48 : index
      %get3A_281 = tpu.vector_load %arg10[%get3A_279, %get3A_280] {strides = array<i32>} : memref<128x128xf32, #tpu.memory_space<vmem>>, vector<16xf32>,
      %sub3A_282 = arith.subf %get3A_278, %get3A_281 : vector<16xf32>
      %mul3A_283 = arith.constant 0.00999999977 : f32
      %mul3A_284 = vector.broadcast %mul3A_283 : f32 to vector<16xf32>
      %mul3A_285 = arith.mulf %sub3A_282, %mul3A_284 : vector<16xf32>
      %swap3A_286 = arith.index_cast %scan3A_231 : i32 to index
      %swap3A_287 = arith.constant 48 : index
      %swap3A_288 = tpu.vector_load %arg12[%swap3A_286, %swap3A_287] {strides = array<i32>} : memref<128x64xf32, #tpu.memory_space<vmem>>, vector<16xf32>,
      tpu.vector_store %arg12[%swap3A_286, %swap3A_287], %mul3A_285 {strides = array<i32>} : memref<128x64xf32, #tpu.memory_space<vmem>>, vector<16xf32>,
      %mul3A_289 = arith.mulf %sub3A_282, %sub3A_282 : vector<16xf32>
      %add3A_290 = arith.addf %add3A_275, %mul3A_289 : vector<16xf32>
      scf.yield %add3A_290 : vector<16xf32>
    }
    %scan3A_109 = arith.constant 128 : i32
    %run_scoped3A_110 = arith.constant 2 : i32
    "tpu.region"() ({
      %run_scoped3A_231 = tpu.sem_alloc : memref<!tpu.dma_semaphore, #tpu.memory_space<semaphore_mem>>
      %dma_start3A = arith.constant 0 : i32
      %dma_start3A_232 = tpu.memref_slice %arg9[%run_scoped3A_110, %dma_start3A] : memref<8x128xi32, #tpu.memory_space<vmem>> -> memref<1x128xi32, #tpu.memory_space<vmem>>
      %dma_start3A_233 = tpu.memref_squeeze %dma_start3A_232 : memref<1x128xi32, #tpu.memory_space<vmem>> -> memref<128xi32, #tpu.memory_space<vmem>>
      %dma_start3A_234 = arith.constant 0 : i32
      %dma_start3A_235 = arith.constant 0 : i32
      %dma_start3A_236 = tpu.memref_slice %arg15[%dma_start3A_234, %dma_start3A_235] : memref<16384x64xf32, #tpu.memory_space<vmem_shared>> -> memref<16384x64xf32, #tpu.memory_space<vmem_shared>>
      tpu.enqueue_indirect_dma source(%arg12 : memref<128x64xf32, #tpu.memory_space<vmem>>) target(%dma_start3A_236 : memref<16384x64xf32, #tpu.memory_space<vmem_shared>>) offsets(%dma_start3A_233 : memref<128xi32, #tpu.memory_space<vmem>>) semaphore(%run_scoped3A_231 : memref<!tpu.dma_semaphore, #tpu.memory_space<semaphore_mem>>) {add = true}
      %dma_wait3A = arith.constant 0 : i32
      %dma_wait3A_237 = tpu.memref_slice %arg9[%run_scoped3A_110, %dma_wait3A] : memref<8x128xi32, #tpu.memory_space<vmem>> -> memref<1x128xi32, #tpu.memory_space<vmem>>
      %dma_wait3A_238 = tpu.memref_squeeze %dma_wait3A_237 : memref<1x128xi32, #tpu.memory_space<vmem>> -> memref<128xi32, #tpu.memory_space<vmem>>
      %dma_wait3A_239 = arith.constant 0 : i32
      %dma_wait3A_240 = arith.constant 0 : i32
      %dma_wait3A_241 = tpu.memref_slice %arg15[%dma_wait3A_239, %dma_wait3A_240] : memref<16384x64xf32, #tpu.memory_space<vmem_shared>> -> memref<16384x64xf32, #tpu.memory_space<vmem_shared>>
      tpu.wait_indirect_dma semaphore(%run_scoped3A_231 : memref<!tpu.dma_semaphore, #tpu.memory_space<semaphore_mem>>) src(%arg12 : memref<128x64xf32, #tpu.memory_space<vmem>>) dst(%dma_wait3A_241 : memref<16384x64xf32, #tpu.memory_space<vmem_shared>>)
      tpu.yield
    }) : () -> ()
    %add3A_111 = arith.constant 384 : i32
    %add3A_112 = arith.addi %mul3A_0, %add3A_111 : i32
    "tpu.region"() ({
      %run_scoped3A_231 = tpu.sem_alloc : memref<!tpu.dma_semaphore, #tpu.memory_space<semaphore_mem>>
      %dma_start3A = arith.constant 0 : i32
      %dma_start3A_232 = tpu.memref_slice %arg3[%add3A_112, %dma_start3A] : memref<16384x128xf32, #tpu.memory_space<hbm>> -> memref<128x128xf32, #tpu.memory_space<hbm>>
      %dma_start3A_233 = arith.constant 0 : i32
      %dma_start3A_234 = tpu.memref_slice %arg3[%add3A_112, %dma_start3A_233] : memref<16384x128xf32, #tpu.memory_space<hbm>> -> memref<128x128xf32, #tpu.memory_space<hbm>>
      tpu.enqueue_dma source(%dma_start3A_234 : memref<128x128xf32, #tpu.memory_space<hbm>>) target(%arg11 : memref<128x128xf32, #tpu.memory_space<vmem>>) target_semaphore(%run_scoped3A_231 : memref<!tpu.dma_semaphore, #tpu.memory_space<semaphore_mem>>)
      %dma_wait3A = arith.constant 0 : i32
      %dma_wait3A_235 = tpu.memref_slice %arg3[%add3A_112, %dma_wait3A] : memref<16384x128xf32, #tpu.memory_space<hbm>> -> memref<128x128xf32, #tpu.memory_space<hbm>>
      %dma_wait3A_236 = arith.constant 0 : i32
      %dma_wait3A_237 = tpu.memref_slice %arg3[%add3A_112, %dma_wait3A_236] : memref<16384x128xf32, #tpu.memory_space<hbm>> -> memref<128x128xf32, #tpu.memory_space<hbm>>
      tpu.wait_dma2 semaphore(%run_scoped3A_231 : memref<!tpu.dma_semaphore, #tpu.memory_space<semaphore_mem>>) src(%dma_wait3A_237 : memref<128x128xf32, #tpu.memory_space<hbm>>) dst(%arg11 : memref<128x128xf32, #tpu.memory_space<vmem>>)
      tpu.yield
    }) : () -> ()
    %run_scoped3A_113 = arith.constant 3 : i32
    "tpu.region"() ({
      %run_scoped3A_231 = tpu.sem_alloc : memref<!tpu.dma_semaphore, #tpu.memory_space<semaphore_mem>>
      %dma_start3A = arith.constant 0 : i32
      %dma_start3A_232 = tpu.memref_slice %arg8[%run_scoped3A_113, %dma_start3A] : memref<8x128xi32, #tpu.memory_space<vmem>> -> memref<1x128xi32, #tpu.memory_space<vmem>>
      %dma_start3A_233 = tpu.memref_squeeze %dma_start3A_232 : memref<1x128xi32, #tpu.memory_space<vmem>> -> memref<128xi32, #tpu.memory_space<vmem>>
      %dma_start3A_234 = arith.constant 0 : i32
      %dma_start3A_235 = arith.constant 0 : i32
      %dma_start3A_236 = tpu.memref_slice %arg5[%dma_start3A_234, %dma_start3A_235] : memref<1000000x128xf32, #tpu.memory_space<hbm>> -> memref<1000000x128xf32, #tpu.memory_space<hbm>>
      tpu.enqueue_indirect_dma source(%dma_start3A_236 : memref<1000000x128xf32, #tpu.memory_space<hbm>>) target(%arg10 : memref<128x128xf32, #tpu.memory_space<vmem>>) offsets(%dma_start3A_233 : memref<128xi32, #tpu.memory_space<vmem>>) semaphore(%run_scoped3A_231 : memref<!tpu.dma_semaphore, #tpu.memory_space<semaphore_mem>>)
      %dma_wait3A = arith.constant 0 : i32
      %dma_wait3A_237 = tpu.memref_slice %arg8[%run_scoped3A_113, %dma_wait3A] : memref<8x128xi32, #tpu.memory_space<vmem>> -> memref<1x128xi32, #tpu.memory_space<vmem>>
      %dma_wait3A_238 = tpu.memref_squeeze %dma_wait3A_237 : memref<1x128xi32, #tpu.memory_space<vmem>> -> memref<128xi32, #tpu.memory_space<vmem>>
      %dma_wait3A_239 = arith.constant 0 : i32
      %dma_wait3A_240 = arith.constant 0 : i32
      %dma_wait3A_241 = tpu.memref_slice %arg5[%dma_wait3A_239, %dma_wait3A_240] : memref<1000000x128xf32, #tpu.memory_space<hbm>> -> memref<1000000x128xf32, #tpu.memory_space<hbm>>
      tpu.wait_indirect_dma semaphore(%run_scoped3A_231 : memref<!tpu.dma_semaphore, #tpu.memory_space<semaphore_mem>>) src(%dma_wait3A_241 : memref<1000000x128xf32, #tpu.memory_space<hbm>>) dst(%arg10 : memref<128x128xf32, #tpu.memory_space<vmem>>)
      tpu.yield
    }) : () -> ()
    %scan3A_114 = arith.constant 0 : i32
    %scan3A_115 = arith.constant 128 : i32
    %scan3A_116 = arith.addi %scan3A_114, %scan3A_115 : i32
    %scan3A_117 = arith.constant 1 : i32
    %scan3A_118 = scf.for %scan3A_231 = %scan3A_114 to %scan3A_116 step %scan3A_117 iter_args(%scan3A_232 = %scan3A_108) -> (vector<16xf32>)  : i32 {
      %get3A = arith.index_cast %scan3A_231 : i32 to index
      %get3A_233 = arith.constant 0 : index
      %get3A_234 = tpu.vector_load %arg11[%get3A, %get3A_233] {strides = array<i32>} : memref<128x128xf32, #tpu.memory_space<vmem>>, vector<16xf32>,
      %get3A_235 = arith.index_cast %scan3A_231 : i32 to index
      %get3A_236 = arith.constant 0 : index
      %get3A_237 = tpu.vector_load %arg10[%get3A_235, %get3A_236] {strides = array<i32>} : memref<128x128xf32, #tpu.memory_space<vmem>>, vector<16xf32>,
      %sub3A = arith.subf %get3A_234, %get3A_237 : vector<16xf32>
      %mul3A_238 = arith.constant 0.00999999977 : f32
      %mul3A_239 = vector.broadcast %mul3A_238 : f32 to vector<16xf32>
      %mul3A_240 = arith.mulf %sub3A, %mul3A_239 : vector<16xf32>
      %swap3A_241 = arith.index_cast %scan3A_231 : i32 to index
      %swap3A_242 = arith.constant 0 : index
      %swap3A_243 = tpu.vector_load %arg12[%swap3A_241, %swap3A_242] {strides = array<i32>} : memref<128x64xf32, #tpu.memory_space<vmem>>, vector<16xf32>,
      tpu.vector_store %arg12[%swap3A_241, %swap3A_242], %mul3A_240 {strides = array<i32>} : memref<128x64xf32, #tpu.memory_space<vmem>>, vector<16xf32>,
      %mul3A_244 = arith.mulf %sub3A, %sub3A : vector<16xf32>
      %add3A_245 = arith.addf %scan3A_232, %mul3A_244 : vector<16xf32>
      %get3A_246 = arith.index_cast %scan3A_231 : i32 to index
      %get3A_247 = arith.constant 16 : index
      %get3A_248 = tpu.vector_load %arg11[%get3A_246, %get3A_247] {strides = array<i32>} : memref<128x128xf32, #tpu.memory_space<vmem>>, vector<16xf32>,
      %get3A_249 = arith.index_cast %scan3A_231 : i32 to index
      %get3A_250 = arith.constant 16 : index
      %get3A_251 = tpu.vector_load %arg10[%get3A_249, %get3A_250] {strides = array<i32>} : memref<128x128xf32, #tpu.memory_space<vmem>>, vector<16xf32>,
      %sub3A_252 = arith.subf %get3A_248, %get3A_251 : vector<16xf32>
      %mul3A_253 = arith.constant 0.00999999977 : f32
      %mul3A_254 = vector.broadcast %mul3A_253 : f32 to vector<16xf32>
      %mul3A_255 = arith.mulf %sub3A_252, %mul3A_254 : vector<16xf32>
      %swap3A_256 = arith.index_cast %scan3A_231 : i32 to index
      %swap3A_257 = arith.constant 16 : index
      %swap3A_258 = tpu.vector_load %arg12[%swap3A_256, %swap3A_257] {strides = array<i32>} : memref<128x64xf32, #tpu.memory_space<vmem>>, vector<16xf32>,
      tpu.vector_store %arg12[%swap3A_256, %swap3A_257], %mul3A_255 {strides = array<i32>} : memref<128x64xf32, #tpu.memory_space<vmem>>, vector<16xf32>,
      %mul3A_259 = arith.mulf %sub3A_252, %sub3A_252 : vector<16xf32>
      %add3A_260 = arith.addf %add3A_245, %mul3A_259 : vector<16xf32>
      %get3A_261 = arith.index_cast %scan3A_231 : i32 to index
      %get3A_262 = arith.constant 32 : index
      %get3A_263 = tpu.vector_load %arg11[%get3A_261, %get3A_262] {strides = array<i32>} : memref<128x128xf32, #tpu.memory_space<vmem>>, vector<16xf32>,
      %get3A_264 = arith.index_cast %scan3A_231 : i32 to index
      %get3A_265 = arith.constant 32 : index
      %get3A_266 = tpu.vector_load %arg10[%get3A_264, %get3A_265] {strides = array<i32>} : memref<128x128xf32, #tpu.memory_space<vmem>>, vector<16xf32>,
      %sub3A_267 = arith.subf %get3A_263, %get3A_266 : vector<16xf32>
      %mul3A_268 = arith.constant 0.00999999977 : f32
      %mul3A_269 = vector.broadcast %mul3A_268 : f32 to vector<16xf32>
      %mul3A_270 = arith.mulf %sub3A_267, %mul3A_269 : vector<16xf32>
      %swap3A_271 = arith.index_cast %scan3A_231 : i32 to index
      %swap3A_272 = arith.constant 32 : index
      %swap3A_273 = tpu.vector_load %arg12[%swap3A_271, %swap3A_272] {strides = array<i32>} : memref<128x64xf32, #tpu.memory_space<vmem>>, vector<16xf32>,
      tpu.vector_store %arg12[%swap3A_271, %swap3A_272], %mul3A_270 {strides = array<i32>} : memref<128x64xf32, #tpu.memory_space<vmem>>, vector<16xf32>,
      %mul3A_274 = arith.mulf %sub3A_267, %sub3A_267 : vector<16xf32>
      %add3A_275 = arith.addf %add3A_260, %mul3A_274 : vector<16xf32>
      %get3A_276 = arith.index_cast %scan3A_231 : i32 to index
      %get3A_277 = arith.constant 48 : index
      %get3A_278 = tpu.vector_load %arg11[%get3A_276, %get3A_277] {strides = array<i32>} : memref<128x128xf32, #tpu.memory_space<vmem>>, vector<16xf32>,
      %get3A_279 = arith.index_cast %scan3A_231 : i32 to index
      %get3A_280 = arith.constant 48 : index
      %get3A_281 = tpu.vector_load %arg10[%get3A_279, %get3A_280] {strides = array<i32>} : memref<128x128xf32, #tpu.memory_space<vmem>>, vector<16xf32>,
      %sub3A_282 = arith.subf %get3A_278, %get3A_281 : vector<16xf32>
      %mul3A_283 = arith.constant 0.00999999977 : f32
      %mul3A_284 = vector.broadcast %mul3A_283 : f32 to vector<16xf32>
      %mul3A_285 = arith.mulf %sub3A_282, %mul3A_284 : vector<16xf32>
      %swap3A_286 = arith.index_cast %scan3A_231 : i32 to index
      %swap3A_287 = arith.constant 48 : index
      %swap3A_288 = tpu.vector_load %arg12[%swap3A_286, %swap3A_287] {strides = array<i32>} : memref<128x64xf32, #tpu.memory_space<vmem>>, vector<16xf32>,
      tpu.vector_store %arg12[%swap3A_286, %swap3A_287], %mul3A_285 {strides = array<i32>} : memref<128x64xf32, #tpu.memory_space<vmem>>, vector<16xf32>,
      %mul3A_289 = arith.mulf %sub3A_282, %sub3A_282 : vector<16xf32>
      %add3A_290 = arith.addf %add3A_275, %mul3A_289 : vector<16xf32>
      scf.yield %add3A_290 : vector<16xf32>
    }
    %scan3A_119 = arith.constant 128 : i32
    %run_scoped3A_120 = arith.constant 3 : i32
    "tpu.region"() ({
      %run_scoped3A_231 = tpu.sem_alloc : memref<!tpu.dma_semaphore, #tpu.memory_space<semaphore_mem>>
      %dma_start3A = arith.constant 0 : i32
      %dma_start3A_232 = tpu.memref_slice %arg9[%run_scoped3A_120, %dma_start3A] : memref<8x128xi32, #tpu.memory_space<vmem>> -> memref<1x128xi32, #tpu.memory_space<vmem>>
      %dma_start3A_233 = tpu.memref_squeeze %dma_start3A_232 : memref<1x128xi32, #tpu.memory_space<vmem>> -> memref<128xi32, #tpu.memory_space<vmem>>
      %dma_start3A_234 = arith.constant 0 : i32
      %dma_start3A_235 = arith.constant 0 : i32
      %dma_start3A_236 = tpu.memref_slice %arg15[%dma_start3A_234, %dma_start3A_235] : memref<16384x64xf32, #tpu.memory_space<vmem_shared>> -> memref<16384x64xf32, #tpu.memory_space<vmem_shared>>
      tpu.enqueue_indirect_dma source(%arg12 : memref<128x64xf32, #tpu.memory_space<vmem>>) target(%dma_start3A_236 : memref<16384x64xf32, #tpu.memory_space<vmem_shared>>) offsets(%dma_start3A_233 : memref<128xi32, #tpu.memory_space<vmem>>) semaphore(%run_scoped3A_231 : memref<!tpu.dma_semaphore, #tpu.memory_space<semaphore_mem>>) {add = true}
      %dma_wait3A = arith.constant 0 : i32
      %dma_wait3A_237 = tpu.memref_slice %arg9[%run_scoped3A_120, %dma_wait3A] : memref<8x128xi32, #tpu.memory_space<vmem>> -> memref<1x128xi32, #tpu.memory_space<vmem>>
      %dma_wait3A_238 = tpu.memref_squeeze %dma_wait3A_237 : memref<1x128xi32, #tpu.memory_space<vmem>> -> memref<128xi32, #tpu.memory_space<vmem>>
      %dma_wait3A_239 = arith.constant 0 : i32
      %dma_wait3A_240 = arith.constant 0 : i32
      %dma_wait3A_241 = tpu.memref_slice %arg15[%dma_wait3A_239, %dma_wait3A_240] : memref<16384x64xf32, #tpu.memory_space<vmem_shared>> -> memref<16384x64xf32, #tpu.memory_space<vmem_shared>>
      tpu.wait_indirect_dma semaphore(%run_scoped3A_231 : memref<!tpu.dma_semaphore, #tpu.memory_space<semaphore_mem>>) src(%arg12 : memref<128x64xf32, #tpu.memory_space<vmem>>) dst(%dma_wait3A_241 : memref<16384x64xf32, #tpu.memory_space<vmem_shared>>)
      tpu.yield
    }) : () -> ()
    %add3A_121 = arith.constant 512 : i32
    %add3A_122 = arith.addi %mul3A_0, %add3A_121 : i32
    "tpu.region"() ({
      %run_scoped3A_231 = tpu.sem_alloc : memref<!tpu.dma_semaphore, #tpu.memory_space<semaphore_mem>>
      %dma_start3A = arith.constant 0 : i32
      %dma_start3A_232 = tpu.memref_slice %arg3[%add3A_122, %dma_start3A] : memref<16384x128xf32, #tpu.memory_space<hbm>> -> memref<128x128xf32, #tpu.memory_space<hbm>>
      %dma_start3A_233 = arith.constant 0 : i32
      %dma_start3A_234 = tpu.memref_slice %arg3[%add3A_122, %dma_start3A_233] : memref<16384x128xf32, #tpu.memory_space<hbm>> -> memref<128x128xf32, #tpu.memory_space<hbm>>
      tpu.enqueue_dma source(%dma_start3A_234 : memref<128x128xf32, #tpu.memory_space<hbm>>) target(%arg11 : memref<128x128xf32, #tpu.memory_space<vmem>>) target_semaphore(%run_scoped3A_231 : memref<!tpu.dma_semaphore, #tpu.memory_space<semaphore_mem>>)
      %dma_wait3A = arith.constant 0 : i32
      %dma_wait3A_235 = tpu.memref_slice %arg3[%add3A_122, %dma_wait3A] : memref<16384x128xf32, #tpu.memory_space<hbm>> -> memref<128x128xf32, #tpu.memory_space<hbm>>
      %dma_wait3A_236 = arith.constant 0 : i32
      %dma_wait3A_237 = tpu.memref_slice %arg3[%add3A_122, %dma_wait3A_236] : memref<16384x128xf32, #tpu.memory_space<hbm>> -> memref<128x128xf32, #tpu.memory_space<hbm>>
      tpu.wait_dma2 semaphore(%run_scoped3A_231 : memref<!tpu.dma_semaphore, #tpu.memory_space<semaphore_mem>>) src(%dma_wait3A_237 : memref<128x128xf32, #tpu.memory_space<hbm>>) dst(%arg11 : memref<128x128xf32, #tpu.memory_space<vmem>>)
      tpu.yield
    }) : () -> ()
    %run_scoped3A_123 = arith.constant 4 : i32
    "tpu.region"() ({
      %run_scoped3A_231 = tpu.sem_alloc : memref<!tpu.dma_semaphore, #tpu.memory_space<semaphore_mem>>
      %dma_start3A = arith.constant 0 : i32
      %dma_start3A_232 = tpu.memref_slice %arg8[%run_scoped3A_123, %dma_start3A] : memref<8x128xi32, #tpu.memory_space<vmem>> -> memref<1x128xi32, #tpu.memory_space<vmem>>
      %dma_start3A_233 = tpu.memref_squeeze %dma_start3A_232 : memref<1x128xi32, #tpu.memory_space<vmem>> -> memref<128xi32, #tpu.memory_space<vmem>>
      %dma_start3A_234 = arith.constant 0 : i32
      %dma_start3A_235 = arith.constant 0 : i32
      %dma_start3A_236 = tpu.memref_slice %arg5[%dma_start3A_234, %dma_start3A_235] : memref<1000000x128xf32, #tpu.memory_space<hbm>> -> memref<1000000x128xf32, #tpu.memory_space<hbm>>
      tpu.enqueue_indirect_dma source(%dma_start3A_236 : memref<1000000x128xf32, #tpu.memory_space<hbm>>) target(%arg10 : memref<128x128xf32, #tpu.memory_space<vmem>>) offsets(%dma_start3A_233 : memref<128xi32, #tpu.memory_space<vmem>>) semaphore(%run_scoped3A_231 : memref<!tpu.dma_semaphore, #tpu.memory_space<semaphore_mem>>)
      %dma_wait3A = arith.constant 0 : i32
      %dma_wait3A_237 = tpu.memref_slice %arg8[%run_scoped3A_123, %dma_wait3A] : memref<8x128xi32, #tpu.memory_space<vmem>> -> memref<1x128xi32, #tpu.memory_space<vmem>>
      %dma_wait3A_238 = tpu.memref_squeeze %dma_wait3A_237 : memref<1x128xi32, #tpu.memory_space<vmem>> -> memref<128xi32, #tpu.memory_space<vmem>>
      %dma_wait3A_239 = arith.constant 0 : i32
      %dma_wait3A_240 = arith.constant 0 : i32
      %dma_wait3A_241 = tpu.memref_slice %arg5[%dma_wait3A_239, %dma_wait3A_240] : memref<1000000x128xf32, #tpu.memory_space<hbm>> -> memref<1000000x128xf32, #tpu.memory_space<hbm>>
      tpu.wait_indirect_dma semaphore(%run_scoped3A_231 : memref<!tpu.dma_semaphore, #tpu.memory_space<semaphore_mem>>) src(%dma_wait3A_241 : memref<1000000x128xf32, #tpu.memory_space<hbm>>) dst(%arg10 : memref<128x128xf32, #tpu.memory_space<vmem>>)
      tpu.yield
    }) : () -> ()
    %scan3A_124 = arith.constant 0 : i32
    %scan3A_125 = arith.constant 128 : i32
    %scan3A_126 = arith.addi %scan3A_124, %scan3A_125 : i32
    %scan3A_127 = arith.constant 1 : i32
    %scan3A_128 = scf.for %scan3A_231 = %scan3A_124 to %scan3A_126 step %scan3A_127 iter_args(%scan3A_232 = %scan3A_118) -> (vector<16xf32>)  : i32 {
      %get3A = arith.index_cast %scan3A_231 : i32 to index
      %get3A_233 = arith.constant 0 : index
      %get3A_234 = tpu.vector_load %arg11[%get3A, %get3A_233] {strides = array<i32>} : memref<128x128xf32, #tpu.memory_space<vmem>>, vector<16xf32>,
      %get3A_235 = arith.index_cast %scan3A_231 : i32 to index
      %get3A_236 = arith.constant 0 : index
      %get3A_237 = tpu.vector_load %arg10[%get3A_235, %get3A_236] {strides = array<i32>} : memref<128x128xf32, #tpu.memory_space<vmem>>, vector<16xf32>,
      %sub3A = arith.subf %get3A_234, %get3A_237 : vector<16xf32>
      %mul3A_238 = arith.constant 0.00999999977 : f32
      %mul3A_239 = vector.broadcast %mul3A_238 : f32 to vector<16xf32>
      %mul3A_240 = arith.mulf %sub3A, %mul3A_239 : vector<16xf32>
      %swap3A_241 = arith.index_cast %scan3A_231 : i32 to index
      %swap3A_242 = arith.constant 0 : index
      %swap3A_243 = tpu.vector_load %arg12[%swap3A_241, %swap3A_242] {strides = array<i32>} : memref<128x64xf32, #tpu.memory_space<vmem>>, vector<16xf32>,
      tpu.vector_store %arg12[%swap3A_241, %swap3A_242], %mul3A_240 {strides = array<i32>} : memref<128x64xf32, #tpu.memory_space<vmem>>, vector<16xf32>,
      %mul3A_244 = arith.mulf %sub3A, %sub3A : vector<16xf32>
      %add3A_245 = arith.addf %scan3A_232, %mul3A_244 : vector<16xf32>
      %get3A_246 = arith.index_cast %scan3A_231 : i32 to index
      %get3A_247 = arith.constant 16 : index
      %get3A_248 = tpu.vector_load %arg11[%get3A_246, %get3A_247] {strides = array<i32>} : memref<128x128xf32, #tpu.memory_space<vmem>>, vector<16xf32>,
      %get3A_249 = arith.index_cast %scan3A_231 : i32 to index
      %get3A_250 = arith.constant 16 : index
      %get3A_251 = tpu.vector_load %arg10[%get3A_249, %get3A_250] {strides = array<i32>} : memref<128x128xf32, #tpu.memory_space<vmem>>, vector<16xf32>,
      %sub3A_252 = arith.subf %get3A_248, %get3A_251 : vector<16xf32>
      %mul3A_253 = arith.constant 0.00999999977 : f32
      %mul3A_254 = vector.broadcast %mul3A_253 : f32 to vector<16xf32>
      %mul3A_255 = arith.mulf %sub3A_252, %mul3A_254 : vector<16xf32>
      %swap3A_256 = arith.index_cast %scan3A_231 : i32 to index
      %swap3A_257 = arith.constant 16 : index
      %swap3A_258 = tpu.vector_load %arg12[%swap3A_256, %swap3A_257] {strides = array<i32>} : memref<128x64xf32, #tpu.memory_space<vmem>>, vector<16xf32>,
      tpu.vector_store %arg12[%swap3A_256, %swap3A_257], %mul3A_255 {strides = array<i32>} : memref<128x64xf32, #tpu.memory_space<vmem>>, vector<16xf32>,
      %mul3A_259 = arith.mulf %sub3A_252, %sub3A_252 : vector<16xf32>
      %add3A_260 = arith.addf %add3A_245, %mul3A_259 : vector<16xf32>
      %get3A_261 = arith.index_cast %scan3A_231 : i32 to index
      %get3A_262 = arith.constant 32 : index
      %get3A_263 = tpu.vector_load %arg11[%get3A_261, %get3A_262] {strides = array<i32>} : memref<128x128xf32, #tpu.memory_space<vmem>>, vector<16xf32>,
      %get3A_264 = arith.index_cast %scan3A_231 : i32 to index
      %get3A_265 = arith.constant 32 : index
      %get3A_266 = tpu.vector_load %arg10[%get3A_264, %get3A_265] {strides = array<i32>} : memref<128x128xf32, #tpu.memory_space<vmem>>, vector<16xf32>,
      %sub3A_267 = arith.subf %get3A_263, %get3A_266 : vector<16xf32>
      %mul3A_268 = arith.constant 0.00999999977 : f32
      %mul3A_269 = vector.broadcast %mul3A_268 : f32 to vector<16xf32>
      %mul3A_270 = arith.mulf %sub3A_267, %mul3A_269 : vector<16xf32>
      %swap3A_271 = arith.index_cast %scan3A_231 : i32 to index
      %swap3A_272 = arith.constant 32 : index
      %swap3A_273 = tpu.vector_load %arg12[%swap3A_271, %swap3A_272] {strides = array<i32>} : memref<128x64xf32, #tpu.memory_space<vmem>>, vector<16xf32>,
      tpu.vector_store %arg12[%swap3A_271, %swap3A_272], %mul3A_270 {strides = array<i32>} : memref<128x64xf32, #tpu.memory_space<vmem>>, vector<16xf32>,
      %mul3A_274 = arith.mulf %sub3A_267, %sub3A_267 : vector<16xf32>
      %add3A_275 = arith.addf %add3A_260, %mul3A_274 : vector<16xf32>
      %get3A_276 = arith.index_cast %scan3A_231 : i32 to index
      %get3A_277 = arith.constant 48 : index
      %get3A_278 = tpu.vector_load %arg11[%get3A_276, %get3A_277] {strides = array<i32>} : memref<128x128xf32, #tpu.memory_space<vmem>>, vector<16xf32>,
      %get3A_279 = arith.index_cast %scan3A_231 : i32 to index
      %get3A_280 = arith.constant 48 : index
      %get3A_281 = tpu.vector_load %arg10[%get3A_279, %get3A_280] {strides = array<i32>} : memref<128x128xf32, #tpu.memory_space<vmem>>, vector<16xf32>,
      %sub3A_282 = arith.subf %get3A_278, %get3A_281 : vector<16xf32>
      %mul3A_283 = arith.constant 0.00999999977 : f32
      %mul3A_284 = vector.broadcast %mul3A_283 : f32 to vector<16xf32>
      %mul3A_285 = arith.mulf %sub3A_282, %mul3A_284 : vector<16xf32>
      %swap3A_286 = arith.index_cast %scan3A_231 : i32 to index
      %swap3A_287 = arith.constant 48 : index
      %swap3A_288 = tpu.vector_load %arg12[%swap3A_286, %swap3A_287] {strides = array<i32>} : memref<128x64xf32, #tpu.memory_space<vmem>>, vector<16xf32>,
      tpu.vector_store %arg12[%swap3A_286, %swap3A_287], %mul3A_285 {strides = array<i32>} : memref<128x64xf32, #tpu.memory_space<vmem>>, vector<16xf32>,
      %mul3A_289 = arith.mulf %sub3A_282, %sub3A_282 : vector<16xf32>
      %add3A_290 = arith.addf %add3A_275, %mul3A_289 : vector<16xf32>
      scf.yield %add3A_290 : vector<16xf32>
    }
    %scan3A_129 = arith.constant 128 : i32
    %run_scoped3A_130 = arith.constant 4 : i32
    "tpu.region"() ({
      %run_scoped3A_231 = tpu.sem_alloc : memref<!tpu.dma_semaphore, #tpu.memory_space<semaphore_mem>>
      %dma_start3A = arith.constant 0 : i32
      %dma_start3A_232 = tpu.memref_slice %arg9[%run_scoped3A_130, %dma_start3A] : memref<8x128xi32, #tpu.memory_space<vmem>> -> memref<1x128xi32, #tpu.memory_space<vmem>>
      %dma_start3A_233 = tpu.memref_squeeze %dma_start3A_232 : memref<1x128xi32, #tpu.memory_space<vmem>> -> memref<128xi32, #tpu.memory_space<vmem>>
      %dma_start3A_234 = arith.constant 0 : i32
      %dma_start3A_235 = arith.constant 0 : i32
      %dma_start3A_236 = tpu.memref_slice %arg15[%dma_start3A_234, %dma_start3A_235] : memref<16384x64xf32, #tpu.memory_space<vmem_shared>> -> memref<16384x64xf32, #tpu.memory_space<vmem_shared>>
      tpu.enqueue_indirect_dma source(%arg12 : memref<128x64xf32, #tpu.memory_space<vmem>>) target(%dma_start3A_236 : memref<16384x64xf32, #tpu.memory_space<vmem_shared>>) offsets(%dma_start3A_233 : memref<128xi32, #tpu.memory_space<vmem>>) semaphore(%run_scoped3A_231 : memref<!tpu.dma_semaphore, #tpu.memory_space<semaphore_mem>>) {add = true}
      %dma_wait3A = arith.constant 0 : i32
      %dma_wait3A_237 = tpu.memref_slice %arg9[%run_scoped3A_130, %dma_wait3A] : memref<8x128xi32, #tpu.memory_space<vmem>> -> memref<1x128xi32, #tpu.memory_space<vmem>>
      %dma_wait3A_238 = tpu.memref_squeeze %dma_wait3A_237 : memref<1x128xi32, #tpu.memory_space<vmem>> -> memref<128xi32, #tpu.memory_space<vmem>>
      %dma_wait3A_239 = arith.constant 0 : i32
      %dma_wait3A_240 = arith.constant 0 : i32
      %dma_wait3A_241 = tpu.memref_slice %arg15[%dma_wait3A_239, %dma_wait3A_240] : memref<16384x64xf32, #tpu.memory_space<vmem_shared>> -> memref<16384x64xf32, #tpu.memory_space<vmem_shared>>
      tpu.wait_indirect_dma semaphore(%run_scoped3A_231 : memref<!tpu.dma_semaphore, #tpu.memory_space<semaphore_mem>>) src(%arg12 : memref<128x64xf32, #tpu.memory_space<vmem>>) dst(%dma_wait3A_241 : memref<16384x64xf32, #tpu.memory_space<vmem_shared>>)
      tpu.yield
    }) : () -> ()
    %add3A_131 = arith.constant 640 : i32
    %add3A_132 = arith.addi %mul3A_0, %add3A_131 : i32
    "tpu.region"() ({
      %run_scoped3A_231 = tpu.sem_alloc : memref<!tpu.dma_semaphore, #tpu.memory_space<semaphore_mem>>
      %dma_start3A = arith.constant 0 : i32
      %dma_start3A_232 = tpu.memref_slice %arg3[%add3A_132, %dma_start3A] : memref<16384x128xf32, #tpu.memory_space<hbm>> -> memref<128x128xf32, #tpu.memory_space<hbm>>
      %dma_start3A_233 = arith.constant 0 : i32
      %dma_start3A_234 = tpu.memref_slice %arg3[%add3A_132, %dma_start3A_233] : memref<16384x128xf32, #tpu.memory_space<hbm>> -> memref<128x128xf32, #tpu.memory_space<hbm>>
      tpu.enqueue_dma source(%dma_start3A_234 : memref<128x128xf32, #tpu.memory_space<hbm>>) target(%arg11 : memref<128x128xf32, #tpu.memory_space<vmem>>) target_semaphore(%run_scoped3A_231 : memref<!tpu.dma_semaphore, #tpu.memory_space<semaphore_mem>>)
      %dma_wait3A = arith.constant 0 : i32
      %dma_wait3A_235 = tpu.memref_slice %arg3[%add3A_132, %dma_wait3A] : memref<16384x128xf32, #tpu.memory_space<hbm>> -> memref<128x128xf32, #tpu.memory_space<hbm>>
      %dma_wait3A_236 = arith.constant 0 : i32
      %dma_wait3A_237 = tpu.memref_slice %arg3[%add3A_132, %dma_wait3A_236] : memref<16384x128xf32, #tpu.memory_space<hbm>> -> memref<128x128xf32, #tpu.memory_space<hbm>>
      tpu.wait_dma2 semaphore(%run_scoped3A_231 : memref<!tpu.dma_semaphore, #tpu.memory_space<semaphore_mem>>) src(%dma_wait3A_237 : memref<128x128xf32, #tpu.memory_space<hbm>>) dst(%arg11 : memref<128x128xf32, #tpu.memory_space<vmem>>)
      tpu.yield
    }) : () -> ()
    %run_scoped3A_133 = arith.constant 5 : i32
    "tpu.region"() ({
      %run_scoped3A_231 = tpu.sem_alloc : memref<!tpu.dma_semaphore, #tpu.memory_space<semaphore_mem>>
      %dma_start3A = arith.constant 0 : i32
      %dma_start3A_232 = tpu.memref_slice %arg8[%run_scoped3A_133, %dma_start3A] : memref<8x128xi32, #tpu.memory_space<vmem>> -> memref<1x128xi32, #tpu.memory_space<vmem>>
      %dma_start3A_233 = tpu.memref_squeeze %dma_start3A_232 : memref<1x128xi32, #tpu.memory_space<vmem>> -> memref<128xi32, #tpu.memory_space<vmem>>
      %dma_start3A_234 = arith.constant 0 : i32
      %dma_start3A_235 = arith.constant 0 : i32
      %dma_start3A_236 = tpu.memref_slice %arg5[%dma_start3A_234, %dma_start3A_235] : memref<1000000x128xf32, #tpu.memory_space<hbm>> -> memref<1000000x128xf32, #tpu.memory_space<hbm>>
      tpu.enqueue_indirect_dma source(%dma_start3A_236 : memref<1000000x128xf32, #tpu.memory_space<hbm>>) target(%arg10 : memref<128x128xf32, #tpu.memory_space<vmem>>) offsets(%dma_start3A_233 : memref<128xi32, #tpu.memory_space<vmem>>) semaphore(%run_scoped3A_231 : memref<!tpu.dma_semaphore, #tpu.memory_space<semaphore_mem>>)
      %dma_wait3A = arith.constant 0 : i32
      %dma_wait3A_237 = tpu.memref_slice %arg8[%run_scoped3A_133, %dma_wait3A] : memref<8x128xi32, #tpu.memory_space<vmem>> -> memref<1x128xi32, #tpu.memory_space<vmem>>
      %dma_wait3A_238 = tpu.memref_squeeze %dma_wait3A_237 : memref<1x128xi32, #tpu.memory_space<vmem>> -> memref<128xi32, #tpu.memory_space<vmem>>
      %dma_wait3A_239 = arith.constant 0 : i32
      %dma_wait3A_240 = arith.constant 0 : i32
      %dma_wait3A_241 = tpu.memref_slice %arg5[%dma_wait3A_239, %dma_wait3A_240] : memref<1000000x128xf32, #tpu.memory_space<hbm>> -> memref<1000000x128xf32, #tpu.memory_space<hbm>>
      tpu.wait_indirect_dma semaphore(%run_scoped3A_231 : memref<!tpu.dma_semaphore, #tpu.memory_space<semaphore_mem>>) src(%dma_wait3A_241 : memref<1000000x128xf32, #tpu.memory_space<hbm>>) dst(%arg10 : memref<128x128xf32, #tpu.memory_space<vmem>>)
      tpu.yield
    }) : () -> ()
    %scan3A_134 = arith.constant 0 : i32
    %scan3A_135 = arith.constant 128 : i32
    %scan3A_136 = arith.addi %scan3A_134, %scan3A_135 : i32
    %scan3A_137 = arith.constant 1 : i32
    %scan3A_138 = scf.for %scan3A_231 = %scan3A_134 to %scan3A_136 step %scan3A_137 iter_args(%scan3A_232 = %scan3A_128) -> (vector<16xf32>)  : i32 {
      %get3A = arith.index_cast %scan3A_231 : i32 to index
      %get3A_233 = arith.constant 0 : index
      %get3A_234 = tpu.vector_load %arg11[%get3A, %get3A_233] {strides = array<i32>} : memref<128x128xf32, #tpu.memory_space<vmem>>, vector<16xf32>,
      %get3A_235 = arith.index_cast %scan3A_231 : i32 to index
      %get3A_236 = arith.constant 0 : index
      %get3A_237 = tpu.vector_load %arg10[%get3A_235, %get3A_236] {strides = array<i32>} : memref<128x128xf32, #tpu.memory_space<vmem>>, vector<16xf32>,
      %sub3A = arith.subf %get3A_234, %get3A_237 : vector<16xf32>
      %mul3A_238 = arith.constant 0.00999999977 : f32
      %mul3A_239 = vector.broadcast %mul3A_238 : f32 to vector<16xf32>
      %mul3A_240 = arith.mulf %sub3A, %mul3A_239 : vector<16xf32>
      %swap3A_241 = arith.index_cast %scan3A_231 : i32 to index
      %swap3A_242 = arith.constant 0 : index
      %swap3A_243 = tpu.vector_load %arg12[%swap3A_241, %swap3A_242] {strides = array<i32>} : memref<128x64xf32, #tpu.memory_space<vmem>>, vector<16xf32>,
      tpu.vector_store %arg12[%swap3A_241, %swap3A_242], %mul3A_240 {strides = array<i32>} : memref<128x64xf32, #tpu.memory_space<vmem>>, vector<16xf32>,
      %mul3A_244 = arith.mulf %sub3A, %sub3A : vector<16xf32>
      %add3A_245 = arith.addf %scan3A_232, %mul3A_244 : vector<16xf32>
      %get3A_246 = arith.index_cast %scan3A_231 : i32 to index
      %get3A_247 = arith.constant 16 : index
      %get3A_248 = tpu.vector_load %arg11[%get3A_246, %get3A_247] {strides = array<i32>} : memref<128x128xf32, #tpu.memory_space<vmem>>, vector<16xf32>,
      %get3A_249 = arith.index_cast %scan3A_231 : i32 to index
      %get3A_250 = arith.constant 16 : index
      %get3A_251 = tpu.vector_load %arg10[%get3A_249, %get3A_250] {strides = array<i32>} : memref<128x128xf32, #tpu.memory_space<vmem>>, vector<16xf32>,
      %sub3A_252 = arith.subf %get3A_248, %get3A_251 : vector<16xf32>
      %mul3A_253 = arith.constant 0.00999999977 : f32
      %mul3A_254 = vector.broadcast %mul3A_253 : f32 to vector<16xf32>
      %mul3A_255 = arith.mulf %sub3A_252, %mul3A_254 : vector<16xf32>
      %swap3A_256 = arith.index_cast %scan3A_231 : i32 to index
      %swap3A_257 = arith.constant 16 : index
      %swap3A_258 = tpu.vector_load %arg12[%swap3A_256, %swap3A_257] {strides = array<i32>} : memref<128x64xf32, #tpu.memory_space<vmem>>, vector<16xf32>,
      tpu.vector_store %arg12[%swap3A_256, %swap3A_257], %mul3A_255 {strides = array<i32>} : memref<128x64xf32, #tpu.memory_space<vmem>>, vector<16xf32>,
      %mul3A_259 = arith.mulf %sub3A_252, %sub3A_252 : vector<16xf32>
      %add3A_260 = arith.addf %add3A_245, %mul3A_259 : vector<16xf32>
      %get3A_261 = arith.index_cast %scan3A_231 : i32 to index
      %get3A_262 = arith.constant 32 : index
      %get3A_263 = tpu.vector_load %arg11[%get3A_261, %get3A_262] {strides = array<i32>} : memref<128x128xf32, #tpu.memory_space<vmem>>, vector<16xf32>,
      %get3A_264 = arith.index_cast %scan3A_231 : i32 to index
      %get3A_265 = arith.constant 32 : index
      %get3A_266 = tpu.vector_load %arg10[%get3A_264, %get3A_265] {strides = array<i32>} : memref<128x128xf32, #tpu.memory_space<vmem>>, vector<16xf32>,
      %sub3A_267 = arith.subf %get3A_263, %get3A_266 : vector<16xf32>
      %mul3A_268 = arith.constant 0.00999999977 : f32
      %mul3A_269 = vector.broadcast %mul3A_268 : f32 to vector<16xf32>
      %mul3A_270 = arith.mulf %sub3A_267, %mul3A_269 : vector<16xf32>
      %swap3A_271 = arith.index_cast %scan3A_231 : i32 to index
      %swap3A_272 = arith.constant 32 : index
      %swap3A_273 = tpu.vector_load %arg12[%swap3A_271, %swap3A_272] {strides = array<i32>} : memref<128x64xf32, #tpu.memory_space<vmem>>, vector<16xf32>,
      tpu.vector_store %arg12[%swap3A_271, %swap3A_272], %mul3A_270 {strides = array<i32>} : memref<128x64xf32, #tpu.memory_space<vmem>>, vector<16xf32>,
      %mul3A_274 = arith.mulf %sub3A_267, %sub3A_267 : vector<16xf32>
      %add3A_275 = arith.addf %add3A_260, %mul3A_274 : vector<16xf32>
      %get3A_276 = arith.index_cast %scan3A_231 : i32 to index
      %get3A_277 = arith.constant 48 : index
      %get3A_278 = tpu.vector_load %arg11[%get3A_276, %get3A_277] {strides = array<i32>} : memref<128x128xf32, #tpu.memory_space<vmem>>, vector<16xf32>,
      %get3A_279 = arith.index_cast %scan3A_231 : i32 to index
      %get3A_280 = arith.constant 48 : index
      %get3A_281 = tpu.vector_load %arg10[%get3A_279, %get3A_280] {strides = array<i32>} : memref<128x128xf32, #tpu.memory_space<vmem>>, vector<16xf32>,
      %sub3A_282 = arith.subf %get3A_278, %get3A_281 : vector<16xf32>
      %mul3A_283 = arith.constant 0.00999999977 : f32
      %mul3A_284 = vector.broadcast %mul3A_283 : f32 to vector<16xf32>
      %mul3A_285 = arith.mulf %sub3A_282, %mul3A_284 : vector<16xf32>
      %swap3A_286 = arith.index_cast %scan3A_231 : i32 to index
      %swap3A_287 = arith.constant 48 : index
      %swap3A_288 = tpu.vector_load %arg12[%swap3A_286, %swap3A_287] {strides = array<i32>} : memref<128x64xf32, #tpu.memory_space<vmem>>, vector<16xf32>,
      tpu.vector_store %arg12[%swap3A_286, %swap3A_287], %mul3A_285 {strides = array<i32>} : memref<128x64xf32, #tpu.memory_space<vmem>>, vector<16xf32>,
      %mul3A_289 = arith.mulf %sub3A_282, %sub3A_282 : vector<16xf32>
      %add3A_290 = arith.addf %add3A_275, %mul3A_289 : vector<16xf32>
      scf.yield %add3A_290 : vector<16xf32>
    }
    %scan3A_139 = arith.constant 128 : i32
    %run_scoped3A_140 = arith.constant 5 : i32
    "tpu.region"() ({
      %run_scoped3A_231 = tpu.sem_alloc : memref<!tpu.dma_semaphore, #tpu.memory_space<semaphore_mem>>
      %dma_start3A = arith.constant 0 : i32
      %dma_start3A_232 = tpu.memref_slice %arg9[%run_scoped3A_140, %dma_start3A] : memref<8x128xi32, #tpu.memory_space<vmem>> -> memref<1x128xi32, #tpu.memory_space<vmem>>
      %dma_start3A_233 = tpu.memref_squeeze %dma_start3A_232 : memref<1x128xi32, #tpu.memory_space<vmem>> -> memref<128xi32, #tpu.memory_space<vmem>>
      %dma_start3A_234 = arith.constant 0 : i32
      %dma_start3A_235 = arith.constant 0 : i32
      %dma_start3A_236 = tpu.memref_slice %arg15[%dma_start3A_234, %dma_start3A_235] : memref<16384x64xf32, #tpu.memory_space<vmem_shared>> -> memref<16384x64xf32, #tpu.memory_space<vmem_shared>>
      tpu.enqueue_indirect_dma source(%arg12 : memref<128x64xf32, #tpu.memory_space<vmem>>) target(%dma_start3A_236 : memref<16384x64xf32, #tpu.memory_space<vmem_shared>>) offsets(%dma_start3A_233 : memref<128xi32, #tpu.memory_space<vmem>>) semaphore(%run_scoped3A_231 : memref<!tpu.dma_semaphore, #tpu.memory_space<semaphore_mem>>) {add = true}
      %dma_wait3A = arith.constant 0 : i32
      %dma_wait3A_237 = tpu.memref_slice %arg9[%run_scoped3A_140, %dma_wait3A] : memref<8x128xi32, #tpu.memory_space<vmem>> -> memref<1x128xi32, #tpu.memory_space<vmem>>
      %dma_wait3A_238 = tpu.memref_squeeze %dma_wait3A_237 : memref<1x128xi32, #tpu.memory_space<vmem>> -> memref<128xi32, #tpu.memory_space<vmem>>
      %dma_wait3A_239 = arith.constant 0 : i32
      %dma_wait3A_240 = arith.constant 0 : i32
      %dma_wait3A_241 = tpu.memref_slice %arg15[%dma_wait3A_239, %dma_wait3A_240] : memref<16384x64xf32, #tpu.memory_space<vmem_shared>> -> memref<16384x64xf32, #tpu.memory_space<vmem_shared>>
      tpu.wait_indirect_dma semaphore(%run_scoped3A_231 : memref<!tpu.dma_semaphore, #tpu.memory_space<semaphore_mem>>) src(%arg12 : memref<128x64xf32, #tpu.memory_space<vmem>>) dst(%dma_wait3A_241 : memref<16384x64xf32, #tpu.memory_space<vmem_shared>>)
      tpu.yield
    }) : () -> ()
    %add3A_141 = arith.constant 768 : i32
    %add3A_142 = arith.addi %mul3A_0, %add3A_141 : i32
    "tpu.region"() ({
      %run_scoped3A_231 = tpu.sem_alloc : memref<!tpu.dma_semaphore, #tpu.memory_space<semaphore_mem>>
      %dma_start3A = arith.constant 0 : i32
      %dma_start3A_232 = tpu.memref_slice %arg3[%add3A_142, %dma_start3A] : memref<16384x128xf32, #tpu.memory_space<hbm>> -> memref<128x128xf32, #tpu.memory_space<hbm>>
      %dma_start3A_233 = arith.constant 0 : i32
      %dma_start3A_234 = tpu.memref_slice %arg3[%add3A_142, %dma_start3A_233] : memref<16384x128xf32, #tpu.memory_space<hbm>> -> memref<128x128xf32, #tpu.memory_space<hbm>>
      tpu.enqueue_dma source(%dma_start3A_234 : memref<128x128xf32, #tpu.memory_space<hbm>>) target(%arg11 : memref<128x128xf32, #tpu.memory_space<vmem>>) target_semaphore(%run_scoped3A_231 : memref<!tpu.dma_semaphore, #tpu.memory_space<semaphore_mem>>)
      %dma_wait3A = arith.constant 0 : i32
      %dma_wait3A_235 = tpu.memref_slice %arg3[%add3A_142, %dma_wait3A] : memref<16384x128xf32, #tpu.memory_space<hbm>> -> memref<128x128xf32, #tpu.memory_space<hbm>>
      %dma_wait3A_236 = arith.constant 0 : i32
      %dma_wait3A_237 = tpu.memref_slice %arg3[%add3A_142, %dma_wait3A_236] : memref<16384x128xf32, #tpu.memory_space<hbm>> -> memref<128x128xf32, #tpu.memory_space<hbm>>
      tpu.wait_dma2 semaphore(%run_scoped3A_231 : memref<!tpu.dma_semaphore, #tpu.memory_space<semaphore_mem>>) src(%dma_wait3A_237 : memref<128x128xf32, #tpu.memory_space<hbm>>) dst(%arg11 : memref<128x128xf32, #tpu.memory_space<vmem>>)
      tpu.yield
    }) : () -> ()
    %run_scoped3A_143 = arith.constant 6 : i32
    "tpu.region"() ({
      %run_scoped3A_231 = tpu.sem_alloc : memref<!tpu.dma_semaphore, #tpu.memory_space<semaphore_mem>>
      %dma_start3A = arith.constant 0 : i32
      %dma_start3A_232 = tpu.memref_slice %arg8[%run_scoped3A_143, %dma_start3A] : memref<8x128xi32, #tpu.memory_space<vmem>> -> memref<1x128xi32, #tpu.memory_space<vmem>>
      %dma_start3A_233 = tpu.memref_squeeze %dma_start3A_232 : memref<1x128xi32, #tpu.memory_space<vmem>> -> memref<128xi32, #tpu.memory_space<vmem>>
      %dma_start3A_234 = arith.constant 0 : i32
      %dma_start3A_235 = arith.constant 0 : i32
      %dma_start3A_236 = tpu.memref_slice %arg5[%dma_start3A_234, %dma_start3A_235] : memref<1000000x128xf32, #tpu.memory_space<hbm>> -> memref<1000000x128xf32, #tpu.memory_space<hbm>>
      tpu.enqueue_indirect_dma source(%dma_start3A_236 : memref<1000000x128xf32, #tpu.memory_space<hbm>>) target(%arg10 : memref<128x128xf32, #tpu.memory_space<vmem>>) offsets(%dma_start3A_233 : memref<128xi32, #tpu.memory_space<vmem>>) semaphore(%run_scoped3A_231 : memref<!tpu.dma_semaphore, #tpu.memory_space<semaphore_mem>>)
      %dma_wait3A = arith.constant 0 : i32
      %dma_wait3A_237 = tpu.memref_slice %arg8[%run_scoped3A_143, %dma_wait3A] : memref<8x128xi32, #tpu.memory_space<vmem>> -> memref<1x128xi32, #tpu.memory_space<vmem>>
      %dma_wait3A_238 = tpu.memref_squeeze %dma_wait3A_237 : memref<1x128xi32, #tpu.memory_space<vmem>> -> memref<128xi32, #tpu.memory_space<vmem>>
      %dma_wait3A_239 = arith.constant 0 : i32
      %dma_wait3A_240 = arith.constant 0 : i32
      %dma_wait3A_241 = tpu.memref_slice %arg5[%dma_wait3A_239, %dma_wait3A_240] : memref<1000000x128xf32, #tpu.memory_space<hbm>> -> memref<1000000x128xf32, #tpu.memory_space<hbm>>
      tpu.wait_indirect_dma semaphore(%run_scoped3A_231 : memref<!tpu.dma_semaphore, #tpu.memory_space<semaphore_mem>>) src(%dma_wait3A_241 : memref<1000000x128xf32, #tpu.memory_space<hbm>>) dst(%arg10 : memref<128x128xf32, #tpu.memory_space<vmem>>)
      tpu.yield
    }) : () -> ()
    %scan3A_144 = arith.constant 0 : i32
    %scan3A_145 = arith.constant 128 : i32
    %scan3A_146 = arith.addi %scan3A_144, %scan3A_145 : i32
    %scan3A_147 = arith.constant 1 : i32
    %scan3A_148 = scf.for %scan3A_231 = %scan3A_144 to %scan3A_146 step %scan3A_147 iter_args(%scan3A_232 = %scan3A_138) -> (vector<16xf32>)  : i32 {
      %get3A = arith.index_cast %scan3A_231 : i32 to index
      %get3A_233 = arith.constant 0 : index
      %get3A_234 = tpu.vector_load %arg11[%get3A, %get3A_233] {strides = array<i32>} : memref<128x128xf32, #tpu.memory_space<vmem>>, vector<16xf32>,
      %get3A_235 = arith.index_cast %scan3A_231 : i32 to index
      %get3A_236 = arith.constant 0 : index
      %get3A_237 = tpu.vector_load %arg10[%get3A_235, %get3A_236] {strides = array<i32>} : memref<128x128xf32, #tpu.memory_space<vmem>>, vector<16xf32>,
      %sub3A = arith.subf %get3A_234, %get3A_237 : vector<16xf32>
      %mul3A_238 = arith.constant 0.00999999977 : f32
      %mul3A_239 = vector.broadcast %mul3A_238 : f32 to vector<16xf32>
      %mul3A_240 = arith.mulf %sub3A, %mul3A_239 : vector<16xf32>
      %swap3A_241 = arith.index_cast %scan3A_231 : i32 to index
      %swap3A_242 = arith.constant 0 : index
      %swap3A_243 = tpu.vector_load %arg12[%swap3A_241, %swap3A_242] {strides = array<i32>} : memref<128x64xf32, #tpu.memory_space<vmem>>, vector<16xf32>,
      tpu.vector_store %arg12[%swap3A_241, %swap3A_242], %mul3A_240 {strides = array<i32>} : memref<128x64xf32, #tpu.memory_space<vmem>>, vector<16xf32>,
      %mul3A_244 = arith.mulf %sub3A, %sub3A : vector<16xf32>
      %add3A_245 = arith.addf %scan3A_232, %mul3A_244 : vector<16xf32>
      %get3A_246 = arith.index_cast %scan3A_231 : i32 to index
      %get3A_247 = arith.constant 16 : index
      %get3A_248 = tpu.vector_load %arg11[%get3A_246, %get3A_247] {strides = array<i32>} : memref<128x128xf32, #tpu.memory_space<vmem>>, vector<16xf32>,
      %get3A_249 = arith.index_cast %scan3A_231 : i32 to index
      %get3A_250 = arith.constant 16 : index
      %get3A_251 = tpu.vector_load %arg10[%get3A_249, %get3A_250] {strides = array<i32>} : memref<128x128xf32, #tpu.memory_space<vmem>>, vector<16xf32>,
      %sub3A_252 = arith.subf %get3A_248, %get3A_251 : vector<16xf32>
      %mul3A_253 = arith.constant 0.00999999977 : f32
      %mul3A_254 = vector.broadcast %mul3A_253 : f32 to vector<16xf32>
      %mul3A_255 = arith.mulf %sub3A_252, %mul3A_254 : vector<16xf32>
      %swap3A_256 = arith.index_cast %scan3A_231 : i32 to index
      %swap3A_257 = arith.constant 16 : index
      %swap3A_258 = tpu.vector_load %arg12[%swap3A_256, %swap3A_257] {strides = array<i32>} : memref<128x64xf32, #tpu.memory_space<vmem>>, vector<16xf32>,
      tpu.vector_store %arg12[%swap3A_256, %swap3A_257], %mul3A_255 {strides = array<i32>} : memref<128x64xf32, #tpu.memory_space<vmem>>, vector<16xf32>,
      %mul3A_259 = arith.mulf %sub3A_252, %sub3A_252 : vector<16xf32>
      %add3A_260 = arith.addf %add3A_245, %mul3A_259 : vector<16xf32>
      %get3A_261 = arith.index_cast %scan3A_231 : i32 to index
      %get3A_262 = arith.constant 32 : index
      %get3A_263 = tpu.vector_load %arg11[%get3A_261, %get3A_262] {strides = array<i32>} : memref<128x128xf32, #tpu.memory_space<vmem>>, vector<16xf32>,
      %get3A_264 = arith.index_cast %scan3A_231 : i32 to index
      %get3A_265 = arith.constant 32 : index
      %get3A_266 = tpu.vector_load %arg10[%get3A_264, %get3A_265] {strides = array<i32>} : memref<128x128xf32, #tpu.memory_space<vmem>>, vector<16xf32>,
      %sub3A_267 = arith.subf %get3A_263, %get3A_266 : vector<16xf32>
      %mul3A_268 = arith.constant 0.00999999977 : f32
      %mul3A_269 = vector.broadcast %mul3A_268 : f32 to vector<16xf32>
      %mul3A_270 = arith.mulf %sub3A_267, %mul3A_269 : vector<16xf32>
      %swap3A_271 = arith.index_cast %scan3A_231 : i32 to index
      %swap3A_272 = arith.constant 32 : index
      %swap3A_273 = tpu.vector_load %arg12[%swap3A_271, %swap3A_272] {strides = array<i32>} : memref<128x64xf32, #tpu.memory_space<vmem>>, vector<16xf32>,
      tpu.vector_store %arg12[%swap3A_271, %swap3A_272], %mul3A_270 {strides = array<i32>} : memref<128x64xf32, #tpu.memory_space<vmem>>, vector<16xf32>,
      %mul3A_274 = arith.mulf %sub3A_267, %sub3A_267 : vector<16xf32>
      %add3A_275 = arith.addf %add3A_260, %mul3A_274 : vector<16xf32>
      %get3A_276 = arith.index_cast %scan3A_231 : i32 to index
      %get3A_277 = arith.constant 48 : index
      %get3A_278 = tpu.vector_load %arg11[%get3A_276, %get3A_277] {strides = array<i32>} : memref<128x128xf32, #tpu.memory_space<vmem>>, vector<16xf32>,
      %get3A_279 = arith.index_cast %scan3A_231 : i32 to index
      %get3A_280 = arith.constant 48 : index
      %get3A_281 = tpu.vector_load %arg10[%get3A_279, %get3A_280] {strides = array<i32>} : memref<128x128xf32, #tpu.memory_space<vmem>>, vector<16xf32>,
      %sub3A_282 = arith.subf %get3A_278, %get3A_281 : vector<16xf32>
      %mul3A_283 = arith.constant 0.00999999977 : f32
      %mul3A_284 = vector.broadcast %mul3A_283 : f32 to vector<16xf32>
      %mul3A_285 = arith.mulf %sub3A_282, %mul3A_284 : vector<16xf32>
      %swap3A_286 = arith.index_cast %scan3A_231 : i32 to index
      %swap3A_287 = arith.constant 48 : index
      %swap3A_288 = tpu.vector_load %arg12[%swap3A_286, %swap3A_287] {strides = array<i32>} : memref<128x64xf32, #tpu.memory_space<vmem>>, vector<16xf32>,
      tpu.vector_store %arg12[%swap3A_286, %swap3A_287], %mul3A_285 {strides = array<i32>} : memref<128x64xf32, #tpu.memory_space<vmem>>, vector<16xf32>,
      %mul3A_289 = arith.mulf %sub3A_282, %sub3A_282 : vector<16xf32>
      %add3A_290 = arith.addf %add3A_275, %mul3A_289 : vector<16xf32>
      scf.yield %add3A_290 : vector<16xf32>
    }
    %scan3A_149 = arith.constant 128 : i32
    %run_scoped3A_150 = arith.constant 6 : i32
    "tpu.region"() ({
      %run_scoped3A_231 = tpu.sem_alloc : memref<!tpu.dma_semaphore, #tpu.memory_space<semaphore_mem>>
      %dma_start3A = arith.constant 0 : i32
      %dma_start3A_232 = tpu.memref_slice %arg9[%run_scoped3A_150, %dma_start3A] : memref<8x128xi32, #tpu.memory_space<vmem>> -> memref<1x128xi32, #tpu.memory_space<vmem>>
      %dma_start3A_233 = tpu.memref_squeeze %dma_start3A_232 : memref<1x128xi32, #tpu.memory_space<vmem>> -> memref<128xi32, #tpu.memory_space<vmem>>
      %dma_start3A_234 = arith.constant 0 : i32
      %dma_start3A_235 = arith.constant 0 : i32
      %dma_start3A_236 = tpu.memref_slice %arg15[%dma_start3A_234, %dma_start3A_235] : memref<16384x64xf32, #tpu.memory_space<vmem_shared>> -> memref<16384x64xf32, #tpu.memory_space<vmem_shared>>
      tpu.enqueue_indirect_dma source(%arg12 : memref<128x64xf32, #tpu.memory_space<vmem>>) target(%dma_start3A_236 : memref<16384x64xf32, #tpu.memory_space<vmem_shared>>) offsets(%dma_start3A_233 : memref<128xi32, #tpu.memory_space<vmem>>) semaphore(%run_scoped3A_231 : memref<!tpu.dma_semaphore, #tpu.memory_space<semaphore_mem>>) {add = true}
      %dma_wait3A = arith.constant 0 : i32
      %dma_wait3A_237 = tpu.memref_slice %arg9[%run_scoped3A_150, %dma_wait3A] : memref<8x128xi32, #tpu.memory_space<vmem>> -> memref<1x128xi32, #tpu.memory_space<vmem>>
      %dma_wait3A_238 = tpu.memref_squeeze %dma_wait3A_237 : memref<1x128xi32, #tpu.memory_space<vmem>> -> memref<128xi32, #tpu.memory_space<vmem>>
      %dma_wait3A_239 = arith.constant 0 : i32
      %dma_wait3A_240 = arith.constant 0 : i32
      %dma_wait3A_241 = tpu.memref_slice %arg15[%dma_wait3A_239, %dma_wait3A_240] : memref<16384x64xf32, #tpu.memory_space<vmem_shared>> -> memref<16384x64xf32, #tpu.memory_space<vmem_shared>>
      tpu.wait_indirect_dma semaphore(%run_scoped3A_231 : memref<!tpu.dma_semaphore, #tpu.memory_space<semaphore_mem>>) src(%arg12 : memref<128x64xf32, #tpu.memory_space<vmem>>) dst(%dma_wait3A_241 : memref<16384x64xf32, #tpu.memory_space<vmem_shared>>)
      tpu.yield
    }) : () -> ()
    %add3A_151 = arith.constant 896 : i32
    %add3A_152 = arith.addi %mul3A_0, %add3A_151 : i32
    "tpu.region"() ({
      %run_scoped3A_231 = tpu.sem_alloc : memref<!tpu.dma_semaphore, #tpu.memory_space<semaphore_mem>>
      %dma_start3A = arith.constant 0 : i32
      %dma_start3A_232 = tpu.memref_slice %arg3[%add3A_152, %dma_start3A] : memref<16384x128xf32, #tpu.memory_space<hbm>> -> memref<128x128xf32, #tpu.memory_space<hbm>>
      %dma_start3A_233 = arith.constant 0 : i32
      %dma_start3A_234 = tpu.memref_slice %arg3[%add3A_152, %dma_start3A_233] : memref<16384x128xf32, #tpu.memory_space<hbm>> -> memref<128x128xf32, #tpu.memory_space<hbm>>
      tpu.enqueue_dma source(%dma_start3A_234 : memref<128x128xf32, #tpu.memory_space<hbm>>) target(%arg11 : memref<128x128xf32, #tpu.memory_space<vmem>>) target_semaphore(%run_scoped3A_231 : memref<!tpu.dma_semaphore, #tpu.memory_space<semaphore_mem>>)
      %dma_wait3A = arith.constant 0 : i32
      %dma_wait3A_235 = tpu.memref_slice %arg3[%add3A_152, %dma_wait3A] : memref<16384x128xf32, #tpu.memory_space<hbm>> -> memref<128x128xf32, #tpu.memory_space<hbm>>
      %dma_wait3A_236 = arith.constant 0 : i32
      %dma_wait3A_237 = tpu.memref_slice %arg3[%add3A_152, %dma_wait3A_236] : memref<16384x128xf32, #tpu.memory_space<hbm>> -> memref<128x128xf32, #tpu.memory_space<hbm>>
      tpu.wait_dma2 semaphore(%run_scoped3A_231 : memref<!tpu.dma_semaphore, #tpu.memory_space<semaphore_mem>>) src(%dma_wait3A_237 : memref<128x128xf32, #tpu.memory_space<hbm>>) dst(%arg11 : memref<128x128xf32, #tpu.memory_space<vmem>>)
      tpu.yield
    }) : () -> ()
    %run_scoped3A_153 = arith.constant 7 : i32
    "tpu.region"() ({
      %run_scoped3A_231 = tpu.sem_alloc : memref<!tpu.dma_semaphore, #tpu.memory_space<semaphore_mem>>
      %dma_start3A = arith.constant 0 : i32
      %dma_start3A_232 = tpu.memref_slice %arg8[%run_scoped3A_153, %dma_start3A] : memref<8x128xi32, #tpu.memory_space<vmem>> -> memref<1x128xi32, #tpu.memory_space<vmem>>
      %dma_start3A_233 = tpu.memref_squeeze %dma_start3A_232 : memref<1x128xi32, #tpu.memory_space<vmem>> -> memref<128xi32, #tpu.memory_space<vmem>>
      %dma_start3A_234 = arith.constant 0 : i32
      %dma_start3A_235 = arith.constant 0 : i32
      %dma_start3A_236 = tpu.memref_slice %arg5[%dma_start3A_234, %dma_start3A_235] : memref<1000000x128xf32, #tpu.memory_space<hbm>> -> memref<1000000x128xf32, #tpu.memory_space<hbm>>
      tpu.enqueue_indirect_dma source(%dma_start3A_236 : memref<1000000x128xf32, #tpu.memory_space<hbm>>) target(%arg10 : memref<128x128xf32, #tpu.memory_space<vmem>>) offsets(%dma_start3A_233 : memref<128xi32, #tpu.memory_space<vmem>>) semaphore(%run_scoped3A_231 : memref<!tpu.dma_semaphore, #tpu.memory_space<semaphore_mem>>)
      %dma_wait3A = arith.constant 0 : i32
      %dma_wait3A_237 = tpu.memref_slice %arg8[%run_scoped3A_153, %dma_wait3A] : memref<8x128xi32, #tpu.memory_space<vmem>> -> memref<1x128xi32, #tpu.memory_space<vmem>>
      %dma_wait3A_238 = tpu.memref_squeeze %dma_wait3A_237 : memref<1x128xi32, #tpu.memory_space<vmem>> -> memref<128xi32, #tpu.memory_space<vmem>>
      %dma_wait3A_239 = arith.constant 0 : i32
      %dma_wait3A_240 = arith.constant 0 : i32
      %dma_wait3A_241 = tpu.memref_slice %arg5[%dma_wait3A_239, %dma_wait3A_240] : memref<1000000x128xf32, #tpu.memory_space<hbm>> -> memref<1000000x128xf32, #tpu.memory_space<hbm>>
      tpu.wait_indirect_dma semaphore(%run_scoped3A_231 : memref<!tpu.dma_semaphore, #tpu.memory_space<semaphore_mem>>) src(%dma_wait3A_241 : memref<1000000x128xf32, #tpu.memory_space<hbm>>) dst(%arg10 : memref<128x128xf32, #tpu.memory_space<vmem>>)
      tpu.yield
    }) : () -> ()
    %scan3A_154 = arith.constant 0 : i32
    %scan3A_155 = arith.constant 128 : i32
    %scan3A_156 = arith.addi %scan3A_154, %scan3A_155 : i32
    %scan3A_157 = arith.constant 1 : i32
    %scan3A_158 = scf.for %scan3A_231 = %scan3A_154 to %scan3A_156 step %scan3A_157 iter_args(%scan3A_232 = %scan3A_148) -> (vector<16xf32>)  : i32 {
      %get3A = arith.index_cast %scan3A_231 : i32 to index
      %get3A_233 = arith.constant 0 : index
      %get3A_234 = tpu.vector_load %arg11[%get3A, %get3A_233] {strides = array<i32>} : memref<128x128xf32, #tpu.memory_space<vmem>>, vector<16xf32>,
      %get3A_235 = arith.index_cast %scan3A_231 : i32 to index
      %get3A_236 = arith.constant 0 : index
      %get3A_237 = tpu.vector_load %arg10[%get3A_235, %get3A_236] {strides = array<i32>} : memref<128x128xf32, #tpu.memory_space<vmem>>, vector<16xf32>,
      %sub3A = arith.subf %get3A_234, %get3A_237 : vector<16xf32>
      %mul3A_238 = arith.constant 0.00999999977 : f32
      %mul3A_239 = vector.broadcast %mul3A_238 : f32 to vector<16xf32>
      %mul3A_240 = arith.mulf %sub3A, %mul3A_239 : vector<16xf32>
      %swap3A_241 = arith.index_cast %scan3A_231 : i32 to index
      %swap3A_242 = arith.constant 0 : index
      %swap3A_243 = tpu.vector_load %arg12[%swap3A_241, %swap3A_242] {strides = array<i32>} : memref<128x64xf32, #tpu.memory_space<vmem>>, vector<16xf32>,
      tpu.vector_store %arg12[%swap3A_241, %swap3A_242], %mul3A_240 {strides = array<i32>} : memref<128x64xf32, #tpu.memory_space<vmem>>, vector<16xf32>,
      %mul3A_244 = arith.mulf %sub3A, %sub3A : vector<16xf32>
      %add3A_245 = arith.addf %scan3A_232, %mul3A_244 : vector<16xf32>
      %get3A_246 = arith.index_cast %scan3A_231 : i32 to index
      %get3A_247 = arith.constant 16 : index
      %get3A_248 = tpu.vector_load %arg11[%get3A_246, %get3A_247] {strides = array<i32>} : memref<128x128xf32, #tpu.memory_space<vmem>>, vector<16xf32>,
      %get3A_249 = arith.index_cast %scan3A_231 : i32 to index
      %get3A_250 = arith.constant 16 : index
      %get3A_251 = tpu.vector_load %arg10[%get3A_249, %get3A_250] {strides = array<i32>} : memref<128x128xf32, #tpu.memory_space<vmem>>, vector<16xf32>,
      %sub3A_252 = arith.subf %get3A_248, %get3A_251 : vector<16xf32>
      %mul3A_253 = arith.constant 0.00999999977 : f32
      %mul3A_254 = vector.broadcast %mul3A_253 : f32 to vector<16xf32>
      %mul3A_255 = arith.mulf %sub3A_252, %mul3A_254 : vector<16xf32>
      %swap3A_256 = arith.index_cast %scan3A_231 : i32 to index
      %swap3A_257 = arith.constant 16 : index
      %swap3A_258 = tpu.vector_load %arg12[%swap3A_256, %swap3A_257] {strides = array<i32>} : memref<128x64xf32, #tpu.memory_space<vmem>>, vector<16xf32>,
      tpu.vector_store %arg12[%swap3A_256, %swap3A_257], %mul3A_255 {strides = array<i32>} : memref<128x64xf32, #tpu.memory_space<vmem>>, vector<16xf32>,
      %mul3A_259 = arith.mulf %sub3A_252, %sub3A_252 : vector<16xf32>
      %add3A_260 = arith.addf %add3A_245, %mul3A_259 : vector<16xf32>
      %get3A_261 = arith.index_cast %scan3A_231 : i32 to index
      %get3A_262 = arith.constant 32 : index
      %get3A_263 = tpu.vector_load %arg11[%get3A_261, %get3A_262] {strides = array<i32>} : memref<128x128xf32, #tpu.memory_space<vmem>>, vector<16xf32>,
      %get3A_264 = arith.index_cast %scan3A_231 : i32 to index
      %get3A_265 = arith.constant 32 : index
      %get3A_266 = tpu.vector_load %arg10[%get3A_264, %get3A_265] {strides = array<i32>} : memref<128x128xf32, #tpu.memory_space<vmem>>, vector<16xf32>,
      %sub3A_267 = arith.subf %get3A_263, %get3A_266 : vector<16xf32>
      %mul3A_268 = arith.constant 0.00999999977 : f32
      %mul3A_269 = vector.broadcast %mul3A_268 : f32 to vector<16xf32>
      %mul3A_270 = arith.mulf %sub3A_267, %mul3A_269 : vector<16xf32>
      %swap3A_271 = arith.index_cast %scan3A_231 : i32 to index
      %swap3A_272 = arith.constant 32 : index
      %swap3A_273 = tpu.vector_load %arg12[%swap3A_271, %swap3A_272] {strides = array<i32>} : memref<128x64xf32, #tpu.memory_space<vmem>>, vector<16xf32>,
      tpu.vector_store %arg12[%swap3A_271, %swap3A_272], %mul3A_270 {strides = array<i32>} : memref<128x64xf32, #tpu.memory_space<vmem>>, vector<16xf32>,
      %mul3A_274 = arith.mulf %sub3A_267, %sub3A_267 : vector<16xf32>
      %add3A_275 = arith.addf %add3A_260, %mul3A_274 : vector<16xf32>
      %get3A_276 = arith.index_cast %scan3A_231 : i32 to index
      %get3A_277 = arith.constant 48 : index
      %get3A_278 = tpu.vector_load %arg11[%get3A_276, %get3A_277] {strides = array<i32>} : memref<128x128xf32, #tpu.memory_space<vmem>>, vector<16xf32>,
      %get3A_279 = arith.index_cast %scan3A_231 : i32 to index
      %get3A_280 = arith.constant 48 : index
      %get3A_281 = tpu.vector_load %arg10[%get3A_279, %get3A_280] {strides = array<i32>} : memref<128x128xf32, #tpu.memory_space<vmem>>, vector<16xf32>,
      %sub3A_282 = arith.subf %get3A_278, %get3A_281 : vector<16xf32>
      %mul3A_283 = arith.constant 0.00999999977 : f32
      %mul3A_284 = vector.broadcast %mul3A_283 : f32 to vector<16xf32>
      %mul3A_285 = arith.mulf %sub3A_282, %mul3A_284 : vector<16xf32>
      %swap3A_286 = arith.index_cast %scan3A_231 : i32 to index
      %swap3A_287 = arith.constant 48 : index
      %swap3A_288 = tpu.vector_load %arg12[%swap3A_286, %swap3A_287] {strides = array<i32>} : memref<128x64xf32, #tpu.memory_space<vmem>>, vector<16xf32>,
      tpu.vector_store %arg12[%swap3A_286, %swap3A_287], %mul3A_285 {strides = array<i32>} : memref<128x64xf32, #tpu.memory_space<vmem>>, vector<16xf32>,
      %mul3A_289 = arith.mulf %sub3A_282, %sub3A_282 : vector<16xf32>
      %add3A_290 = arith.addf %add3A_275, %mul3A_289 : vector<16xf32>
      scf.yield %add3A_290 : vector<16xf32>
    }
    %scan3A_159 = arith.constant 128 : i32
    %run_scoped3A_160 = arith.constant 7 : i32
    "tpu.region"() ({
      %run_scoped3A_231 = tpu.sem_alloc : memref<!tpu.dma_semaphore, #tpu.memory_space<semaphore_mem>>
      %dma_start3A = arith.constant 0 : i32
      %dma_start3A_232 = tpu.memref_slice %arg9[%run_scoped3A_160, %dma_start3A] : memref<8x128xi32, #tpu.memory_space<vmem>> -> memref<1x128xi32, #tpu.memory_space<vmem>>
      %dma_start3A_233 = tpu.memref_squeeze %dma_start3A_232 : memref<1x128xi32, #tpu.memory_space<vmem>> -> memref<128xi32, #tpu.memory_space<vmem>>
      %dma_start3A_234 = arith.constant 0 : i32
      %dma_start3A_235 = arith.constant 0 : i32
      %dma_start3A_236 = tpu.memref_slice %arg15[%dma_start3A_234, %dma_start3A_235] : memref<16384x64xf32, #tpu.memory_space<vmem_shared>> -> memref<16384x64xf32, #tpu.memory_space<vmem_shared>>
      tpu.enqueue_indirect_dma source(%arg12 : memref<128x64xf32, #tpu.memory_space<vmem>>) target(%dma_start3A_236 : memref<16384x64xf32, #tpu.memory_space<vmem_shared>>) offsets(%dma_start3A_233 : memref<128xi32, #tpu.memory_space<vmem>>) semaphore(%run_scoped3A_231 : memref<!tpu.dma_semaphore, #tpu.memory_space<semaphore_mem>>) {add = true}
      %dma_wait3A = arith.constant 0 : i32
      %dma_wait3A_237 = tpu.memref_slice %arg9[%run_scoped3A_160, %dma_wait3A] : memref<8x128xi32, #tpu.memory_space<vmem>> -> memref<1x128xi32, #tpu.memory_space<vmem>>
      %dma_wait3A_238 = tpu.memref_squeeze %dma_wait3A_237 : memref<1x128xi32, #tpu.memory_space<vmem>> -> memref<128xi32, #tpu.memory_space<vmem>>
      %dma_wait3A_239 = arith.constant 0 : i32
      %dma_wait3A_240 = arith.constant 0 : i32
      %dma_wait3A_241 = tpu.memref_slice %arg15[%dma_wait3A_239, %dma_wait3A_240] : memref<16384x64xf32, #tpu.memory_space<vmem_shared>> -> memref<16384x64xf32, #tpu.memory_space<vmem_shared>>
      tpu.wait_indirect_dma semaphore(%run_scoped3A_231 : memref<!tpu.dma_semaphore, #tpu.memory_space<semaphore_mem>>) src(%arg12 : memref<128x64xf32, #tpu.memory_space<vmem>>) dst(%dma_wait3A_241 : memref<16384x64xf32, #tpu.memory_space<vmem_shared>>)
      tpu.yield
    }) : () -> ()
    %swap3A = arith.constant 0 : index
    %swap3A_161 = tpu.vector_load %arg13[%swap3A] {strides = array<i32>} : memref<16xf32, #tpu.memory_space<vmem>>, vector<16xf32>,
    tpu.vector_store %arg13[%swap3A], %scan3A_158 {strides = array<i32>} : memref<16xf32, #tpu.memory_space<vmem>>, vector<16xf32>,
    "tpu.region"() ({
      %run_scoped3A_231 = tpu.sem_alloc : memref<!tpu.dma_semaphore, #tpu.memory_space<semaphore_mem>>
      %dma_start3A = arith.constant 0 : i32
      %dma_start3A_232 = tpu.memref_slice %arg16[%arg1, %dma_start3A] : memref<16x16xf32, #tpu.memory_space<vmem_shared>> -> memref<1x16xf32, #tpu.memory_space<vmem_shared>>
      %dma_start3A_233 = tpu.memref_squeeze %dma_start3A_232 : memref<1x16xf32, #tpu.memory_space<vmem_shared>> -> memref<16xf32, #tpu.memory_space<vmem_shared>>
      %dma_start3A_234 = arith.constant 0 : i32
      %dma_start3A_235 = tpu.memref_slice %arg16[%arg1, %dma_start3A_234] : memref<16x16xf32, #tpu.memory_space<vmem_shared>> -> memref<1x16xf32, #tpu.memory_space<vmem_shared>>
      %dma_start3A_236 = tpu.memref_squeeze %dma_start3A_235 : memref<1x16xf32, #tpu.memory_space<vmem_shared>> -> memref<16xf32, #tpu.memory_space<vmem_shared>>
      tpu.enqueue_dma source(%arg13 : memref<16xf32, #tpu.memory_space<vmem>>) target(%dma_start3A_236 : memref<16xf32, #tpu.memory_space<vmem_shared>>) target_semaphore(%run_scoped3A_231 : memref<!tpu.dma_semaphore, #tpu.memory_space<semaphore_mem>>)
      %dma_wait3A = arith.constant 0 : i32
      %dma_wait3A_237 = tpu.memref_slice %arg16[%arg1, %dma_wait3A] : memref<16x16xf32, #tpu.memory_space<vmem_shared>> -> memref<1x16xf32, #tpu.memory_space<vmem_shared>>
      %dma_wait3A_238 = tpu.memref_squeeze %dma_wait3A_237 : memref<1x16xf32, #tpu.memory_space<vmem_shared>> -> memref<16xf32, #tpu.memory_space<vmem_shared>>
      %dma_wait3A_239 = arith.constant 0 : i32
      %dma_wait3A_240 = tpu.memref_slice %arg16[%arg1, %dma_wait3A_239] : memref<16x16xf32, #tpu.memory_space<vmem_shared>> -> memref<1x16xf32, #tpu.memory_space<vmem_shared>>
      %dma_wait3A_241 = tpu.memref_squeeze %dma_wait3A_240 : memref<1x16xf32, #tpu.memory_space<vmem_shared>> -> memref<16xf32, #tpu.memory_space<vmem_shared>>
      tpu.wait_dma2 semaphore(%run_scoped3A_231 : memref<!tpu.dma_semaphore, #tpu.memory_space<semaphore_mem>>) src(%arg13 : memref<16xf32, #tpu.memory_space<vmem>>) dst(%dma_wait3A_241 : memref<16xf32, #tpu.memory_space<vmem_shared>>)
      tpu.yield
    }) : () -> ()
    %barrier3A_162 = arith.constant 0 : index
    tpu.barrier barrier_id(%barrier3A_162)
    %broadcast_in_dim3A_163 = arith.constant 0.000000e+00 : f32
    %broadcast_in_dim3A_164 = vector.broadcast %broadcast_in_dim3A_163 : f32 to vector<16xf32>
    %run_scoped3A_165 = arith.constant 0 : i32
    "tpu.region"() ({
      %run_scoped3A_231 = tpu.sem_alloc : memref<!tpu.dma_semaphore, #tpu.memory_space<semaphore_mem>>
      %dma_start3A = arith.constant 0 : i32
      %dma_start3A_232 = tpu.memref_slice %arg9[%run_scoped3A_165, %dma_start3A] : memref<8x128xi32, #tpu.memory_space<vmem>> -> memref<1x128xi32, #tpu.memory_space<vmem>>
      %dma_start3A_233 = tpu.memref_squeeze %dma_start3A_232 : memref<1x128xi32, #tpu.memory_space<vmem>> -> memref<128xi32, #tpu.memory_space<vmem>>
      %dma_start3A_234 = arith.constant 0 : i32
      %dma_start3A_235 = arith.constant 0 : i32
      %dma_start3A_236 = tpu.memref_slice %arg15[%dma_start3A_234, %dma_start3A_235] : memref<16384x64xf32, #tpu.memory_space<vmem_shared>> -> memref<16384x64xf32, #tpu.memory_space<vmem_shared>>
      tpu.enqueue_indirect_dma source(%dma_start3A_236 : memref<16384x64xf32, #tpu.memory_space<vmem_shared>>) target(%arg12 : memref<128x64xf32, #tpu.memory_space<vmem>>) offsets(%dma_start3A_233 : memref<128xi32, #tpu.memory_space<vmem>>) semaphore(%run_scoped3A_231 : memref<!tpu.dma_semaphore, #tpu.memory_space<semaphore_mem>>)
      %dma_wait3A = arith.constant 0 : i32
      %dma_wait3A_237 = tpu.memref_slice %arg9[%run_scoped3A_165, %dma_wait3A] : memref<8x128xi32, #tpu.memory_space<vmem>> -> memref<1x128xi32, #tpu.memory_space<vmem>>
      %dma_wait3A_238 = tpu.memref_squeeze %dma_wait3A_237 : memref<1x128xi32, #tpu.memory_space<vmem>> -> memref<128xi32, #tpu.memory_space<vmem>>
      %dma_wait3A_239 = arith.constant 0 : i32
      %dma_wait3A_240 = arith.constant 0 : i32
      %dma_wait3A_241 = tpu.memref_slice %arg15[%dma_wait3A_239, %dma_wait3A_240] : memref<16384x64xf32, #tpu.memory_space<vmem_shared>> -> memref<16384x64xf32, #tpu.memory_space<vmem_shared>>
      tpu.wait_indirect_dma semaphore(%run_scoped3A_231 : memref<!tpu.dma_semaphore, #tpu.memory_space<semaphore_mem>>) src(%dma_wait3A_241 : memref<16384x64xf32, #tpu.memory_space<vmem_shared>>) dst(%arg12 : memref<128x64xf32, #tpu.memory_space<vmem>>)
      tpu.yield
    }) : () -> ()
    %scan3A_166 = arith.constant 0 : i32
    %scan3A_167 = arith.constant 0 : i32
    %scan3A_168 = arith.constant 128 : i32
    %scan3A_169 = arith.addi %scan3A_167, %scan3A_168 : i32
    %scan3A_170 = arith.constant 1 : i32
    scf.for %scan3A_231 = %scan3A_167 to %scan3A_169 step %scan3A_170  : i32 {
      %get3A = arith.index_cast %scan3A_231 : i32 to index
      %get3A_232 = arith.constant 0 : index
      %get3A_233 = tpu.vector_load %arg12[%get3A, %get3A_232] {strides = array<i32>} : memref<128x64xf32, #tpu.memory_space<vmem>>, vector<16xf32>,
      %swap3A_234 = arith.index_cast %scan3A_231 : i32 to index
      %swap3A_235 = arith.constant 0 : index
      %swap3A_236 = tpu.vector_load %arg10[%swap3A_234, %swap3A_235] {strides = array<i32>} : memref<128x128xf32, #tpu.memory_space<vmem>>, vector<16xf32>,
      tpu.vector_store %arg10[%swap3A_234, %swap3A_235], %get3A_233 {strides = array<i32>} : memref<128x128xf32, #tpu.memory_space<vmem>>, vector<16xf32>,
      %get3A_237 = arith.index_cast %scan3A_231 : i32 to index
      %get3A_238 = arith.constant 16 : index
      %get3A_239 = tpu.vector_load %arg12[%get3A_237, %get3A_238] {strides = array<i32>} : memref<128x64xf32, #tpu.memory_space<vmem>>, vector<16xf32>,
      %swap3A_240 = arith.index_cast %scan3A_231 : i32 to index
      %swap3A_241 = arith.constant 16 : index
      %swap3A_242 = tpu.vector_load %arg10[%swap3A_240, %swap3A_241] {strides = array<i32>} : memref<128x128xf32, #tpu.memory_space<vmem>>, vector<16xf32>,
      tpu.vector_store %arg10[%swap3A_240, %swap3A_241], %get3A_239 {strides = array<i32>} : memref<128x128xf32, #tpu.memory_space<vmem>>, vector<16xf32>,
      %get3A_243 = arith.index_cast %scan3A_231 : i32 to index
      %get3A_244 = arith.constant 32 : index
      %get3A_245 = tpu.vector_load %arg12[%get3A_243, %get3A_244] {strides = array<i32>} : memref<128x64xf32, #tpu.memory_space<vmem>>, vector<16xf32>,
      %swap3A_246 = arith.index_cast %scan3A_231 : i32 to index
      %swap3A_247 = arith.constant 32 : index
      %swap3A_248 = tpu.vector_load %arg10[%swap3A_246, %swap3A_247] {strides = array<i32>} : memref<128x128xf32, #tpu.memory_space<vmem>>, vector<16xf32>,
      tpu.vector_store %arg10[%swap3A_246, %swap3A_247], %get3A_245 {strides = array<i32>} : memref<128x128xf32, #tpu.memory_space<vmem>>, vector<16xf32>,
      %get3A_249 = arith.index_cast %scan3A_231 : i32 to index
      %get3A_250 = arith.constant 48 : index
      %get3A_251 = tpu.vector_load %arg12[%get3A_249, %get3A_250] {strides = array<i32>} : memref<128x64xf32, #tpu.memory_space<vmem>>, vector<16xf32>,
      %swap3A_252 = arith.index_cast %scan3A_231 : i32 to index
      %swap3A_253 = arith.constant 48 : index
      %swap3A_254 = tpu.vector_load %arg10[%swap3A_252, %swap3A_253] {strides = array<i32>} : memref<128x128xf32, #tpu.memory_space<vmem>>, vector<16xf32>,
      tpu.vector_store %arg10[%swap3A_252, %swap3A_253], %get3A_251 {strides = array<i32>} : memref<128x128xf32, #tpu.memory_space<vmem>>, vector<16xf32>,
      %swap3A_255 = arith.index_cast %scan3A_231 : i32 to index
      %swap3A_256 = arith.constant 64 : index
      %swap3A_257 = tpu.vector_load %arg10[%swap3A_255, %swap3A_256] {strides = array<i32>} : memref<128x128xf32, #tpu.memory_space<vmem>>, vector<16xf32>,
      tpu.vector_store %arg10[%swap3A_255, %swap3A_256], %broadcast_in_dim3A_164 {strides = array<i32>} : memref<128x128xf32, #tpu.memory_space<vmem>>, vector<16xf32>,
      %swap3A_258 = arith.index_cast %scan3A_231 : i32 to index
      %swap3A_259 = arith.constant 80 : index
      %swap3A_260 = tpu.vector_load %arg10[%swap3A_258, %swap3A_259] {strides = array<i32>} : memref<128x128xf32, #tpu.memory_space<vmem>>, vector<16xf32>,
      tpu.vector_store %arg10[%swap3A_258, %swap3A_259], %broadcast_in_dim3A_164 {strides = array<i32>} : memref<128x128xf32, #tpu.memory_space<vmem>>, vector<16xf32>,
      %swap3A_261 = arith.index_cast %scan3A_231 : i32 to index
      %swap3A_262 = arith.constant 96 : index
      %swap3A_263 = tpu.vector_load %arg10[%swap3A_261, %swap3A_262] {strides = array<i32>} : memref<128x128xf32, #tpu.memory_space<vmem>>, vector<16xf32>,
      tpu.vector_store %arg10[%swap3A_261, %swap3A_262], %broadcast_in_dim3A_164 {strides = array<i32>} : memref<128x128xf32, #tpu.memory_space<vmem>>, vector<16xf32>,
      %swap3A_264 = arith.index_cast %scan3A_231 : i32 to index
      %swap3A_265 = arith.constant 112 : index
      %swap3A_266 = tpu.vector_load %arg10[%swap3A_264, %swap3A_265] {strides = array<i32>} : memref<128x128xf32, #tpu.memory_space<vmem>>, vector<16xf32>,
      tpu.vector_store %arg10[%swap3A_264, %swap3A_265], %broadcast_in_dim3A_164 {strides = array<i32>} : memref<128x128xf32, #tpu.memory_space<vmem>>, vector<16xf32>,
    }
    %scan3A_171 = arith.constant 128 : i32
    %run_scoped3A_172 = arith.constant 0 : i32
    "tpu.region"() ({
      %run_scoped3A_231 = tpu.sem_alloc : memref<!tpu.dma_semaphore, #tpu.memory_space<semaphore_mem>>
      %dma_start3A = arith.constant 0 : i32
      %dma_start3A_232 = tpu.memref_slice %arg8[%run_scoped3A_172, %dma_start3A] : memref<8x128xi32, #tpu.memory_space<vmem>> -> memref<1x128xi32, #tpu.memory_space<vmem>>
      %dma_start3A_233 = tpu.memref_squeeze %dma_start3A_232 : memref<1x128xi32, #tpu.memory_space<vmem>> -> memref<128xi32, #tpu.memory_space<vmem>>
      %dma_start3A_234 = arith.constant 0 : i32
      %dma_start3A_235 = arith.constant 0 : i32
      %dma_start3A_236 = tpu.memref_slice %arg5[%dma_start3A_234, %dma_start3A_235] : memref<1000000x128xf32, #tpu.memory_space<hbm>> -> memref<1000000x128xf32, #tpu.memory_space<hbm>>
      tpu.enqueue_indirect_dma source(%arg10 : memref<128x128xf32, #tpu.memory_space<vmem>>) target(%dma_start3A_236 : memref<1000000x128xf32, #tpu.memory_space<hbm>>) offsets(%dma_start3A_233 : memref<128xi32, #tpu.memory_space<vmem>>) semaphore(%run_scoped3A_231 : memref<!tpu.dma_semaphore, #tpu.memory_space<semaphore_mem>>)
      %dma_wait3A = arith.constant 0 : i32
      %dma_wait3A_237 = tpu.memref_slice %arg8[%run_scoped3A_172, %dma_wait3A] : memref<8x128xi32, #tpu.memory_space<vmem>> -> memref<1x128xi32, #tpu.memory_space<vmem>>
      %dma_wait3A_238 = tpu.memref_squeeze %dma_wait3A_237 : memref<1x128xi32, #tpu.memory_space<vmem>> -> memref<128xi32, #tpu.memory_space<vmem>>
      %dma_wait3A_239 = arith.constant 0 : i32
      %dma_wait3A_240 = arith.constant 0 : i32
      %dma_wait3A_241 = tpu.memref_slice %arg5[%dma_wait3A_239, %dma_wait3A_240] : memref<1000000x128xf32, #tpu.memory_space<hbm>> -> memref<1000000x128xf32, #tpu.memory_space<hbm>>
      tpu.wait_indirect_dma semaphore(%run_scoped3A_231 : memref<!tpu.dma_semaphore, #tpu.memory_space<semaphore_mem>>) src(%arg10 : memref<128x128xf32, #tpu.memory_space<vmem>>) dst(%dma_wait3A_241 : memref<1000000x128xf32, #tpu.memory_space<hbm>>)
      tpu.yield
    }) : () -> ()
    %run_scoped3A_173 = arith.constant 1 : i32
    "tpu.region"() ({
      %run_scoped3A_231 = tpu.sem_alloc : memref<!tpu.dma_semaphore, #tpu.memory_space<semaphore_mem>>
      %dma_start3A = arith.constant 0 : i32
      %dma_start3A_232 = tpu.memref_slice %arg9[%run_scoped3A_173, %dma_start3A] : memref<8x128xi32, #tpu.memory_space<vmem>> -> memref<1x128xi32, #tpu.memory_space<vmem>>
      %dma_start3A_233 = tpu.memref_squeeze %dma_start3A_232 : memref<1x128xi32, #tpu.memory_space<vmem>> -> memref<128xi32, #tpu.memory_space<vmem>>
      %dma_start3A_234 = arith.constant 0 : i32
      %dma_start3A_235 = arith.constant 0 : i32
      %dma_start3A_236 = tpu.memref_slice %arg15[%dma_start3A_234, %dma_start3A_235] : memref<16384x64xf32, #tpu.memory_space<vmem_shared>> -> memref<16384x64xf32, #tpu.memory_space<vmem_shared>>
      tpu.enqueue_indirect_dma source(%dma_start3A_236 : memref<16384x64xf32, #tpu.memory_space<vmem_shared>>) target(%arg12 : memref<128x64xf32, #tpu.memory_space<vmem>>) offsets(%dma_start3A_233 : memref<128xi32, #tpu.memory_space<vmem>>) semaphore(%run_scoped3A_231 : memref<!tpu.dma_semaphore, #tpu.memory_space<semaphore_mem>>)
      %dma_wait3A = arith.constant 0 : i32
      %dma_wait3A_237 = tpu.memref_slice %arg9[%run_scoped3A_173, %dma_wait3A] : memref<8x128xi32, #tpu.memory_space<vmem>> -> memref<1x128xi32, #tpu.memory_space<vmem>>
      %dma_wait3A_238 = tpu.memref_squeeze %dma_wait3A_237 : memref<1x128xi32, #tpu.memory_space<vmem>> -> memref<128xi32, #tpu.memory_space<vmem>>
      %dma_wait3A_239 = arith.constant 0 : i32
      %dma_wait3A_240 = arith.constant 0 : i32
      %dma_wait3A_241 = tpu.memref_slice %arg15[%dma_wait3A_239, %dma_wait3A_240] : memref<16384x64xf32, #tpu.memory_space<vmem_shared>> -> memref<16384x64xf32, #tpu.memory_space<vmem_shared>>
      tpu.wait_indirect_dma semaphore(%run_scoped3A_231 : memref<!tpu.dma_semaphore, #tpu.memory_space<semaphore_mem>>) src(%dma_wait3A_241 : memref<16384x64xf32, #tpu.memory_space<vmem_shared>>) dst(%arg12 : memref<128x64xf32, #tpu.memory_space<vmem>>)
      tpu.yield
    }) : () -> ()
    %scan3A_174 = arith.constant 0 : i32
    %scan3A_175 = arith.constant 0 : i32
    %scan3A_176 = arith.constant 128 : i32
    %scan3A_177 = arith.addi %scan3A_175, %scan3A_176 : i32
    %scan3A_178 = arith.constant 1 : i32
    scf.for %scan3A_231 = %scan3A_175 to %scan3A_177 step %scan3A_178  : i32 {
      %get3A = arith.index_cast %scan3A_231 : i32 to index
      %get3A_232 = arith.constant 0 : index
      %get3A_233 = tpu.vector_load %arg12[%get3A, %get3A_232] {strides = array<i32>} : memref<128x64xf32, #tpu.memory_space<vmem>>, vector<16xf32>,
      %swap3A_234 = arith.index_cast %scan3A_231 : i32 to index
      %swap3A_235 = arith.constant 0 : index
      %swap3A_236 = tpu.vector_load %arg10[%swap3A_234, %swap3A_235] {strides = array<i32>} : memref<128x128xf32, #tpu.memory_space<vmem>>, vector<16xf32>,
      tpu.vector_store %arg10[%swap3A_234, %swap3A_235], %get3A_233 {strides = array<i32>} : memref<128x128xf32, #tpu.memory_space<vmem>>, vector<16xf32>,
      %get3A_237 = arith.index_cast %scan3A_231 : i32 to index
      %get3A_238 = arith.constant 16 : index
      %get3A_239 = tpu.vector_load %arg12[%get3A_237, %get3A_238] {strides = array<i32>} : memref<128x64xf32, #tpu.memory_space<vmem>>, vector<16xf32>,
      %swap3A_240 = arith.index_cast %scan3A_231 : i32 to index
      %swap3A_241 = arith.constant 16 : index
      %swap3A_242 = tpu.vector_load %arg10[%swap3A_240, %swap3A_241] {strides = array<i32>} : memref<128x128xf32, #tpu.memory_space<vmem>>, vector<16xf32>,
      tpu.vector_store %arg10[%swap3A_240, %swap3A_241], %get3A_239 {strides = array<i32>} : memref<128x128xf32, #tpu.memory_space<vmem>>, vector<16xf32>,
      %get3A_243 = arith.index_cast %scan3A_231 : i32 to index
      %get3A_244 = arith.constant 32 : index
      %get3A_245 = tpu.vector_load %arg12[%get3A_243, %get3A_244] {strides = array<i32>} : memref<128x64xf32, #tpu.memory_space<vmem>>, vector<16xf32>,
      %swap3A_246 = arith.index_cast %scan3A_231 : i32 to index
      %swap3A_247 = arith.constant 32 : index
      %swap3A_248 = tpu.vector_load %arg10[%swap3A_246, %swap3A_247] {strides = array<i32>} : memref<128x128xf32, #tpu.memory_space<vmem>>, vector<16xf32>,
      tpu.vector_store %arg10[%swap3A_246, %swap3A_247], %get3A_245 {strides = array<i32>} : memref<128x128xf32, #tpu.memory_space<vmem>>, vector<16xf32>,
      %get3A_249 = arith.index_cast %scan3A_231 : i32 to index
      %get3A_250 = arith.constant 48 : index
      %get3A_251 = tpu.vector_load %arg12[%get3A_249, %get3A_250] {strides = array<i32>} : memref<128x64xf32, #tpu.memory_space<vmem>>, vector<16xf32>,
      %swap3A_252 = arith.index_cast %scan3A_231 : i32 to index
      %swap3A_253 = arith.constant 48 : index
      %swap3A_254 = tpu.vector_load %arg10[%swap3A_252, %swap3A_253] {strides = array<i32>} : memref<128x128xf32, #tpu.memory_space<vmem>>, vector<16xf32>,
      tpu.vector_store %arg10[%swap3A_252, %swap3A_253], %get3A_251 {strides = array<i32>} : memref<128x128xf32, #tpu.memory_space<vmem>>, vector<16xf32>,
      %swap3A_255 = arith.index_cast %scan3A_231 : i32 to index
      %swap3A_256 = arith.constant 64 : index
      %swap3A_257 = tpu.vector_load %arg10[%swap3A_255, %swap3A_256] {strides = array<i32>} : memref<128x128xf32, #tpu.memory_space<vmem>>, vector<16xf32>,
      tpu.vector_store %arg10[%swap3A_255, %swap3A_256], %broadcast_in_dim3A_164 {strides = array<i32>} : memref<128x128xf32, #tpu.memory_space<vmem>>, vector<16xf32>,
      %swap3A_258 = arith.index_cast %scan3A_231 : i32 to index
      %swap3A_259 = arith.constant 80 : index
      %swap3A_260 = tpu.vector_load %arg10[%swap3A_258, %swap3A_259] {strides = array<i32>} : memref<128x128xf32, #tpu.memory_space<vmem>>, vector<16xf32>,
      tpu.vector_store %arg10[%swap3A_258, %swap3A_259], %broadcast_in_dim3A_164 {strides = array<i32>} : memref<128x128xf32, #tpu.memory_space<vmem>>, vector<16xf32>,
      %swap3A_261 = arith.index_cast %scan3A_231 : i32 to index
      %swap3A_262 = arith.constant 96 : index
      %swap3A_263 = tpu.vector_load %arg10[%swap3A_261, %swap3A_262] {strides = array<i32>} : memref<128x128xf32, #tpu.memory_space<vmem>>, vector<16xf32>,
      tpu.vector_store %arg10[%swap3A_261, %swap3A_262], %broadcast_in_dim3A_164 {strides = array<i32>} : memref<128x128xf32, #tpu.memory_space<vmem>>, vector<16xf32>,
      %swap3A_264 = arith.index_cast %scan3A_231 : i32 to index
      %swap3A_265 = arith.constant 112 : index
      %swap3A_266 = tpu.vector_load %arg10[%swap3A_264, %swap3A_265] {strides = array<i32>} : memref<128x128xf32, #tpu.memory_space<vmem>>, vector<16xf32>,
      tpu.vector_store %arg10[%swap3A_264, %swap3A_265], %broadcast_in_dim3A_164 {strides = array<i32>} : memref<128x128xf32, #tpu.memory_space<vmem>>, vector<16xf32>,
    }
    %scan3A_179 = arith.constant 128 : i32
    %run_scoped3A_180 = arith.constant 1 : i32
    "tpu.region"() ({
      %run_scoped3A_231 = tpu.sem_alloc : memref<!tpu.dma_semaphore, #tpu.memory_space<semaphore_mem>>
      %dma_start3A = arith.constant 0 : i32
      %dma_start3A_232 = tpu.memref_slice %arg8[%run_scoped3A_180, %dma_start3A] : memref<8x128xi32, #tpu.memory_space<vmem>> -> memref<1x128xi32, #tpu.memory_space<vmem>>
      %dma_start3A_233 = tpu.memref_squeeze %dma_start3A_232 : memref<1x128xi32, #tpu.memory_space<vmem>> -> memref<128xi32, #tpu.memory_space<vmem>>
      %dma_start3A_234 = arith.constant 0 : i32
      %dma_start3A_235 = arith.constant 0 : i32
      %dma_start3A_236 = tpu.memref_slice %arg5[%dma_start3A_234, %dma_start3A_235] : memref<1000000x128xf32, #tpu.memory_space<hbm>> -> memref<1000000x128xf32, #tpu.memory_space<hbm>>
      tpu.enqueue_indirect_dma source(%arg10 : memref<128x128xf32, #tpu.memory_space<vmem>>) target(%dma_start3A_236 : memref<1000000x128xf32, #tpu.memory_space<hbm>>) offsets(%dma_start3A_233 : memref<128xi32, #tpu.memory_space<vmem>>) semaphore(%run_scoped3A_231 : memref<!tpu.dma_semaphore, #tpu.memory_space<semaphore_mem>>)
      %dma_wait3A = arith.constant 0 : i32
      %dma_wait3A_237 = tpu.memref_slice %arg8[%run_scoped3A_180, %dma_wait3A] : memref<8x128xi32, #tpu.memory_space<vmem>> -> memref<1x128xi32, #tpu.memory_space<vmem>>
      %dma_wait3A_238 = tpu.memref_squeeze %dma_wait3A_237 : memref<1x128xi32, #tpu.memory_space<vmem>> -> memref<128xi32, #tpu.memory_space<vmem>>
      %dma_wait3A_239 = arith.constant 0 : i32
      %dma_wait3A_240 = arith.constant 0 : i32
      %dma_wait3A_241 = tpu.memref_slice %arg5[%dma_wait3A_239, %dma_wait3A_240] : memref<1000000x128xf32, #tpu.memory_space<hbm>> -> memref<1000000x128xf32, #tpu.memory_space<hbm>>
      tpu.wait_indirect_dma semaphore(%run_scoped3A_231 : memref<!tpu.dma_semaphore, #tpu.memory_space<semaphore_mem>>) src(%arg10 : memref<128x128xf32, #tpu.memory_space<vmem>>) dst(%dma_wait3A_241 : memref<1000000x128xf32, #tpu.memory_space<hbm>>)
      tpu.yield
    }) : () -> ()
    %run_scoped3A_181 = arith.constant 2 : i32
    "tpu.region"() ({
      %run_scoped3A_231 = tpu.sem_alloc : memref<!tpu.dma_semaphore, #tpu.memory_space<semaphore_mem>>
      %dma_start3A = arith.constant 0 : i32
      %dma_start3A_232 = tpu.memref_slice %arg9[%run_scoped3A_181, %dma_start3A] : memref<8x128xi32, #tpu.memory_space<vmem>> -> memref<1x128xi32, #tpu.memory_space<vmem>>
      %dma_start3A_233 = tpu.memref_squeeze %dma_start3A_232 : memref<1x128xi32, #tpu.memory_space<vmem>> -> memref<128xi32, #tpu.memory_space<vmem>>
      %dma_start3A_234 = arith.constant 0 : i32
      %dma_start3A_235 = arith.constant 0 : i32
      %dma_start3A_236 = tpu.memref_slice %arg15[%dma_start3A_234, %dma_start3A_235] : memref<16384x64xf32, #tpu.memory_space<vmem_shared>> -> memref<16384x64xf32, #tpu.memory_space<vmem_shared>>
      tpu.enqueue_indirect_dma source(%dma_start3A_236 : memref<16384x64xf32, #tpu.memory_space<vmem_shared>>) target(%arg12 : memref<128x64xf32, #tpu.memory_space<vmem>>) offsets(%dma_start3A_233 : memref<128xi32, #tpu.memory_space<vmem>>) semaphore(%run_scoped3A_231 : memref<!tpu.dma_semaphore, #tpu.memory_space<semaphore_mem>>)
      %dma_wait3A = arith.constant 0 : i32
      %dma_wait3A_237 = tpu.memref_slice %arg9[%run_scoped3A_181, %dma_wait3A] : memref<8x128xi32, #tpu.memory_space<vmem>> -> memref<1x128xi32, #tpu.memory_space<vmem>>
      %dma_wait3A_238 = tpu.memref_squeeze %dma_wait3A_237 : memref<1x128xi32, #tpu.memory_space<vmem>> -> memref<128xi32, #tpu.memory_space<vmem>>
      %dma_wait3A_239 = arith.constant 0 : i32
      %dma_wait3A_240 = arith.constant 0 : i32
      %dma_wait3A_241 = tpu.memref_slice %arg15[%dma_wait3A_239, %dma_wait3A_240] : memref<16384x64xf32, #tpu.memory_space<vmem_shared>> -> memref<16384x64xf32, #tpu.memory_space<vmem_shared>>
      tpu.wait_indirect_dma semaphore(%run_scoped3A_231 : memref<!tpu.dma_semaphore, #tpu.memory_space<semaphore_mem>>) src(%dma_wait3A_241 : memref<16384x64xf32, #tpu.memory_space<vmem_shared>>) dst(%arg12 : memref<128x64xf32, #tpu.memory_space<vmem>>)
      tpu.yield
    }) : () -> ()
    %scan3A_182 = arith.constant 0 : i32
    %scan3A_183 = arith.constant 0 : i32
    %scan3A_184 = arith.constant 128 : i32
    %scan3A_185 = arith.addi %scan3A_183, %scan3A_184 : i32
    %scan3A_186 = arith.constant 1 : i32
    scf.for %scan3A_231 = %scan3A_183 to %scan3A_185 step %scan3A_186  : i32 {
      %get3A = arith.index_cast %scan3A_231 : i32 to index
      %get3A_232 = arith.constant 0 : index
      %get3A_233 = tpu.vector_load %arg12[%get3A, %get3A_232] {strides = array<i32>} : memref<128x64xf32, #tpu.memory_space<vmem>>, vector<16xf32>,
      %swap3A_234 = arith.index_cast %scan3A_231 : i32 to index
      %swap3A_235 = arith.constant 0 : index
      %swap3A_236 = tpu.vector_load %arg10[%swap3A_234, %swap3A_235] {strides = array<i32>} : memref<128x128xf32, #tpu.memory_space<vmem>>, vector<16xf32>,
      tpu.vector_store %arg10[%swap3A_234, %swap3A_235], %get3A_233 {strides = array<i32>} : memref<128x128xf32, #tpu.memory_space<vmem>>, vector<16xf32>,
      %get3A_237 = arith.index_cast %scan3A_231 : i32 to index
      %get3A_238 = arith.constant 16 : index
      %get3A_239 = tpu.vector_load %arg12[%get3A_237, %get3A_238] {strides = array<i32>} : memref<128x64xf32, #tpu.memory_space<vmem>>, vector<16xf32>,
      %swap3A_240 = arith.index_cast %scan3A_231 : i32 to index
      %swap3A_241 = arith.constant 16 : index
      %swap3A_242 = tpu.vector_load %arg10[%swap3A_240, %swap3A_241] {strides = array<i32>} : memref<128x128xf32, #tpu.memory_space<vmem>>, vector<16xf32>,
      tpu.vector_store %arg10[%swap3A_240, %swap3A_241], %get3A_239 {strides = array<i32>} : memref<128x128xf32, #tpu.memory_space<vmem>>, vector<16xf32>,
      %get3A_243 = arith.index_cast %scan3A_231 : i32 to index
      %get3A_244 = arith.constant 32 : index
      %get3A_245 = tpu.vector_load %arg12[%get3A_243, %get3A_244] {strides = array<i32>} : memref<128x64xf32, #tpu.memory_space<vmem>>, vector<16xf32>,
      %swap3A_246 = arith.index_cast %scan3A_231 : i32 to index
      %swap3A_247 = arith.constant 32 : index
      %swap3A_248 = tpu.vector_load %arg10[%swap3A_246, %swap3A_247] {strides = array<i32>} : memref<128x128xf32, #tpu.memory_space<vmem>>, vector<16xf32>,
      tpu.vector_store %arg10[%swap3A_246, %swap3A_247], %get3A_245 {strides = array<i32>} : memref<128x128xf32, #tpu.memory_space<vmem>>, vector<16xf32>,
      %get3A_249 = arith.index_cast %scan3A_231 : i32 to index
      %get3A_250 = arith.constant 48 : index
      %get3A_251 = tpu.vector_load %arg12[%get3A_249, %get3A_250] {strides = array<i32>} : memref<128x64xf32, #tpu.memory_space<vmem>>, vector<16xf32>,
      %swap3A_252 = arith.index_cast %scan3A_231 : i32 to index
      %swap3A_253 = arith.constant 48 : index
      %swap3A_254 = tpu.vector_load %arg10[%swap3A_252, %swap3A_253] {strides = array<i32>} : memref<128x128xf32, #tpu.memory_space<vmem>>, vector<16xf32>,
      tpu.vector_store %arg10[%swap3A_252, %swap3A_253], %get3A_251 {strides = array<i32>} : memref<128x128xf32, #tpu.memory_space<vmem>>, vector<16xf32>,
      %swap3A_255 = arith.index_cast %scan3A_231 : i32 to index
      %swap3A_256 = arith.constant 64 : index
      %swap3A_257 = tpu.vector_load %arg10[%swap3A_255, %swap3A_256] {strides = array<i32>} : memref<128x128xf32, #tpu.memory_space<vmem>>, vector<16xf32>,
      tpu.vector_store %arg10[%swap3A_255, %swap3A_256], %broadcast_in_dim3A_164 {strides = array<i32>} : memref<128x128xf32, #tpu.memory_space<vmem>>, vector<16xf32>,
      %swap3A_258 = arith.index_cast %scan3A_231 : i32 to index
      %swap3A_259 = arith.constant 80 : index
      %swap3A_260 = tpu.vector_load %arg10[%swap3A_258, %swap3A_259] {strides = array<i32>} : memref<128x128xf32, #tpu.memory_space<vmem>>, vector<16xf32>,
      tpu.vector_store %arg10[%swap3A_258, %swap3A_259], %broadcast_in_dim3A_164 {strides = array<i32>} : memref<128x128xf32, #tpu.memory_space<vmem>>, vector<16xf32>,
      %swap3A_261 = arith.index_cast %scan3A_231 : i32 to index
      %swap3A_262 = arith.constant 96 : index
      %swap3A_263 = tpu.vector_load %arg10[%swap3A_261, %swap3A_262] {strides = array<i32>} : memref<128x128xf32, #tpu.memory_space<vmem>>, vector<16xf32>,
      tpu.vector_store %arg10[%swap3A_261, %swap3A_262], %broadcast_in_dim3A_164 {strides = array<i32>} : memref<128x128xf32, #tpu.memory_space<vmem>>, vector<16xf32>,
      %swap3A_264 = arith.index_cast %scan3A_231 : i32 to index
      %swap3A_265 = arith.constant 112 : index
      %swap3A_266 = tpu.vector_load %arg10[%swap3A_264, %swap3A_265] {strides = array<i32>} : memref<128x128xf32, #tpu.memory_space<vmem>>, vector<16xf32>,
      tpu.vector_store %arg10[%swap3A_264, %swap3A_265], %broadcast_in_dim3A_164 {strides = array<i32>} : memref<128x128xf32, #tpu.memory_space<vmem>>, vector<16xf32>,
    }
    %scan3A_187 = arith.constant 128 : i32
    %run_scoped3A_188 = arith.constant 2 : i32
    "tpu.region"() ({
      %run_scoped3A_231 = tpu.sem_alloc : memref<!tpu.dma_semaphore, #tpu.memory_space<semaphore_mem>>
      %dma_start3A = arith.constant 0 : i32
      %dma_start3A_232 = tpu.memref_slice %arg8[%run_scoped3A_188, %dma_start3A] : memref<8x128xi32, #tpu.memory_space<vmem>> -> memref<1x128xi32, #tpu.memory_space<vmem>>
      %dma_start3A_233 = tpu.memref_squeeze %dma_start3A_232 : memref<1x128xi32, #tpu.memory_space<vmem>> -> memref<128xi32, #tpu.memory_space<vmem>>
      %dma_start3A_234 = arith.constant 0 : i32
      %dma_start3A_235 = arith.constant 0 : i32
      %dma_start3A_236 = tpu.memref_slice %arg5[%dma_start3A_234, %dma_start3A_235] : memref<1000000x128xf32, #tpu.memory_space<hbm>> -> memref<1000000x128xf32, #tpu.memory_space<hbm>>
      tpu.enqueue_indirect_dma source(%arg10 : memref<128x128xf32, #tpu.memory_space<vmem>>) target(%dma_start3A_236 : memref<1000000x128xf32, #tpu.memory_space<hbm>>) offsets(%dma_start3A_233 : memref<128xi32, #tpu.memory_space<vmem>>) semaphore(%run_scoped3A_231 : memref<!tpu.dma_semaphore, #tpu.memory_space<semaphore_mem>>)
      %dma_wait3A = arith.constant 0 : i32
      %dma_wait3A_237 = tpu.memref_slice %arg8[%run_scoped3A_188, %dma_wait3A] : memref<8x128xi32, #tpu.memory_space<vmem>> -> memref<1x128xi32, #tpu.memory_space<vmem>>
      %dma_wait3A_238 = tpu.memref_squeeze %dma_wait3A_237 : memref<1x128xi32, #tpu.memory_space<vmem>> -> memref<128xi32, #tpu.memory_space<vmem>>
      %dma_wait3A_239 = arith.constant 0 : i32
      %dma_wait3A_240 = arith.constant 0 : i32
      %dma_wait3A_241 = tpu.memref_slice %arg5[%dma_wait3A_239, %dma_wait3A_240] : memref<1000000x128xf32, #tpu.memory_space<hbm>> -> memref<1000000x128xf32, #tpu.memory_space<hbm>>
      tpu.wait_indirect_dma semaphore(%run_scoped3A_231 : memref<!tpu.dma_semaphore, #tpu.memory_space<semaphore_mem>>) src(%arg10 : memref<128x128xf32, #tpu.memory_space<vmem>>) dst(%dma_wait3A_241 : memref<1000000x128xf32, #tpu.memory_space<hbm>>)
      tpu.yield
    }) : () -> ()
    %run_scoped3A_189 = arith.constant 3 : i32
    "tpu.region"() ({
      %run_scoped3A_231 = tpu.sem_alloc : memref<!tpu.dma_semaphore, #tpu.memory_space<semaphore_mem>>
      %dma_start3A = arith.constant 0 : i32
      %dma_start3A_232 = tpu.memref_slice %arg9[%run_scoped3A_189, %dma_start3A] : memref<8x128xi32, #tpu.memory_space<vmem>> -> memref<1x128xi32, #tpu.memory_space<vmem>>
      %dma_start3A_233 = tpu.memref_squeeze %dma_start3A_232 : memref<1x128xi32, #tpu.memory_space<vmem>> -> memref<128xi32, #tpu.memory_space<vmem>>
      %dma_start3A_234 = arith.constant 0 : i32
      %dma_start3A_235 = arith.constant 0 : i32
      %dma_start3A_236 = tpu.memref_slice %arg15[%dma_start3A_234, %dma_start3A_235] : memref<16384x64xf32, #tpu.memory_space<vmem_shared>> -> memref<16384x64xf32, #tpu.memory_space<vmem_shared>>
      tpu.enqueue_indirect_dma source(%dma_start3A_236 : memref<16384x64xf32, #tpu.memory_space<vmem_shared>>) target(%arg12 : memref<128x64xf32, #tpu.memory_space<vmem>>) offsets(%dma_start3A_233 : memref<128xi32, #tpu.memory_space<vmem>>) semaphore(%run_scoped3A_231 : memref<!tpu.dma_semaphore, #tpu.memory_space<semaphore_mem>>)
      %dma_wait3A = arith.constant 0 : i32
      %dma_wait3A_237 = tpu.memref_slice %arg9[%run_scoped3A_189, %dma_wait3A] : memref<8x128xi32, #tpu.memory_space<vmem>> -> memref<1x128xi32, #tpu.memory_space<vmem>>
      %dma_wait3A_238 = tpu.memref_squeeze %dma_wait3A_237 : memref<1x128xi32, #tpu.memory_space<vmem>> -> memref<128xi32, #tpu.memory_space<vmem>>
      %dma_wait3A_239 = arith.constant 0 : i32
      %dma_wait3A_240 = arith.constant 0 : i32
      %dma_wait3A_241 = tpu.memref_slice %arg15[%dma_wait3A_239, %dma_wait3A_240] : memref<16384x64xf32, #tpu.memory_space<vmem_shared>> -> memref<16384x64xf32, #tpu.memory_space<vmem_shared>>
      tpu.wait_indirect_dma semaphore(%run_scoped3A_231 : memref<!tpu.dma_semaphore, #tpu.memory_space<semaphore_mem>>) src(%dma_wait3A_241 : memref<16384x64xf32, #tpu.memory_space<vmem_shared>>) dst(%arg12 : memref<128x64xf32, #tpu.memory_space<vmem>>)
      tpu.yield
    }) : () -> ()
    %scan3A_190 = arith.constant 0 : i32
    %scan3A_191 = arith.constant 0 : i32
    %scan3A_192 = arith.constant 128 : i32
    %scan3A_193 = arith.addi %scan3A_191, %scan3A_192 : i32
    %scan3A_194 = arith.constant 1 : i32
    scf.for %scan3A_231 = %scan3A_191 to %scan3A_193 step %scan3A_194  : i32 {
      %get3A = arith.index_cast %scan3A_231 : i32 to index
      %get3A_232 = arith.constant 0 : index
      %get3A_233 = tpu.vector_load %arg12[%get3A, %get3A_232] {strides = array<i32>} : memref<128x64xf32, #tpu.memory_space<vmem>>, vector<16xf32>,
      %swap3A_234 = arith.index_cast %scan3A_231 : i32 to index
      %swap3A_235 = arith.constant 0 : index
      %swap3A_236 = tpu.vector_load %arg10[%swap3A_234, %swap3A_235] {strides = array<i32>} : memref<128x128xf32, #tpu.memory_space<vmem>>, vector<16xf32>,
      tpu.vector_store %arg10[%swap3A_234, %swap3A_235], %get3A_233 {strides = array<i32>} : memref<128x128xf32, #tpu.memory_space<vmem>>, vector<16xf32>,
      %get3A_237 = arith.index_cast %scan3A_231 : i32 to index
      %get3A_238 = arith.constant 16 : index
      %get3A_239 = tpu.vector_load %arg12[%get3A_237, %get3A_238] {strides = array<i32>} : memref<128x64xf32, #tpu.memory_space<vmem>>, vector<16xf32>,
      %swap3A_240 = arith.index_cast %scan3A_231 : i32 to index
      %swap3A_241 = arith.constant 16 : index
      %swap3A_242 = tpu.vector_load %arg10[%swap3A_240, %swap3A_241] {strides = array<i32>} : memref<128x128xf32, #tpu.memory_space<vmem>>, vector<16xf32>,
      tpu.vector_store %arg10[%swap3A_240, %swap3A_241], %get3A_239 {strides = array<i32>} : memref<128x128xf32, #tpu.memory_space<vmem>>, vector<16xf32>,
      %get3A_243 = arith.index_cast %scan3A_231 : i32 to index
      %get3A_244 = arith.constant 32 : index
      %get3A_245 = tpu.vector_load %arg12[%get3A_243, %get3A_244] {strides = array<i32>} : memref<128x64xf32, #tpu.memory_space<vmem>>, vector<16xf32>,
      %swap3A_246 = arith.index_cast %scan3A_231 : i32 to index
      %swap3A_247 = arith.constant 32 : index
      %swap3A_248 = tpu.vector_load %arg10[%swap3A_246, %swap3A_247] {strides = array<i32>} : memref<128x128xf32, #tpu.memory_space<vmem>>, vector<16xf32>,
      tpu.vector_store %arg10[%swap3A_246, %swap3A_247], %get3A_245 {strides = array<i32>} : memref<128x128xf32, #tpu.memory_space<vmem>>, vector<16xf32>,
      %get3A_249 = arith.index_cast %scan3A_231 : i32 to index
      %get3A_250 = arith.constant 48 : index
      %get3A_251 = tpu.vector_load %arg12[%get3A_249, %get3A_250] {strides = array<i32>} : memref<128x64xf32, #tpu.memory_space<vmem>>, vector<16xf32>,
      %swap3A_252 = arith.index_cast %scan3A_231 : i32 to index
      %swap3A_253 = arith.constant 48 : index
      %swap3A_254 = tpu.vector_load %arg10[%swap3A_252, %swap3A_253] {strides = array<i32>} : memref<128x128xf32, #tpu.memory_space<vmem>>, vector<16xf32>,
      tpu.vector_store %arg10[%swap3A_252, %swap3A_253], %get3A_251 {strides = array<i32>} : memref<128x128xf32, #tpu.memory_space<vmem>>, vector<16xf32>,
      %swap3A_255 = arith.index_cast %scan3A_231 : i32 to index
      %swap3A_256 = arith.constant 64 : index
      %swap3A_257 = tpu.vector_load %arg10[%swap3A_255, %swap3A_256] {strides = array<i32>} : memref<128x128xf32, #tpu.memory_space<vmem>>, vector<16xf32>,
      tpu.vector_store %arg10[%swap3A_255, %swap3A_256], %broadcast_in_dim3A_164 {strides = array<i32>} : memref<128x128xf32, #tpu.memory_space<vmem>>, vector<16xf32>,
      %swap3A_258 = arith.index_cast %scan3A_231 : i32 to index
      %swap3A_259 = arith.constant 80 : index
      %swap3A_260 = tpu.vector_load %arg10[%swap3A_258, %swap3A_259] {strides = array<i32>} : memref<128x128xf32, #tpu.memory_space<vmem>>, vector<16xf32>,
      tpu.vector_store %arg10[%swap3A_258, %swap3A_259], %broadcast_in_dim3A_164 {strides = array<i32>} : memref<128x128xf32, #tpu.memory_space<vmem>>, vector<16xf32>,
      %swap3A_261 = arith.index_cast %scan3A_231 : i32 to index
      %swap3A_262 = arith.constant 96 : index
      %swap3A_263 = tpu.vector_load %arg10[%swap3A_261, %swap3A_262] {strides = array<i32>} : memref<128x128xf32, #tpu.memory_space<vmem>>, vector<16xf32>,
      tpu.vector_store %arg10[%swap3A_261, %swap3A_262], %broadcast_in_dim3A_164 {strides = array<i32>} : memref<128x128xf32, #tpu.memory_space<vmem>>, vector<16xf32>,
      %swap3A_264 = arith.index_cast %scan3A_231 : i32 to index
      %swap3A_265 = arith.constant 112 : index
      %swap3A_266 = tpu.vector_load %arg10[%swap3A_264, %swap3A_265] {strides = array<i32>} : memref<128x128xf32, #tpu.memory_space<vmem>>, vector<16xf32>,
      tpu.vector_store %arg10[%swap3A_264, %swap3A_265], %broadcast_in_dim3A_164 {strides = array<i32>} : memref<128x128xf32, #tpu.memory_space<vmem>>, vector<16xf32>,
    }
    %scan3A_195 = arith.constant 128 : i32
    %run_scoped3A_196 = arith.constant 3 : i32
    "tpu.region"() ({
      %run_scoped3A_231 = tpu.sem_alloc : memref<!tpu.dma_semaphore, #tpu.memory_space<semaphore_mem>>
      %dma_start3A = arith.constant 0 : i32
      %dma_start3A_232 = tpu.memref_slice %arg8[%run_scoped3A_196, %dma_start3A] : memref<8x128xi32, #tpu.memory_space<vmem>> -> memref<1x128xi32, #tpu.memory_space<vmem>>
      %dma_start3A_233 = tpu.memref_squeeze %dma_start3A_232 : memref<1x128xi32, #tpu.memory_space<vmem>> -> memref<128xi32, #tpu.memory_space<vmem>>
      %dma_start3A_234 = arith.constant 0 : i32
      %dma_start3A_235 = arith.constant 0 : i32
      %dma_start3A_236 = tpu.memref_slice %arg5[%dma_start3A_234, %dma_start3A_235] : memref<1000000x128xf32, #tpu.memory_space<hbm>> -> memref<1000000x128xf32, #tpu.memory_space<hbm>>
      tpu.enqueue_indirect_dma source(%arg10 : memref<128x128xf32, #tpu.memory_space<vmem>>) target(%dma_start3A_236 : memref<1000000x128xf32, #tpu.memory_space<hbm>>) offsets(%dma_start3A_233 : memref<128xi32, #tpu.memory_space<vmem>>) semaphore(%run_scoped3A_231 : memref<!tpu.dma_semaphore, #tpu.memory_space<semaphore_mem>>)
      %dma_wait3A = arith.constant 0 : i32
      %dma_wait3A_237 = tpu.memref_slice %arg8[%run_scoped3A_196, %dma_wait3A] : memref<8x128xi32, #tpu.memory_space<vmem>> -> memref<1x128xi32, #tpu.memory_space<vmem>>
      %dma_wait3A_238 = tpu.memref_squeeze %dma_wait3A_237 : memref<1x128xi32, #tpu.memory_space<vmem>> -> memref<128xi32, #tpu.memory_space<vmem>>
      %dma_wait3A_239 = arith.constant 0 : i32
      %dma_wait3A_240 = arith.constant 0 : i32
      %dma_wait3A_241 = tpu.memref_slice %arg5[%dma_wait3A_239, %dma_wait3A_240] : memref<1000000x128xf32, #tpu.memory_space<hbm>> -> memref<1000000x128xf32, #tpu.memory_space<hbm>>
      tpu.wait_indirect_dma semaphore(%run_scoped3A_231 : memref<!tpu.dma_semaphore, #tpu.memory_space<semaphore_mem>>) src(%arg10 : memref<128x128xf32, #tpu.memory_space<vmem>>) dst(%dma_wait3A_241 : memref<1000000x128xf32, #tpu.memory_space<hbm>>)
      tpu.yield
    }) : () -> ()
    %run_scoped3A_197 = arith.constant 4 : i32
    "tpu.region"() ({
      %run_scoped3A_231 = tpu.sem_alloc : memref<!tpu.dma_semaphore, #tpu.memory_space<semaphore_mem>>
      %dma_start3A = arith.constant 0 : i32
      %dma_start3A_232 = tpu.memref_slice %arg9[%run_scoped3A_197, %dma_start3A] : memref<8x128xi32, #tpu.memory_space<vmem>> -> memref<1x128xi32, #tpu.memory_space<vmem>>
      %dma_start3A_233 = tpu.memref_squeeze %dma_start3A_232 : memref<1x128xi32, #tpu.memory_space<vmem>> -> memref<128xi32, #tpu.memory_space<vmem>>
      %dma_start3A_234 = arith.constant 0 : i32
      %dma_start3A_235 = arith.constant 0 : i32
      %dma_start3A_236 = tpu.memref_slice %arg15[%dma_start3A_234, %dma_start3A_235] : memref<16384x64xf32, #tpu.memory_space<vmem_shared>> -> memref<16384x64xf32, #tpu.memory_space<vmem_shared>>
      tpu.enqueue_indirect_dma source(%dma_start3A_236 : memref<16384x64xf32, #tpu.memory_space<vmem_shared>>) target(%arg12 : memref<128x64xf32, #tpu.memory_space<vmem>>) offsets(%dma_start3A_233 : memref<128xi32, #tpu.memory_space<vmem>>) semaphore(%run_scoped3A_231 : memref<!tpu.dma_semaphore, #tpu.memory_space<semaphore_mem>>)
      %dma_wait3A = arith.constant 0 : i32
      %dma_wait3A_237 = tpu.memref_slice %arg9[%run_scoped3A_197, %dma_wait3A] : memref<8x128xi32, #tpu.memory_space<vmem>> -> memref<1x128xi32, #tpu.memory_space<vmem>>
      %dma_wait3A_238 = tpu.memref_squeeze %dma_wait3A_237 : memref<1x128xi32, #tpu.memory_space<vmem>> -> memref<128xi32, #tpu.memory_space<vmem>>
      %dma_wait3A_239 = arith.constant 0 : i32
      %dma_wait3A_240 = arith.constant 0 : i32
      %dma_wait3A_241 = tpu.memref_slice %arg15[%dma_wait3A_239, %dma_wait3A_240] : memref<16384x64xf32, #tpu.memory_space<vmem_shared>> -> memref<16384x64xf32, #tpu.memory_space<vmem_shared>>
      tpu.wait_indirect_dma semaphore(%run_scoped3A_231 : memref<!tpu.dma_semaphore, #tpu.memory_space<semaphore_mem>>) src(%dma_wait3A_241 : memref<16384x64xf32, #tpu.memory_space<vmem_shared>>) dst(%arg12 : memref<128x64xf32, #tpu.memory_space<vmem>>)
      tpu.yield
    }) : () -> ()
    %scan3A_198 = arith.constant 0 : i32
    %scan3A_199 = arith.constant 0 : i32
    %scan3A_200 = arith.constant 128 : i32
    %scan3A_201 = arith.addi %scan3A_199, %scan3A_200 : i32
    %scan3A_202 = arith.constant 1 : i32
    scf.for %scan3A_231 = %scan3A_199 to %scan3A_201 step %scan3A_202  : i32 {
      %get3A = arith.index_cast %scan3A_231 : i32 to index
      %get3A_232 = arith.constant 0 : index
      %get3A_233 = tpu.vector_load %arg12[%get3A, %get3A_232] {strides = array<i32>} : memref<128x64xf32, #tpu.memory_space<vmem>>, vector<16xf32>,
      %swap3A_234 = arith.index_cast %scan3A_231 : i32 to index
      %swap3A_235 = arith.constant 0 : index
      %swap3A_236 = tpu.vector_load %arg10[%swap3A_234, %swap3A_235] {strides = array<i32>} : memref<128x128xf32, #tpu.memory_space<vmem>>, vector<16xf32>,
      tpu.vector_store %arg10[%swap3A_234, %swap3A_235], %get3A_233 {strides = array<i32>} : memref<128x128xf32, #tpu.memory_space<vmem>>, vector<16xf32>,
      %get3A_237 = arith.index_cast %scan3A_231 : i32 to index
      %get3A_238 = arith.constant 16 : index
      %get3A_239 = tpu.vector_load %arg12[%get3A_237, %get3A_238] {strides = array<i32>} : memref<128x64xf32, #tpu.memory_space<vmem>>, vector<16xf32>,
      %swap3A_240 = arith.index_cast %scan3A_231 : i32 to index
      %swap3A_241 = arith.constant 16 : index
      %swap3A_242 = tpu.vector_load %arg10[%swap3A_240, %swap3A_241] {strides = array<i32>} : memref<128x128xf32, #tpu.memory_space<vmem>>, vector<16xf32>,
      tpu.vector_store %arg10[%swap3A_240, %swap3A_241], %get3A_239 {strides = array<i32>} : memref<128x128xf32, #tpu.memory_space<vmem>>, vector<16xf32>,
      %get3A_243 = arith.index_cast %scan3A_231 : i32 to index
      %get3A_244 = arith.constant 32 : index
      %get3A_245 = tpu.vector_load %arg12[%get3A_243, %get3A_244] {strides = array<i32>} : memref<128x64xf32, #tpu.memory_space<vmem>>, vector<16xf32>,
      %swap3A_246 = arith.index_cast %scan3A_231 : i32 to index
      %swap3A_247 = arith.constant 32 : index
      %swap3A_248 = tpu.vector_load %arg10[%swap3A_246, %swap3A_247] {strides = array<i32>} : memref<128x128xf32, #tpu.memory_space<vmem>>, vector<16xf32>,
      tpu.vector_store %arg10[%swap3A_246, %swap3A_247], %get3A_245 {strides = array<i32>} : memref<128x128xf32, #tpu.memory_space<vmem>>, vector<16xf32>,
      %get3A_249 = arith.index_cast %scan3A_231 : i32 to index
      %get3A_250 = arith.constant 48 : index
      %get3A_251 = tpu.vector_load %arg12[%get3A_249, %get3A_250] {strides = array<i32>} : memref<128x64xf32, #tpu.memory_space<vmem>>, vector<16xf32>,
      %swap3A_252 = arith.index_cast %scan3A_231 : i32 to index
      %swap3A_253 = arith.constant 48 : index
      %swap3A_254 = tpu.vector_load %arg10[%swap3A_252, %swap3A_253] {strides = array<i32>} : memref<128x128xf32, #tpu.memory_space<vmem>>, vector<16xf32>,
      tpu.vector_store %arg10[%swap3A_252, %swap3A_253], %get3A_251 {strides = array<i32>} : memref<128x128xf32, #tpu.memory_space<vmem>>, vector<16xf32>,
      %swap3A_255 = arith.index_cast %scan3A_231 : i32 to index
      %swap3A_256 = arith.constant 64 : index
      %swap3A_257 = tpu.vector_load %arg10[%swap3A_255, %swap3A_256] {strides = array<i32>} : memref<128x128xf32, #tpu.memory_space<vmem>>, vector<16xf32>,
      tpu.vector_store %arg10[%swap3A_255, %swap3A_256], %broadcast_in_dim3A_164 {strides = array<i32>} : memref<128x128xf32, #tpu.memory_space<vmem>>, vector<16xf32>,
      %swap3A_258 = arith.index_cast %scan3A_231 : i32 to index
      %swap3A_259 = arith.constant 80 : index
      %swap3A_260 = tpu.vector_load %arg10[%swap3A_258, %swap3A_259] {strides = array<i32>} : memref<128x128xf32, #tpu.memory_space<vmem>>, vector<16xf32>,
      tpu.vector_store %arg10[%swap3A_258, %swap3A_259], %broadcast_in_dim3A_164 {strides = array<i32>} : memref<128x128xf32, #tpu.memory_space<vmem>>, vector<16xf32>,
      %swap3A_261 = arith.index_cast %scan3A_231 : i32 to index
      %swap3A_262 = arith.constant 96 : index
      %swap3A_263 = tpu.vector_load %arg10[%swap3A_261, %swap3A_262] {strides = array<i32>} : memref<128x128xf32, #tpu.memory_space<vmem>>, vector<16xf32>,
      tpu.vector_store %arg10[%swap3A_261, %swap3A_262], %broadcast_in_dim3A_164 {strides = array<i32>} : memref<128x128xf32, #tpu.memory_space<vmem>>, vector<16xf32>,
      %swap3A_264 = arith.index_cast %scan3A_231 : i32 to index
      %swap3A_265 = arith.constant 112 : index
      %swap3A_266 = tpu.vector_load %arg10[%swap3A_264, %swap3A_265] {strides = array<i32>} : memref<128x128xf32, #tpu.memory_space<vmem>>, vector<16xf32>,
      tpu.vector_store %arg10[%swap3A_264, %swap3A_265], %broadcast_in_dim3A_164 {strides = array<i32>} : memref<128x128xf32, #tpu.memory_space<vmem>>, vector<16xf32>,
    }
    %scan3A_203 = arith.constant 128 : i32
    %run_scoped3A_204 = arith.constant 4 : i32
    "tpu.region"() ({
      %run_scoped3A_231 = tpu.sem_alloc : memref<!tpu.dma_semaphore, #tpu.memory_space<semaphore_mem>>
      %dma_start3A = arith.constant 0 : i32
      %dma_start3A_232 = tpu.memref_slice %arg8[%run_scoped3A_204, %dma_start3A] : memref<8x128xi32, #tpu.memory_space<vmem>> -> memref<1x128xi32, #tpu.memory_space<vmem>>
      %dma_start3A_233 = tpu.memref_squeeze %dma_start3A_232 : memref<1x128xi32, #tpu.memory_space<vmem>> -> memref<128xi32, #tpu.memory_space<vmem>>
      %dma_start3A_234 = arith.constant 0 : i32
      %dma_start3A_235 = arith.constant 0 : i32
      %dma_start3A_236 = tpu.memref_slice %arg5[%dma_start3A_234, %dma_start3A_235] : memref<1000000x128xf32, #tpu.memory_space<hbm>> -> memref<1000000x128xf32, #tpu.memory_space<hbm>>
      tpu.enqueue_indirect_dma source(%arg10 : memref<128x128xf32, #tpu.memory_space<vmem>>) target(%dma_start3A_236 : memref<1000000x128xf32, #tpu.memory_space<hbm>>) offsets(%dma_start3A_233 : memref<128xi32, #tpu.memory_space<vmem>>) semaphore(%run_scoped3A_231 : memref<!tpu.dma_semaphore, #tpu.memory_space<semaphore_mem>>)
      %dma_wait3A = arith.constant 0 : i32
      %dma_wait3A_237 = tpu.memref_slice %arg8[%run_scoped3A_204, %dma_wait3A] : memref<8x128xi32, #tpu.memory_space<vmem>> -> memref<1x128xi32, #tpu.memory_space<vmem>>
      %dma_wait3A_238 = tpu.memref_squeeze %dma_wait3A_237 : memref<1x128xi32, #tpu.memory_space<vmem>> -> memref<128xi32, #tpu.memory_space<vmem>>
      %dma_wait3A_239 = arith.constant 0 : i32
      %dma_wait3A_240 = arith.constant 0 : i32
      %dma_wait3A_241 = tpu.memref_slice %arg5[%dma_wait3A_239, %dma_wait3A_240] : memref<1000000x128xf32, #tpu.memory_space<hbm>> -> memref<1000000x128xf32, #tpu.memory_space<hbm>>
      tpu.wait_indirect_dma semaphore(%run_scoped3A_231 : memref<!tpu.dma_semaphore, #tpu.memory_space<semaphore_mem>>) src(%arg10 : memref<128x128xf32, #tpu.memory_space<vmem>>) dst(%dma_wait3A_241 : memref<1000000x128xf32, #tpu.memory_space<hbm>>)
      tpu.yield
    }) : () -> ()
    %run_scoped3A_205 = arith.constant 5 : i32
    "tpu.region"() ({
      %run_scoped3A_231 = tpu.sem_alloc : memref<!tpu.dma_semaphore, #tpu.memory_space<semaphore_mem>>
      %dma_start3A = arith.constant 0 : i32
      %dma_start3A_232 = tpu.memref_slice %arg9[%run_scoped3A_205, %dma_start3A] : memref<8x128xi32, #tpu.memory_space<vmem>> -> memref<1x128xi32, #tpu.memory_space<vmem>>
      %dma_start3A_233 = tpu.memref_squeeze %dma_start3A_232 : memref<1x128xi32, #tpu.memory_space<vmem>> -> memref<128xi32, #tpu.memory_space<vmem>>
      %dma_start3A_234 = arith.constant 0 : i32
      %dma_start3A_235 = arith.constant 0 : i32
      %dma_start3A_236 = tpu.memref_slice %arg15[%dma_start3A_234, %dma_start3A_235] : memref<16384x64xf32, #tpu.memory_space<vmem_shared>> -> memref<16384x64xf32, #tpu.memory_space<vmem_shared>>
      tpu.enqueue_indirect_dma source(%dma_start3A_236 : memref<16384x64xf32, #tpu.memory_space<vmem_shared>>) target(%arg12 : memref<128x64xf32, #tpu.memory_space<vmem>>) offsets(%dma_start3A_233 : memref<128xi32, #tpu.memory_space<vmem>>) semaphore(%run_scoped3A_231 : memref<!tpu.dma_semaphore, #tpu.memory_space<semaphore_mem>>)
      %dma_wait3A = arith.constant 0 : i32
      %dma_wait3A_237 = tpu.memref_slice %arg9[%run_scoped3A_205, %dma_wait3A] : memref<8x128xi32, #tpu.memory_space<vmem>> -> memref<1x128xi32, #tpu.memory_space<vmem>>
      %dma_wait3A_238 = tpu.memref_squeeze %dma_wait3A_237 : memref<1x128xi32, #tpu.memory_space<vmem>> -> memref<128xi32, #tpu.memory_space<vmem>>
      %dma_wait3A_239 = arith.constant 0 : i32
      %dma_wait3A_240 = arith.constant 0 : i32
      %dma_wait3A_241 = tpu.memref_slice %arg15[%dma_wait3A_239, %dma_wait3A_240] : memref<16384x64xf32, #tpu.memory_space<vmem_shared>> -> memref<16384x64xf32, #tpu.memory_space<vmem_shared>>
      tpu.wait_indirect_dma semaphore(%run_scoped3A_231 : memref<!tpu.dma_semaphore, #tpu.memory_space<semaphore_mem>>) src(%dma_wait3A_241 : memref<16384x64xf32, #tpu.memory_space<vmem_shared>>) dst(%arg12 : memref<128x64xf32, #tpu.memory_space<vmem>>)
      tpu.yield
    }) : () -> ()
    %scan3A_206 = arith.constant 0 : i32
    %scan3A_207 = arith.constant 0 : i32
    %scan3A_208 = arith.constant 128 : i32
    %scan3A_209 = arith.addi %scan3A_207, %scan3A_208 : i32
    %scan3A_210 = arith.constant 1 : i32
    scf.for %scan3A_231 = %scan3A_207 to %scan3A_209 step %scan3A_210  : i32 {
      %get3A = arith.index_cast %scan3A_231 : i32 to index
      %get3A_232 = arith.constant 0 : index
      %get3A_233 = tpu.vector_load %arg12[%get3A, %get3A_232] {strides = array<i32>} : memref<128x64xf32, #tpu.memory_space<vmem>>, vector<16xf32>,
      %swap3A_234 = arith.index_cast %scan3A_231 : i32 to index
      %swap3A_235 = arith.constant 0 : index
      %swap3A_236 = tpu.vector_load %arg10[%swap3A_234, %swap3A_235] {strides = array<i32>} : memref<128x128xf32, #tpu.memory_space<vmem>>, vector<16xf32>,
      tpu.vector_store %arg10[%swap3A_234, %swap3A_235], %get3A_233 {strides = array<i32>} : memref<128x128xf32, #tpu.memory_space<vmem>>, vector<16xf32>,
      %get3A_237 = arith.index_cast %scan3A_231 : i32 to index
      %get3A_238 = arith.constant 16 : index
      %get3A_239 = tpu.vector_load %arg12[%get3A_237, %get3A_238] {strides = array<i32>} : memref<128x64xf32, #tpu.memory_space<vmem>>, vector<16xf32>,
      %swap3A_240 = arith.index_cast %scan3A_231 : i32 to index
      %swap3A_241 = arith.constant 16 : index
      %swap3A_242 = tpu.vector_load %arg10[%swap3A_240, %swap3A_241] {strides = array<i32>} : memref<128x128xf32, #tpu.memory_space<vmem>>, vector<16xf32>,
      tpu.vector_store %arg10[%swap3A_240, %swap3A_241], %get3A_239 {strides = array<i32>} : memref<128x128xf32, #tpu.memory_space<vmem>>, vector<16xf32>,
      %get3A_243 = arith.index_cast %scan3A_231 : i32 to index
      %get3A_244 = arith.constant 32 : index
      %get3A_245 = tpu.vector_load %arg12[%get3A_243, %get3A_244] {strides = array<i32>} : memref<128x64xf32, #tpu.memory_space<vmem>>, vector<16xf32>,
      %swap3A_246 = arith.index_cast %scan3A_231 : i32 to index
      %swap3A_247 = arith.constant 32 : index
      %swap3A_248 = tpu.vector_load %arg10[%swap3A_246, %swap3A_247] {strides = array<i32>} : memref<128x128xf32, #tpu.memory_space<vmem>>, vector<16xf32>,
      tpu.vector_store %arg10[%swap3A_246, %swap3A_247], %get3A_245 {strides = array<i32>} : memref<128x128xf32, #tpu.memory_space<vmem>>, vector<16xf32>,
      %get3A_249 = arith.index_cast %scan3A_231 : i32 to index
      %get3A_250 = arith.constant 48 : index
      %get3A_251 = tpu.vector_load %arg12[%get3A_249, %get3A_250] {strides = array<i32>} : memref<128x64xf32, #tpu.memory_space<vmem>>, vector<16xf32>,
      %swap3A_252 = arith.index_cast %scan3A_231 : i32 to index
      %swap3A_253 = arith.constant 48 : index
      %swap3A_254 = tpu.vector_load %arg10[%swap3A_252, %swap3A_253] {strides = array<i32>} : memref<128x128xf32, #tpu.memory_space<vmem>>, vector<16xf32>,
      tpu.vector_store %arg10[%swap3A_252, %swap3A_253], %get3A_251 {strides = array<i32>} : memref<128x128xf32, #tpu.memory_space<vmem>>, vector<16xf32>,
      %swap3A_255 = arith.index_cast %scan3A_231 : i32 to index
      %swap3A_256 = arith.constant 64 : index
      %swap3A_257 = tpu.vector_load %arg10[%swap3A_255, %swap3A_256] {strides = array<i32>} : memref<128x128xf32, #tpu.memory_space<vmem>>, vector<16xf32>,
      tpu.vector_store %arg10[%swap3A_255, %swap3A_256], %broadcast_in_dim3A_164 {strides = array<i32>} : memref<128x128xf32, #tpu.memory_space<vmem>>, vector<16xf32>,
      %swap3A_258 = arith.index_cast %scan3A_231 : i32 to index
      %swap3A_259 = arith.constant 80 : index
      %swap3A_260 = tpu.vector_load %arg10[%swap3A_258, %swap3A_259] {strides = array<i32>} : memref<128x128xf32, #tpu.memory_space<vmem>>, vector<16xf32>,
      tpu.vector_store %arg10[%swap3A_258, %swap3A_259], %broadcast_in_dim3A_164 {strides = array<i32>} : memref<128x128xf32, #tpu.memory_space<vmem>>, vector<16xf32>,
      %swap3A_261 = arith.index_cast %scan3A_231 : i32 to index
      %swap3A_262 = arith.constant 96 : index
      %swap3A_263 = tpu.vector_load %arg10[%swap3A_261, %swap3A_262] {strides = array<i32>} : memref<128x128xf32, #tpu.memory_space<vmem>>, vector<16xf32>,
      tpu.vector_store %arg10[%swap3A_261, %swap3A_262], %broadcast_in_dim3A_164 {strides = array<i32>} : memref<128x128xf32, #tpu.memory_space<vmem>>, vector<16xf32>,
      %swap3A_264 = arith.index_cast %scan3A_231 : i32 to index
      %swap3A_265 = arith.constant 112 : index
      %swap3A_266 = tpu.vector_load %arg10[%swap3A_264, %swap3A_265] {strides = array<i32>} : memref<128x128xf32, #tpu.memory_space<vmem>>, vector<16xf32>,
      tpu.vector_store %arg10[%swap3A_264, %swap3A_265], %broadcast_in_dim3A_164 {strides = array<i32>} : memref<128x128xf32, #tpu.memory_space<vmem>>, vector<16xf32>,
    }
    %scan3A_211 = arith.constant 128 : i32
    %run_scoped3A_212 = arith.constant 5 : i32
    "tpu.region"() ({
      %run_scoped3A_231 = tpu.sem_alloc : memref<!tpu.dma_semaphore, #tpu.memory_space<semaphore_mem>>
      %dma_start3A = arith.constant 0 : i32
      %dma_start3A_232 = tpu.memref_slice %arg8[%run_scoped3A_212, %dma_start3A] : memref<8x128xi32, #tpu.memory_space<vmem>> -> memref<1x128xi32, #tpu.memory_space<vmem>>
      %dma_start3A_233 = tpu.memref_squeeze %dma_start3A_232 : memref<1x128xi32, #tpu.memory_space<vmem>> -> memref<128xi32, #tpu.memory_space<vmem>>
      %dma_start3A_234 = arith.constant 0 : i32
      %dma_start3A_235 = arith.constant 0 : i32
      %dma_start3A_236 = tpu.memref_slice %arg5[%dma_start3A_234, %dma_start3A_235] : memref<1000000x128xf32, #tpu.memory_space<hbm>> -> memref<1000000x128xf32, #tpu.memory_space<hbm>>
      tpu.enqueue_indirect_dma source(%arg10 : memref<128x128xf32, #tpu.memory_space<vmem>>) target(%dma_start3A_236 : memref<1000000x128xf32, #tpu.memory_space<hbm>>) offsets(%dma_start3A_233 : memref<128xi32, #tpu.memory_space<vmem>>) semaphore(%run_scoped3A_231 : memref<!tpu.dma_semaphore, #tpu.memory_space<semaphore_mem>>)
      %dma_wait3A = arith.constant 0 : i32
      %dma_wait3A_237 = tpu.memref_slice %arg8[%run_scoped3A_212, %dma_wait3A] : memref<8x128xi32, #tpu.memory_space<vmem>> -> memref<1x128xi32, #tpu.memory_space<vmem>>
      %dma_wait3A_238 = tpu.memref_squeeze %dma_wait3A_237 : memref<1x128xi32, #tpu.memory_space<vmem>> -> memref<128xi32, #tpu.memory_space<vmem>>
      %dma_wait3A_239 = arith.constant 0 : i32
      %dma_wait3A_240 = arith.constant 0 : i32
      %dma_wait3A_241 = tpu.memref_slice %arg5[%dma_wait3A_239, %dma_wait3A_240] : memref<1000000x128xf32, #tpu.memory_space<hbm>> -> memref<1000000x128xf32, #tpu.memory_space<hbm>>
      tpu.wait_indirect_dma semaphore(%run_scoped3A_231 : memref<!tpu.dma_semaphore, #tpu.memory_space<semaphore_mem>>) src(%arg10 : memref<128x128xf32, #tpu.memory_space<vmem>>) dst(%dma_wait3A_241 : memref<1000000x128xf32, #tpu.memory_space<hbm>>)
      tpu.yield
    }) : () -> ()
    %run_scoped3A_213 = arith.constant 6 : i32
    "tpu.region"() ({
      %run_scoped3A_231 = tpu.sem_alloc : memref<!tpu.dma_semaphore, #tpu.memory_space<semaphore_mem>>
      %dma_start3A = arith.constant 0 : i32
      %dma_start3A_232 = tpu.memref_slice %arg9[%run_scoped3A_213, %dma_start3A] : memref<8x128xi32, #tpu.memory_space<vmem>> -> memref<1x128xi32, #tpu.memory_space<vmem>>
      %dma_start3A_233 = tpu.memref_squeeze %dma_start3A_232 : memref<1x128xi32, #tpu.memory_space<vmem>> -> memref<128xi32, #tpu.memory_space<vmem>>
      %dma_start3A_234 = arith.constant 0 : i32
      %dma_start3A_235 = arith.constant 0 : i32
      %dma_start3A_236 = tpu.memref_slice %arg15[%dma_start3A_234, %dma_start3A_235] : memref<16384x64xf32, #tpu.memory_space<vmem_shared>> -> memref<16384x64xf32, #tpu.memory_space<vmem_shared>>
      tpu.enqueue_indirect_dma source(%dma_start3A_236 : memref<16384x64xf32, #tpu.memory_space<vmem_shared>>) target(%arg12 : memref<128x64xf32, #tpu.memory_space<vmem>>) offsets(%dma_start3A_233 : memref<128xi32, #tpu.memory_space<vmem>>) semaphore(%run_scoped3A_231 : memref<!tpu.dma_semaphore, #tpu.memory_space<semaphore_mem>>)
      %dma_wait3A = arith.constant 0 : i32
      %dma_wait3A_237 = tpu.memref_slice %arg9[%run_scoped3A_213, %dma_wait3A] : memref<8x128xi32, #tpu.memory_space<vmem>> -> memref<1x128xi32, #tpu.memory_space<vmem>>
      %dma_wait3A_238 = tpu.memref_squeeze %dma_wait3A_237 : memref<1x128xi32, #tpu.memory_space<vmem>> -> memref<128xi32, #tpu.memory_space<vmem>>
      %dma_wait3A_239 = arith.constant 0 : i32
      %dma_wait3A_240 = arith.constant 0 : i32
      %dma_wait3A_241 = tpu.memref_slice %arg15[%dma_wait3A_239, %dma_wait3A_240] : memref<16384x64xf32, #tpu.memory_space<vmem_shared>> -> memref<16384x64xf32, #tpu.memory_space<vmem_shared>>
      tpu.wait_indirect_dma semaphore(%run_scoped3A_231 : memref<!tpu.dma_semaphore, #tpu.memory_space<semaphore_mem>>) src(%dma_wait3A_241 : memref<16384x64xf32, #tpu.memory_space<vmem_shared>>) dst(%arg12 : memref<128x64xf32, #tpu.memory_space<vmem>>)
      tpu.yield
    }) : () -> ()
    %scan3A_214 = arith.constant 0 : i32
    %scan3A_215 = arith.constant 0 : i32
    %scan3A_216 = arith.constant 128 : i32
    %scan3A_217 = arith.addi %scan3A_215, %scan3A_216 : i32
    %scan3A_218 = arith.constant 1 : i32
    scf.for %scan3A_231 = %scan3A_215 to %scan3A_217 step %scan3A_218  : i32 {
      %get3A = arith.index_cast %scan3A_231 : i32 to index
      %get3A_232 = arith.constant 0 : index
      %get3A_233 = tpu.vector_load %arg12[%get3A, %get3A_232] {strides = array<i32>} : memref<128x64xf32, #tpu.memory_space<vmem>>, vector<16xf32>,
      %swap3A_234 = arith.index_cast %scan3A_231 : i32 to index
      %swap3A_235 = arith.constant 0 : index
      %swap3A_236 = tpu.vector_load %arg10[%swap3A_234, %swap3A_235] {strides = array<i32>} : memref<128x128xf32, #tpu.memory_space<vmem>>, vector<16xf32>,
      tpu.vector_store %arg10[%swap3A_234, %swap3A_235], %get3A_233 {strides = array<i32>} : memref<128x128xf32, #tpu.memory_space<vmem>>, vector<16xf32>,
      %get3A_237 = arith.index_cast %scan3A_231 : i32 to index
      %get3A_238 = arith.constant 16 : index
      %get3A_239 = tpu.vector_load %arg12[%get3A_237, %get3A_238] {strides = array<i32>} : memref<128x64xf32, #tpu.memory_space<vmem>>, vector<16xf32>,
      %swap3A_240 = arith.index_cast %scan3A_231 : i32 to index
      %swap3A_241 = arith.constant 16 : index
      %swap3A_242 = tpu.vector_load %arg10[%swap3A_240, %swap3A_241] {strides = array<i32>} : memref<128x128xf32, #tpu.memory_space<vmem>>, vector<16xf32>,
      tpu.vector_store %arg10[%swap3A_240, %swap3A_241], %get3A_239 {strides = array<i32>} : memref<128x128xf32, #tpu.memory_space<vmem>>, vector<16xf32>,
      %get3A_243 = arith.index_cast %scan3A_231 : i32 to index
      %get3A_244 = arith.constant 32 : index
      %get3A_245 = tpu.vector_load %arg12[%get3A_243, %get3A_244] {strides = array<i32>} : memref<128x64xf32, #tpu.memory_space<vmem>>, vector<16xf32>,
      %swap3A_246 = arith.index_cast %scan3A_231 : i32 to index
      %swap3A_247 = arith.constant 32 : index
      %swap3A_248 = tpu.vector_load %arg10[%swap3A_246, %swap3A_247] {strides = array<i32>} : memref<128x128xf32, #tpu.memory_space<vmem>>, vector<16xf32>,
      tpu.vector_store %arg10[%swap3A_246, %swap3A_247], %get3A_245 {strides = array<i32>} : memref<128x128xf32, #tpu.memory_space<vmem>>, vector<16xf32>,
      %get3A_249 = arith.index_cast %scan3A_231 : i32 to index
      %get3A_250 = arith.constant 48 : index
      %get3A_251 = tpu.vector_load %arg12[%get3A_249, %get3A_250] {strides = array<i32>} : memref<128x64xf32, #tpu.memory_space<vmem>>, vector<16xf32>,
      %swap3A_252 = arith.index_cast %scan3A_231 : i32 to index
      %swap3A_253 = arith.constant 48 : index
      %swap3A_254 = tpu.vector_load %arg10[%swap3A_252, %swap3A_253] {strides = array<i32>} : memref<128x128xf32, #tpu.memory_space<vmem>>, vector<16xf32>,
      tpu.vector_store %arg10[%swap3A_252, %swap3A_253], %get3A_251 {strides = array<i32>} : memref<128x128xf32, #tpu.memory_space<vmem>>, vector<16xf32>,
      %swap3A_255 = arith.index_cast %scan3A_231 : i32 to index
      %swap3A_256 = arith.constant 64 : index
      %swap3A_257 = tpu.vector_load %arg10[%swap3A_255, %swap3A_256] {strides = array<i32>} : memref<128x128xf32, #tpu.memory_space<vmem>>, vector<16xf32>,
      tpu.vector_store %arg10[%swap3A_255, %swap3A_256], %broadcast_in_dim3A_164 {strides = array<i32>} : memref<128x128xf32, #tpu.memory_space<vmem>>, vector<16xf32>,
      %swap3A_258 = arith.index_cast %scan3A_231 : i32 to index
      %swap3A_259 = arith.constant 80 : index
      %swap3A_260 = tpu.vector_load %arg10[%swap3A_258, %swap3A_259] {strides = array<i32>} : memref<128x128xf32, #tpu.memory_space<vmem>>, vector<16xf32>,
      tpu.vector_store %arg10[%swap3A_258, %swap3A_259], %broadcast_in_dim3A_164 {strides = array<i32>} : memref<128x128xf32, #tpu.memory_space<vmem>>, vector<16xf32>,
      %swap3A_261 = arith.index_cast %scan3A_231 : i32 to index
      %swap3A_262 = arith.constant 96 : index
      %swap3A_263 = tpu.vector_load %arg10[%swap3A_261, %swap3A_262] {strides = array<i32>} : memref<128x128xf32, #tpu.memory_space<vmem>>, vector<16xf32>,
      tpu.vector_store %arg10[%swap3A_261, %swap3A_262], %broadcast_in_dim3A_164 {strides = array<i32>} : memref<128x128xf32, #tpu.memory_space<vmem>>, vector<16xf32>,
      %swap3A_264 = arith.index_cast %scan3A_231 : i32 to index
      %swap3A_265 = arith.constant 112 : index
      %swap3A_266 = tpu.vector_load %arg10[%swap3A_264, %swap3A_265] {strides = array<i32>} : memref<128x128xf32, #tpu.memory_space<vmem>>, vector<16xf32>,
      tpu.vector_store %arg10[%swap3A_264, %swap3A_265], %broadcast_in_dim3A_164 {strides = array<i32>} : memref<128x128xf32, #tpu.memory_space<vmem>>, vector<16xf32>,
    }
    %scan3A_219 = arith.constant 128 : i32
    %run_scoped3A_220 = arith.constant 6 : i32
    "tpu.region"() ({
      %run_scoped3A_231 = tpu.sem_alloc : memref<!tpu.dma_semaphore, #tpu.memory_space<semaphore_mem>>
      %dma_start3A = arith.constant 0 : i32
      %dma_start3A_232 = tpu.memref_slice %arg8[%run_scoped3A_220, %dma_start3A] : memref<8x128xi32, #tpu.memory_space<vmem>> -> memref<1x128xi32, #tpu.memory_space<vmem>>
      %dma_start3A_233 = tpu.memref_squeeze %dma_start3A_232 : memref<1x128xi32, #tpu.memory_space<vmem>> -> memref<128xi32, #tpu.memory_space<vmem>>
      %dma_start3A_234 = arith.constant 0 : i32
      %dma_start3A_235 = arith.constant 0 : i32
      %dma_start3A_236 = tpu.memref_slice %arg5[%dma_start3A_234, %dma_start3A_235] : memref<1000000x128xf32, #tpu.memory_space<hbm>> -> memref<1000000x128xf32, #tpu.memory_space<hbm>>
      tpu.enqueue_indirect_dma source(%arg10 : memref<128x128xf32, #tpu.memory_space<vmem>>) target(%dma_start3A_236 : memref<1000000x128xf32, #tpu.memory_space<hbm>>) offsets(%dma_start3A_233 : memref<128xi32, #tpu.memory_space<vmem>>) semaphore(%run_scoped3A_231 : memref<!tpu.dma_semaphore, #tpu.memory_space<semaphore_mem>>)
      %dma_wait3A = arith.constant 0 : i32
      %dma_wait3A_237 = tpu.memref_slice %arg8[%run_scoped3A_220, %dma_wait3A] : memref<8x128xi32, #tpu.memory_space<vmem>> -> memref<1x128xi32, #tpu.memory_space<vmem>>
      %dma_wait3A_238 = tpu.memref_squeeze %dma_wait3A_237 : memref<1x128xi32, #tpu.memory_space<vmem>> -> memref<128xi32, #tpu.memory_space<vmem>>
      %dma_wait3A_239 = arith.constant 0 : i32
      %dma_wait3A_240 = arith.constant 0 : i32
      %dma_wait3A_241 = tpu.memref_slice %arg5[%dma_wait3A_239, %dma_wait3A_240] : memref<1000000x128xf32, #tpu.memory_space<hbm>> -> memref<1000000x128xf32, #tpu.memory_space<hbm>>
      tpu.wait_indirect_dma semaphore(%run_scoped3A_231 : memref<!tpu.dma_semaphore, #tpu.memory_space<semaphore_mem>>) src(%arg10 : memref<128x128xf32, #tpu.memory_space<vmem>>) dst(%dma_wait3A_241 : memref<1000000x128xf32, #tpu.memory_space<hbm>>)
      tpu.yield
    }) : () -> ()
    %run_scoped3A_221 = arith.constant 7 : i32
    "tpu.region"() ({
      %run_scoped3A_231 = tpu.sem_alloc : memref<!tpu.dma_semaphore, #tpu.memory_space<semaphore_mem>>
      %dma_start3A = arith.constant 0 : i32
      %dma_start3A_232 = tpu.memref_slice %arg9[%run_scoped3A_221, %dma_start3A] : memref<8x128xi32, #tpu.memory_space<vmem>> -> memref<1x128xi32, #tpu.memory_space<vmem>>
      %dma_start3A_233 = tpu.memref_squeeze %dma_start3A_232 : memref<1x128xi32, #tpu.memory_space<vmem>> -> memref<128xi32, #tpu.memory_space<vmem>>
      %dma_start3A_234 = arith.constant 0 : i32
      %dma_start3A_235 = arith.constant 0 : i32
      %dma_start3A_236 = tpu.memref_slice %arg15[%dma_start3A_234, %dma_start3A_235] : memref<16384x64xf32, #tpu.memory_space<vmem_shared>> -> memref<16384x64xf32, #tpu.memory_space<vmem_shared>>
      tpu.enqueue_indirect_dma source(%dma_start3A_236 : memref<16384x64xf32, #tpu.memory_space<vmem_shared>>) target(%arg12 : memref<128x64xf32, #tpu.memory_space<vmem>>) offsets(%dma_start3A_233 : memref<128xi32, #tpu.memory_space<vmem>>) semaphore(%run_scoped3A_231 : memref<!tpu.dma_semaphore, #tpu.memory_space<semaphore_mem>>)
      %dma_wait3A = arith.constant 0 : i32
      %dma_wait3A_237 = tpu.memref_slice %arg9[%run_scoped3A_221, %dma_wait3A] : memref<8x128xi32, #tpu.memory_space<vmem>> -> memref<1x128xi32, #tpu.memory_space<vmem>>
      %dma_wait3A_238 = tpu.memref_squeeze %dma_wait3A_237 : memref<1x128xi32, #tpu.memory_space<vmem>> -> memref<128xi32, #tpu.memory_space<vmem>>
      %dma_wait3A_239 = arith.constant 0 : i32
      %dma_wait3A_240 = arith.constant 0 : i32
      %dma_wait3A_241 = tpu.memref_slice %arg15[%dma_wait3A_239, %dma_wait3A_240] : memref<16384x64xf32, #tpu.memory_space<vmem_shared>> -> memref<16384x64xf32, #tpu.memory_space<vmem_shared>>
      tpu.wait_indirect_dma semaphore(%run_scoped3A_231 : memref<!tpu.dma_semaphore, #tpu.memory_space<semaphore_mem>>) src(%dma_wait3A_241 : memref<16384x64xf32, #tpu.memory_space<vmem_shared>>) dst(%arg12 : memref<128x64xf32, #tpu.memory_space<vmem>>)
      tpu.yield
    }) : () -> ()
    %scan3A_222 = arith.constant 0 : i32
    %scan3A_223 = arith.constant 0 : i32
    %scan3A_224 = arith.constant 128 : i32
    %scan3A_225 = arith.addi %scan3A_223, %scan3A_224 : i32
    %scan3A_226 = arith.constant 1 : i32
    scf.for %scan3A_231 = %scan3A_223 to %scan3A_225 step %scan3A_226  : i32 {
      %get3A = arith.index_cast %scan3A_231 : i32 to index
      %get3A_232 = arith.constant 0 : index
      %get3A_233 = tpu.vector_load %arg12[%get3A, %get3A_232] {strides = array<i32>} : memref<128x64xf32, #tpu.memory_space<vmem>>, vector<16xf32>,
      %swap3A_234 = arith.index_cast %scan3A_231 : i32 to index
      %swap3A_235 = arith.constant 0 : index
      %swap3A_236 = tpu.vector_load %arg10[%swap3A_234, %swap3A_235] {strides = array<i32>} : memref<128x128xf32, #tpu.memory_space<vmem>>, vector<16xf32>,
      tpu.vector_store %arg10[%swap3A_234, %swap3A_235], %get3A_233 {strides = array<i32>} : memref<128x128xf32, #tpu.memory_space<vmem>>, vector<16xf32>,
      %get3A_237 = arith.index_cast %scan3A_231 : i32 to index
      %get3A_238 = arith.constant 16 : index
      %get3A_239 = tpu.vector_load %arg12[%get3A_237, %get3A_238] {strides = array<i32>} : memref<128x64xf32, #tpu.memory_space<vmem>>, vector<16xf32>,
      %swap3A_240 = arith.index_cast %scan3A_231 : i32 to index
      %swap3A_241 = arith.constant 16 : index
      %swap3A_242 = tpu.vector_load %arg10[%swap3A_240, %swap3A_241] {strides = array<i32>} : memref<128x128xf32, #tpu.memory_space<vmem>>, vector<16xf32>,
      tpu.vector_store %arg10[%swap3A_240, %swap3A_241], %get3A_239 {strides = array<i32>} : memref<128x128xf32, #tpu.memory_space<vmem>>, vector<16xf32>,
      %get3A_243 = arith.index_cast %scan3A_231 : i32 to index
      %get3A_244 = arith.constant 32 : index
      %get3A_245 = tpu.vector_load %arg12[%get3A_243, %get3A_244] {strides = array<i32>} : memref<128x64xf32, #tpu.memory_space<vmem>>, vector<16xf32>,
      %swap3A_246 = arith.index_cast %scan3A_231 : i32 to index
      %swap3A_247 = arith.constant 32 : index
      %swap3A_248 = tpu.vector_load %arg10[%swap3A_246, %swap3A_247] {strides = array<i32>} : memref<128x128xf32, #tpu.memory_space<vmem>>, vector<16xf32>,
      tpu.vector_store %arg10[%swap3A_246, %swap3A_247], %get3A_245 {strides = array<i32>} : memref<128x128xf32, #tpu.memory_space<vmem>>, vector<16xf32>,
      %get3A_249 = arith.index_cast %scan3A_231 : i32 to index
      %get3A_250 = arith.constant 48 : index
      %get3A_251 = tpu.vector_load %arg12[%get3A_249, %get3A_250] {strides = array<i32>} : memref<128x64xf32, #tpu.memory_space<vmem>>, vector<16xf32>,
      %swap3A_252 = arith.index_cast %scan3A_231 : i32 to index
      %swap3A_253 = arith.constant 48 : index
      %swap3A_254 = tpu.vector_load %arg10[%swap3A_252, %swap3A_253] {strides = array<i32>} : memref<128x128xf32, #tpu.memory_space<vmem>>, vector<16xf32>,
      tpu.vector_store %arg10[%swap3A_252, %swap3A_253], %get3A_251 {strides = array<i32>} : memref<128x128xf32, #tpu.memory_space<vmem>>, vector<16xf32>,
      %swap3A_255 = arith.index_cast %scan3A_231 : i32 to index
      %swap3A_256 = arith.constant 64 : index
      %swap3A_257 = tpu.vector_load %arg10[%swap3A_255, %swap3A_256] {strides = array<i32>} : memref<128x128xf32, #tpu.memory_space<vmem>>, vector<16xf32>,
      tpu.vector_store %arg10[%swap3A_255, %swap3A_256], %broadcast_in_dim3A_164 {strides = array<i32>} : memref<128x128xf32, #tpu.memory_space<vmem>>, vector<16xf32>,
      %swap3A_258 = arith.index_cast %scan3A_231 : i32 to index
      %swap3A_259 = arith.constant 80 : index
      %swap3A_260 = tpu.vector_load %arg10[%swap3A_258, %swap3A_259] {strides = array<i32>} : memref<128x128xf32, #tpu.memory_space<vmem>>, vector<16xf32>,
      tpu.vector_store %arg10[%swap3A_258, %swap3A_259], %broadcast_in_dim3A_164 {strides = array<i32>} : memref<128x128xf32, #tpu.memory_space<vmem>>, vector<16xf32>,
      %swap3A_261 = arith.index_cast %scan3A_231 : i32 to index
      %swap3A_262 = arith.constant 96 : index
      %swap3A_263 = tpu.vector_load %arg10[%swap3A_261, %swap3A_262] {strides = array<i32>} : memref<128x128xf32, #tpu.memory_space<vmem>>, vector<16xf32>,
      tpu.vector_store %arg10[%swap3A_261, %swap3A_262], %broadcast_in_dim3A_164 {strides = array<i32>} : memref<128x128xf32, #tpu.memory_space<vmem>>, vector<16xf32>,
      %swap3A_264 = arith.index_cast %scan3A_231 : i32 to index
      %swap3A_265 = arith.constant 112 : index
      %swap3A_266 = tpu.vector_load %arg10[%swap3A_264, %swap3A_265] {strides = array<i32>} : memref<128x128xf32, #tpu.memory_space<vmem>>, vector<16xf32>,
      tpu.vector_store %arg10[%swap3A_264, %swap3A_265], %broadcast_in_dim3A_164 {strides = array<i32>} : memref<128x128xf32, #tpu.memory_space<vmem>>, vector<16xf32>,
    }
    %scan3A_227 = arith.constant 128 : i32
    %run_scoped3A_228 = arith.constant 7 : i32
    "tpu.region"() ({
      %run_scoped3A_231 = tpu.sem_alloc : memref<!tpu.dma_semaphore, #tpu.memory_space<semaphore_mem>>
      %dma_start3A = arith.constant 0 : i32
      %dma_start3A_232 = tpu.memref_slice %arg8[%run_scoped3A_228, %dma_start3A] : memref<8x128xi32, #tpu.memory_space<vmem>> -> memref<1x128xi32, #tpu.memory_space<vmem>>
      %dma_start3A_233 = tpu.memref_squeeze %dma_start3A_232 : memref<1x128xi32, #tpu.memory_space<vmem>> -> memref<128xi32, #tpu.memory_space<vmem>>
      %dma_start3A_234 = arith.constant 0 : i32
      %dma_start3A_235 = arith.constant 0 : i32
      %dma_start3A_236 = tpu.memref_slice %arg5[%dma_start3A_234, %dma_start3A_235] : memref<1000000x128xf32, #tpu.memory_space<hbm>> -> memref<1000000x128xf32, #tpu.memory_space<hbm>>
      tpu.enqueue_indirect_dma source(%arg10 : memref<128x128xf32, #tpu.memory_space<vmem>>) target(%dma_start3A_236 : memref<1000000x128xf32, #tpu.memory_space<hbm>>) offsets(%dma_start3A_233 : memref<128xi32, #tpu.memory_space<vmem>>) semaphore(%run_scoped3A_231 : memref<!tpu.dma_semaphore, #tpu.memory_space<semaphore_mem>>)
      %dma_wait3A = arith.constant 0 : i32
      %dma_wait3A_237 = tpu.memref_slice %arg8[%run_scoped3A_228, %dma_wait3A] : memref<8x128xi32, #tpu.memory_space<vmem>> -> memref<1x128xi32, #tpu.memory_space<vmem>>
      %dma_wait3A_238 = tpu.memref_squeeze %dma_wait3A_237 : memref<1x128xi32, #tpu.memory_space<vmem>> -> memref<128xi32, #tpu.memory_space<vmem>>
      %dma_wait3A_239 = arith.constant 0 : i32
      %dma_wait3A_240 = arith.constant 0 : i32
      %dma_wait3A_241 = tpu.memref_slice %arg5[%dma_wait3A_239, %dma_wait3A_240] : memref<1000000x128xf32, #tpu.memory_space<hbm>> -> memref<1000000x128xf32, #tpu.memory_space<hbm>>
      tpu.wait_indirect_dma semaphore(%run_scoped3A_231 : memref<!tpu.dma_semaphore, #tpu.memory_space<semaphore_mem>>) src(%arg10 : memref<128x128xf32, #tpu.memory_space<vmem>>) dst(%dma_wait3A_241 : memref<1000000x128xf32, #tpu.memory_space<hbm>>)
      tpu.yield
    }) : () -> ()
    %eq3A = arith.constant 0 : i32
    %eq3A_229 = arith.cmpi eq, %arg1, %eq3A : i32
    %convert_element_type3A = arith.extui %eq3A_229 : i1 to i32
    %cond3A = arith.constant 0 : i32
    %cond3A_230 = arith.cmpi ne, %convert_element_type3A, %cond3A : i32
    scf.if %cond3A_230 {
      "tpu.region"() ({
        %run_scoped3A_318 = tpu.sem_alloc : memref<!tpu.dma_semaphore, #tpu.memory_space<semaphore_mem>>
        tpu.enqueue_dma source(%arg16 : memref<16x16xf32, #tpu.memory_space<vmem_shared>>) target(%arg14 : memref<16x16xf32, #tpu.memory_space<vmem>>) target_semaphore(%run_scoped3A_318 : memref<!tpu.dma_semaphore, #tpu.memory_space<semaphore_mem>>)
        tpu.wait_dma2 semaphore(%run_scoped3A_318 : memref<!tpu.dma_semaphore, #tpu.memory_space<semaphore_mem>>) src(%arg16 : memref<16x16xf32, #tpu.memory_space<vmem_shared>>) dst(%arg14 : memref<16x16xf32, #tpu.memory_space<vmem>>)
        tpu.yield
      }) : () -> ()
      %broadcast_in_dim3A_231 = arith.constant 0.000000e+00 : f32
      %broadcast_in_dim3A_232 = vector.broadcast %broadcast_in_dim3A_231 : f32 to vector<16xf32>
      %get3A = arith.constant 0 : i32
      %get3A_233 = arith.index_cast %get3A : i32 to index
      %get3A_234 = arith.constant 0 : index
      %get3A_235 = tpu.vector_load %arg14[%get3A_233, %get3A_234] {strides = array<i32>} : memref<16x16xf32, #tpu.memory_space<vmem>>, vector<16xf32>,
      %add3A_236 = arith.addf %broadcast_in_dim3A_232, %get3A_235 : vector<16xf32>
      %get3A_237 = arith.constant 1 : i32
      %get3A_238 = arith.index_cast %get3A_237 : i32 to index
      %get3A_239 = arith.constant 0 : index
      %get3A_240 = tpu.vector_load %arg14[%get3A_238, %get3A_239] {strides = array<i32>} : memref<16x16xf32, #tpu.memory_space<vmem>>, vector<16xf32>,
      %add3A_241 = arith.addf %add3A_236, %get3A_240 : vector<16xf32>
      %get3A_242 = arith.constant 2 : i32
      %get3A_243 = arith.index_cast %get3A_242 : i32 to index
      %get3A_244 = arith.constant 0 : index
      %get3A_245 = tpu.vector_load %arg14[%get3A_243, %get3A_244] {strides = array<i32>} : memref<16x16xf32, #tpu.memory_space<vmem>>, vector<16xf32>,
      %add3A_246 = arith.addf %add3A_241, %get3A_245 : vector<16xf32>
      %get3A_247 = arith.constant 3 : i32
      %get3A_248 = arith.index_cast %get3A_247 : i32 to index
      %get3A_249 = arith.constant 0 : index
      %get3A_250 = tpu.vector_load %arg14[%get3A_248, %get3A_249] {strides = array<i32>} : memref<16x16xf32, #tpu.memory_space<vmem>>, vector<16xf32>,
      %add3A_251 = arith.addf %add3A_246, %get3A_250 : vector<16xf32>
      %get3A_252 = arith.constant 4 : i32
      %get3A_253 = arith.index_cast %get3A_252 : i32 to index
      %get3A_254 = arith.constant 0 : index
      %get3A_255 = tpu.vector_load %arg14[%get3A_253, %get3A_254] {strides = array<i32>} : memref<16x16xf32, #tpu.memory_space<vmem>>, vector<16xf32>,
      %add3A_256 = arith.addf %add3A_251, %get3A_255 : vector<16xf32>
      %get3A_257 = arith.constant 5 : i32
      %get3A_258 = arith.index_cast %get3A_257 : i32 to index
      %get3A_259 = arith.constant 0 : index
      %get3A_260 = tpu.vector_load %arg14[%get3A_258, %get3A_259] {strides = array<i32>} : memref<16x16xf32, #tpu.memory_space<vmem>>, vector<16xf32>,
      %add3A_261 = arith.addf %add3A_256, %get3A_260 : vector<16xf32>
      %get3A_262 = arith.constant 6 : i32
      %get3A_263 = arith.index_cast %get3A_262 : i32 to index
      %get3A_264 = arith.constant 0 : index
      %get3A_265 = tpu.vector_load %arg14[%get3A_263, %get3A_264] {strides = array<i32>} : memref<16x16xf32, #tpu.memory_space<vmem>>, vector<16xf32>,
      %add3A_266 = arith.addf %add3A_261, %get3A_265 : vector<16xf32>
      %get3A_267 = arith.constant 7 : i32
      %get3A_268 = arith.index_cast %get3A_267 : i32 to index
      %get3A_269 = arith.constant 0 : index
      %get3A_270 = tpu.vector_load %arg14[%get3A_268, %get3A_269] {strides = array<i32>} : memref<16x16xf32, #tpu.memory_space<vmem>>, vector<16xf32>,
      %add3A_271 = arith.addf %add3A_266, %get3A_270 : vector<16xf32>
      %get3A_272 = arith.constant 8 : i32
      %get3A_273 = arith.index_cast %get3A_272 : i32 to index
      %get3A_274 = arith.constant 0 : index
      %get3A_275 = tpu.vector_load %arg14[%get3A_273, %get3A_274] {strides = array<i32>} : memref<16x16xf32, #tpu.memory_space<vmem>>, vector<16xf32>,
      %add3A_276 = arith.addf %add3A_271, %get3A_275 : vector<16xf32>
      %get3A_277 = arith.constant 9 : i32
      %get3A_278 = arith.index_cast %get3A_277 : i32 to index
      %get3A_279 = arith.constant 0 : index
      %get3A_280 = tpu.vector_load %arg14[%get3A_278, %get3A_279] {strides = array<i32>} : memref<16x16xf32, #tpu.memory_space<vmem>>, vector<16xf32>,
      %add3A_281 = arith.addf %add3A_276, %get3A_280 : vector<16xf32>
      %get3A_282 = arith.constant 10 : i32
      %get3A_283 = arith.index_cast %get3A_282 : i32 to index
      %get3A_284 = arith.constant 0 : index
      %get3A_285 = tpu.vector_load %arg14[%get3A_283, %get3A_284] {strides = array<i32>} : memref<16x16xf32, #tpu.memory_space<vmem>>, vector<16xf32>,
      %add3A_286 = arith.addf %add3A_281, %get3A_285 : vector<16xf32>
      %get3A_287 = arith.constant 11 : i32
      %get3A_288 = arith.index_cast %get3A_287 : i32 to index
      %get3A_289 = arith.constant 0 : index
      %get3A_290 = tpu.vector_load %arg14[%get3A_288, %get3A_289] {strides = array<i32>} : memref<16x16xf32, #tpu.memory_space<vmem>>, vector<16xf32>,
      %add3A_291 = arith.addf %add3A_286, %get3A_290 : vector<16xf32>
      %get3A_292 = arith.constant 12 : i32
      %get3A_293 = arith.index_cast %get3A_292 : i32 to index
      %get3A_294 = arith.constant 0 : index
      %get3A_295 = tpu.vector_load %arg14[%get3A_293, %get3A_294] {strides = array<i32>} : memref<16x16xf32, #tpu.memory_space<vmem>>, vector<16xf32>,
      %add3A_296 = arith.addf %add3A_291, %get3A_295 : vector<16xf32>
      %get3A_297 = arith.constant 13 : i32
      %get3A_298 = arith.index_cast %get3A_297 : i32 to index
      %get3A_299 = arith.constant 0 : index
      %get3A_300 = tpu.vector_load %arg14[%get3A_298, %get3A_299] {strides = array<i32>} : memref<16x16xf32, #tpu.memory_space<vmem>>, vector<16xf32>,
      %add3A_301 = arith.addf %add3A_296, %get3A_300 : vector<16xf32>
      %get3A_302 = arith.constant 14 : i32
      %get3A_303 = arith.index_cast %get3A_302 : i32 to index
      %get3A_304 = arith.constant 0 : index
      %get3A_305 = tpu.vector_load %arg14[%get3A_303, %get3A_304] {strides = array<i32>} : memref<16x16xf32, #tpu.memory_space<vmem>>, vector<16xf32>,
      %add3A_306 = arith.addf %add3A_301, %get3A_305 : vector<16xf32>
      %get3A_307 = arith.constant 15 : i32
      %get3A_308 = arith.index_cast %get3A_307 : i32 to index
      %get3A_309 = arith.constant 0 : index
      %get3A_310 = tpu.vector_load %arg14[%get3A_308, %get3A_309] {strides = array<i32>} : memref<16x16xf32, #tpu.memory_space<vmem>>, vector<16xf32>,
      %add3A_311 = arith.addf %add3A_306, %get3A_310 : vector<16xf32>
      %reduce_sum3A = arith.constant true
      %reduce_sum3A_312 = vector.broadcast %reduce_sum3A : i1 to vector<16xi1>
      %reduce_sum3A_313 = tpu.scan <sum>, %add3A_311 masked %reduce_sum3A_312 : vector<16xf32>, vector<16xi1> -> vector<16xf32>
      %reduce_sum3A_314 = vector.extract %reduce_sum3A_313[15] : f32 from vector<16xf32>
      %broadcast_in_dim3A_315 = vector.broadcast %reduce_sum3A_314 : f32 to vector<16xf32>
      %swap3A_316 = arith.constant 0 : index
      %swap3A_317 = tpu.vector_load %arg13[%swap3A_316] {strides = array<i32>} : memref<16xf32, #tpu.memory_space<vmem>>, vector<16xf32>,
      tpu.vector_store %arg13[%swap3A_316], %broadcast_in_dim3A_315 {strides = array<i32>} : memref<16xf32, #tpu.memory_space<vmem>>, vector<16xf32>,
      "tpu.region"() ({
        %run_scoped3A_318 = tpu.sem_alloc : memref<!tpu.dma_semaphore, #tpu.memory_space<semaphore_mem>>
        tpu.enqueue_dma source(%arg13 : memref<16xf32, #tpu.memory_space<vmem>>) target(%arg6 : memref<16xf32, #tpu.memory_space<hbm>>) target_semaphore(%run_scoped3A_318 : memref<!tpu.dma_semaphore, #tpu.memory_space<semaphore_mem>>)
        tpu.wait_dma2 semaphore(%run_scoped3A_318 : memref<!tpu.dma_semaphore, #tpu.memory_space<semaphore_mem>>) src(%arg13 : memref<16xf32, #tpu.memory_space<vmem>>) dst(%arg6 : memref<16xf32, #tpu.memory_space<hbm>>)
        tpu.yield
      }) : () -> ()
    } else {
    }
    return
  }
}

module attributes {stable_mosaic.version = 14 : i64} {
  func.func @center_loss_tpad(%arg0: i32, %arg1: memref<64x2048xf32, #tpu.memory_space<vmem>>, %arg2: memref<2048x128xf32, #tpu.memory_space<vmem>>) attributes {dimension_semantics = [#tpu.dimension_semantics<arbitrary>], iteration_bounds = array<i64: 8>, scalar_prefetch = 0 : i64, scratch_operands = 0 : i64, tpu.core_type = #tpu.core_type<tc>, window_params = [{transform_indices = @transform_0, window_bounds = array<i64: 64, 2048>}, {transform_indices = @transform_1, window_bounds = array<i64: 2048, 128>}]} {
    %get3A = arith.constant 0 : index
    %get3A_0 = arith.constant 0 : index
    %get3A_1 = vector.load %arg1[%get3A, %get3A_0] : memref<64x2048xf32, #tpu.memory_space<vmem>>, vector<64x2048xf32>
    %transpose3A = tpu.transpose %get3A_1, [1, 0] : vector<64x2048xf32> -> vector<2048x64xf32>
    %swap3A = arith.constant 0 : index
    %swap3A_2 = arith.constant 0 : index
    %swap3A_3 = vector.load %arg2[%swap3A, %swap3A_2] : memref<2048x128xf32, #tpu.memory_space<vmem>>, vector<2048x64xf32>
    tpu.vector_store %arg2[%swap3A, %swap3A_2], %transpose3A {strides = array<i32>} : memref<2048x128xf32, #tpu.memory_space<vmem>>, vector<2048x64xf32>,
    %broadcast_in_dim3A = arith.constant 0.000000e+00 : f32
    %broadcast_in_dim3A_4 = vector.broadcast %broadcast_in_dim3A : f32 to vector<2048x64xf32>
    %swap3A_5 = arith.constant 0 : index
    %swap3A_6 = arith.constant 64 : index
    %swap3A_7 = vector.load %arg2[%swap3A_5, %swap3A_6] : memref<2048x128xf32, #tpu.memory_space<vmem>>, vector<2048x64xf32>
    tpu.vector_store %arg2[%swap3A_5, %swap3A_6], %broadcast_in_dim3A_4 {strides = array<i32>} : memref<2048x128xf32, #tpu.memory_space<vmem>>, vector<2048x64xf32>,
    return
  }
  func.func @transform_0(%arg0: i32) -> (i32, i32) {
    %c0_i32 = arith.constant 0 : i32
    %c0_i32_0 = arith.constant 0 : i32
    return %c0_i32, %arg0 : i32, i32
  }
  func.func @transform_1(%arg0: i32) -> (i32, i32) {
    %c0_i32 = arith.constant 0 : i32
    %c0_i32_0 = arith.constant 0 : i32
    return %arg0, %c0_i32 : i32, i32
  }
}

</mosaic_0001>

<sc_bundles>
// kernel: center_loss_tag.3.cloned.1.call-start
scs
__scs_entry_jumppad:
0x0: {  	(pc) =	sbr.rel $0x88, $3  }
0x1: {  	(tag) =	ssettag $0x0;
	lr =	simm.s32 $0x1  }
0x2: {  	[smem:$0x3F9E] =	sst lr;
	_ =	strace $0xD0000000  }
0x3: {  	_ = 	snop  }
0x4: {  	_ = 	snop  }
0x5: {  	_ = 	snop  }
0x6: {  	_ = 	snop  }
0x7: {  	_ = 	snop  }
__scs_overlays_trampoline_lowered:
0x8: {  	[smem:$0x3FAD] =	sst s0  }
0x9: {  	[smem:$0x3FAE] =	sst s1  }
0xa: {  	[smem:$0x3FAF] =	sst s2  }
0xb: {  	[smem:$0x3FB0] =	sst s3  }
0xc: {  	[smem:$0x3FB1] =	sst s4  }
0xd: {  	[smem:$0x3FB2] =	sst s5  }
0xe: {  	[smem:$0x3FB3] =	sst s6  }
0xf: {  	[smem:$0x3FB4] =	sst s7  }
0x10: {  	[smem:$0x3FB5] =	sst s8  }
0x11: {  	[smem:$0x3FB6] =	sst s9;
	s0 =	simm.s32 @!p0 $0x0  }
0x12: {  	s1 =	sld [smem:$0x3F9C];
	s0 =	simm.s32 @p0 $0x1  }
0x13: {  	[smem:$0x3FB7] =	sst s0;
	s0 =	simm.s32 @!p1 $0x0  }
0x14: {  	s2 =	sld [smem:$0x3F9B];
	s0 =	simm.s32 @p1 $0x1  }
0x15: {  	[smem:$0x3FB8] =	sst s0;
	s0 =	simm.s32 @!p2 $0x0  }
0x16: {  	s3 =	sld [smem:$0x3FDB];
	s0 =	simm.s32 @p2 $0x1  }
0x17: {  	s4 =	simm.s32 $0x1BF5;
	[smem:$0x3FBA] =	sst s0  }
0x18: {  	s0 =	sld [smem:$0x3F9D];
	_ =	swait.ge [sflag:s4], $0x0  }
0x19: {  	s7 =	sld [smem:$0x3F9E]  }
0x1a: {  	s8 =	sadd.s32 $0xFFFFE003, lr  }
0x1b: {  	s9 =	sadd.s32 $0xFFFFFEF7, lr;
	s5 =	simm.s32 $0xFFFFFFFF;
	p2 =	slt.u32 s8, $0xFFFFF086  }
0x1c: {  	p1 =	slt.u32 s9, $0xF7A;
	s5 =	simm.s32 @!p2 $0x0  }
0x1d: {  	s5 =	simm.s32 @p1 $0x1;
	p0 =	seq.s32 s7, s2  }
0x1e: {  	s7 =	smul.u32 @!p0 $0xF7A, s2;
	p2 =	seq.s32 @!p0 s5, $0x0  }
0x1f: {  	s9 =	smul.u32 $0xF7A, s1;
	s8 =	simm.s32 @!p0 $0x1BF5;
	p2 =	por !p2, p0  }
0x20: {  	[sflag:s8] =	ssyncset.s32 @!p0 $0xFFFFF086;
	s6 =	sadd.s32 @!p0 s3, s7;
	s7 =	simm.s32 @!p0 $0x108  }
0x21: {  	s3 =	sadd.s32 s3, s9;
	s6 =	sadd.s32 @!p0 $0x88, s6;
	s7 =	simm.s32 @p2 $0x1082  }
0x22: {  	[simem:s7], [sflag:s8] =	dma.local @!p0 [hbm:s6], $0xF7A  }
0x23: {  	s9 =	sor.u32 $0xD0000000, s2;
	s6 =	simm.s32 $0x108;
	_ =	swait.ge @!p0 [sflag:s8], $0x0  }
0x24: {  	s3 =	sadd.s32 $0x88, s3;
	s6 =	simm.s32 @!p1 $0x1082;
	[sflag:s4] =	ssyncset.s32 $0xFFFFF086  }
0x25: {  	[simem:s6], [sflag:s4] =	dma.local [hbm:s3], $0xF7A  }
0x26: {  	[smem:$0x3F9E] =	sst s1;
	(tag) =	ssettag s2;
	_ =	strace s9  }
0x27: {  	s1 =	sld [smem:$0x3FAE]  }
0x28: {  	s2 =	sld [smem:$0x3FAF]  }
0x29: {  	s4 =	sld [smem:$0x3FB1]  }
0x2a: {  	p0 =	seq.s32 s5, $0x0;
	s5 =	sld [smem:$0x3FB2]  }
0x2b: {  	s6 =	sld [smem:$0x3FB3]  }
0x2c: {  	s7 =	sld [smem:$0x3FB4]  }
0x2d: {  	s3 =	simm.s32 $0x108;
	s8 =	sld [smem:$0x3FB5]  }
0x2e: {  	s3 =	simm.s32 @!p0 $0x1082;
	s9 =	sld [smem:$0x3FB6]  }
0x2f: {  	lr =	sadd.s32 s0, s3;
	s0 =	sld [smem:$0x3FAD]  }
0x30: {  	s3 =	sld [smem:$0x3FB0]  }
0x31: {  	[smem:$0x3FB9] =	sst s10  }
0x32: {  	s10 =	sld [smem:$0x3FB7];
	_ =	sdelay $0x3  }
0x33: {  	p0 =	seq.s32 s10, $0x1;
	s10 =	sld [smem:$0x3FB9];
	_ =	sdelay $0x3  }
0x34: {  	[smem:$0x3FB9] =	sst s10  }
0x35: {  	s10 =	sld [smem:$0x3FB8];
	_ =	sdelay $0x3  }
0x36: {  	p1 =	seq.s32 s10, $0x1;
	s10 =	sld [smem:$0x3FB9];
	_ =	sdelay $0x3  }
0x37: {  	[smem:$0x3FB9] =	sst s10  }
0x38: {  	s10 =	sld [smem:$0x3FBA]  }
0x39: {  	_ = 	snop;
	(pc) =	sbr.ind lr, $3  }
0x3a: {  	_ = 	snop  }
0x3b: {  	_ = 	snop  }
0x3c: {  	p2 =	seq.s32 s10, $0x1;
	s10 =	sld [smem:$0x3FB9]  }
0x3d: {  	_ =	shalt  }
0x3e: {  	_ =	shalt  }
0x3f: {  	_ =	shalt  }
0x40: {  	_ =	shalt  }
0x41: {  	_ =	shalt  }
0x42: {  	_ =	shalt  }
0x43: {  	_ =	shalt  }
0x44: {  	_ =	shalt  }
0x45: {  	_ =	shalt  }
0x46: {  	_ =	shalt  }
0x47: {  	_ =	shalt  }
0x48: {  	_ =	shalt  }
0x49: {  	_ =	shalt  }
0x4a: {  	_ =	shalt  }
0x4b: {  	_ =	shalt  }
0x4c: {  	_ =	shalt  }
0x4d: {  	_ =	shalt  }
0x4e: {  	_ =	shalt  }
0x4f: {  	_ =	shalt  }
0x50: {  	_ =	shalt  }
0x51: {  	_ =	shalt  }
0x52: {  	_ =	shalt  }
0x53: {  	_ =	shalt  }
0x54: {  	_ =	shalt  }
0x55: {  	_ =	shalt  }
0x56: {  	_ =	shalt  }
0x57: {  	_ =	shalt  }
0x58: {  	_ =	shalt  }
0x59: {  	_ =	shalt  }
0x5a: {  	_ =	shalt  }
0x5b: {  	_ =	shalt  }
0x5c: {  	_ =	shalt  }
0x5d: {  	_ =	shalt  }
0x5e: {  	_ =	shalt  }
0x5f: {  	_ =	shalt  }
0x60: {  	_ =	shalt  }
0x61: {  	_ =	shalt  }
0x62: {  	_ =	shalt  }
0x63: {  	_ =	shalt  }
0x64: {  	_ =	shalt  }
0x65: {  	_ =	shalt  }
0x66: {  	_ =	shalt  }
0x67: {  	_ =	shalt  }
0x68: {  	_ =	shalt  }
0x69: {  	_ =	shalt  }
0x6a: {  	_ =	shalt  }
0x6b: {  	_ =	shalt  }
0x6c: {  	_ =	shalt  }
0x6d: {  	_ =	shalt  }
0x6e: {  	_ =	shalt  }
0x6f: {  	_ =	shalt  }
0x70: {  	_ =	shalt  }
0x71: {  	_ =	shalt  }
0x72: {  	_ =	shalt  }
0x73: {  	_ =	shalt  }
0x74: {  	_ =	shalt  }
0x75: {  	_ =	shalt  }
0x76: {  	_ =	shalt  }
0x77: {  	_ =	shalt  }
0x78: {  	_ =	shalt  }
0x79: {  	_ =	shalt  }
0x7a: {  	_ =	shalt  }
0x7b: {  	_ =	shalt  }
0x7c: {  	_ =	shalt  }
0x7d: {  	_ =	shalt  }
0x7e: {  	_ =	shalt  }
0x7f: {  	_ =	shalt  }
0x80: {  	_ =	shalt  }
0x81: {  	_ =	shalt  }
0x82: {  	_ =	shalt  }
0x83: {  	_ =	shalt  }
0x84: {  	_ =	shalt  }
0x85: {  	_ =	shalt  }
0x86: {  	_ =	shalt  }
0x87: {  	_ =	shalt  }
.Lfunc_end0:
.L_simem_size_0:
called_computation.1_lowered:
.L_overlay_start_0:
0x88: {  	s0 =	sld [smem:$0x3FD9]  }
0x89: {  	s1 =	sld [smem:$0x3FFE];
	_ =	sdelay $0x3  }
0x8a: {  	s0 =	sadd.s32 s1, s0  }
0x8b: {  	[smem:$0x3FC5] =	sst s0  }
0x8c: {  	_ = 	snop  }
0x8d: {  	s0 =	sld [smem:$0x3FC8];
	(tm) =	ssettm $0x1  }
0x8e: {  	s16 =	sld [smem:$0x3FFB];
	_ =	sdelay $0x3  }
0x8f: {  	_ =	strace s16  }
0x90: {  	s1 =	sld [smem:$0x3FFC];
	_ =	sdelay $0x3  }
0x91: {  	_ =	strace s1  }
0x92: {  	s1 =	sld [smem:$0x3FFD];
	_ =	sdelay $0x3  }
0x93: {  	_ =	strace s1  }
0x94: {  	_ =	strace $0x8FFFFFFF  }
0x95: {  	s17 =	sld [smem:$0x3FDB];
	_ =	sdelay $0x1  }
0x96: {  	s2 =	simm.s32 $_scs_section_size  }
0x97: {  	s3 =	simm.s32 $_size__tile_overlayer_lowered;
	s4 =	simm.s32 $_tile_overlayer_lowered  }
0x98: {  	s20 =	simm.s32 $0x1BFF;
	s19 =	sshll.u32 s4, $0x1;
	s1 =	sadd.s32 s2, s17  }
0x99: {  	s5 =	simm.s32 $0x0;
	s18 =	sshll.u32 s3, $0x1;
	s3 =	sadd.s32 s19, s1  }
0x9a: {  	[timem:s5], [sflag:s20] =	dma.local [hbm:s3], s18  }
0x9b: {  	_ =	swait.ge [sflag:s20], s18  }
0x9c: {  	s2 =	ssub.s32 $0x0, s18;
	[sflag:s20] =	ssyncset.done $0x0  }
0x9d: {  	[sflag:s20] =	ssyncadd.s32 s2;
	_ =	sdelay $0x1  }
0x9e: {  	s21 =	simm.s32 $0x1B8B  }
0x9f: {  	_ =	swait.ge [sflag:s21], $0x1  }
0xa0: {  	[sflag:s21] =	ssyncset.done $0x0  }
0xa1: {  	s23 =	simm.s32 $0x1B8E;
	s22 =	sld [smem:$0x3FFE];
	[sflag:s21] =	ssyncadd.s32 $0xFFFFFFFF  }
0xa2: {  	s24 =	simm.s32 $execute0_lowered;
	[smem:$0x3FD2] =	sst s23  }
0xa3: {  	s3 =	sshll.u32 s24, $0x1;
	_ =	strace $0x80000046;
	[dreg:$0x1] =	wrdreg $0xFFFFFFFF  }
0xa4: {  	s25 =	simm.s32 $_size_execute0_lowered;
	s1 =	sadd.s32 s1, s3;
	[dreg:$0x0] =	wrdreg $0x0  }
0xa5: {  	s3 =	sshll.u32 s25, $0x1;
	[dreg:$0x2] =	wrdreg s1  }
0xa6: {  	[dreg:$0x3] =	wrdreg s3  }
0xa7: {  	[dreg:$0x4] =	wrdreg $0xC0  }
0xa8: {  	_ =	task [dreg:s5], $0x5FFFF  }
0xa9: {  	[dreg:$0x1] =	wrdreg $0xFFFFFFFF  }
0xaa: {  	[dreg:$0x0] =	wrdreg $0x60  }
0xab: {  	[dreg:$0x2] =	wrdreg s0  }
0xac: {  	[dreg:$0x3] =	wrdreg s22  }
0xad: {  	[dreg:$0x4] =	wrdreg $0x9  }
0xae: {  	_ =	task.clear_ibuf [dreg:s5], $0x5FFFF;
	_ =	strace $0x90000046  }
0xaf: {  	s26 =	simm.s32 $0x9;
	_ =	strace $0x80000048  }
0xb0: {  	_ =	swait.ge [sflag:s26], $0x1  }
0xb1: {  	[sflag:s26] =	ssyncadd.s32 $0xFFFFFFFF  }
0xb2: {  	_ =	strace $0x90000048  }
0xb3: {  	_ =	sfence  }
0xb4: {  	s28 =	sld [smem:$0x0];
	_ =	sdelay $0x1  }
0xb5: {  	s29 =	srdreg.scid  }
0xb6: {  	s30 =	sshll.u32 s29, $0xD;
	s31 =	sshrl.u32 s29, $0x2  }
0xb7: {  	s2 =	sand.u32 $0x4000, s30;
	s1 =	sand.u32 $0x1, s29;
	s0 =	sadd.s32 s31, s28  }
0xb8: {  	s1 =	sor.u32 s2, s1;
	s0 =	sshll.u32 s0, $0x11  }
0xb9: {  	s0 =	sor.u32 s0, s1  }
0xba: {  	s0 =	sadd.s32 $0x8F2B, s0  }
0xbb: {  	[sflag:s0] =	ssyncadd.remote.s32 $0x1  }
0xbc: {  	_ =	sfence.sel $0xFFFF  }
0xbd: {  	[dreg:$0x0] =	wrdreg $0xFFFFFFFF;
	(pc) =	sbr.abs _section_cstart, $3  }
0xbe: {  	[dreg:$0x1] =	wrdreg $0xFFFFFFFF  }
0xbf: {  	_ =	task.clear_ibuf [dreg:s5], $0x2FFFF;
	_ =	strace $0x9FFFFFFF  }
0xc0: {  	(tm) =	ssettm $0x7FFFFFFF  }
0xc1: {  	_ =	shalt  }
tec
execute0_lowered:
.L_overlay_start_1:
0x0: {  	(tag) =	ssettag $0x1  }
0x1: {  	s2 =	rddreg [dreg:$0x0]  }
0x2: {  	s4 =	rddreg [dreg:$0x1];
	s3 =	simm.s32 $0x0;
	s1 =	stileid.u32  }
0x3: {  	[smem:$0x7FF] =	sst s3;
	s5 =	sshll.u32 s1, $0x7  }
0x4: {  	s0 =	rddreg [dreg:$0x2];
	_ =	strace $0x80000047;
	s2 =	sadd.s32 s2, s5  }
0x5: {  	[tilespmem:s3], [sflag:$0x1] =	stream.linear.gather [hbm4b:s2+s3], $0x400, $0x38;
	[tilespmem:$0x800] =	vst v63  }
0x6: {  	s2 =	simm.s32 $0x1  }
0x7: {  	_ =	swait.ge [sflag:s2], $0x400  }
0x8: {  	v0 =	vlaneseq.u32;
	s5 =	sshll.u32 s1, $0xA;
	[sflag:s2] =	ssyncset.done $0x0  }
0x9: {  	v1 =	vor.u32 s5, v0;
	s6 =	sor.u32 $0x10, s5;
	[sflag:s2] =	ssyncadd.s32 $0xFFFFFC00  }
0xa: {  	s28 =	sor.u32 $0x20, s5;
	v2 =	vor.u32 s6, v0;
	[tilespmem:$0x400] =	vst v1  }
0xb: {  	s29 =	sor.u32 $0x30, s5;
	v63 =	vor.u32 s28, v0;
	[tilespmem:$0x410] =	vst v2  }
0xc: {  	s30 =	sor.u32 $0x40, s5;
	v4 =	vor.u32 s29, v0;
	[tilespmem:$0x420] =	vst v63  }
0xd: {  	s31 =	sor.u32 $0x50, s5;
	v5 =	vor.u32 s30, v0;
	[tilespmem:$0x430] =	vst v4  }
0xe: {  	s7 =	sor.u32 $0x60, s5;
	v6 =	vor.u32 s31, v0;
	[tilespmem:$0x440] =	vst v5  }
0xf: {  	s8 =	sor.u32 $0x70, s5;
	v7 =	vor.u32 s7, v0;
	[tilespmem:$0x450] =	vst v6  }
0x10: {  	s9 =	sor.u32 $0x80, s5;
	v8 =	vor.u32 s8, v0;
	[tilespmem:$0x460] =	vst v7  }
0x11: {  	s10 =	sor.u32 $0x90, s5;
	v9 =	vor.u32 s9, v0;
	[tilespmem:$0x470] =	vst v8  }
0x12: {  	s11 =	sor.u32 $0xA0, s5;
	v10 =	vor.u32 s10, v0;
	[tilespmem:$0x480] =	vst v9  }
0x13: {  	s12 =	sor.u32 $0xB0, s5;
	v11 =	vor.u32 s11, v0;
	[tilespmem:$0x490] =	vst v10  }
0x14: {  	s13 =	sor.u32 $0xC0, s5;
	v12 =	vor.u32 s12, v0;
	[tilespmem:$0x4A0] =	vst v11  }
0x15: {  	s14 =	sor.u32 $0xD0, s5;
	v13 =	vor.u32 s13, v0;
	[tilespmem:$0x4B0] =	vst v12  }
0x16: {  	s15 =	sor.u32 $0xE0, s5;
	v14 =	vor.u32 s14, v0;
	[tilespmem:$0x4C0] =	vst v13  }
0x17: {  	s16 =	sor.u32 $0xF0, s5;
	v15 =	vor.u32 s15, v0;
	[tilespmem:$0x4D0] =	vst v14  }
0x18: {  	s17 =	sor.u32 $0x100, s5;
	v16 =	vor.u32 s16, v0;
	[tilespmem:$0x4E0] =	vst v15  }
0x19: {  	s18 =	sor.u32 $0x110, s5;
	v17 =	vor.u32 s17, v0;
	[tilespmem:$0x4F0] =	vst v16  }
0x1a: {  	s19 =	sor.u32 $0x120, s5;
	v18 =	vor.u32 s18, v0;
	[tilespmem:$0x500] =	vst v17  }
0x1b: {  	s20 =	sor.u32 $0x130, s5;
	v19 =	vor.u32 s19, v0;
	[tilespmem:$0x510] =	vst v18  }
0x1c: {  	s21 =	sor.u32 $0x140, s5;
	v20 =	vor.u32 s20, v0;
	[tilespmem:$0x520] =	vst v19  }
0x1d: {  	s22 =	sor.u32 $0x150, s5;
	v21 =	vor.u32 s21, v0;
	[tilespmem:$0x530] =	vst v20  }
0x1e: {  	s23 =	sor.u32 $0x160, s5;
	v22 =	vor.u32 s22, v0;
	[tilespmem:$0x540] =	vst v21  }
0x1f: {  	s24 =	sor.u32 $0x170, s5;
	v23 =	vor.u32 s23, v0;
	[tilespmem:$0x550] =	vst v22  }
0x20: {  	s25 =	sor.u32 $0x180, s5;
	v24 =	vor.u32 s24, v0;
	[tilespmem:$0x560] =	vst v23  }
0x21: {  	s26 =	sor.u32 $0x190, s5;
	v25 =	vor.u32 s25, v0;
	[tilespmem:$0x570] =	vst v24  }
0x22: {  	v26 =	vor.u32 s26, v0;
	s28 =	sor.u32 $0x1A0, s5;
	[tilespmem:$0x580] =	vst v25  }
0x23: {  	s29 =	sor.u32 $0x1B0, s5;
	v27 =	vor.u32 s28, v0;
	[tilespmem:$0x590] =	vst v26  }
0x24: {  	s30 =	sor.u32 $0x1C0, s5;
	v28 =	vor.u32 s29, v0;
	[tilespmem:$0x5A0] =	vst v27  }
0x25: {  	s31 =	sor.u32 $0x1D0, s5;
	v29 =	vor.u32 s30, v0;
	[tilespmem:$0x5B0] =	vst v28  }
0x26: {  	s7 =	sor.u32 $0x1E0, s5;
	v30 =	vor.u32 s31, v0;
	[tilespmem:$0x5C0] =	vst v29  }
0x27: {  	s8 =	sor.u32 $0x1F0, s5;
	v31 =	vor.u32 s7, v0;
	[tilespmem:$0x5D0] =	vst v30  }
0x28: {  	s9 =	sor.u32 $0x200, s5;
	v32 =	vor.u32 s8, v0;
	[tilespmem:$0x5E0] =	vst v31  }
0x29: {  	s10 =	sor.u32 $0x210, s5;
	v33 =	vor.u32 s9, v0;
	[tilespmem:$0x5F0] =	vst v32  }
0x2a: {  	s11 =	sor.u32 $0x220, s5;
	v34 =	vor.u32 s10, v0;
	[tilespmem:$0x600] =	vst v33  }
0x2b: {  	s12 =	sor.u32 $0x230, s5;
	v35 =	vor.u32 s11, v0;
	[tilespmem:$0x610] =	vst v34  }
0x2c: {  	s13 =	sor.u32 $0x240, s5;
	v36 =	vor.u32 s12, v0;
	[tilespmem:$0x620] =	vst v35  }
0x2d: {  	s14 =	sor.u32 $0x250, s5;
	v37 =	vor.u32 s13, v0;
	[tilespmem:$0x630] =	vst v36  }
0x2e: {  	s15 =	sor.u32 $0x260, s5;
	v38 =	vor.u32 s14, v0;
	[tilespmem:$0x640] =	vst v37  }
0x2f: {  	s16 =	sor.u32 $0x270, s5;
	v39 =	vor.u32 s15, v0;
	[tilespmem:$0x650] =	vst v38  }
0x30: {  	s17 =	sor.u32 $0x280, s5;
	v40 =	vor.u32 s16, v0;
	[tilespmem:$0x660] =	vst v39  }
0x31: {  	s18 =	sor.u32 $0x290, s5;
	v41 =	vor.u32 s17, v0;
	[tilespmem:$0x670] =	vst v40  }
0x32: {  	s19 =	sor.u32 $0x2A0, s5;
	v42 =	vor.u32 s18, v0;
	[tilespmem:$0x680] =	vst v41  }
0x33: {  	s20 =	sor.u32 $0x2B0, s5;
	v43 =	vor.u32 s19, v0;
	[tilespmem:$0x690] =	vst v42  }
0x34: {  	s21 =	sor.u32 $0x2C0, s5;
	v44 =	vor.u32 s20, v0;
	[tilespmem:$0x6A0] =	vst v43  }
0x35: {  	s22 =	sor.u32 $0x2D0, s5;
	v45 =	vor.u32 s21, v0;
	[tilespmem:$0x6B0] =	vst v44  }
0x36: {  	s23 =	sor.u32 $0x2E0, s5;
	v46 =	vor.u32 s22, v0;
	[tilespmem:$0x6C0] =	vst v45  }
0x37: {  	s24 =	sor.u32 $0x2F0, s5;
	v47 =	vor.u32 s23, v0;
	[tilespmem:$0x6D0] =	vst v46  }
0x38: {  	s25 =	sor.u32 $0x300, s5;
	v48 =	vor.u32 s24, v0;
	[tilespmem:$0x6E0] =	vst v47  }
0x39: {  	s26 =	sor.u32 $0x310, s5;
	v49 =	vor.u32 s25, v0;
	[tilespmem:$0x6F0] =	vst v48  }
0x3a: {  	v50 =	vor.u32 s26, v0;
	s28 =	sor.u32 $0x320, s5;
	[tilespmem:$0x700] =	vst v49  }
0x3b: {  	s29 =	sor.u32 $0x330, s5;
	v51 =	vor.u32 s28, v0;
	[tilespmem:$0x710] =	vst v50  }
0x3c: {  	s30 =	sor.u32 $0x340, s5;
	v52 =	vor.u32 s29, v0;
	[tilespmem:$0x720] =	vst v51  }
0x3d: {  	s31 =	sor.u32 $0x350, s5;
	v53 =	vor.u32 s30, v0;
	[tilespmem:$0x730] =	vst v52  }
0x3e: {  	s7 =	sor.u32 $0x360, s5;
	v54 =	vor.u32 s31, v0;
	[tilespmem:$0x740] =	vst v53  }
0x3f: {  	s8 =	sor.u32 $0x370, s5;
	v55 =	vor.u32 s7, v0;
	[tilespmem:$0x750] =	vst v54  }
0x40: {  	s9 =	sor.u32 $0x380, s5;
	v56 =	vor.u32 s8, v0;
	[tilespmem:$0x760] =	vst v55  }
0x41: {  	s10 =	sor.u32 $0x390, s5;
	v57 =	vor.u32 s9, v0;
	[tilespmem:$0x770] =	vst v56  }
0x42: {  	s11 =	sor.u32 $0x3A0, s5;
	v58 =	vor.u32 s10, v0;
	[tilespmem:$0x780] =	vst v57  }
0x43: {  	s12 =	sor.u32 $0x3B0, s5;
	v59 =	vor.u32 s11, v0;
	[tilespmem:$0x790] =	vst v58  }
0x44: {  	s13 =	sor.u32 $0x3C0, s5;
	v60 =	vor.u32 s12, v0;
	[tilespmem:$0x7A0] =	vst v59  }
0x45: {  	s14 =	sor.u32 $0x3D0, s5;
	v61 =	vor.u32 s13, v0;
	[tilespmem:$0x7B0] =	vst v60  }
0x46: {  	s15 =	sor.u32 $0x3E0, s5;
	v62 =	vor.u32 s14, v0;
	[tilespmem:$0x7C0] =	vst v61  }
0x47: {  	s5 =	sor.u32 $0x3F0, s5;
	v63 =	vor.u32 s15, v0;
	[tilespmem:$0x7D0] =	vst v62  }
0x48: {  	v0 =	vor.u32 s5, v0;
	[tilespmem:$0x7E0] =	vst v63  }
0x49: {  	s4 =	sadd.s32 $0x1400, s4;
	s16 =	simm.s32 $0x80;
	s17 =	simm.s32 $0x400;
	[tilespmem:$0x7F0] =	vst v0  }
0x4a: {  	[hbm4b:s4+s16] =	stream.indirect.scatter [tilespmem:s17], [sflag:$0x1], $0x1, s3, s16, $0xb8;
	[tilespmem:$0x800] =	vst v63  }
0x4b: {  	_ =	swait.ge [sflag:s2], $0x80  }
0x4c: {  	[sflag:s2] =	ssyncset.done $0x0  }
0x4d: {  	s18 =	simm.s32 $0x480;
	[sflag:s2] =	ssyncadd.s32 $0xFFFFFF80  }
0x4e: {  	[hbm4b:s4+s16] =	stream.indirect.scatter [tilespmem:s18], [sflag:$0x1], $0x1, s16, s16, $0xb8;
	[tilespmem:$0x800] =	vst v63  }
0x4f: {  	_ =	swait.ge [sflag:s2], $0x80  }
0x50: {  	[sflag:s2] =	ssyncset.done $0x0  }
0x51: {  	s19 =	simm.s32 $0x100;
	s20 =	simm.s32 $0x500;
	[sflag:s2] =	ssyncadd.s32 $0xFFFFFF80  }
0x52: {  	[hbm4b:s4+s16] =	stream.indirect.scatter [tilespmem:s20], [sflag:$0x1], $0x1, s19, s16, $0xb8;
	[tilespmem:$0x800] =	vst v63  }
0x53: {  	_ =	swait.ge [sflag:s2], $0x80  }
0x54: {  	[sflag:s2] =	ssyncset.done $0x0  }
0x55: {  	s21 =	simm.s32 $0x180;
	s22 =	simm.s32 $0x580;
	[sflag:s2] =	ssyncadd.s32 $0xFFFFFF80  }
0x56: {  	[hbm4b:s4+s16] =	stream.indirect.scatter [tilespmem:s22], [sflag:$0x1], $0x1, s21, s16, $0xb8;
	[tilespmem:$0x800] =	vst v63  }
0x57: {  	_ =	swait.ge [sflag:s2], $0x80  }
0x58: {  	[sflag:s2] =	ssyncset.done $0x0  }
0x59: {  	s23 =	simm.s32 $0x200;
	s24 =	simm.s32 $0x600;
	[sflag:s2] =	ssyncadd.s32 $0xFFFFFF80  }
0x5a: {  	[hbm4b:s4+s16] =	stream.indirect.scatter [tilespmem:s24], [sflag:$0x1], $0x1, s23, s16, $0xb8;
	[tilespmem:$0x800] =	vst v63  }
0x5b: {  	_ =	swait.ge [sflag:s2], $0x80  }
0x5c: {  	[sflag:s2] =	ssyncset.done $0x0  }
0x5d: {  	s25 =	simm.s32 $0x280;
	s26 =	simm.s32 $0x680;
	[sflag:s2] =	ssyncadd.s32 $0xFFFFFF80  }
0x5e: {  	[hbm4b:s4+s16] =	stream.indirect.scatter [tilespmem:s26], [sflag:$0x1], $0x1, s25, s16, $0xb8;
	[tilespmem:$0x800] =	vst v63  }
0x5f: {  	_ =	swait.ge [sflag:s2], $0x80  }
0x60: {  	[sflag:s2] =	ssyncset.done $0x0  }
0x61: {  	s28 =	simm.s32 $0x300;
	s29 =	simm.s32 $0x700;
	[sflag:s2] =	ssyncadd.s32 $0xFFFFFF80  }
0x62: {  	[hbm4b:s4+s16] =	stream.indirect.scatter [tilespmem:s29], [sflag:$0x1], $0x1, s28, s16, $0xb8;
	[tilespmem:$0x800] =	vst v63  }
0x63: {  	_ =	swait.ge [sflag:s2], $0x80  }
0x64: {  	[sflag:s2] =	ssyncset.done $0x0  }
0x65: {  	s30 =	simm.s32 $0x380;
	s31 =	simm.s32 $0x780;
	[sflag:s2] =	ssyncadd.s32 $0xFFFFFF80  }
0x66: {  	[hbm4b:s4+s16] =	stream.indirect.scatter [tilespmem:s31], [sflag:$0x1], $0x1, s30, s16, $0xb8;
	[tilespmem:$0x800] =	vst v63  }
0x67: {  	_ =	swait.ge [sflag:s2], $0x80  }
0x68: {  	[sflag:s2] =	ssyncset.done $0x0  }
0x69: {  	[sflag:s2] =	ssyncadd.s32 $0xFFFFFF80  }
0x6a: {  	_ =	sfence.sel $0x180000  }
0x6b: {  	[bflag:$0x0] =	sbarrier.arrive $0xFFFF  }
0x6c: {  	p0 =	sne.s32 s1, $0x0;
	_ =	strace $0x90000047  }
0x6d: {  	s0 =	sadd.s32 @!p0 $0x100000, s0;
	[bflag:$0x2] =	sbarrier.arrive $0xFFFF  }
0x6e: {  	[sflag:s0] =	ssyncadd.tile.s32 @!p0 $0x1;
	_ =	shalt  }
.Lfunc_end2:
_tile_overlayer_lowered:
.L_overlay_start_2:
0x6f: {  	(tag) =	ssettag $0x2  }
0x70: {  	s0 =	rddreg [dreg:$0x0];
	s2 =	stileid.u32  }
0x71: {  	s1 =	rddreg [dreg:$0x1];
	p0 =	sne.s32 s2, $0x0  }
0x72: {  	s3 =	rddreg [dreg:$0x2];
	[bflag:$0x3] =	sbarrier.arrive $0xFFFF;
	s2 =	simm.s32 @!p0 $0x1C01  }
0x73: {  	[timem:s3], [sflag:s2] =	dma.local @!p0 [hbm:s0], s1  }
0x74: {  	s0 =	simm.s32 @!p0 $0x1  }
0x75: {  	_ =	swait.ge @!p0 [sflag:s0], s1  }
0x76: {  	s1 =	ssub.s32 @!p0 $0x0, s1;
	[sflag:s0] =	ssyncset.done @!p0 $0x0  }
0x77: {  	[sflag:s0] =	ssyncadd.s32 @!p0 s1  }
0x78: {  	[bflag:$0x3] =	sbarrier.arrive $0xFFFF  }
0x79: {  	_ =	shalt  }

// kernel: center_loss_update.3.cloned.1.call-start
scs
__scs_entry_jumppad:
0x0: {  	(pc) =	sbr.rel $0x88, $3  }
0x1: {  	(tag) =	ssettag $0x0;
	lr =	simm.s32 $0x1  }
0x2: {  	[smem:$0x3F9E] =	sst lr;
	_ =	strace $0xD0000000  }
0x3: {  	_ = 	snop  }
0x4: {  	_ = 	snop  }
0x5: {  	_ = 	snop  }
0x6: {  	_ = 	snop  }
0x7: {  	_ = 	snop  }
__scs_overlays_trampoline_lowered:
0x8: {  	[smem:$0x3FAD] =	sst s0  }
0x9: {  	[smem:$0x3FAE] =	sst s1  }
0xa: {  	[smem:$0x3FAF] =	sst s2  }
0xb: {  	[smem:$0x3FB0] =	sst s3  }
0xc: {  	[smem:$0x3FB1] =	sst s4  }
0xd: {  	[smem:$0x3FB2] =	sst s5  }
0xe: {  	[smem:$0x3FB3] =	sst s6  }
0xf: {  	[smem:$0x3FB4] =	sst s7  }
0x10: {  	[smem:$0x3FB5] =	sst s8  }
0x11: {  	[smem:$0x3FB6] =	sst s9;
	s0 =	simm.s32 @!p0 $0x0  }
0x12: {  	s1 =	sld [smem:$0x3F9C];
	s0 =	simm.s32 @p0 $0x1  }
0x13: {  	[smem:$0x3FB7] =	sst s0;
	s0 =	simm.s32 @!p1 $0x0  }
0x14: {  	s2 =	sld [smem:$0x3F9B];
	s0 =	simm.s32 @p1 $0x1  }
0x15: {  	[smem:$0x3FB8] =	sst s0;
	s0 =	simm.s32 @!p2 $0x0  }
0x16: {  	s3 =	sld [smem:$0x3FDB];
	s0 =	simm.s32 @p2 $0x1  }
0x17: {  	s4 =	simm.s32 $0x1BF5;
	[smem:$0x3FBA] =	sst s0  }
0x18: {  	s0 =	sld [smem:$0x3F9D];
	_ =	swait.ge [sflag:s4], $0x0  }
0x19: {  	s7 =	sld [smem:$0x3F9E]  }
0x1a: {  	s8 =	sadd.s32 $0xFFFFE003, lr  }
0x1b: {  	s9 =	sadd.s32 $0xFFFFFEF7, lr;
	s5 =	simm.s32 $0xFFFFFFFF;
	p2 =	slt.u32 s8, $0xFFFFF086  }
0x1c: {  	p1 =	slt.u32 s9, $0xF7A;
	s5 =	simm.s32 @!p2 $0x0  }
0x1d: {  	s5 =	simm.s32 @p1 $0x1;
	p0 =	seq.s32 s7, s2  }
0x1e: {  	s7 =	smul.u32 @!p0 $0xF7A, s2;
	p2 =	seq.s32 @!p0 s5, $0x0  }
0x1f: {  	s9 =	smul.u32 $0xF7A, s1;
	s8 =	simm.s32 @!p0 $0x1BF5;
	p2 =	por !p2, p0  }
0x20: {  	[sflag:s8] =	ssyncset.s32 @!p0 $0xFFFFF086;
	s6 =	sadd.s32 @!p0 s3, s7;
	s7 =	simm.s32 @!p0 $0x108  }
0x21: {  	s3 =	sadd.s32 s3, s9;
	s6 =	sadd.s32 @!p0 $0x88, s6;
	s7 =	simm.s32 @p2 $0x1082  }
0x22: {  	[simem:s7], [sflag:s8] =	dma.local @!p0 [hbm:s6], $0xF7A  }
0x23: {  	s9 =	sor.u32 $0xD0000000, s2;
	s6 =	simm.s32 $0x108;
	_ =	swait.ge @!p0 [sflag:s8], $0x0  }
0x24: {  	s3 =	sadd.s32 $0x88, s3;
	s6 =	simm.s32 @!p1 $0x1082;
	[sflag:s4] =	ssyncset.s32 $0xFFFFF086  }
0x25: {  	[simem:s6], [sflag:s4] =	dma.local [hbm:s3], $0xF7A  }
0x26: {  	[smem:$0x3F9E] =	sst s1;
	(tag) =	ssettag s2;
	_ =	strace s9  }
0x27: {  	s1 =	sld [smem:$0x3FAE]  }
0x28: {  	s2 =	sld [smem:$0x3FAF]  }
0x29: {  	s4 =	sld [smem:$0x3FB1]  }
0x2a: {  	p0 =	seq.s32 s5, $0x0;
	s5 =	sld [smem:$0x3FB2]  }
0x2b: {  	s6 =	sld [smem:$0x3FB3]  }
0x2c: {  	s7 =	sld [smem:$0x3FB4]  }
0x2d: {  	s3 =	simm.s32 $0x108;
	s8 =	sld [smem:$0x3FB5]  }
0x2e: {  	s3 =	simm.s32 @!p0 $0x1082;
	s9 =	sld [smem:$0x3FB6]  }
0x2f: {  	lr =	sadd.s32 s0, s3;
	s0 =	sld [smem:$0x3FAD]  }
0x30: {  	s3 =	sld [smem:$0x3FB0]  }
0x31: {  	[smem:$0x3FB9] =	sst s10  }
0x32: {  	s10 =	sld [smem:$0x3FB7];
	_ =	sdelay $0x3  }
0x33: {  	p0 =	seq.s32 s10, $0x1;
	s10 =	sld [smem:$0x3FB9];
	_ =	sdelay $0x3  }
0x34: {  	[smem:$0x3FB9] =	sst s10  }
0x35: {  	s10 =	sld [smem:$0x3FB8];
	_ =	sdelay $0x3  }
0x36: {  	p1 =	seq.s32 s10, $0x1;
	s10 =	sld [smem:$0x3FB9];
	_ =	sdelay $0x3  }
0x37: {  	[smem:$0x3FB9] =	sst s10  }
0x38: {  	s10 =	sld [smem:$0x3FBA]  }
0x39: {  	_ = 	snop;
	(pc) =	sbr.ind lr, $3  }
0x3a: {  	_ = 	snop  }
0x3b: {  	_ = 	snop  }
0x3c: {  	p2 =	seq.s32 s10, $0x1;
	s10 =	sld [smem:$0x3FB9]  }
0x3d: {  	_ =	shalt  }
0x3e: {  	_ =	shalt  }
0x3f: {  	_ =	shalt  }
0x40: {  	_ =	shalt  }
0x41: {  	_ =	shalt  }
0x42: {  	_ =	shalt  }
0x43: {  	_ =	shalt  }
0x44: {  	_ =	shalt  }
0x45: {  	_ =	shalt  }
0x46: {  	_ =	shalt  }
0x47: {  	_ =	shalt  }
0x48: {  	_ =	shalt  }
0x49: {  	_ =	shalt  }
0x4a: {  	_ =	shalt  }
0x4b: {  	_ =	shalt  }
0x4c: {  	_ =	shalt  }
0x4d: {  	_ =	shalt  }
0x4e: {  	_ =	shalt  }
0x4f: {  	_ =	shalt  }
0x50: {  	_ =	shalt  }
0x51: {  	_ =	shalt  }
0x52: {  	_ =	shalt  }
0x53: {  	_ =	shalt  }
0x54: {  	_ =	shalt  }
0x55: {  	_ =	shalt  }
0x56: {  	_ =	shalt  }
0x57: {  	_ =	shalt  }
0x58: {  	_ =	shalt  }
0x59: {  	_ =	shalt  }
0x5a: {  	_ =	shalt  }
0x5b: {  	_ =	shalt  }
0x5c: {  	_ =	shalt  }
0x5d: {  	_ =	shalt  }
0x5e: {  	_ =	shalt  }
0x5f: {  	_ =	shalt  }
0x60: {  	_ =	shalt  }
0x61: {  	_ =	shalt  }
0x62: {  	_ =	shalt  }
0x63: {  	_ =	shalt  }
0x64: {  	_ =	shalt  }
0x65: {  	_ =	shalt  }
0x66: {  	_ =	shalt  }
0x67: {  	_ =	shalt  }
0x68: {  	_ =	shalt  }
0x69: {  	_ =	shalt  }
0x6a: {  	_ =	shalt  }
0x6b: {  	_ =	shalt  }
0x6c: {  	_ =	shalt  }
0x6d: {  	_ =	shalt  }
0x6e: {  	_ =	shalt  }
0x6f: {  	_ =	shalt  }
0x70: {  	_ =	shalt  }
0x71: {  	_ =	shalt  }
0x72: {  	_ =	shalt  }
0x73: {  	_ =	shalt  }
0x74: {  	_ =	shalt  }
0x75: {  	_ =	shalt  }
0x76: {  	_ =	shalt  }
0x77: {  	_ =	shalt  }
0x78: {  	_ =	shalt  }
0x79: {  	_ =	shalt  }
0x7a: {  	_ =	shalt  }
0x7b: {  	_ =	shalt  }
0x7c: {  	_ =	shalt  }
0x7d: {  	_ =	shalt  }
0x7e: {  	_ =	shalt  }
0x7f: {  	_ =	shalt  }
0x80: {  	_ =	shalt  }
0x81: {  	_ =	shalt  }
0x82: {  	_ =	shalt  }
0x83: {  	_ =	shalt  }
0x84: {  	_ =	shalt  }
0x85: {  	_ =	shalt  }
0x86: {  	_ =	shalt  }
0x87: {  	_ =	shalt  }
.Lfunc_end0:
.L_simem_size_0:
called_computation.2_lowered:
.L_overlay_start_0:
0x88: {  	s0 =	sld [smem:$0x3FD9]  }
0x89: {  	s1 =	sld [smem:$0x3FFE];
	_ =	sdelay $0x3  }
0x8a: {  	s0 =	sadd.s32 s1, s0  }
0x8b: {  	[smem:$0x3FC5] =	sst s0  }
0x8c: {  	_ = 	snop  }
0x8d: {  	s0 =	sld [smem:$0x3FD0];
	_ =	sdelay $0x2  }
0x8e: {  	s2 =	simm.s32 $0xA;
	s3 =	simm.s32 $0x10;
	s13 =	sld [smem:$0x3FC8]  }
0x8f: {  	[smem:s3], [sflag:s2] =	dma.local [hbm:s0], $0x1  }
0x90: {  	_ =	swait.eq [sflag:s2], $0x1  }
0x91: {  	[sflag:s2] =	ssyncset.done $0x0  }
0x92: {  	s14 =	sld [smem:$0x10];
	[sflag:s2] =	ssyncadd.s32 $0xFFFFFFFF  }
0x93: {  	s15 =	sld [smem:$0x11];
	(tm) =	ssettm $0x1  }
0x94: {  	s16 =	sld [smem:$0x3FFB];
	_ =	sdelay $0x3  }
0x95: {  	_ =	strace s16  }
0x96: {  	s3 =	sld [smem:$0x3FFC];
	_ =	sdelay $0x3  }
0x97: {  	_ =	strace s3  }
0x98: {  	s3 =	sld [smem:$0x3FFD];
	_ =	sdelay $0x3  }
0x99: {  	_ =	strace s3  }
0x9a: {  	_ =	strace $0x8FFFFFFF  }
0x9b: {  	s17 =	sld [smem:$0x3FDB];
	_ =	sdelay $0x1  }
0x9c: {  	s4 =	simm.s32 $_scs_section_size  }
0x9d: {  	s5 =	simm.s32 $_size__tile_overlayer_lowered;
	s6 =	simm.s32 $_tile_overlayer_lowered  }
0x9e: {  	s20 =	simm.s32 $0x1BFF;
	s19 =	sshll.u32 s6, $0x1;
	s3 =	sadd.s32 s4, s17  }
0x9f: {  	s7 =	simm.s32 $0x0;
	s18 =	sshll.u32 s5, $0x1;
	s5 =	sadd.s32 s19, s3  }
0xa0: {  	[timem:s7], [sflag:s20] =	dma.local [hbm:s5], s18  }
0xa1: {  	_ =	swait.ge [sflag:s20], s18  }
0xa2: {  	s4 =	ssub.s32 $0x0, s18;
	[sflag:s20] =	ssyncset.done $0x0  }
0xa3: {  	[sflag:s20] =	ssyncadd.s32 s4;
	_ =	sdelay $0x1  }
0xa4: {  	s21 =	simm.s32 $0x1B8B  }
0xa5: {  	_ =	swait.ge [sflag:s21], $0x1  }
0xa6: {  	[sflag:s21] =	ssyncset.done $0x0  }
0xa7: {  	s23 =	simm.s32 $0x1B8E;
	s22 =	sld [smem:$0x3FFE];
	[sflag:s21] =	ssyncadd.s32 $0xFFFFFFFF  }
0xa8: {  	s24 =	simm.s32 $execute0_lowered;
	[smem:$0x3FD2] =	sst s23  }
0xa9: {  	s5 =	sshll.u32 s24, $0x1;
	_ =	strace $0x80000049;
	[dreg:$0x1] =	wrdreg $0xFFFFFFFF  }
0xaa: {  	s25 =	simm.s32 $_size_execute0_lowered;
	s3 =	sadd.s32 s3, s5;
	[dreg:$0x0] =	wrdreg $0x0  }
0xab: {  	s5 =	sshll.u32 s25, $0x1;
	[dreg:$0x2] =	wrdreg s3  }
0xac: {  	[dreg:$0x3] =	wrdreg s5  }
0xad: {  	[dreg:$0x4] =	wrdreg $0xC0  }
0xae: {  	_ =	task [dreg:s7], $0x5FFFF  }
0xaf: {  	[dreg:$0x1] =	wrdreg $0xFFFFFFFF  }
0xb0: {  	[dreg:$0x0] =	wrdreg $0x60  }
0xb1: {  	[dreg:$0x2] =	wrdreg s13  }
0xb2: {  	[dreg:$0x3] =	wrdreg s15  }
0xb3: {  	[dreg:$0x4] =	wrdreg s22  }
0xb4: {  	[dreg:$0x5] =	wrdreg s14  }
0xb5: {  	[dreg:$0x6] =	wrdreg $0xA9100  }
0xb6: {  	[dreg:$0x7] =	wrdreg $0x1A9100  }
0xb7: {  	[dreg:$0x8] =	wrdreg $0x9  }
0xb8: {  	_ =	task.clear_ibuf [dreg:s7], $0x9FFFF;
	_ =	strace $0x90000049  }
0xb9: {  	s26 =	simm.s32 $0x9;
	_ =	strace $0x8000004B  }
0xba: {  	_ =	swait.ge [sflag:s26], $0x1  }
0xbb: {  	[sflag:s26] =	ssyncadd.s32 $0xFFFFFFFF  }
0xbc: {  	_ =	strace $0x9000004B  }
0xbd: {  	_ =	sfence  }
0xbe: {  	s28 =	sld [smem:$0x0];
	_ =	sdelay $0x1  }
0xbf: {  	s29 =	srdreg.scid  }
0xc0: {  	s30 =	sshll.u32 s29, $0xD;
	s31 =	sshrl.u32 s29, $0x2  }
0xc1: {  	s1 =	sand.u32 $0x1, s29;
	s2 =	sand.u32 $0x4000, s30;
	s0 =	sadd.s32 s31, s28  }
0xc2: {  	s1 =	sor.u32 s2, s1;
	s0 =	sshll.u32 s0, $0x11  }
0xc3: {  	s0 =	sor.u32 s0, s1  }
0xc4: {  	s0 =	sadd.s32 $0x8F2B, s0  }
0xc5: {  	[sflag:s0] =	ssyncadd.remote.s32 $0x1  }
0xc6: {  	_ =	sfence.sel $0xFFFF  }
0xc7: {  	[dreg:$0x0] =	wrdreg $0xFFFFFFFF;
	(pc) =	sbr.abs _section_cstart, $3  }
0xc8: {  	[dreg:$0x1] =	wrdreg $0xFFFFFFFF  }
0xc9: {  	_ =	task.clear_ibuf [dreg:s7], $0x2FFFF;
	_ =	strace $0x9FFFFFFF  }
0xca: {  	(tm) =	ssettm $0x7FFFFFFF  }
0xcb: {  	_ =	shalt  }
tec
execute0_lowered:
.L_overlay_start_1:
0x0: {  	(tag) =	ssettag $0x1  }
0x1: {  	s7 =	rddreg [dreg:$0x0]  }
0x2: {  	s6 =	rddreg [dreg:$0x1]  }
0x3: {  	s4 =	rddreg [dreg:$0x2]  }
0x4: {  	s1 =	rddreg [dreg:$0x3]  }
0x5: {  	s5 =	rddreg [dreg:$0x4]  }
0x6: {  	s2 =	rddreg [dreg:$0x5]  }
0x7: {  	s0 =	rddreg [dreg:$0x6];
	s8 =	simm.s32 $0x0;
	s3 =	stileid.u32  }
0x8: {  	[smem:$0x7FF] =	sst s8;
	s9 =	sshll.u32 s3, $0x7  }
0x9: {  	s15 =	simm.s32 $0x1;
	_ =	strace $0x8000004A;
	s7 =	sadd.s32 s7, s9  }
0xa: {  	[tilespmem:s8], [sflag:$0x1] =	stream.linear.gather [hbm4b:s7+s8], $0x400, $0x38;
	[tilespmem:$0x1A920] =	vst v63  }
0xb: {  	_ =	swait.ge [sflag:s15], $0x400  }
0xc: {  	s10 =	simm.s32 $0x80;
	[sflag:s15] =	ssyncset.done $0x0  }
0xd: {  	s11 =	simm.s32 $0x400;
	s16 =	sadd.s32 $0x1400, s4;
	[sflag:s15] =	ssyncadd.s32 $0xFFFFFC00  }
0xe: {  	[tilespmem:s11], [sflag:$0x1] =	stream.indirect.gather [hbm4b:s16+s10], $0x1, s8, s10, $0xb8;
	[tilespmem:$0x1A920] =	vst v63  }
0xf: {  	_ =	swait.ge [sflag:s15], $0x80  }
0x10: {  	[sflag:s15] =	ssyncset.done $0x0  }
0x11: {  	s17 =	simm.s32 $0x480;
	[sflag:s15] =	ssyncadd.s32 $0xFFFFFF80  }
0x12: {  	[tilespmem:s17], [sflag:$0x1] =	stream.indirect.gather [hbm4b:s16+s10], $0x1, s10, s10, $0xb8;
	[tilespmem:$0x1A920] =	vst v63  }
0x13: {  	_ =	swait.ge [sflag:s15], $0x80  }
0x14: {  	[sflag:s15] =	ssyncset.done $0x0  }
0x15: {  	s18 =	simm.s32 $0x100;
	s12 =	simm.s32 $0x500;
	[sflag:s15] =	ssyncadd.s32 $0xFFFFFF80  }
0x16: {  	[tilespmem:s12], [sflag:$0x1] =	stream.indirect.gather [hbm4b:s16+s10], $0x1, s18, s10, $0xb8;
	[tilespmem:$0x1A920] =	vst v63  }
0x17: {  	_ =	swait.ge [sflag:s15], $0x80  }
0x18: {  	[sflag:s15] =	ssyncset.done $0x0  }
0x19: {  	s19 =	simm.s32 $0x180;
	s20 =	simm.s32 $0x580;
	[sflag:s15] =	ssyncadd.s32 $0xFFFFFF80  }
0x1a: {  	[tilespmem:s20], [sflag:$0x1] =	stream.indirect.gather [hbm4b:s16+s10], $0x1, s19, s10, $0xb8;
	[tilespmem:$0x1A920] =	vst v63  }
0x1b: {  	_ =	swait.ge [sflag:s15], $0x80  }
0x1c: {  	[sflag:s15] =	ssyncset.done $0x0  }
0x1d: {  	s21 =	simm.s32 $0x200;
	s22 =	simm.s32 $0x600;
	[sflag:s15] =	ssyncadd.s32 $0xFFFFFF80  }
0x1e: {  	[tilespmem:s22], [sflag:$0x1] =	stream.indirect.gather [hbm4b:s16+s10], $0x1, s21, s10, $0xb8;
	[tilespmem:$0x1A920] =	vst v63  }
0x1f: {  	_ =	swait.ge [sflag:s15], $0x80  }
0x20: {  	[sflag:s15] =	ssyncset.done $0x0  }
0x21: {  	s23 =	simm.s32 $0x280;
	s24 =	simm.s32 $0x680;
	[sflag:s15] =	ssyncadd.s32 $0xFFFFFF80  }
0x22: {  	[tilespmem:s24], [sflag:$0x1] =	stream.indirect.gather [hbm4b:s16+s10], $0x1, s23, s10, $0xb8;
	[tilespmem:$0x1A920] =	vst v63  }
0x23: {  	_ =	swait.ge [sflag:s15], $0x80  }
0x24: {  	[sflag:s15] =	ssyncset.done $0x0  }
0x25: {  	s25 =	simm.s32 $0x300;
	s26 =	simm.s32 $0x700;
	[sflag:s15] =	ssyncadd.s32 $0xFFFFFF80  }
0x26: {  	[tilespmem:s26], [sflag:$0x1] =	stream.indirect.gather [hbm4b:s16+s10], $0x1, s25, s10, $0xb8;
	[tilespmem:$0x1A920] =	vst v63  }
0x27: {  	_ =	swait.ge [sflag:s15], $0x80  }
0x28: {  	[sflag:s15] =	ssyncset.done $0x0  }
0x29: {  	s28 =	simm.s32 $0x380;
	s29 =	simm.s32 $0x780;
	[sflag:s15] =	ssyncadd.s32 $0xFFFFFF80  }
0x2a: {  	[tilespmem:s29], [sflag:$0x1] =	stream.indirect.gather [hbm4b:s16+s10], $0x1, s28, s10, $0xb8;
	[tilespmem:$0x1A920] =	vst v63  }
0x2b: {  	_ =	swait.ge [sflag:s15], $0x80  }
0x2c: {  	[sflag:s15] =	ssyncset.done $0x0  }
0x2d: {  	s30 =	simm.s32 $0x800;
	s4 =	sadd.s32 $0xF62200, s4;
	[sflag:s15] =	ssyncadd.s32 $0xFFFFFF80  }
0x2e: {  	[tilespmem:s30], [sflag:$0x1] =	stream.indirect.gather [hbm4b:s4+s10], $0x80, s8, s10, $0xb8;
	[tilespmem:$0x1A920] =	vst v63  }
0x2f: {  	_ =	swait.ge [sflag:s15], $0x4000  }
0x30: {  	[sflag:s15] =	ssyncset.done $0x0  }
0x31: {  	s31 =	simm.s32 $0x0;
	[sflag:s15] =	ssyncadd.s32 $0xFFFFC000  }
0x32: {  	v0 =	vld [tilespmem:s31+$0x800];
	_ =	sdelay $0x3  }
0x33: {  	s7 =	simm.s32 $0x8820  }
0x34: {  	[tilespmem:s7+$0xFFFFFFE0] =	vst v0  }
0x35: {  	v0 =	vld [tilespmem:s31+$0x810];
	_ =	sdelay $0x4  }
0x36: {  	[tilespmem:s7+$0xFFFFFFF0] =	vst v0  }
0x37: {  	v0 =	vld [tilespmem:s31+$0x820];
	_ =	sdelay $0x4  }
0x38: {  	[tilespmem:s7+$0x0] =	vst v0  }
0x39: {  	v0 =	vld [tilespmem:s31+$0x830];
	_ =	sdelay $0x4  }
0x3a: {  	s9 =	simm.s32 $0x400;
	s8 =	simm.s32 $0x80;
	[tilespmem:s7+$0x10] =	vst v0  }
.LBB2_1:
0x3b: {  	p0 =	sne.s32 s9, $0xFE00;
	v0 =	vld [tilespmem:s8+$0x800];
	_ =	sdelay $0x3  }
0x3c: {  	s7 =	sadd.s32 $0x40, s7  }
0x3d: {  	[tilespmem:s7+$0xFFFFFFE0] =	vst v0  }
0x3e: {  	v0 =	vld [tilespmem:s8+$0x810];
	_ =	sdelay $0x4  }
0x3f: {  	[tilespmem:s7+$0xFFFFFFF0] =	vst v0  }
0x40: {  	v0 =	vld [tilespmem:s8+$0x820];
	_ =	sdelay $0x4  }
0x41: {  	[tilespmem:s7+$0x0] =	vst v0  }
0x42: {  	v0 =	vld [tilespmem:s8+$0x830]  }
.Ltmp0:
0x43: {  	(pc) =	sbr.rel @p0 .LBB2_1-.Ltmp0, $2  }
0x44: {  	_ =	sdelay $0x2  }
0x45: {  	s8 =	sshra.s32 s9, $0x2;
	s9 =	sadd.s32 $0x200, s9;
	[tilespmem:s7+$0x10] =	vst v0  }
0x46: {  	v0 =	vld [tilespmem:s8+$0x800];
	_ =	sdelay $0x3  }
0x47: {  	s7 =	sadd.s32 $0x40, s7  }
0x48: {  	[tilespmem:s7+$0xFFFFFFE0] =	vst v0  }
0x49: {  	v0 =	vld [tilespmem:s8+$0x810];
	_ =	sdelay $0x4  }
0x4a: {  	[tilespmem:s7+$0xFFFFFFF0] =	vst v0  }
0x4b: {  	v0 =	vld [tilespmem:s8+$0x820];
	_ =	sdelay $0x4  }
0x4c: {  	[tilespmem:s7+$0x0] =	vst v0  }
0x4d: {  	v0 =	vld [tilespmem:s8+$0x830];
	_ =	sdelay $0x3  }
0x4e: {  	s26 =	simm.s32 $0x80  }
0x4f: {  	s28 =	simm.s32 $0x400;
	s9 =	simm.s32 $0x8800;
	s29 =	simm.s32 $0x1;
	[tilespmem:s7+$0x10] =	vst v0  }
0x50: {  	[spmem:s5] =	stream.indirect.scatter [tilespmem:s9], [sflag:$0x1], $0x40, s28, s26, $0xb8;
	[tilespmem:$0x1A920] =	vst v63  }
0x51: {  	_ =	swait.ge [sflag:s29], $0x2000  }
0x52: {  	[sflag:s29] =	ssyncset.done $0x0  }
0x53: {  	s30 =	simm.s32 $0x800;
	[sflag:s29] =	ssyncadd.s32 $0xFFFFE000  }
0x54: {  	[tilespmem:s30], [sflag:$0x1] =	stream.indirect.gather [hbm4b:s4+s26], $0x80, s26, s26, $0xb8;
	[tilespmem:$0x1A920] =	vst v63  }
0x55: {  	_ =	swait.ge [sflag:s29], $0x4000  }
0x56: {  	[sflag:s29] =	ssyncset.done $0x0  }
0x57: {  	s31 =	simm.s32 $0x0;
	[sflag:s29] =	ssyncadd.s32 $0xFFFFC000  }
0x58: {  	v63 =	vld [tilespmem:s31+$0x800];
	_ =	sdelay $0x3  }
0x59: {  	s7 =	simm.s32 $0x8820  }
0x5a: {  	[tilespmem:s7+$0xFFFFFFE0] =	vst v63  }
0x5b: {  	v0 =	vld [tilespmem:s31+$0x810];
	_ =	sdelay $0x4  }
0x5c: {  	[tilespmem:s7+$0xFFFFFFF0] =	vst v0  }
0x5d: {  	v0 =	vld [tilespmem:s31+$0x820];
	_ =	sdelay $0x4  }
0x5e: {  	[tilespmem:s7+$0x0] =	vst v0  }
0x5f: {  	v0 =	vld [tilespmem:s31+$0x830];
	_ =	sdelay $0x4  }
0x60: {  	s8 =	simm.s32 $0x80;
	s9 =	simm.s32 $0x400;
	[tilespmem:s7+$0x10] =	vst v0  }
.LBB2_3:
0x61: {  	p0 =	sne.s32 s9, $0xFE00;
	v0 =	vld [tilespmem:s8+$0x800];
	_ =	sdelay $0x3  }
0x62: {  	s7 =	sadd.s32 $0x40, s7  }
0x63: {  	[tilespmem:s7+$0xFFFFFFE0] =	vst v0  }
0x64: {  	v0 =	vld [tilespmem:s8+$0x810];
	_ =	sdelay $0x4  }
0x65: {  	[tilespmem:s7+$0xFFFFFFF0] =	vst v0  }
0x66: {  	v0 =	vld [tilespmem:s8+$0x820];
	_ =	sdelay $0x4  }
0x67: {  	[tilespmem:s7+$0x0] =	vst v0  }
0x68: {  	v0 =	vld [tilespmem:s8+$0x830]  }
.Ltmp1:
0x69: {  	(pc) =	sbr.rel @p0 .LBB2_3-.Ltmp1, $2  }
0x6a: {  	_ =	sdelay $0x2  }
0x6b: {  	s8 =	sshra.s32 s9, $0x2;
	s9 =	sadd.s32 $0x200, s9;
	[tilespmem:s7+$0x10] =	vst v0  }
0x6c: {  	v0 =	vld [tilespmem:s8+$0x800];
	_ =	sdelay $0x3  }
0x6d: {  	s7 =	sadd.s32 $0x40, s7  }
0x6e: {  	[tilespmem:s7+$0xFFFFFFE0] =	vst v0  }
0x6f: {  	v0 =	vld [tilespmem:s8+$0x810];
	_ =	sdelay $0x4  }
0x70: {  	[tilespmem:s7+$0xFFFFFFF0] =	vst v0  }
0x71: {  	v0 =	vld [tilespmem:s8+$0x820];
	_ =	sdelay $0x4  }
0x72: {  	[tilespmem:s7+$0x0] =	vst v0  }
0x73: {  	v0 =	vld [tilespmem:s8+$0x830];
	_ =	sdelay $0x3  }
0x74: {  	s26 =	simm.s32 $0x80  }
0x75: {  	s28 =	simm.s32 $0x480;
	s9 =	simm.s32 $0x8800;
	s29 =	simm.s32 $0x1;
	[tilespmem:s7+$0x10] =	vst v0  }
0x76: {  	[spmem:s5] =	stream.indirect.scatter [tilespmem:s9], [sflag:$0x1], $0x40, s28, s26, $0xb8;
	[tilespmem:$0x1A920] =	vst v63  }
0x77: {  	_ =	swait.ge [sflag:s29], $0x2000  }
0x78: {  	[sflag:s29] =	ssyncset.done $0x0  }
0x79: {  	s30 =	simm.s32 $0x100;
	s10 =	simm.s32 $0x800;
	[sflag:s29] =	ssyncadd.s32 $0xFFFFE000  }
0x7a: {  	[tilespmem:s10], [sflag:$0x1] =	stream.indirect.gather [hbm4b:s4+s26], $0x80, s30, s26, $0xb8;
	[tilespmem:$0x1A920] =	vst v63  }
0x7b: {  	_ =	swait.ge [sflag:s29], $0x4000  }
0x7c: {  	[sflag:s29] =	ssyncset.done $0x0  }
0x7d: {  	s31 =	simm.s32 $0x0;
	[sflag:s29] =	ssyncadd.s32 $0xFFFFC000  }
0x7e: {  	v63 =	vld [tilespmem:s31+$0x800];
	_ =	sdelay $0x3  }
0x7f: {  	s7 =	simm.s32 $0x8820  }
0x80: {  	[tilespmem:s7+$0xFFFFFFE0] =	vst v63  }
0x81: {  	v0 =	vld [tilespmem:s31+$0x810];
	_ =	sdelay $0x4  }
0x82: {  	[tilespmem:s7+$0xFFFFFFF0] =	vst v0  }
0x83: {  	v0 =	vld [tilespmem:s31+$0x820];
	_ =	sdelay $0x4  }
0x84: {  	[tilespmem:s7+$0x0] =	vst v0  }
0x85: {  	v0 =	vld [tilespmem:s31+$0x830];
	_ =	sdelay $0x4  }
0x86: {  	s8 =	simm.s32 $0x80;
	s9 =	simm.s32 $0x400;
	[tilespmem:s7+$0x10] =	vst v0  }
.LBB2_5:
0x87: {  	p0 =	sne.s32 s9, $0xFE00;
	v0 =	vld [tilespmem:s8+$0x800];
	_ =	sdelay $0x3  }
0x88: {  	s7 =	sadd.s32 $0x40, s7  }
0x89: {  	[tilespmem:s7+$0xFFFFFFE0] =	vst v0  }
0x8a: {  	v0 =	vld [tilespmem:s8+$0x810];
	_ =	sdelay $0x4  }
0x8b: {  	[tilespmem:s7+$0xFFFFFFF0] =	vst v0  }
0x8c: {  	v0 =	vld [tilespmem:s8+$0x820];
	_ =	sdelay $0x4  }
0x8d: {  	[tilespmem:s7+$0x0] =	vst v0  }
0x8e: {  	v0 =	vld [tilespmem:s8+$0x830]  }
.Ltmp2:
0x8f: {  	(pc) =	sbr.rel @p0 .LBB2_5-.Ltmp2, $2  }
0x90: {  	_ =	sdelay $0x2  }
0x91: {  	s8 =	sshra.s32 s9, $0x2;
	s9 =	sadd.s32 $0x200, s9;
	[tilespmem:s7+$0x10] =	vst v0  }
0x92: {  	v0 =	vld [tilespmem:s8+$0x800];
	_ =	sdelay $0x3  }
0x93: {  	s7 =	sadd.s32 $0x40, s7  }
0x94: {  	[tilespmem:s7+$0xFFFFFFE0] =	vst v0  }
0x95: {  	v0 =	vld [tilespmem:s8+$0x810];
	_ =	sdelay $0x4  }
0x96: {  	[tilespmem:s7+$0xFFFFFFF0] =	vst v0  }
0x97: {  	v0 =	vld [tilespmem:s8+$0x820];
	_ =	sdelay $0x4  }
0x98: {  	[tilespmem:s7+$0x0] =	vst v0  }
0x99: {  	v0 =	vld [tilespmem:s8+$0x830];
	_ =	sdelay $0x3  }
0x9a: {  	s26 =	simm.s32 $0x80  }
0x9b: {  	s28 =	simm.s32 $0x500;
	s9 =	simm.s32 $0x8800;
	s29 =	simm.s32 $0x1;
	[tilespmem:s7+$0x10] =	vst v0  }
0x9c: {  	[spmem:s5] =	stream.indirect.scatter [tilespmem:s9], [sflag:$0x1], $0x40, s28, s26, $0xb8;
	[tilespmem:$0x1A920] =	vst v63  }
0x9d: {  	_ =	swait.ge [sflag:s29], $0x2000  }
0x9e: {  	[sflag:s29] =	ssyncset.done $0x0  }
0x9f: {  	s30 =	simm.s32 $0x180;
	s10 =	simm.s32 $0x800;
	[sflag:s29] =	ssyncadd.s32 $0xFFFFE000  }
0xa0: {  	[tilespmem:s10], [sflag:$0x1] =	stream.indirect.gather [hbm4b:s4+s26], $0x80, s30, s26, $0xb8;
	[tilespmem:$0x1A920] =	vst v63  }
0xa1: {  	_ =	swait.ge [sflag:s29], $0x4000  }
0xa2: {  	[sflag:s29] =	ssyncset.done $0x0  }
0xa3: {  	s31 =	simm.s32 $0x0;
	[sflag:s29] =	ssyncadd.s32 $0xFFFFC000  }
0xa4: {  	v63 =	vld [tilespmem:s31+$0x800];
	_ =	sdelay $0x3  }
0xa5: {  	s7 =	simm.s32 $0x8820  }
0xa6: {  	[tilespmem:s7+$0xFFFFFFE0] =	vst v63  }
0xa7: {  	v0 =	vld [tilespmem:s31+$0x810];
	_ =	sdelay $0x4  }
0xa8: {  	[tilespmem:s7+$0xFFFFFFF0] =	vst v0  }
0xa9: {  	v0 =	vld [tilespmem:s31+$0x820];
	_ =	sdelay $0x4  }
0xaa: {  	[tilespmem:s7+$0x0] =	vst v0  }
0xab: {  	v0 =	vld [tilespmem:s31+$0x830];
	_ =	sdelay $0x4  }
0xac: {  	s8 =	simm.s32 $0x80;
	s9 =	simm.s32 $0x400;
	[tilespmem:s7+$0x10] =	vst v0  }
.LBB2_7:
0xad: {  	p0 =	sne.s32 s9, $0xFE00;
	v0 =	vld [tilespmem:s8+$0x800];
	_ =	sdelay $0x3  }
0xae: {  	s7 =	sadd.s32 $0x40, s7  }
0xaf: {  	[tilespmem:s7+$0xFFFFFFE0] =	vst v0  }
0xb0: {  	v0 =	vld [tilespmem:s8+$0x810];
	_ =	sdelay $0x4  }
0xb1: {  	[tilespmem:s7+$0xFFFFFFF0] =	vst v0  }
0xb2: {  	v0 =	vld [tilespmem:s8+$0x820];
	_ =	sdelay $0x4  }
0xb3: {  	[tilespmem:s7+$0x0] =	vst v0  }
0xb4: {  	v0 =	vld [tilespmem:s8+$0x830]  }
.Ltmp3:
0xb5: {  	(pc) =	sbr.rel @p0 .LBB2_7-.Ltmp3, $2  }
0xb6: {  	_ =	sdelay $0x2  }
0xb7: {  	s8 =	sshra.s32 s9, $0x2;
	s9 =	sadd.s32 $0x200, s9;
	[tilespmem:s7+$0x10] =	vst v0  }
0xb8: {  	v0 =	vld [tilespmem:s8+$0x800];
	_ =	sdelay $0x3  }
0xb9: {  	s7 =	sadd.s32 $0x40, s7  }
0xba: {  	[tilespmem:s7+$0xFFFFFFE0] =	vst v0  }
0xbb: {  	v0 =	vld [tilespmem:s8+$0x810];
	_ =	sdelay $0x4  }
0xbc: {  	[tilespmem:s7+$0xFFFFFFF0] =	vst v0  }
0xbd: {  	v0 =	vld [tilespmem:s8+$0x820];
	_ =	sdelay $0x4  }
0xbe: {  	[tilespmem:s7+$0x0] =	vst v0  }
0xbf: {  	v0 =	vld [tilespmem:s8+$0x830];
	_ =	sdelay $0x3  }
0xc0: {  	s26 =	simm.s32 $0x80  }
0xc1: {  	s28 =	simm.s32 $0x580;
	s9 =	simm.s32 $0x8800;
	s29 =	simm.s32 $0x1;
	[tilespmem:s7+$0x10] =	vst v0  }
0xc2: {  	[spmem:s5] =	stream.indirect.scatter [tilespmem:s9], [sflag:$0x1], $0x40, s28, s26, $0xb8;
	[tilespmem:$0x1A920] =	vst v63  }
0xc3: {  	_ =	swait.ge [sflag:s29], $0x2000  }
0xc4: {  	[sflag:s29] =	ssyncset.done $0x0  }
0xc5: {  	s30 =	simm.s32 $0x200;
	s10 =	simm.s32 $0x800;
	[sflag:s29] =	ssyncadd.s32 $0xFFFFE000  }
0xc6: {  	[tilespmem:s10], [sflag:$0x1] =	stream.indirect.gather [hbm4b:s4+s26], $0x80, s30, s26, $0xb8;
	[tilespmem:$0x1A920] =	vst v63  }
0xc7: {  	_ =	swait.ge [sflag:s29], $0x4000  }
0xc8: {  	[sflag:s29] =	ssyncset.done $0x0  }
0xc9: {  	s31 =	simm.s32 $0x0;
	[sflag:s29] =	ssyncadd.s32 $0xFFFFC000  }
0xca: {  	v63 =	vld [tilespmem:s31+$0x800];
	_ =	sdelay $0x3  }
0xcb: {  	s7 =	simm.s32 $0x8820  }
0xcc: {  	[tilespmem:s7+$0xFFFFFFE0] =	vst v63  }
0xcd: {  	v0 =	vld [tilespmem:s31+$0x810];
	_ =	sdelay $0x4  }
0xce: {  	[tilespmem:s7+$0xFFFFFFF0] =	vst v0  }
0xcf: {  	v0 =	vld [tilespmem:s31+$0x820];
	_ =	sdelay $0x4  }
0xd0: {  	[tilespmem:s7+$0x0] =	vst v0  }
0xd1: {  	v0 =	vld [tilespmem:s31+$0x830];
	_ =	sdelay $0x4  }
0xd2: {  	s8 =	simm.s32 $0x80;
	s9 =	simm.s32 $0x400;
	[tilespmem:s7+$0x10] =	vst v0  }
.LBB2_9:
0xd3: {  	p0 =	sne.s32 s9, $0xFE00;
	v0 =	vld [tilespmem:s8+$0x800];
	_ =	sdelay $0x3  }
0xd4: {  	s7 =	sadd.s32 $0x40, s7  }
0xd5: {  	[tilespmem:s7+$0xFFFFFFE0] =	vst v0  }
0xd6: {  	v0 =	vld [tilespmem:s8+$0x810];
	_ =	sdelay $0x4  }
0xd7: {  	[tilespmem:s7+$0xFFFFFFF0] =	vst v0  }
0xd8: {  	v0 =	vld [tilespmem:s8+$0x820];
	_ =	sdelay $0x4  }
0xd9: {  	[tilespmem:s7+$0x0] =	vst v0  }
0xda: {  	v0 =	vld [tilespmem:s8+$0x830]  }
.Ltmp4:
0xdb: {  	(pc) =	sbr.rel @p0 .LBB2_9-.Ltmp4, $2  }
0xdc: {  	_ =	sdelay $0x2  }
0xdd: {  	s8 =	sshra.s32 s9, $0x2;
	s9 =	sadd.s32 $0x200, s9;
	[tilespmem:s7+$0x10] =	vst v0  }
0xde: {  	v0 =	vld [tilespmem:s8+$0x800];
	_ =	sdelay $0x3  }
0xdf: {  	s7 =	sadd.s32 $0x40, s7  }
0xe0: {  	[tilespmem:s7+$0xFFFFFFE0] =	vst v0  }
0xe1: {  	v0 =	vld [tilespmem:s8+$0x810];
	_ =	sdelay $0x4  }
0xe2: {  	[tilespmem:s7+$0xFFFFFFF0] =	vst v0  }
0xe3: {  	v0 =	vld [tilespmem:s8+$0x820];
	_ =	sdelay $0x4  }
0xe4: {  	[tilespmem:s7+$0x0] =	vst v0  }
0xe5: {  	v0 =	vld [tilespmem:s8+$0x830];
	_ =	sdelay $0x3  }
0xe6: {  	s26 =	simm.s32 $0x80  }
0xe7: {  	s28 =	simm.s32 $0x600;
	s9 =	simm.s32 $0x8800;
	s29 =	simm.s32 $0x1;
	[tilespmem:s7+$0x10] =	vst v0  }
0xe8: {  	[spmem:s5] =	stream.indirect.scatter [tilespmem:s9], [sflag:$0x1], $0x40, s28, s26, $0xb8;
	[tilespmem:$0x1A920] =	vst v63  }
0xe9: {  	_ =	swait.ge [sflag:s29], $0x2000  }
0xea: {  	[sflag:s29] =	ssyncset.done $0x0  }
0xeb: {  	s30 =	simm.s32 $0x280;
	s10 =	simm.s32 $0x800;
	[sflag:s29] =	ssyncadd.s32 $0xFFFFE000  }
0xec: {  	[tilespmem:s10], [sflag:$0x1] =	stream.indirect.gather [hbm4b:s4+s26], $0x80, s30, s26, $0xb8;
	[tilespmem:$0x1A920] =	vst v63  }
0xed: {  	_ =	swait.ge [sflag:s29], $0x4000  }
0xee: {  	[sflag:s29] =	ssyncset.done $0x0  }
0xef: {  	s31 =	simm.s32 $0x0;
	[sflag:s29] =	ssyncadd.s32 $0xFFFFC000  }
0xf0: {  	v63 =	vld [tilespmem:s31+$0x800];
	_ =	sdelay $0x3  }
0xf1: {  	s7 =	simm.s32 $0x8820  }
0xf2: {  	[tilespmem:s7+$0xFFFFFFE0] =	vst v63  }
0xf3: {  	v0 =	vld [tilespmem:s31+$0x810];
	_ =	sdelay $0x4  }
0xf4: {  	[tilespmem:s7+$0xFFFFFFF0] =	vst v0  }
0xf5: {  	v0 =	vld [tilespmem:s31+$0x820];
	_ =	sdelay $0x4  }
0xf6: {  	[tilespmem:s7+$0x0] =	vst v0  }
0xf7: {  	v0 =	vld [tilespmem:s31+$0x830];
	_ =	sdelay $0x4  }
0xf8: {  	s8 =	simm.s32 $0x80;
	s9 =	simm.s32 $0x400;
	[tilespmem:s7+$0x10] =	vst v0  }
.LBB2_11:
0xf9: {  	p0 =	sne.s32 s9, $0xFE00;
	v0 =	vld [tilespmem:s8+$0x800];
	_ =	sdelay $0x3  }
0xfa: {  	s7 =	sadd.s32 $0x40, s7  }
0xfb: {  	[tilespmem:s7+$0xFFFFFFE0] =	vst v0  }
0xfc: {  	v0 =	vld [tilespmem:s8+$0x810];
	_ =	sdelay $0x4  }
0xfd: {  	[tilespmem:s7+$0xFFFFFFF0] =	vst v0  }
0xfe: {  	v0 =	vld [tilespmem:s8+$0x820];
	_ =	sdelay $0x4  }
0xff: {  	[tilespmem:s7+$0x0] =	vst v0  }
0x100: {  	v0 =	vld [tilespmem:s8+$0x830]  }
.Ltmp5:
0x101: {  	(pc) =	sbr.rel @p0 .LBB2_11-.Ltmp5, $2  }
0x102: {  	_ =	sdelay $0x2  }
0x103: {  	s8 =	sshra.s32 s9, $0x2;
	s9 =	sadd.s32 $0x200, s9;
	[tilespmem:s7+$0x10] =	vst v0  }
0x104: {  	v0 =	vld [tilespmem:s8+$0x800];
	_ =	sdelay $0x3  }
0x105: {  	s7 =	sadd.s32 $0x40, s7  }
0x106: {  	[tilespmem:s7+$0xFFFFFFE0] =	vst v0  }
0x107: {  	v0 =	vld [tilespmem:s8+$0x810];
	_ =	sdelay $0x4  }
0x108: {  	[tilespmem:s7+$0xFFFFFFF0] =	vst v0  }
0x109: {  	v0 =	vld [tilespmem:s8+$0x820];
	_ =	sdelay $0x4  }
0x10a: {  	[tilespmem:s7+$0x0] =	vst v0  }
0x10b: {  	v0 =	vld [tilespmem:s8+$0x830];
	_ =	sdelay $0x3  }
0x10c: {  	s26 =	simm.s32 $0x80  }
0x10d: {  	s28 =	simm.s32 $0x680;
	s9 =	simm.s32 $0x8800;
	s29 =	simm.s32 $0x1;
	[tilespmem:s7+$0x10] =	vst v0  }
0x10e: {  	[spmem:s5] =	stream.indirect.scatter [tilespmem:s9], [sflag:$0x1], $0x40, s28, s26, $0xb8;
	[tilespmem:$0x1A920] =	vst v63  }
0x10f: {  	_ =	swait.ge [sflag:s29], $0x2000  }
0x110: {  	[sflag:s29] =	ssyncset.done $0x0  }
0x111: {  	s30 =	simm.s32 $0x300;
	s10 =	simm.s32 $0x800;
	[sflag:s29] =	ssyncadd.s32 $0xFFFFE000  }
0x112: {  	[tilespmem:s10], [sflag:$0x1] =	stream.indirect.gather [hbm4b:s4+s26], $0x80, s30, s26, $0xb8;
	[tilespmem:$0x1A920] =	vst v63  }
0x113: {  	_ =	swait.ge [sflag:s29], $0x4000  }
0x114: {  	[sflag:s29] =	ssyncset.done $0x0  }
0x115: {  	s31 =	simm.s32 $0x0;
	[sflag:s29] =	ssyncadd.s32 $0xFFFFC000  }
0x116: {  	v63 =	vld [tilespmem:s31+$0x800];
	_ =	sdelay $0x3  }
0x117: {  	s7 =	simm.s32 $0x8820  }
0x118: {  	[tilespmem:s7+$0xFFFFFFE0] =	vst v63  }
0x119: {  	v0 =	vld [tilespmem:s31+$0x810];
	_ =	sdelay $0x4  }
0x11a: {  	[tilespmem:s7+$0xFFFFFFF0] =	vst v0  }
0x11b: {  	v0 =	vld [tilespmem:s31+$0x820];
	_ =	sdelay $0x4  }
0x11c: {  	[tilespmem:s7+$0x0] =	vst v0  }
0x11d: {  	v0 =	vld [tilespmem:s31+$0x830];
	_ =	sdelay $0x4  }
0x11e: {  	s8 =	simm.s32 $0x80;
	s9 =	simm.s32 $0x400;
	[tilespmem:s7+$0x10] =	vst v0  }
.LBB2_13:
0x11f: {  	p0 =	sne.s32 s9, $0xFE00;
	v0 =	vld [tilespmem:s8+$0x800];
	_ =	sdelay $0x3  }
0x120: {  	s7 =	sadd.s32 $0x40, s7  }
0x121: {  	[tilespmem:s7+$0xFFFFFFE0] =	vst v0  }
0x122: {  	v0 =	vld [tilespmem:s8+$0x810];
	_ =	sdelay $0x4  }
0x123: {  	[tilespmem:s7+$0xFFFFFFF0] =	vst v0  }
0x124: {  	v0 =	vld [tilespmem:s8+$0x820];
	_ =	sdelay $0x4  }
0x125: {  	[tilespmem:s7+$0x0] =	vst v0  }
0x126: {  	v0 =	vld [tilespmem:s8+$0x830]  }
.Ltmp6:
0x127: {  	(pc) =	sbr.rel @p0 .LBB2_13-.Ltmp6, $2  }
0x128: {  	_ =	sdelay $0x2  }
0x129: {  	s8 =	sshra.s32 s9, $0x2;
	s9 =	sadd.s32 $0x200, s9;
	[tilespmem:s7+$0x10] =	vst v0  }
0x12a: {  	v0 =	vld [tilespmem:s8+$0x800];
	_ =	sdelay $0x3  }
0x12b: {  	s7 =	sadd.s32 $0x40, s7  }
0x12c: {  	[tilespmem:s7+$0xFFFFFFE0] =	vst v0  }
0x12d: {  	v0 =	vld [tilespmem:s8+$0x810];
	_ =	sdelay $0x4  }
0x12e: {  	[tilespmem:s7+$0xFFFFFFF0] =	vst v0  }
0x12f: {  	v0 =	vld [tilespmem:s8+$0x820];
	_ =	sdelay $0x4  }
0x130: {  	[tilespmem:s7+$0x0] =	vst v0  }
0x131: {  	v0 =	vld [tilespmem:s8+$0x830];
	_ =	sdelay $0x3  }
0x132: {  	s26 =	simm.s32 $0x80  }
0x133: {  	s28 =	simm.s32 $0x700;
	s9 =	simm.s32 $0x8800;
	s29 =	simm.s32 $0x1;
	[tilespmem:s7+$0x10] =	vst v0  }
0x134: {  	[spmem:s5] =	stream.indirect.scatter [tilespmem:s9], [sflag:$0x1], $0x40, s28, s26, $0xb8;
	[tilespmem:$0x1A920] =	vst v63  }
0x135: {  	_ =	swait.ge [sflag:s29], $0x2000  }
0x136: {  	[sflag:s29] =	ssyncset.done $0x0  }
0x137: {  	s30 =	simm.s32 $0x380;
	s10 =	simm.s32 $0x800;
	[sflag:s29] =	ssyncadd.s32 $0xFFFFE000  }
0x138: {  	[tilespmem:s10], [sflag:$0x1] =	stream.indirect.gather [hbm4b:s4+s26], $0x80, s30, s26, $0xb8;
	[tilespmem:$0x1A920] =	vst v63  }
0x139: {  	_ =	swait.ge [sflag:s29], $0x4000  }
0x13a: {  	[sflag:s29] =	ssyncset.done $0x0  }
0x13b: {  	s31 =	simm.s32 $0x0;
	[sflag:s29] =	ssyncadd.s32 $0xFFFFC000  }
0x13c: {  	v63 =	vld [tilespmem:s31+$0x800];
	_ =	sdelay $0x3  }
0x13d: {  	s7 =	simm.s32 $0x8820  }
0x13e: {  	[tilespmem:s7+$0xFFFFFFE0] =	vst v63  }
0x13f: {  	v0 =	vld [tilespmem:s31+$0x810];
	_ =	sdelay $0x4  }
0x140: {  	[tilespmem:s7+$0xFFFFFFF0] =	vst v0  }
0x141: {  	v0 =	vld [tilespmem:s31+$0x820];
	_ =	sdelay $0x4  }
0x142: {  	[tilespmem:s7+$0x0] =	vst v0  }
0x143: {  	v0 =	vld [tilespmem:s31+$0x830];
	_ =	sdelay $0x4  }
0x144: {  	s8 =	simm.s32 $0x80;
	s9 =	simm.s32 $0x400;
	[tilespmem:s7+$0x10] =	vst v0  }
.LBB2_15:
0x145: {  	p0 =	sne.s32 s9, $0xFE00;
	v0 =	vld [tilespmem:s8+$0x800];
	_ =	sdelay $0x3  }
0x146: {  	s7 =	sadd.s32 $0x40, s7  }
0x147: {  	[tilespmem:s7+$0xFFFFFFE0] =	vst v0  }
0x148: {  	v0 =	vld [tilespmem:s8+$0x810];
	_ =	sdelay $0x4  }
0x149: {  	[tilespmem:s7+$0xFFFFFFF0] =	vst v0  }
0x14a: {  	v0 =	vld [tilespmem:s8+$0x820];
	_ =	sdelay $0x4  }
0x14b: {  	[tilespmem:s7+$0x0] =	vst v0  }
0x14c: {  	v0 =	vld [tilespmem:s8+$0x830]  }
.Ltmp7:
0x14d: {  	(pc) =	sbr.rel @p0 .LBB2_15-.Ltmp7, $2  }
0x14e: {  	_ =	sdelay $0x2  }
0x14f: {  	s8 =	sshra.s32 s9, $0x2;
	s9 =	sadd.s32 $0x200, s9;
	[tilespmem:s7+$0x10] =	vst v0  }
0x150: {  	v0 =	vld [tilespmem:s8+$0x800];
	_ =	sdelay $0x3  }
0x151: {  	s7 =	sadd.s32 $0x40, s7  }
0x152: {  	[tilespmem:s7+$0xFFFFFFE0] =	vst v0  }
0x153: {  	v0 =	vld [tilespmem:s8+$0x810];
	_ =	sdelay $0x4  }
0x154: {  	[tilespmem:s7+$0xFFFFFFF0] =	vst v0  }
0x155: {  	v0 =	vld [tilespmem:s8+$0x820];
	_ =	sdelay $0x4  }
0x156: {  	[tilespmem:s7+$0x0] =	vst v0  }
0x157: {  	v0 =	vld [tilespmem:s8+$0x830];
	_ =	sdelay $0x3  }
0x158: {  	s26 =	simm.s32 $0x80  }
0x159: {  	s28 =	simm.s32 $0x780;
	s9 =	simm.s32 $0x8800;
	s29 =	simm.s32 $0x1;
	[tilespmem:s7+$0x10] =	vst v0  }
0x15a: {  	[spmem:s5] =	stream.indirect.scatter [tilespmem:s9], [sflag:$0x1], $0x40, s28, s26, $0xb8;
	[tilespmem:$0x1A920] =	vst v63  }
0x15b: {  	_ =	swait.ge [sflag:s29], $0x2000  }
0x15c: {  	[sflag:s29] =	ssyncset.done $0x0  }
0x15d: {  	s11 =	simm.s32 $0x0;
	s7 =	sshll.u32 s3, $0xE;
	[sflag:s29] =	ssyncadd.s32 $0xFFFFE000  }
0x15e: {  	s12 =	simm.s32 $0x4800;
	s10 =	sadd.s32 s6, s7;
	[bflag:$0x0] =	sbarrier.arrive $0xFFFF  }
0x15f: {  	[tilespmem:s12], [sflag:$0x1] =	stream.linear.gather [hbm4b:s10+s11], $0x4000, $0x38;
	[tilespmem:$0x1A920] =	vst v63  }
0x160: {  	_ =	swait.ge [sflag:s29], $0x4000  }
0x161: {  	[sflag:s29] =	ssyncset.done $0x0  }
0x162: {  	s30 =	simm.s32 $0x800;
	[sflag:s29] =	ssyncadd.s32 $0xFFFFC000  }
0x163: {  	[tilespmem:s30], [sflag:$0x1] =	stream.indirect.gather [hbm4b:s4+s26], $0x80, s11, s26, $0xb8;
	[tilespmem:$0x1A920] =	vst v63  }
0x164: {  	_ =	swait.ge [sflag:s29], $0x4000  }
0x165: {  	[sflag:s29] =	ssyncset.done $0x0  }
0x166: {  	s31 =	simm.s32 $0x0;
	[sflag:s29] =	ssyncadd.s32 $0xFFFFC000  }
0x167: {  	v0 =	vld [tilespmem:s31+$0x4800]  }
0x168: {  	v1 =	vld [tilespmem:s31+$0x800];
	_ =	sdelay $0x4  }
0x169: {  	v0 =	vsub.f32 v0, v1;
	_ =	sdelay $0x1  }
0x16a: {  	v1 =	vmul.f32 $9.999999770e-03, v0  }
0x16b: {  	s8 =	simm.s32 $0x8820  }
0x16c: {  	[tilespmem:s8+$0xFFFFFFE0] =	vst v1  }
0x16d: {  	v1 =	vld [tilespmem:s31+$0x4810]  }
0x16e: {  	v2 =	vld [tilespmem:s31+$0x810];
	_ =	sdelay $0x4  }
0x16f: {  	v1 =	vsub.f32 v1, v2;
	_ =	sdelay $0x1  }
0x170: {  	v2 =	vmul.f32 $9.999999770e-03, v1;
	_ =	sdelay $0x1  }
0x171: {  	[tilespmem:s8+$0xFFFFFFF0] =	vst v2  }
0x172: {  	v2 =	vld [tilespmem:s31+$0x4820]  }
0x173: {  	v3 =	vld [tilespmem:s31+$0x820];
	_ =	sdelay $0x4  }
0x174: {  	v2 =	vsub.f32 v2, v3  }
0x175: {  	v0 =	vmul.f32 v0, v0  }
0x176: {  	v3 =	vimm.f32 $0.0e+00;
	v4 =	vmul.f32 $9.999999770e-03, v2  }
0x177: {  	v1 =	vmul.f32 v1, v1;
	v0 =	vadd.f32 v0, v3  }
0x178: {  	[tilespmem:s8+$0x0] =	vst v4  }
0x179: {  	v0 =	vadd.f32 v1, v0;
	v1 =	vld [tilespmem:s31+$0x4830]  }
0x17a: {  	v3 =	vmul.f32 v2, v2;
	v2 =	vld [tilespmem:s31+$0x830];
	_ =	sdelay $0x2  }
0x17b: {  	s9 =	simm.s32 $0x200;
	s10 =	simm.s32 $0x8820;
	v0 =	vadd.f32 v3, v0  }
.LBB2_17:
0x17c: {  	p0 =	sne.s32 s9, $0xFE00  }
0x17d: {  	s8 =	sadd.s32 $0x40, s8;
	s11 =	smov.u32 s9;
	s9 =	sadd.s32 $0x200, s9;
	v1 =	vsub.f32 v1, v2  }
0x17e: {  	_ = 	snop  }
0x17f: {  	v2 =	vmul.f32 $9.999999770e-03, v1;
	v1 =	vmul.f32 v1, v1;
	_ =	sdelay $0x1  }
0x180: {  	s11 =	sshra.s32 s11, $0x2;
	[tilespmem:s10+$0x10] =	vst v2;
	v0 =	vadd.f32 v1, v0;
	s10 =	smov.u32 s8  }
0x181: {  	v1 =	vld [tilespmem:s11+$0x4800]  }
0x182: {  	v2 =	vld [tilespmem:s11+$0x800];
	_ =	sdelay $0x4  }
0x183: {  	v1 =	vsub.f32 v1, v2;
	_ =	sdelay $0x1  }
0x184: {  	v2 =	vmul.f32 $9.999999770e-03, v1;
	v1 =	vmul.f32 v1, v1;
	_ =	sdelay $0x1  }
0x185: {  	[tilespmem:s8+$0xFFFFFFE0] =	vst v2  }
0x186: {  	v2 =	vld [tilespmem:s11+$0x4810]  }
0x187: {  	v3 =	vld [tilespmem:s11+$0x810];
	_ =	sdelay $0x4  }
0x188: {  	v2 =	vsub.f32 v2, v3;
	_ =	sdelay $0x1  }
0x189: {  	v3 =	vmul.f32 $9.999999770e-03, v2;
	v4 =	vmul.f32 v2, v2;
	_ =	sdelay $0x1  }
0x18a: {  	[tilespmem:s8+$0xFFFFFFF0] =	vst v3  }
0x18b: {  	v2 =	vld [tilespmem:s11+$0x4820]  }
0x18c: {  	v3 =	vld [tilespmem:s11+$0x820];
	_ =	sdelay $0x4  }
0x18d: {  	v2 =	vsub.f32 v2, v3;
	_ =	sdelay $0x1  }
0x18e: {  	v3 =	vmul.f32 $9.999999770e-03, v2;
	v5 =	vmul.f32 v2, v2;
	_ =	sdelay $0x1  }
0x18f: {  	[tilespmem:s8+$0x0] =	vst v3  }
.Ltmp8:
0x190: {  	v0 =	vadd.f32 v1, v0;
	v1 =	vld [tilespmem:s11+$0x4830];
	(pc) =	sbr.rel @p0 .LBB2_17-.Ltmp8, $3  }
0x191: {  	v2 =	vld [tilespmem:s11+$0x830]  }
0x192: {  	v0 =	vadd.f32 v4, v0;
	_ =	sdelay $0x1  }
0x193: {  	v0 =	vadd.f32 v5, v0  }
0x194: {  	_ = 	snop  }
0x195: {  	v1 =	vsub.f32 v1, v2;
	_ =	sdelay $0x1  }
0x196: {  	v2 =	vmul.f32 $9.999999770e-03, v1  }
0x197: {  	s8 =	simm.s32 $0x80  }
0x198: {  	s9 =	simm.s32 $0x400;
	s26 =	simm.s32 $0x8800;
	s28 =	simm.s32 $0x1;
	[tilespmem:s10+$0x10] =	vst v2  }
0x199: {  	[spmem:s5] =	stream.indirect.scatter.add.f32 [tilespmem:s26], [sflag:$0x1], $0x40, s9, s8, $0xb8;
	[tilespmem:$0x1A920] =	vst v63  }
0x19a: {  	_ =	swait.ge [sflag:s28], $0x2000  }
0x19b: {  	s6 =	sadd.s32 s7, s6;
	s29 =	simm.s32 $0x0;
	[sflag:s28] =	ssyncset.done $0x0  }
0x19c: {  	s11 =	simm.s32 $0x4800;
	s7 =	sadd.s32 $0x800, s6;
	[sflag:s28] =	ssyncadd.s32 $0xFFFFE000  }
0x19d: {  	[tilespmem:s11], [sflag:$0x1] =	stream.linear.gather [hbm4b:s7+s29], $0x4000, $0x38;
	[tilespmem:$0x1A920] =	vst v63  }
0x19e: {  	_ =	swait.ge [sflag:s28], $0x4000  }
0x19f: {  	[sflag:s28] =	ssyncset.done $0x0  }
0x1a0: {  	s30 =	simm.s32 $0x800;
	[sflag:s28] =	ssyncadd.s32 $0xFFFFC000  }
0x1a1: {  	[tilespmem:s30], [sflag:$0x1] =	stream.indirect.gather [hbm4b:s4+s8], $0x80, s8, s8, $0xb8;
	[tilespmem:$0x1A920] =	vst v63  }
0x1a2: {  	_ =	swait.ge [sflag:s28], $0x4000  }
0x1a3: {  	[sflag:s28] =	ssyncset.done $0x0  }
0x1a4: {  	s31 =	simm.s32 $0x0;
	[sflag:s28] =	ssyncadd.s32 $0xFFFFC000  }
0x1a5: {  	v2 =	vld [tilespmem:s31+$0x4800]  }
0x1a6: {  	v3 =	vld [tilespmem:s31+$0x800];
	_ =	sdelay $0x4  }
0x1a7: {  	v2 =	vsub.f32 v2, v3;
	_ =	sdelay $0x1  }
0x1a8: {  	v3 =	vmul.f32 $9.999999770e-03, v2  }
0x1a9: {  	s7 =	simm.s32 $0x8820  }
0x1aa: {  	[tilespmem:s7+$0xFFFFFFE0] =	vst v3  }
0x1ab: {  	v3 =	vld [tilespmem:s31+$0x4810]  }
0x1ac: {  	v4 =	vld [tilespmem:s31+$0x810];
	_ =	sdelay $0x4  }
0x1ad: {  	v3 =	vsub.f32 v3, v4;
	_ =	sdelay $0x1  }
0x1ae: {  	v4 =	vmul.f32 $9.999999770e-03, v3;
	_ =	sdelay $0x1  }
0x1af: {  	[tilespmem:s7+$0xFFFFFFF0] =	vst v4  }
0x1b0: {  	v4 =	vld [tilespmem:s31+$0x4820]  }
0x1b1: {  	v5 =	vld [tilespmem:s31+$0x820];
	_ =	sdelay $0x2  }
0x1b2: {  	v1 =	vmul.f32 v1, v1;
	_ =	sdelay $0x1  }
0x1b3: {  	v0 =	vadd.f32 v1, v0;
	v1 =	vmul.f32 v2, v2;
	v2 =	vsub.f32 v4, v5;
	_ =	sdelay $0x1  }
0x1b4: {  	v4 =	vmul.f32 $9.999999770e-03, v2;
	_ =	sdelay $0x1  }
0x1b5: {  	[tilespmem:s7+$0x0] =	vst v4  }
0x1b6: {  	v0 =	vadd.f32 v1, v0;
	v3 =	vmul.f32 v3, v3;
	v1 =	vld [tilespmem:s31+$0x4830]  }
0x1b7: {  	v5 =	vmul.f32 v2, v2;
	v2 =	vld [tilespmem:s31+$0x830]  }
0x1b8: {  	v0 =	vadd.f32 v3, v0;
	_ =	sdelay $0x1  }
0x1b9: {  	s9 =	simm.s32 $0x8820;
	s8 =	simm.s32 $0x200;
	v0 =	vadd.f32 v5, v0  }
.LBB2_19:
0x1ba: {  	p0 =	sne.s32 s8, $0xFE00  }
0x1bb: {  	s7 =	sadd.s32 $0x40, s7;
	s10 =	smov.u32 s8;
	s8 =	sadd.s32 $0x200, s8;
	v1 =	vsub.f32 v1, v2  }
0x1bc: {  	_ = 	snop  }
0x1bd: {  	v2 =	vmul.f32 $9.999999770e-03, v1;
	v1 =	vmul.f32 v1, v1;
	_ =	sdelay $0x1  }
0x1be: {  	s10 =	sshra.s32 s10, $0x2;
	[tilespmem:s9+$0x10] =	vst v2;
	v0 =	vadd.f32 v1, v0;
	s9 =	smov.u32 s7  }
0x1bf: {  	v1 =	vld [tilespmem:s10+$0x4800]  }
0x1c0: {  	v2 =	vld [tilespmem:s10+$0x800];
	_ =	sdelay $0x4  }
0x1c1: {  	v1 =	vsub.f32 v1, v2;
	_ =	sdelay $0x1  }
0x1c2: {  	v2 =	vmul.f32 $9.999999770e-03, v1;
	v1 =	vmul.f32 v1, v1;
	_ =	sdelay $0x1  }
0x1c3: {  	[tilespmem:s7+$0xFFFFFFE0] =	vst v2  }
0x1c4: {  	v2 =	vld [tilespmem:s10+$0x4810]  }
0x1c5: {  	v3 =	vld [tilespmem:s10+$0x810];
	_ =	sdelay $0x4  }
0x1c6: {  	v2 =	vsub.f32 v2, v3;
	_ =	sdelay $0x1  }
0x1c7: {  	v3 =	vmul.f32 $9.999999770e-03, v2;
	v4 =	vmul.f32 v2, v2;
	_ =	sdelay $0x1  }
0x1c8: {  	[tilespmem:s7+$0xFFFFFFF0] =	vst v3  }
0x1c9: {  	v2 =	vld [tilespmem:s10+$0x4820]  }
0x1ca: {  	v3 =	vld [tilespmem:s10+$0x820];
	_ =	sdelay $0x4  }
0x1cb: {  	v2 =	vsub.f32 v2, v3;
	_ =	sdelay $0x1  }
0x1cc: {  	v3 =	vmul.f32 $9.999999770e-03, v2;
	v5 =	vmul.f32 v2, v2;
	_ =	sdelay $0x1  }
0x1cd: {  	[tilespmem:s7+$0x0] =	vst v3  }
.Ltmp9:
0x1ce: {  	v0 =	vadd.f32 v1, v0;
	v1 =	vld [tilespmem:s10+$0x4830];
	(pc) =	sbr.rel @p0 .LBB2_19-.Ltmp9, $3  }
0x1cf: {  	v2 =	vld [tilespmem:s10+$0x830]  }
0x1d0: {  	v0 =	vadd.f32 v4, v0;
	_ =	sdelay $0x1  }
0x1d1: {  	v0 =	vadd.f32 v5, v0  }
0x1d2: {  	_ = 	snop  }
0x1d3: {  	v1 =	vsub.f32 v1, v2;
	_ =	sdelay $0x1  }
0x1d4: {  	v2 =	vmul.f32 $9.999999770e-03, v1  }
0x1d5: {  	s7 =	simm.s32 $0x80  }
0x1d6: {  	s8 =	simm.s32 $0x480;
	s25 =	simm.s32 $0x8800;
	s26 =	simm.s32 $0x1;
	[tilespmem:s9+$0x10] =	vst v2  }
0x1d7: {  	[spmem:s5] =	stream.indirect.scatter.add.f32 [tilespmem:s25], [sflag:$0x1], $0x40, s8, s7, $0xb8;
	[tilespmem:$0x1A920] =	vst v63  }
0x1d8: {  	_ =	swait.ge [sflag:s26], $0x2000  }
0x1d9: {  	s28 =	sadd.s32 $0x1000, s6;
	[sflag:s26] =	ssyncset.done $0x0  }
0x1da: {  	s10 =	simm.s32 $0x0;
	s11 =	simm.s32 $0x4800;
	[sflag:s26] =	ssyncadd.s32 $0xFFFFE000  }
0x1db: {  	[tilespmem:s11], [sflag:$0x1] =	stream.linear.gather [hbm4b:s28+s10], $0x4000, $0x38;
	[tilespmem:$0x1A920] =	vst v63  }
0x1dc: {  	_ =	swait.ge [sflag:s26], $0x4000  }
0x1dd: {  	[sflag:s26] =	ssyncset.done $0x0  }
0x1de: {  	s29 =	simm.s32 $0x100;
	s30 =	simm.s32 $0x800;
	[sflag:s26] =	ssyncadd.s32 $0xFFFFC000  }
0x1df: {  	[tilespmem:s30], [sflag:$0x1] =	stream.indirect.gather [hbm4b:s4+s7], $0x80, s29, s7, $0xb8;
	[tilespmem:$0x1A920] =	vst v63  }
0x1e0: {  	_ =	swait.ge [sflag:s26], $0x4000  }
0x1e1: {  	[sflag:s26] =	ssyncset.done $0x0  }
0x1e2: {  	s31 =	simm.s32 $0x0;
	[sflag:s26] =	ssyncadd.s32 $0xFFFFC000  }
0x1e3: {  	v2 =	vld [tilespmem:s31+$0x4800]  }
0x1e4: {  	v3 =	vld [tilespmem:s31+$0x800];
	_ =	sdelay $0x4  }
0x1e5: {  	v2 =	vsub.f32 v2, v3;
	_ =	sdelay $0x1  }
0x1e6: {  	v3 =	vmul.f32 $9.999999770e-03, v2  }
0x1e7: {  	s7 =	simm.s32 $0x8820  }
0x1e8: {  	[tilespmem:s7+$0xFFFFFFE0] =	vst v3  }
0x1e9: {  	v3 =	vld [tilespmem:s31+$0x4810]  }
0x1ea: {  	v4 =	vld [tilespmem:s31+$0x810];
	_ =	sdelay $0x4  }
0x1eb: {  	v3 =	vsub.f32 v3, v4;
	_ =	sdelay $0x1  }
0x1ec: {  	v4 =	vmul.f32 $9.999999770e-03, v3;
	_ =	sdelay $0x1  }
0x1ed: {  	[tilespmem:s7+$0xFFFFFFF0] =	vst v4  }
0x1ee: {  	v4 =	vld [tilespmem:s31+$0x4820]  }
0x1ef: {  	v5 =	vld [tilespmem:s31+$0x820];
	_ =	sdelay $0x2  }
0x1f0: {  	v1 =	vmul.f32 v1, v1;
	_ =	sdelay $0x1  }
0x1f1: {  	v0 =	vadd.f32 v1, v0;
	v1 =	vmul.f32 v2, v2;
	v2 =	vsub.f32 v4, v5;
	_ =	sdelay $0x1  }
0x1f2: {  	v4 =	vmul.f32 $9.999999770e-03, v2;
	_ =	sdelay $0x1  }
0x1f3: {  	[tilespmem:s7+$0x0] =	vst v4  }
0x1f4: {  	v0 =	vadd.f32 v1, v0;
	v3 =	vmul.f32 v3, v3;
	v1 =	vld [tilespmem:s31+$0x4830]  }
0x1f5: {  	v5 =	vmul.f32 v2, v2;
	v2 =	vld [tilespmem:s31+$0x830]  }
0x1f6: {  	v0 =	vadd.f32 v3, v0;
	_ =	sdelay $0x1  }
0x1f7: {  	s9 =	simm.s32 $0x8820;
	s8 =	simm.s32 $0x200;
	v0 =	vadd.f32 v5, v0  }
.LBB2_21:
0x1f8: {  	p0 =	sne.s32 s8, $0xFE00  }
0x1f9: {  	s7 =	sadd.s32 $0x40, s7;
	s10 =	smov.u32 s8;
	s8 =	sadd.s32 $0x200, s8;
	v1 =	vsub.f32 v1, v2  }
0x1fa: {  	_ = 	snop  }
0x1fb: {  	v2 =	vmul.f32 $9.999999770e-03, v1;
	v1 =	vmul.f32 v1, v1;
	_ =	sdelay $0x1  }
0x1fc: {  	s10 =	sshra.s32 s10, $0x2;
	[tilespmem:s9+$0x10] =	vst v2;
	v0 =	vadd.f32 v1, v0;
	s9 =	smov.u32 s7  }
0x1fd: {  	v1 =	vld [tilespmem:s10+$0x4800]  }
0x1fe: {  	v2 =	vld [tilespmem:s10+$0x800];
	_ =	sdelay $0x4  }
0x1ff: {  	v1 =	vsub.f32 v1, v2;
	_ =	sdelay $0x1  }
0x200: {  	v2 =	vmul.f32 $9.999999770e-03, v1;
	v1 =	vmul.f32 v1, v1;
	_ =	sdelay $0x1  }
0x201: {  	[tilespmem:s7+$0xFFFFFFE0] =	vst v2  }
0x202: {  	v2 =	vld [tilespmem:s10+$0x4810]  }
0x203: {  	v3 =	vld [tilespmem:s10+$0x810];
	_ =	sdelay $0x4  }
0x204: {  	v2 =	vsub.f32 v2, v3;
	_ =	sdelay $0x1  }
0x205: {  	v3 =	vmul.f32 $9.999999770e-03, v2;
	v4 =	vmul.f32 v2, v2;
	_ =	sdelay $0x1  }
0x206: {  	[tilespmem:s7+$0xFFFFFFF0] =	vst v3  }
0x207: {  	v2 =	vld [tilespmem:s10+$0x4820]  }
0x208: {  	v3 =	vld [tilespmem:s10+$0x820];
	_ =	sdelay $0x4  }
0x209: {  	v2 =	vsub.f32 v2, v3;
	_ =	sdelay $0x1  }
0x20a: {  	v3 =	vmul.f32 $9.999999770e-03, v2;
	v5 =	vmul.f32 v2, v2;
	_ =	sdelay $0x1  }
0x20b: {  	[tilespmem:s7+$0x0] =	vst v3  }
.Ltmp10:
0x20c: {  	v0 =	vadd.f32 v1, v0;
	v1 =	vld [tilespmem:s10+$0x4830];
	(pc) =	sbr.rel @p0 .LBB2_21-.Ltmp10, $3  }
0x20d: {  	v2 =	vld [tilespmem:s10+$0x830]  }
0x20e: {  	v0 =	vadd.f32 v4, v0;
	_ =	sdelay $0x1  }
0x20f: {  	v0 =	vadd.f32 v5, v0  }
0x210: {  	_ = 	snop  }
0x211: {  	v1 =	vsub.f32 v1, v2;
	_ =	sdelay $0x1  }
0x212: {  	v2 =	vmul.f32 $9.999999770e-03, v1  }
0x213: {  	s7 =	simm.s32 $0x80  }
0x214: {  	s8 =	simm.s32 $0x500;
	s25 =	simm.s32 $0x8800;
	s26 =	simm.s32 $0x1;
	[tilespmem:s9+$0x10] =	vst v2  }
0x215: {  	[spmem:s5] =	stream.indirect.scatter.add.f32 [tilespmem:s25], [sflag:$0x1], $0x40, s8, s7, $0xb8;
	[tilespmem:$0x1A920] =	vst v63  }
0x216: {  	_ =	swait.ge [sflag:s26], $0x2000  }
0x217: {  	s28 =	sadd.s32 $0x1800, s6;
	[sflag:s26] =	ssyncset.done $0x0  }
0x218: {  	s10 =	simm.s32 $0x0;
	s11 =	simm.s32 $0x4800;
	[sflag:s26] =	ssyncadd.s32 $0xFFFFE000  }
0x219: {  	[tilespmem:s11], [sflag:$0x1] =	stream.linear.gather [hbm4b:s28+s10], $0x4000, $0x38;
	[tilespmem:$0x1A920] =	vst v63  }
0x21a: {  	_ =	swait.ge [sflag:s26], $0x4000  }
0x21b: {  	[sflag:s26] =	ssyncset.done $0x0  }
0x21c: {  	s29 =	simm.s32 $0x180;
	s30 =	simm.s32 $0x800;
	[sflag:s26] =	ssyncadd.s32 $0xFFFFC000  }
0x21d: {  	[tilespmem:s30], [sflag:$0x1] =	stream.indirect.gather [hbm4b:s4+s7], $0x80, s29, s7, $0xb8;
	[tilespmem:$0x1A920] =	vst v63  }
0x21e: {  	_ =	swait.ge [sflag:s26], $0x4000  }
0x21f: {  	[sflag:s26] =	ssyncset.done $0x0  }
0x220: {  	s31 =	simm.s32 $0x0;
	[sflag:s26] =	ssyncadd.s32 $0xFFFFC000  }
0x221: {  	v2 =	vld [tilespmem:s31+$0x4800]  }
0x222: {  	v3 =	vld [tilespmem:s31+$0x800];
	_ =	sdelay $0x4  }
0x223: {  	v2 =	vsub.f32 v2, v3;
	_ =	sdelay $0x1  }
0x224: {  	v3 =	vmul.f32 $9.999999770e-03, v2  }
0x225: {  	s7 =	simm.s32 $0x8820  }
0x226: {  	[tilespmem:s7+$0xFFFFFFE0] =	vst v3  }
0x227: {  	v3 =	vld [tilespmem:s31+$0x4810]  }
0x228: {  	v4 =	vld [tilespmem:s31+$0x810];
	_ =	sdelay $0x4  }
0x229: {  	v3 =	vsub.f32 v3, v4;
	_ =	sdelay $0x1  }
0x22a: {  	v4 =	vmul.f32 $9.999999770e-03, v3;
	_ =	sdelay $0x1  }
0x22b: {  	[tilespmem:s7+$0xFFFFFFF0] =	vst v4  }
0x22c: {  	v4 =	vld [tilespmem:s31+$0x4820]  }
0x22d: {  	v5 =	vld [tilespmem:s31+$0x820];
	_ =	sdelay $0x2  }
0x22e: {  	v1 =	vmul.f32 v1, v1;
	_ =	sdelay $0x1  }
0x22f: {  	v0 =	vadd.f32 v1, v0;
	v1 =	vmul.f32 v2, v2;
	v2 =	vsub.f32 v4, v5;
	_ =	sdelay $0x1  }
0x230: {  	v4 =	vmul.f32 $9.999999770e-03, v2;
	_ =	sdelay $0x1  }
0x231: {  	[tilespmem:s7+$0x0] =	vst v4  }
0x232: {  	v0 =	vadd.f32 v1, v0;
	v3 =	vmul.f32 v3, v3;
	v1 =	vld [tilespmem:s31+$0x4830]  }
0x233: {  	v5 =	vmul.f32 v2, v2;
	v2 =	vld [tilespmem:s31+$0x830]  }
0x234: {  	v0 =	vadd.f32 v3, v0;
	_ =	sdelay $0x1  }
0x235: {  	s9 =	simm.s32 $0x8820;
	s8 =	simm.s32 $0x200;
	v0 =	vadd.f32 v5, v0  }
.LBB2_23:
0x236: {  	p0 =	sne.s32 s8, $0xFE00  }
0x237: {  	s7 =	sadd.s32 $0x40, s7;
	s10 =	smov.u32 s8;
	s8 =	sadd.s32 $0x200, s8;
	v1 =	vsub.f32 v1, v2  }
0x238: {  	_ = 	snop  }
0x239: {  	v2 =	vmul.f32 $9.999999770e-03, v1;
	v1 =	vmul.f32 v1, v1;
	_ =	sdelay $0x1  }
0x23a: {  	s10 =	sshra.s32 s10, $0x2;
	[tilespmem:s9+$0x10] =	vst v2;
	v0 =	vadd.f32 v1, v0;
	s9 =	smov.u32 s7  }
0x23b: {  	v1 =	vld [tilespmem:s10+$0x4800]  }
0x23c: {  	v2 =	vld [tilespmem:s10+$0x800];
	_ =	sdelay $0x4  }
0x23d: {  	v1 =	vsub.f32 v1, v2;
	_ =	sdelay $0x1  }
0x23e: {  	v2 =	vmul.f32 $9.999999770e-03, v1;
	v1 =	vmul.f32 v1, v1;
	_ =	sdelay $0x1  }
0x23f: {  	[tilespmem:s7+$0xFFFFFFE0] =	vst v2  }
0x240: {  	v2 =	vld [tilespmem:s10+$0x4810]  }
0x241: {  	v3 =	vld [tilespmem:s10+$0x810];
	_ =	sdelay $0x4  }
0x242: {  	v2 =	vsub.f32 v2, v3;
	_ =	sdelay $0x1  }
0x243: {  	v3 =	vmul.f32 $9.999999770e-03, v2;
	v4 =	vmul.f32 v2, v2;
	_ =	sdelay $0x1  }
0x244: {  	[tilespmem:s7+$0xFFFFFFF0] =	vst v3  }
0x245: {  	v2 =	vld [tilespmem:s10+$0x4820]  }
0x246: {  	v3 =	vld [tilespmem:s10+$0x820];
	_ =	sdelay $0x4  }
0x247: {  	v2 =	vsub.f32 v2, v3;
	_ =	sdelay $0x1  }
0x248: {  	v3 =	vmul.f32 $9.999999770e-03, v2;
	v5 =	vmul.f32 v2, v2;
	_ =	sdelay $0x1  }
0x249: {  	[tilespmem:s7+$0x0] =	vst v3  }
.Ltmp11:
0x24a: {  	v0 =	vadd.f32 v1, v0;
	v1 =	vld [tilespmem:s10+$0x4830];
	(pc) =	sbr.rel @p0 .LBB2_23-.Ltmp11, $3  }
0x24b: {  	v2 =	vld [tilespmem:s10+$0x830]  }
0x24c: {  	v0 =	vadd.f32 v4, v0;
	_ =	sdelay $0x1  }
0x24d: {  	v0 =	vadd.f32 v5, v0  }
0x24e: {  	_ = 	snop  }
0x24f: {  	v1 =	vsub.f32 v1, v2;
	_ =	sdelay $0x1  }
0x250: {  	v2 =	vmul.f32 $9.999999770e-03, v1  }
0x251: {  	s7 =	simm.s32 $0x80  }
0x252: {  	s8 =	simm.s32 $0x580;
	s25 =	simm.s32 $0x8800;
	s26 =	simm.s32 $0x1;
	[tilespmem:s9+$0x10] =	vst v2  }
0x253: {  	[spmem:s5] =	stream.indirect.scatter.add.f32 [tilespmem:s25], [sflag:$0x1], $0x40, s8, s7, $0xb8;
	[tilespmem:$0x1A920] =	vst v63  }
0x254: {  	_ =	swait.ge [sflag:s26], $0x2000  }
0x255: {  	s28 =	sadd.s32 $0x2000, s6;
	[sflag:s26] =	ssyncset.done $0x0  }
0x256: {  	s10 =	simm.s32 $0x0;
	s11 =	simm.s32 $0x4800;
	[sflag:s26] =	ssyncadd.s32 $0xFFFFE000  }
0x257: {  	[tilespmem:s11], [sflag:$0x1] =	stream.linear.gather [hbm4b:s28+s10], $0x4000, $0x38;
	[tilespmem:$0x1A920] =	vst v63  }
0x258: {  	_ =	swait.ge [sflag:s26], $0x4000  }
0x259: {  	[sflag:s26] =	ssyncset.done $0x0  }
0x25a: {  	s29 =	simm.s32 $0x200;
	s30 =	simm.s32 $0x800;
	[sflag:s26] =	ssyncadd.s32 $0xFFFFC000  }
0x25b: {  	[tilespmem:s30], [sflag:$0x1] =	stream.indirect.gather [hbm4b:s4+s7], $0x80, s29, s7, $0xb8;
	[tilespmem:$0x1A920] =	vst v63  }
0x25c: {  	_ =	swait.ge [sflag:s26], $0x4000  }
0x25d: {  	[sflag:s26] =	ssyncset.done $0x0  }
0x25e: {  	s31 =	simm.s32 $0x0;
	[sflag:s26] =	ssyncadd.s32 $0xFFFFC000  }
0x25f: {  	v2 =	vld [tilespmem:s31+$0x4800]  }
0x260: {  	v3 =	vld [tilespmem:s31+$0x800];
	_ =	sdelay $0x4  }
0x261: {  	v2 =	vsub.f32 v2, v3;
	_ =	sdelay $0x1  }
0x262: {  	v3 =	vmul.f32 $9.999999770e-03, v2  }
0x263: {  	s7 =	simm.s32 $0x8820  }
0x264: {  	[tilespmem:s7+$0xFFFFFFE0] =	vst v3  }
0x265: {  	v3 =	vld [tilespmem:s31+$0x4810]  }
0x266: {  	v4 =	vld [tilespmem:s31+$0x810];
	_ =	sdelay $0x4  }
0x267: {  	v3 =	vsub.f32 v3, v4;
	_ =	sdelay $0x1  }
0x268: {  	v4 =	vmul.f32 $9.999999770e-03, v3;
	_ =	sdelay $0x1  }
0x269: {  	[tilespmem:s7+$0xFFFFFFF0] =	vst v4  }
0x26a: {  	v4 =	vld [tilespmem:s31+$0x4820]  }
0x26b: {  	v5 =	vld [tilespmem:s31+$0x820];
	_ =	sdelay $0x2  }
0x26c: {  	v1 =	vmul.f32 v1, v1;
	_ =	sdelay $0x1  }
0x26d: {  	v0 =	vadd.f32 v1, v0;
	v1 =	vmul.f32 v2, v2;
	v2 =	vsub.f32 v4, v5;
	_ =	sdelay $0x1  }
0x26e: {  	v4 =	vmul.f32 $9.999999770e-03, v2;
	_ =	sdelay $0x1  }
0x26f: {  	[tilespmem:s7+$0x0] =	vst v4  }
0x270: {  	v0 =	vadd.f32 v1, v0;
	v3 =	vmul.f32 v3, v3;
	v1 =	vld [tilespmem:s31+$0x4830]  }
0x271: {  	v5 =	vmul.f32 v2, v2;
	v2 =	vld [tilespmem:s31+$0x830]  }
0x272: {  	v0 =	vadd.f32 v3, v0;
	_ =	sdelay $0x1  }
0x273: {  	s9 =	simm.s32 $0x8820;
	s8 =	simm.s32 $0x200;
	v0 =	vadd.f32 v5, v0  }
.LBB2_25:
0x274: {  	p0 =	sne.s32 s8, $0xFE00  }
0x275: {  	s7 =	sadd.s32 $0x40, s7;
	s10 =	smov.u32 s8;
	s8 =	sadd.s32 $0x200, s8;
	v1 =	vsub.f32 v1, v2  }
0x276: {  	_ = 	snop  }
0x277: {  	v2 =	vmul.f32 $9.999999770e-03, v1;
	v1 =	vmul.f32 v1, v1;
	_ =	sdelay $0x1  }
0x278: {  	s10 =	sshra.s32 s10, $0x2;
	[tilespmem:s9+$0x10] =	vst v2;
	v0 =	vadd.f32 v1, v0;
	s9 =	smov.u32 s7  }
0x279: {  	v1 =	vld [tilespmem:s10+$0x4800]  }
0x27a: {  	v2 =	vld [tilespmem:s10+$0x800];
	_ =	sdelay $0x4  }
0x27b: {  	v1 =	vsub.f32 v1, v2;
	_ =	sdelay $0x1  }
0x27c: {  	v2 =	vmul.f32 $9.999999770e-03, v1;
	v1 =	vmul.f32 v1, v1;
	_ =	sdelay $0x1  }
0x27d: {  	[tilespmem:s7+$0xFFFFFFE0] =	vst v2  }
0x27e: {  	v2 =	vld [tilespmem:s10+$0x4810]  }
0x27f: {  	v3 =	vld [tilespmem:s10+$0x810];
	_ =	sdelay $0x4  }
0x280: {  	v2 =	vsub.f32 v2, v3;
	_ =	sdelay $0x1  }
0x281: {  	v3 =	vmul.f32 $9.999999770e-03, v2;
	v4 =	vmul.f32 v2, v2;
	_ =	sdelay $0x1  }
0x282: {  	[tilespmem:s7+$0xFFFFFFF0] =	vst v3  }
0x283: {  	v2 =	vld [tilespmem:s10+$0x4820]  }
0x284: {  	v3 =	vld [tilespmem:s10+$0x820];
	_ =	sdelay $0x4  }
0x285: {  	v2 =	vsub.f32 v2, v3;
	_ =	sdelay $0x1  }
0x286: {  	v3 =	vmul.f32 $9.999999770e-03, v2;
	v5 =	vmul.f32 v2, v2;
	_ =	sdelay $0x1  }
0x287: {  	[tilespmem:s7+$0x0] =	vst v3  }
.Ltmp12:
0x288: {  	v0 =	vadd.f32 v1, v0;
	v1 =	vld [tilespmem:s10+$0x4830];
	(pc) =	sbr.rel @p0 .LBB2_25-.Ltmp12, $3  }
0x289: {  	v2 =	vld [tilespmem:s10+$0x830]  }
0x28a: {  	v0 =	vadd.f32 v4, v0;
	_ =	sdelay $0x1  }
0x28b: {  	v0 =	vadd.f32 v5, v0  }
0x28c: {  	_ = 	snop  }
0x28d: {  	v1 =	vsub.f32 v1, v2;
	_ =	sdelay $0x1  }
0x28e: {  	v2 =	vmul.f32 $9.999999770e-03, v1  }
0x28f: {  	s7 =	simm.s32 $0x80  }
0x290: {  	s8 =	simm.s32 $0x600;
	s25 =	simm.s32 $0x8800;
	s26 =	simm.s32 $0x1;
	[tilespmem:s9+$0x10] =	vst v2  }
0x291: {  	[spmem:s5] =	stream.indirect.scatter.add.f32 [tilespmem:s25], [sflag:$0x1], $0x40, s8, s7, $0xb8;
	[tilespmem:$0x1A920] =	vst v63  }
0x292: {  	_ =	swait.ge [sflag:s26], $0x2000  }
0x293: {  	s28 =	sadd.s32 $0x2800, s6;
	[sflag:s26] =	ssyncset.done $0x0  }
0x294: {  	s10 =	simm.s32 $0x0;
	s11 =	simm.s32 $0x4800;
	[sflag:s26] =	ssyncadd.s32 $0xFFFFE000  }
0x295: {  	[tilespmem:s11], [sflag:$0x1] =	stream.linear.gather [hbm4b:s28+s10], $0x4000, $0x38;
	[tilespmem:$0x1A920] =	vst v63  }
0x296: {  	_ =	swait.ge [sflag:s26], $0x4000  }
0x297: {  	[sflag:s26] =	ssyncset.done $0x0  }
0x298: {  	s29 =	simm.s32 $0x280;
	s30 =	simm.s32 $0x800;
	[sflag:s26] =	ssyncadd.s32 $0xFFFFC000  }
0x299: {  	[tilespmem:s30], [sflag:$0x1] =	stream.indirect.gather [hbm4b:s4+s7], $0x80, s29, s7, $0xb8;
	[tilespmem:$0x1A920] =	vst v63  }
0x29a: {  	_ =	swait.ge [sflag:s26], $0x4000  }
0x29b: {  	[sflag:s26] =	ssyncset.done $0x0  }
0x29c: {  	s31 =	simm.s32 $0x0;
	[sflag:s26] =	ssyncadd.s32 $0xFFFFC000  }
0x29d: {  	v2 =	vld [tilespmem:s31+$0x4800]  }
0x29e: {  	v3 =	vld [tilespmem:s31+$0x800];
	_ =	sdelay $0x4  }
0x29f: {  	v2 =	vsub.f32 v2, v3;
	_ =	sdelay $0x1  }
0x2a0: {  	v3 =	vmul.f32 $9.999999770e-03, v2  }
0x2a1: {  	s7 =	simm.s32 $0x8820  }
0x2a2: {  	[tilespmem:s7+$0xFFFFFFE0] =	vst v3  }
0x2a3: {  	v3 =	vld [tilespmem:s31+$0x4810]  }
0x2a4: {  	v4 =	vld [tilespmem:s31+$0x810];
	_ =	sdelay $0x4  }
0x2a5: {  	v3 =	vsub.f32 v3, v4;
	_ =	sdelay $0x1  }
0x2a6: {  	v4 =	vmul.f32 $9.999999770e-03, v3;
	_ =	sdelay $0x1  }
0x2a7: {  	[tilespmem:s7+$0xFFFFFFF0] =	vst v4  }
0x2a8: {  	v4 =	vld [tilespmem:s31+$0x4820]  }
0x2a9: {  	v5 =	vld [tilespmem:s31+$0x820];
	_ =	sdelay $0x2  }
0x2aa: {  	v1 =	vmul.f32 v1, v1;
	_ =	sdelay $0x1  }
0x2ab: {  	v0 =	vadd.f32 v1, v0;
	v1 =	vmul.f32 v2, v2;
	v2 =	vsub.f32 v4, v5;
	_ =	sdelay $0x1  }
0x2ac: {  	v4 =	vmul.f32 $9.999999770e-03, v2;
	_ =	sdelay $0x1  }
0x2ad: {  	[tilespmem:s7+$0x0] =	vst v4  }
0x2ae: {  	v0 =	vadd.f32 v1, v0;
	v3 =	vmul.f32 v3, v3;
	v1 =	vld [tilespmem:s31+$0x4830]  }
0x2af: {  	v5 =	vmul.f32 v2, v2;
	v2 =	vld [tilespmem:s31+$0x830]  }
0x2b0: {  	v0 =	vadd.f32 v3, v0;
	_ =	sdelay $0x1  }
0x2b1: {  	s9 =	simm.s32 $0x8820;
	s8 =	simm.s32 $0x200;
	v0 =	vadd.f32 v5, v0  }
.LBB2_27:
0x2b2: {  	p0 =	sne.s32 s8, $0xFE00  }
0x2b3: {  	s7 =	sadd.s32 $0x40, s7;
	s10 =	smov.u32 s8;
	s8 =	sadd.s32 $0x200, s8;
	v1 =	vsub.f32 v1, v2  }
0x2b4: {  	_ = 	snop  }
0x2b5: {  	v2 =	vmul.f32 $9.999999770e-03, v1;
	v1 =	vmul.f32 v1, v1;
	_ =	sdelay $0x1  }
0x2b6: {  	s10 =	sshra.s32 s10, $0x2;
	[tilespmem:s9+$0x10] =	vst v2;
	v0 =	vadd.f32 v1, v0;
	s9 =	smov.u32 s7  }
0x2b7: {  	v1 =	vld [tilespmem:s10+$0x4800]  }
0x2b8: {  	v2 =	vld [tilespmem:s10+$0x800];
	_ =	sdelay $0x4  }
0x2b9: {  	v1 =	vsub.f32 v1, v2;
	_ =	sdelay $0x1  }
0x2ba: {  	v2 =	vmul.f32 $9.999999770e-03, v1;
	v1 =	vmul.f32 v1, v1;
	_ =	sdelay $0x1  }
0x2bb: {  	[tilespmem:s7+$0xFFFFFFE0] =	vst v2  }
0x2bc: {  	v2 =	vld [tilespmem:s10+$0x4810]  }
0x2bd: {  	v3 =	vld [tilespmem:s10+$0x810];
	_ =	sdelay $0x4  }
0x2be: {  	v2 =	vsub.f32 v2, v3;
	_ =	sdelay $0x1  }
0x2bf: {  	v3 =	vmul.f32 $9.999999770e-03, v2;
	v4 =	vmul.f32 v2, v2;
	_ =	sdelay $0x1  }
0x2c0: {  	[tilespmem:s7+$0xFFFFFFF0] =	vst v3  }
0x2c1: {  	v2 =	vld [tilespmem:s10+$0x4820]  }
0x2c2: {  	v3 =	vld [tilespmem:s10+$0x820];
	_ =	sdelay $0x4  }
0x2c3: {  	v2 =	vsub.f32 v2, v3;
	_ =	sdelay $0x1  }
0x2c4: {  	v3 =	vmul.f32 $9.999999770e-03, v2;
	v5 =	vmul.f32 v2, v2;
	_ =	sdelay $0x1  }
0x2c5: {  	[tilespmem:s7+$0x0] =	vst v3  }
.Ltmp13:
0x2c6: {  	v0 =	vadd.f32 v1, v0;
	v1 =	vld [tilespmem:s10+$0x4830];
	(pc) =	sbr.rel @p0 .LBB2_27-.Ltmp13, $3  }
0x2c7: {  	v2 =	vld [tilespmem:s10+$0x830]  }
0x2c8: {  	v0 =	vadd.f32 v4, v0;
	_ =	sdelay $0x1  }
0x2c9: {  	v0 =	vadd.f32 v5, v0  }
0x2ca: {  	_ = 	snop  }
0x2cb: {  	v1 =	vsub.f32 v1, v2;
	_ =	sdelay $0x1  }
0x2cc: {  	v2 =	vmul.f32 $9.999999770e-03, v1  }
0x2cd: {  	s7 =	simm.s32 $0x80  }
0x2ce: {  	s8 =	simm.s32 $0x680;
	s25 =	simm.s32 $0x8800;
	s26 =	simm.s32 $0x1;
	[tilespmem:s9+$0x10] =	vst v2  }
0x2cf: {  	[spmem:s5] =	stream.indirect.scatter.add.f32 [tilespmem:s25], [sflag:$0x1], $0x40, s8, s7, $0xb8;
	[tilespmem:$0x1A920] =	vst v63  }
0x2d0: {  	_ =	swait.ge [sflag:s26], $0x2000  }
0x2d1: {  	s28 =	sadd.s32 $0x3000, s6;
	[sflag:s26] =	ssyncset.done $0x0  }
0x2d2: {  	s10 =	simm.s32 $0x0;
	s11 =	simm.s32 $0x4800;
	[sflag:s26] =	ssyncadd.s32 $0xFFFFE000  }
0x2d3: {  	[tilespmem:s11], [sflag:$0x1] =	stream.linear.gather [hbm4b:s28+s10], $0x4000, $0x38;
	[tilespmem:$0x1A920] =	vst v63  }
0x2d4: {  	_ =	swait.ge [sflag:s26], $0x4000  }
0x2d5: {  	[sflag:s26] =	ssyncset.done $0x0  }
0x2d6: {  	s29 =	simm.s32 $0x300;
	s30 =	simm.s32 $0x800;
	[sflag:s26] =	ssyncadd.s32 $0xFFFFC000  }
0x2d7: {  	[tilespmem:s30], [sflag:$0x1] =	stream.indirect.gather [hbm4b:s4+s7], $0x80, s29, s7, $0xb8;
	[tilespmem:$0x1A920] =	vst v63  }
0x2d8: {  	_ =	swait.ge [sflag:s26], $0x4000  }
0x2d9: {  	[sflag:s26] =	ssyncset.done $0x0  }
0x2da: {  	s31 =	simm.s32 $0x0;
	[sflag:s26] =	ssyncadd.s32 $0xFFFFC000  }
0x2db: {  	v2 =	vld [tilespmem:s31+$0x4800]  }
0x2dc: {  	v3 =	vld [tilespmem:s31+$0x800];
	_ =	sdelay $0x4  }
0x2dd: {  	v2 =	vsub.f32 v2, v3;
	_ =	sdelay $0x1  }
0x2de: {  	v3 =	vmul.f32 $9.999999770e-03, v2  }
0x2df: {  	s7 =	simm.s32 $0x8820  }
0x2e0: {  	[tilespmem:s7+$0xFFFFFFE0] =	vst v3  }
0x2e1: {  	v3 =	vld [tilespmem:s31+$0x4810]  }
0x2e2: {  	v4 =	vld [tilespmem:s31+$0x810];
	_ =	sdelay $0x4  }
0x2e3: {  	v3 =	vsub.f32 v3, v4;
	_ =	sdelay $0x1  }
0x2e4: {  	v4 =	vmul.f32 $9.999999770e-03, v3;
	_ =	sdelay $0x1  }
0x2e5: {  	[tilespmem:s7+$0xFFFFFFF0] =	vst v4  }
0x2e6: {  	v4 =	vld [tilespmem:s31+$0x4820]  }
0x2e7: {  	v5 =	vld [tilespmem:s31+$0x820];
	_ =	sdelay $0x2  }
0x2e8: {  	v1 =	vmul.f32 v1, v1;
	_ =	sdelay $0x1  }
0x2e9: {  	v0 =	vadd.f32 v1, v0;
	v1 =	vmul.f32 v2, v2;
	v2 =	vsub.f32 v4, v5;
	_ =	sdelay $0x1  }
0x2ea: {  	v4 =	vmul.f32 $9.999999770e-03, v2;
	_ =	sdelay $0x1  }
0x2eb: {  	[tilespmem:s7+$0x0] =	vst v4  }
0x2ec: {  	v0 =	vadd.f32 v1, v0;
	v3 =	vmul.f32 v3, v3;
	v1 =	vld [tilespmem:s31+$0x4830]  }
0x2ed: {  	v5 =	vmul.f32 v2, v2;
	v2 =	vld [tilespmem:s31+$0x830]  }
0x2ee: {  	v0 =	vadd.f32 v3, v0;
	_ =	sdelay $0x1  }
0x2ef: {  	s9 =	simm.s32 $0x8820;
	s8 =	simm.s32 $0x200;
	v0 =	vadd.f32 v5, v0  }
.LBB2_29:
0x2f0: {  	p0 =	sne.s32 s8, $0xFE00  }
0x2f1: {  	s7 =	sadd.s32 $0x40, s7;
	s10 =	smov.u32 s8;
	s8 =	sadd.s32 $0x200, s8;
	v1 =	vsub.f32 v1, v2  }
0x2f2: {  	_ = 	snop  }
0x2f3: {  	v2 =	vmul.f32 $9.999999770e-03, v1;
	v1 =	vmul.f32 v1, v1;
	_ =	sdelay $0x1  }
0x2f4: {  	s10 =	sshra.s32 s10, $0x2;
	[tilespmem:s9+$0x10] =	vst v2;
	v0 =	vadd.f32 v1, v0;
	s9 =	smov.u32 s7  }
0x2f5: {  	v1 =	vld [tilespmem:s10+$0x4800]  }
0x2f6: {  	v2 =	vld [tilespmem:s10+$0x800];
	_ =	sdelay $0x4  }
0x2f7: {  	v1 =	vsub.f32 v1, v2;
	_ =	sdelay $0x1  }
0x2f8: {  	v2 =	vmul.f32 $9.999999770e-03, v1;
	v1 =	vmul.f32 v1, v1;
	_ =	sdelay $0x1  }
0x2f9: {  	[tilespmem:s7+$0xFFFFFFE0] =	vst v2  }
0x2fa: {  	v2 =	vld [tilespmem:s10+$0x4810]  }
0x2fb: {  	v3 =	vld [tilespmem:s10+$0x810];
	_ =	sdelay $0x4  }
0x2fc: {  	v2 =	vsub.f32 v2, v3;
	_ =	sdelay $0x1  }
0x2fd: {  	v3 =	vmul.f32 $9.999999770e-03, v2;
	v4 =	vmul.f32 v2, v2;
	_ =	sdelay $0x1  }
0x2fe: {  	[tilespmem:s7+$0xFFFFFFF0] =	vst v3  }
0x2ff: {  	v2 =	vld [tilespmem:s10+$0x4820]  }
0x300: {  	v3 =	vld [tilespmem:s10+$0x820];
	_ =	sdelay $0x4  }
0x301: {  	v2 =	vsub.f32 v2, v3;
	_ =	sdelay $0x1  }
0x302: {  	v3 =	vmul.f32 $9.999999770e-03, v2;
	v5 =	vmul.f32 v2, v2;
	_ =	sdelay $0x1  }
0x303: {  	[tilespmem:s7+$0x0] =	vst v3  }
.Ltmp14:
0x304: {  	v0 =	vadd.f32 v1, v0;
	v1 =	vld [tilespmem:s10+$0x4830];
	(pc) =	sbr.rel @p0 .LBB2_29-.Ltmp14, $3  }
0x305: {  	v2 =	vld [tilespmem:s10+$0x830]  }
0x306: {  	v0 =	vadd.f32 v4, v0;
	_ =	sdelay $0x1  }
0x307: {  	v0 =	vadd.f32 v5, v0  }
0x308: {  	_ = 	snop  }
0x309: {  	v1 =	vsub.f32 v1, v2;
	_ =	sdelay $0x1  }
0x30a: {  	v2 =	vmul.f32 $9.999999770e-03, v1  }
0x30b: {  	s7 =	simm.s32 $0x80  }
0x30c: {  	s8 =	simm.s32 $0x700;
	s25 =	simm.s32 $0x8800;
	s26 =	simm.s32 $0x1;
	[tilespmem:s9+$0x10] =	vst v2  }
0x30d: {  	[spmem:s5] =	stream.indirect.scatter.add.f32 [tilespmem:s25], [sflag:$0x1], $0x40, s8, s7, $0xb8;
	[tilespmem:$0x1A920] =	vst v63  }
0x30e: {  	_ =	swait.ge [sflag:s26], $0x2000  }
0x30f: {  	s6 =	sadd.s32 $0x3800, s6;
	[sflag:s26] =	ssyncset.done $0x0  }
0x310: {  	s28 =	simm.s32 $0x0;
	s10 =	simm.s32 $0x4800;
	[sflag:s26] =	ssyncadd.s32 $0xFFFFE000  }
0x311: {  	[tilespmem:s10], [sflag:$0x1] =	stream.linear.gather [hbm4b:s6+s28], $0x4000, $0x38;
	[tilespmem:$0x1A920] =	vst v63  }
0x312: {  	_ =	swait.ge [sflag:s26], $0x4000  }
0x313: {  	[sflag:s26] =	ssyncset.done $0x0  }
0x314: {  	s29 =	simm.s32 $0x380;
	s30 =	simm.s32 $0x800;
	[sflag:s26] =	ssyncadd.s32 $0xFFFFC000  }
0x315: {  	[tilespmem:s30], [sflag:$0x1] =	stream.indirect.gather [hbm4b:s4+s7], $0x80, s29, s7, $0xb8;
	[tilespmem:$0x1A920] =	vst v63  }
0x316: {  	_ =	swait.ge [sflag:s26], $0x4000  }
0x317: {  	[sflag:s26] =	ssyncset.done $0x0  }
0x318: {  	s31 =	simm.s32 $0x0;
	[sflag:s26] =	ssyncadd.s32 $0xFFFFC000  }
0x319: {  	v2 =	vld [tilespmem:s31+$0x4800]  }
0x31a: {  	v3 =	vld [tilespmem:s31+$0x800];
	_ =	sdelay $0x4  }
0x31b: {  	v2 =	vsub.f32 v2, v3;
	_ =	sdelay $0x1  }
0x31c: {  	v3 =	vmul.f32 $9.999999770e-03, v2  }
0x31d: {  	s6 =	simm.s32 $0x8820  }
0x31e: {  	[tilespmem:s6+$0xFFFFFFE0] =	vst v3  }
0x31f: {  	v3 =	vld [tilespmem:s31+$0x4810]  }
0x320: {  	v4 =	vld [tilespmem:s31+$0x810];
	_ =	sdelay $0x4  }
0x321: {  	v3 =	vsub.f32 v3, v4;
	_ =	sdelay $0x1  }
0x322: {  	v4 =	vmul.f32 $9.999999770e-03, v3;
	_ =	sdelay $0x1  }
0x323: {  	[tilespmem:s6+$0xFFFFFFF0] =	vst v4  }
0x324: {  	v4 =	vld [tilespmem:s31+$0x4820]  }
0x325: {  	v5 =	vld [tilespmem:s31+$0x820];
	_ =	sdelay $0x2  }
0x326: {  	v1 =	vmul.f32 v1, v1;
	_ =	sdelay $0x1  }
0x327: {  	v0 =	vadd.f32 v1, v0;
	v1 =	vmul.f32 v2, v2;
	v2 =	vsub.f32 v4, v5;
	_ =	sdelay $0x1  }
0x328: {  	v4 =	vmul.f32 $9.999999770e-03, v2;
	_ =	sdelay $0x1  }
0x329: {  	[tilespmem:s6+$0x0] =	vst v4  }
0x32a: {  	v0 =	vadd.f32 v1, v0;
	v3 =	vmul.f32 v3, v3;
	v1 =	vld [tilespmem:s31+$0x4830]  }
0x32b: {  	v5 =	vmul.f32 v2, v2;
	v2 =	vld [tilespmem:s31+$0x830]  }
0x32c: {  	v0 =	vadd.f32 v3, v0;
	_ =	sdelay $0x1  }
0x32d: {  	s8 =	simm.s32 $0x8820;
	s7 =	simm.s32 $0x200;
	v0 =	vadd.f32 v5, v0  }
.LBB2_31:
0x32e: {  	p0 =	sne.s32 s7, $0xFE00  }
0x32f: {  	s6 =	sadd.s32 $0x40, s6;
	s9 =	smov.u32 s7;
	s7 =	sadd.s32 $0x200, s7;
	v1 =	vsub.f32 v1, v2  }
0x330: {  	_ = 	snop  }
0x331: {  	v2 =	vmul.f32 $9.999999770e-03, v1;
	v1 =	vmul.f32 v1, v1;
	_ =	sdelay $0x1  }
0x332: {  	s9 =	sshra.s32 s9, $0x2;
	[tilespmem:s8+$0x10] =	vst v2;
	v0 =	vadd.f32 v1, v0;
	s8 =	smov.u32 s6  }
0x333: {  	v1 =	vld [tilespmem:s9+$0x4800]  }
0x334: {  	v2 =	vld [tilespmem:s9+$0x800];
	_ =	sdelay $0x4  }
0x335: {  	v1 =	vsub.f32 v1, v2;
	_ =	sdelay $0x1  }
0x336: {  	v2 =	vmul.f32 $9.999999770e-03, v1;
	v1 =	vmul.f32 v1, v1;
	_ =	sdelay $0x1  }
0x337: {  	[tilespmem:s6+$0xFFFFFFE0] =	vst v2  }
0x338: {  	v2 =	vld [tilespmem:s9+$0x4810]  }
0x339: {  	v3 =	vld [tilespmem:s9+$0x810];
	_ =	sdelay $0x4  }
0x33a: {  	v2 =	vsub.f32 v2, v3;
	_ =	sdelay $0x1  }
0x33b: {  	v3 =	vmul.f32 $9.999999770e-03, v2;
	v4 =	vmul.f32 v2, v2;
	_ =	sdelay $0x1  }
0x33c: {  	[tilespmem:s6+$0xFFFFFFF0] =	vst v3  }
0x33d: {  	v2 =	vld [tilespmem:s9+$0x4820]  }
0x33e: {  	v3 =	vld [tilespmem:s9+$0x820];
	_ =	sdelay $0x4  }
0x33f: {  	v2 =	vsub.f32 v2, v3;
	_ =	sdelay $0x1  }
0x340: {  	v3 =	vmul.f32 $9.999999770e-03, v2;
	v5 =	vmul.f32 v2, v2;
	_ =	sdelay $0x1  }
0x341: {  	[tilespmem:s6+$0x0] =	vst v3  }
.Ltmp15:
0x342: {  	v0 =	vadd.f32 v1, v0;
	v1 =	vld [tilespmem:s9+$0x4830];
	(pc) =	sbr.rel @p0 .LBB2_31-.Ltmp15, $3  }
0x343: {  	v2 =	vld [tilespmem:s9+$0x830]  }
0x344: {  	v0 =	vadd.f32 v4, v0;
	_ =	sdelay $0x1  }
0x345: {  	v0 =	vadd.f32 v5, v0  }
0x346: {  	_ = 	snop  }
0x347: {  	v1 =	vsub.f32 v1, v2;
	_ =	sdelay $0x1  }
0x348: {  	v2 =	vmul.f32 $9.999999770e-03, v1  }
0x349: {  	s6 =	simm.s32 $0x80  }
0x34a: {  	s7 =	simm.s32 $0x780;
	s28 =	simm.s32 $0x8800;
	s29 =	simm.s32 $0x1;
	[tilespmem:s8+$0x10] =	vst v2  }
0x34b: {  	v1 =	vmul.f32 v1, v1;
	[spmem:s5] =	stream.indirect.scatter.add.f32 [tilespmem:s28], [sflag:$0x1], $0x40, s7, s6, $0xb8;
	[tilespmem:$0x1A920] =	vst v63  }
0x34c: {  	_ =	swait.ge [sflag:s29], $0x2000  }
0x34d: {  	v0 =	vadd.f32 v1, v0;
	[sflag:s29] =	ssyncset.done $0x0  }
0x34e: {  	s9 =	sshll.u32 s3, $0x4;
	[sflag:s29] =	ssyncadd.s32 $0xFFFFE000  }
0x34f: {  	s10 =	simm.s32 $0xA800;
	s9 =	sadd.s32 s9, s2;
	[tilespmem:$0xA800] =	vst v0  }
0x350: {  	[spmem:s9] =	stream.linear.scatter [tilespmem:s10], [sflag:$0x1], $0x10, $0x38;
	[tilespmem:$0x1A920] =	vst v63  }
0x351: {  	_ =	swait.ge [sflag:s29], $0x10  }
0x352: {  	[sflag:s29] =	ssyncset.done $0x0  }
0x353: {  	[sflag:s29] =	ssyncadd.s32 $0xFFFFFFF0  }
0x354: {  	s30 =	simm.s32 $0x400;
	[bflag:$0x0] =	sbarrier.arrive $0xFFFF  }
0x355: {  	[tilespmem:s28], [sflag:$0x1] =	stream.indirect.gather [spmem:s5], $0x40, s30, s6, $0xb8;
	[tilespmem:$0x1A920] =	vst v63  }
0x356: {  	_ =	swait.ge [sflag:s29], $0x2000  }
0x357: {  	[sflag:s29] =	ssyncset.done $0x0  }
0x358: {  	s31 =	simm.s32 $0x0;
	[sflag:s29] =	ssyncadd.s32 $0xFFFFE000  }
0x359: {  	v0 =	vld [tilespmem:s31+$0x8800];
	_ =	sdelay $0x3  }
0x35a: {  	s6 =	simm.s32 $0x840  }
0x35b: {  	[tilespmem:s6+$0xFFFFFFC0] =	vst v0  }
0x35c: {  	v0 =	vld [tilespmem:s31+$0x8810];
	_ =	sdelay $0x4  }
0x35d: {  	[tilespmem:s6+$0xFFFFFFD0] =	vst v0  }
0x35e: {  	v0 =	vld [tilespmem:s31+$0x8820];
	_ =	sdelay $0x4  }
0x35f: {  	[tilespmem:s6+$0xFFFFFFE0] =	vst v0  }
0x360: {  	v0 =	vimm.f32 $0.0e+00;
	v1 =	vld [tilespmem:s31+$0x8830]  }
0x361: {  	[tilespmem:s6+$0x0] =	vst v0  }
0x362: {  	[tilespmem:s6+$0x10] =	vst v0  }
0x363: {  	[tilespmem:s6+$0x20] =	vst v0  }
0x364: {  	[tilespmem:s6+$0x30] =	vst v0  }
0x365: {  	s8 =	simm.s32 $0x40;
	s7 =	simm.s32 $0x200;
	[tilespmem:s6+$0xFFFFFFF0] =	vst v1  }
.LBB2_33:
0x366: {  	p0 =	sne.s32 s7, $0x7F00;
	v1 =	vld [tilespmem:s8+$0x8800];
	_ =	sdelay $0x3  }
0x367: {  	s6 =	sadd.s32 $0x80, s6  }
0x368: {  	[tilespmem:s6+$0xFFFFFFC0] =	vst v1  }
0x369: {  	v1 =	vld [tilespmem:s8+$0x8810];
	_ =	sdelay $0x4  }
0x36a: {  	[tilespmem:s6+$0xFFFFFFD0] =	vst v1  }
0x36b: {  	v1 =	vld [tilespmem:s8+$0x8820];
	_ =	sdelay $0x4  }
0x36c: {  	[tilespmem:s6+$0xFFFFFFE0] =	vst v1  }
0x36d: {  	v1 =	vld [tilespmem:s8+$0x8830];
	[tilespmem:s6+$0x0] =	vst v0  }
.Ltmp16:
0x36e: {  	[tilespmem:s6+$0x10] =	vst v0;
	(pc) =	sbr.rel @p0 .LBB2_33-.Ltmp16, $3  }
0x36f: {  	[tilespmem:s6+$0x20] =	vst v0  }
0x370: {  	[tilespmem:s6+$0x30] =	vst v0;
	_ =	sdelay $0x1  }
0x371: {  	s8 =	sshra.s32 s7, $0x2;
	s7 =	sadd.s32 $0x100, s7;
	[tilespmem:s6+$0xFFFFFFF0] =	vst v1  }
0x372: {  	v1 =	vld [tilespmem:s8+$0x8800];
	_ =	sdelay $0x3  }
0x373: {  	s6 =	sadd.s32 $0x80, s6  }
0x374: {  	[tilespmem:s6+$0xFFFFFFC0] =	vst v1  }
0x375: {  	v1 =	vld [tilespmem:s8+$0x8810];
	_ =	sdelay $0x4  }
0x376: {  	[tilespmem:s6+$0xFFFFFFD0] =	vst v1  }
0x377: {  	v1 =	vld [tilespmem:s8+$0x8820];
	_ =	sdelay $0x4  }
0x378: {  	[tilespmem:s6+$0xFFFFFFE0] =	vst v1  }
0x379: {  	v1 =	vld [tilespmem:s8+$0x8830]  }
0x37a: {  	[tilespmem:s6+$0x0] =	vst v0  }
0x37b: {  	[tilespmem:s6+$0x10] =	vst v0  }
0x37c: {  	[tilespmem:s6+$0x20] =	vst v0  }
0x37d: {  	s26 =	simm.s32 $0x80;
	[tilespmem:s6+$0x30] =	vst v0  }
0x37e: {  	s7 =	simm.s32 $0x0;
	s28 =	simm.s32 $0x800;
	s29 =	simm.s32 $0x1;
	[tilespmem:s6+$0xFFFFFFF0] =	vst v1  }
0x37f: {  	[hbm4b:s4+s26] =	stream.indirect.scatter [tilespmem:s28], [sflag:$0x1], $0x80, s7, s26, $0xb8;
	[tilespmem:$0x1A920] =	vst v63  }
0x380: {  	_ =	swait.ge [sflag:s29], $0x4000  }
0x381: {  	[sflag:s29] =	ssyncset.done $0x0  }
0x382: {  	s30 =	simm.s32 $0x480;
	s9 =	simm.s32 $0x8800;
	[sflag:s29] =	ssyncadd.s32 $0xFFFFC000  }
0x383: {  	[tilespmem:s9], [sflag:$0x1] =	stream.indirect.gather [spmem:s5], $0x40, s30, s26, $0xb8;
	[tilespmem:$0x1A920] =	vst v63  }
0x384: {  	_ =	swait.ge [sflag:s29], $0x2000  }
0x385: {  	[sflag:s29] =	ssyncset.done $0x0  }
0x386: {  	s31 =	simm.s32 $0x0;
	[sflag:s29] =	ssyncadd.s32 $0xFFFFE000  }
0x387: {  	v0 =	vld [tilespmem:s31+$0x8800];
	_ =	sdelay $0x3  }
0x388: {  	s6 =	simm.s32 $0x840  }
0x389: {  	[tilespmem:s6+$0xFFFFFFC0] =	vst v0  }
0x38a: {  	v0 =	vld [tilespmem:s31+$0x8810];
	_ =	sdelay $0x4  }
0x38b: {  	[tilespmem:s6+$0xFFFFFFD0] =	vst v0  }
0x38c: {  	v0 =	vld [tilespmem:s31+$0x8820];
	_ =	sdelay $0x4  }
0x38d: {  	[tilespmem:s6+$0xFFFFFFE0] =	vst v0  }
0x38e: {  	v0 =	vimm.f32 $0.0e+00;
	v1 =	vld [tilespmem:s31+$0x8830]  }
0x38f: {  	[tilespmem:s6+$0x0] =	vst v0  }
0x390: {  	[tilespmem:s6+$0x10] =	vst v0  }
0x391: {  	[tilespmem:s6+$0x20] =	vst v0  }
0x392: {  	[tilespmem:s6+$0x30] =	vst v0  }
0x393: {  	s8 =	simm.s32 $0x40;
	s7 =	simm.s32 $0x200;
	[tilespmem:s6+$0xFFFFFFF0] =	vst v1  }
.LBB2_35:
0x394: {  	p0 =	sne.s32 s7, $0x7F00;
	v1 =	vld [tilespmem:s8+$0x8800];
	_ =	sdelay $0x3  }
0x395: {  	s6 =	sadd.s32 $0x80, s6  }
0x396: {  	[tilespmem:s6+$0xFFFFFFC0] =	vst v1  }
0x397: {  	v1 =	vld [tilespmem:s8+$0x8810];
	_ =	sdelay $0x4  }
0x398: {  	[tilespmem:s6+$0xFFFFFFD0] =	vst v1  }
0x399: {  	v1 =	vld [tilespmem:s8+$0x8820];
	_ =	sdelay $0x4  }
0x39a: {  	[tilespmem:s6+$0xFFFFFFE0] =	vst v1  }
0x39b: {  	v1 =	vld [tilespmem:s8+$0x8830];
	[tilespmem:s6+$0x0] =	vst v0  }
.Ltmp17:
0x39c: {  	[tilespmem:s6+$0x10] =	vst v0;
	(pc) =	sbr.rel @p0 .LBB2_35-.Ltmp17, $3  }
0x39d: {  	[tilespmem:s6+$0x20] =	vst v0  }
0x39e: {  	[tilespmem:s6+$0x30] =	vst v0;
	_ =	sdelay $0x1  }
0x39f: {  	s8 =	sshra.s32 s7, $0x2;
	s7 =	sadd.s32 $0x100, s7;
	[tilespmem:s6+$0xFFFFFFF0] =	vst v1  }
0x3a0: {  	v1 =	vld [tilespmem:s8+$0x8800];
	_ =	sdelay $0x3  }
0x3a1: {  	s6 =	sadd.s32 $0x80, s6  }
0x3a2: {  	[tilespmem:s6+$0xFFFFFFC0] =	vst v1  }
0x3a3: {  	v1 =	vld [tilespmem:s8+$0x8810];
	_ =	sdelay $0x4  }
0x3a4: {  	[tilespmem:s6+$0xFFFFFFD0] =	vst v1  }
0x3a5: {  	v1 =	vld [tilespmem:s8+$0x8820];
	_ =	sdelay $0x4  }
0x3a6: {  	[tilespmem:s6+$0xFFFFFFE0] =	vst v1  }
0x3a7: {  	v1 =	vld [tilespmem:s8+$0x8830]  }
0x3a8: {  	[tilespmem:s6+$0x0] =	vst v0  }
0x3a9: {  	[tilespmem:s6+$0x10] =	vst v0  }
0x3aa: {  	[tilespmem:s6+$0x20] =	vst v0  }
0x3ab: {  	[tilespmem:s6+$0x30] =	vst v0  }
0x3ac: {  	s28 =	simm.s32 $0x80;
	s7 =	simm.s32 $0x800;
	s29 =	simm.s32 $0x1;
	[tilespmem:s6+$0xFFFFFFF0] =	vst v1  }
0x3ad: {  	[hbm4b:s4+s28] =	stream.indirect.scatter [tilespmem:s7], [sflag:$0x1], $0x80, s28, s28, $0xb8;
	[tilespmem:$0x1A920] =	vst v63  }
0x3ae: {  	_ =	swait.ge [sflag:s29], $0x4000  }
0x3af: {  	[sflag:s29] =	ssyncset.done $0x0  }
0x3b0: {  	s30 =	simm.s32 $0x500;
	s9 =	simm.s32 $0x8800;
	[sflag:s29] =	ssyncadd.s32 $0xFFFFC000  }
0x3b1: {  	[tilespmem:s9], [sflag:$0x1] =	stream.indirect.gather [spmem:s5], $0x40, s30, s28, $0xb8;
	[tilespmem:$0x1A920] =	vst v63  }
0x3b2: {  	_ =	swait.ge [sflag:s29], $0x2000  }
0x3b3: {  	[sflag:s29] =	ssyncset.done $0x0  }
0x3b4: {  	s31 =	simm.s32 $0x0;
	[sflag:s29] =	ssyncadd.s32 $0xFFFFE000  }
0x3b5: {  	v0 =	vld [tilespmem:s31+$0x8800];
	_ =	sdelay $0x3  }
0x3b6: {  	s6 =	simm.s32 $0x840  }
0x3b7: {  	[tilespmem:s6+$0xFFFFFFC0] =	vst v0  }
0x3b8: {  	v0 =	vld [tilespmem:s31+$0x8810];
	_ =	sdelay $0x4  }
0x3b9: {  	[tilespmem:s6+$0xFFFFFFD0] =	vst v0  }
0x3ba: {  	v0 =	vld [tilespmem:s31+$0x8820];
	_ =	sdelay $0x4  }
0x3bb: {  	[tilespmem:s6+$0xFFFFFFE0] =	vst v0  }
0x3bc: {  	v0 =	vimm.f32 $0.0e+00;
	v1 =	vld [tilespmem:s31+$0x8830]  }
0x3bd: {  	[tilespmem:s6+$0x0] =	vst v0  }
0x3be: {  	[tilespmem:s6+$0x10] =	vst v0  }
0x3bf: {  	[tilespmem:s6+$0x20] =	vst v0  }
0x3c0: {  	[tilespmem:s6+$0x30] =	vst v0  }
0x3c1: {  	s8 =	simm.s32 $0x40;
	s7 =	simm.s32 $0x200;
	[tilespmem:s6+$0xFFFFFFF0] =	vst v1  }
.LBB2_37:
0x3c2: {  	p0 =	sne.s32 s7, $0x7F00;
	v1 =	vld [tilespmem:s8+$0x8800];
	_ =	sdelay $0x3  }
0x3c3: {  	s6 =	sadd.s32 $0x80, s6  }
0x3c4: {  	[tilespmem:s6+$0xFFFFFFC0] =	vst v1  }
0x3c5: {  	v1 =	vld [tilespmem:s8+$0x8810];
	_ =	sdelay $0x4  }
0x3c6: {  	[tilespmem:s6+$0xFFFFFFD0] =	vst v1  }
0x3c7: {  	v1 =	vld [tilespmem:s8+$0x8820];
	_ =	sdelay $0x4  }
0x3c8: {  	[tilespmem:s6+$0xFFFFFFE0] =	vst v1  }
0x3c9: {  	v1 =	vld [tilespmem:s8+$0x8830];
	[tilespmem:s6+$0x0] =	vst v0  }
.Ltmp18:
0x3ca: {  	[tilespmem:s6+$0x10] =	vst v0;
	(pc) =	sbr.rel @p0 .LBB2_37-.Ltmp18, $3  }
0x3cb: {  	[tilespmem:s6+$0x20] =	vst v0  }
0x3cc: {  	[tilespmem:s6+$0x30] =	vst v0;
	_ =	sdelay $0x1  }
0x3cd: {  	s8 =	sshra.s32 s7, $0x2;
	s7 =	sadd.s32 $0x100, s7;
	[tilespmem:s6+$0xFFFFFFF0] =	vst v1  }
0x3ce: {  	v1 =	vld [tilespmem:s8+$0x8800];
	_ =	sdelay $0x3  }
0x3cf: {  	s6 =	sadd.s32 $0x80, s6  }
0x3d0: {  	[tilespmem:s6+$0xFFFFFFC0] =	vst v1  }
0x3d1: {  	v1 =	vld [tilespmem:s8+$0x8810];
	_ =	sdelay $0x4  }
0x3d2: {  	[tilespmem:s6+$0xFFFFFFD0] =	vst v1  }
0x3d3: {  	v1 =	vld [tilespmem:s8+$0x8820];
	_ =	sdelay $0x4  }
0x3d4: {  	[tilespmem:s6+$0xFFFFFFE0] =	vst v1  }
0x3d5: {  	v1 =	vld [tilespmem:s8+$0x8830]  }
0x3d6: {  	[tilespmem:s6+$0x0] =	vst v0  }
0x3d7: {  	[tilespmem:s6+$0x10] =	vst v0  }
0x3d8: {  	[tilespmem:s6+$0x20] =	vst v0  }
0x3d9: {  	s26 =	simm.s32 $0x80;
	[tilespmem:s6+$0x30] =	vst v0  }
0x3da: {  	s7 =	simm.s32 $0x100;
	s28 =	simm.s32 $0x800;
	s29 =	simm.s32 $0x1;
	[tilespmem:s6+$0xFFFFFFF0] =	vst v1  }
0x3db: {  	[hbm4b:s4+s26] =	stream.indirect.scatter [tilespmem:s28], [sflag:$0x1], $0x80, s7, s26, $0xb8;
	[tilespmem:$0x1A920] =	vst v63  }
0x3dc: {  	_ =	swait.ge [sflag:s29], $0x4000  }
0x3dd: {  	[sflag:s29] =	ssyncset.done $0x0  }
0x3de: {  	s30 =	simm.s32 $0x580;
	s9 =	simm.s32 $0x8800;
	[sflag:s29] =	ssyncadd.s32 $0xFFFFC000  }
0x3df: {  	[tilespmem:s9], [sflag:$0x1] =	stream.indirect.gather [spmem:s5], $0x40, s30, s26, $0xb8;
	[tilespmem:$0x1A920] =	vst v63  }
0x3e0: {  	_ =	swait.ge [sflag:s29], $0x2000  }
0x3e1: {  	[sflag:s29] =	ssyncset.done $0x0  }
0x3e2: {  	s31 =	simm.s32 $0x0;
	[sflag:s29] =	ssyncadd.s32 $0xFFFFE000  }
0x3e3: {  	v0 =	vld [tilespmem:s31+$0x8800];
	_ =	sdelay $0x3  }
0x3e4: {  	s6 =	simm.s32 $0x840  }
0x3e5: {  	[tilespmem:s6+$0xFFFFFFC0] =	vst v0  }
0x3e6: {  	v0 =	vld [tilespmem:s31+$0x8810];
	_ =	sdelay $0x4  }
0x3e7: {  	[tilespmem:s6+$0xFFFFFFD0] =	vst v0  }
0x3e8: {  	v0 =	vld [tilespmem:s31+$0x8820];
	_ =	sdelay $0x4  }
0x3e9: {  	[tilespmem:s6+$0xFFFFFFE0] =	vst v0  }
0x3ea: {  	v0 =	vimm.f32 $0.0e+00;
	v1 =	vld [tilespmem:s31+$0x8830]  }
0x3eb: {  	[tilespmem:s6+$0x0] =	vst v0  }
0x3ec: {  	[tilespmem:s6+$0x10] =	vst v0  }
0x3ed: {  	[tilespmem:s6+$0x20] =	vst v0  }
0x3ee: {  	[tilespmem:s6+$0x30] =	vst v0  }
0x3ef: {  	s8 =	simm.s32 $0x40;
	s7 =	simm.s32 $0x200;
	[tilespmem:s6+$0xFFFFFFF0] =	vst v1  }
.LBB2_39:
0x3f0: {  	p0 =	sne.s32 s7, $0x7F00;
	v1 =	vld [tilespmem:s8+$0x8800];
	_ =	sdelay $0x3  }
0x3f1: {  	s6 =	sadd.s32 $0x80, s6  }
0x3f2: {  	[tilespmem:s6+$0xFFFFFFC0] =	vst v1  }
0x3f3: {  	v1 =	vld [tilespmem:s8+$0x8810];
	_ =	sdelay $0x4  }
0x3f4: {  	[tilespmem:s6+$0xFFFFFFD0] =	vst v1  }
0x3f5: {  	v1 =	vld [tilespmem:s8+$0x8820];
	_ =	sdelay $0x4  }
0x3f6: {  	[tilespmem:s6+$0xFFFFFFE0] =	vst v1  }
0x3f7: {  	v1 =	vld [tilespmem:s8+$0x8830];
	[tilespmem:s6+$0x0] =	vst v0  }
.Ltmp19:
0x3f8: {  	[tilespmem:s6+$0x10] =	vst v0;
	(pc) =	sbr.rel @p0 .LBB2_39-.Ltmp19, $3  }
0x3f9: {  	[tilespmem:s6+$0x20] =	vst v0  }
0x3fa: {  	[tilespmem:s6+$0x30] =	vst v0;
	_ =	sdelay $0x1  }
0x3fb: {  	s8 =	sshra.s32 s7, $0x2;
	s7 =	sadd.s32 $0x100, s7;
	[tilespmem:s6+$0xFFFFFFF0] =	vst v1  }
0x3fc: {  	v1 =	vld [tilespmem:s8+$0x8800];
	_ =	sdelay $0x3  }
0x3fd: {  	s6 =	sadd.s32 $0x80, s6  }
0x3fe: {  	[tilespmem:s6+$0xFFFFFFC0] =	vst v1  }
0x3ff: {  	v1 =	vld [tilespmem:s8+$0x8810];
	_ =	sdelay $0x4  }
0x400: {  	[tilespmem:s6+$0xFFFFFFD0] =	vst v1  }
0x401: {  	v1 =	vld [tilespmem:s8+$0x8820];
	_ =	sdelay $0x4  }
0x402: {  	[tilespmem:s6+$0xFFFFFFE0] =	vst v1  }
0x403: {  	v1 =	vld [tilespmem:s8+$0x8830]  }
0x404: {  	[tilespmem:s6+$0x0] =	vst v0  }
0x405: {  	[tilespmem:s6+$0x10] =	vst v0  }
0x406: {  	[tilespmem:s6+$0x20] =	vst v0  }
0x407: {  	s26 =	simm.s32 $0x80;
	[tilespmem:s6+$0x30] =	vst v0  }
0x408: {  	s7 =	simm.s32 $0x180;
	s28 =	simm.s32 $0x800;
	s29 =	simm.s32 $0x1;
	[tilespmem:s6+$0xFFFFFFF0] =	vst v1  }
0x409: {  	[hbm4b:s4+s26] =	stream.indirect.scatter [tilespmem:s28], [sflag:$0x1], $0x80, s7, s26, $0xb8;
	[tilespmem:$0x1A920] =	vst v63  }
0x40a: {  	_ =	swait.ge [sflag:s29], $0x4000  }
0x40b: {  	[sflag:s29] =	ssyncset.done $0x0  }
0x40c: {  	s30 =	simm.s32 $0x600;
	s9 =	simm.s32 $0x8800;
	[sflag:s29] =	ssyncadd.s32 $0xFFFFC000  }
0x40d: {  	[tilespmem:s9], [sflag:$0x1] =	stream.indirect.gather [spmem:s5], $0x40, s30, s26, $0xb8;
	[tilespmem:$0x1A920] =	vst v63  }
0x40e: {  	_ =	swait.ge [sflag:s29], $0x2000  }
0x40f: {  	[sflag:s29] =	ssyncset.done $0x0  }
0x410: {  	s31 =	simm.s32 $0x0;
	[sflag:s29] =	ssyncadd.s32 $0xFFFFE000  }
0x411: {  	v0 =	vld [tilespmem:s31+$0x8800];
	_ =	sdelay $0x3  }
0x412: {  	s6 =	simm.s32 $0x840  }
0x413: {  	[tilespmem:s6+$0xFFFFFFC0] =	vst v0  }
0x414: {  	v0 =	vld [tilespmem:s31+$0x8810];
	_ =	sdelay $0x4  }
0x415: {  	[tilespmem:s6+$0xFFFFFFD0] =	vst v0  }
0x416: {  	v0 =	vld [tilespmem:s31+$0x8820];
	_ =	sdelay $0x4  }
0x417: {  	[tilespmem:s6+$0xFFFFFFE0] =	vst v0  }
0x418: {  	v0 =	vimm.f32 $0.0e+00;
	v1 =	vld [tilespmem:s31+$0x8830]  }
0x419: {  	[tilespmem:s6+$0x0] =	vst v0  }
0x41a: {  	[tilespmem:s6+$0x10] =	vst v0  }
0x41b: {  	[tilespmem:s6+$0x20] =	vst v0  }
0x41c: {  	[tilespmem:s6+$0x30] =	vst v0  }
0x41d: {  	s8 =	simm.s32 $0x40;
	s7 =	simm.s32 $0x200;
	[tilespmem:s6+$0xFFFFFFF0] =	vst v1  }
.LBB2_41:
0x41e: {  	p0 =	sne.s32 s7, $0x7F00;
	v1 =	vld [tilespmem:s8+$0x8800];
	_ =	sdelay $0x3  }
0x41f: {  	s6 =	sadd.s32 $0x80, s6  }
0x420: {  	[tilespmem:s6+$0xFFFFFFC0] =	vst v1  }
0x421: {  	v1 =	vld [tilespmem:s8+$0x8810];
	_ =	sdelay $0x4  }
0x422: {  	[tilespmem:s6+$0xFFFFFFD0] =	vst v1  }
0x423: {  	v1 =	vld [tilespmem:s8+$0x8820];
	_ =	sdelay $0x4  }
0x424: {  	[tilespmem:s6+$0xFFFFFFE0] =	vst v1  }
0x425: {  	v1 =	vld [tilespmem:s8+$0x8830];
	[tilespmem:s6+$0x0] =	vst v0  }
.Ltmp20:
0x426: {  	[tilespmem:s6+$0x10] =	vst v0;
	(pc) =	sbr.rel @p0 .LBB2_41-.Ltmp20, $3  }
0x427: {  	[tilespmem:s6+$0x20] =	vst v0  }
0x428: {  	[tilespmem:s6+$0x30] =	vst v0;
	_ =	sdelay $0x1  }
0x429: {  	s8 =	sshra.s32 s7, $0x2;
	s7 =	sadd.s32 $0x100, s7;
	[tilespmem:s6+$0xFFFFFFF0] =	vst v1  }
0x42a: {  	v1 =	vld [tilespmem:s8+$0x8800];
	_ =	sdelay $0x3  }
0x42b: {  	s6 =	sadd.s32 $0x80, s6  }
0x42c: {  	[tilespmem:s6+$0xFFFFFFC0] =	vst v1  }
0x42d: {  	v1 =	vld [tilespmem:s8+$0x8810];
	_ =	sdelay $0x4  }
0x42e: {  	[tilespmem:s6+$0xFFFFFFD0] =	vst v1  }
0x42f: {  	v1 =	vld [tilespmem:s8+$0x8820];
	_ =	sdelay $0x4  }
0x430: {  	[tilespmem:s6+$0xFFFFFFE0] =	vst v1  }
0x431: {  	v1 =	vld [tilespmem:s8+$0x8830]  }
0x432: {  	[tilespmem:s6+$0x0] =	vst v0  }
0x433: {  	[tilespmem:s6+$0x10] =	vst v0  }
0x434: {  	[tilespmem:s6+$0x20] =	vst v0  }
0x435: {  	s26 =	simm.s32 $0x80;
	[tilespmem:s6+$0x30] =	vst v0  }
0x436: {  	s7 =	simm.s32 $0x200;
	s28 =	simm.s32 $0x800;
	s29 =	simm.s32 $0x1;
	[tilespmem:s6+$0xFFFFFFF0] =	vst v1  }
0x437: {  	[hbm4b:s4+s26] =	stream.indirect.scatter [tilespmem:s28], [sflag:$0x1], $0x80, s7, s26, $0xb8;
	[tilespmem:$0x1A920] =	vst v63  }
0x438: {  	_ =	swait.ge [sflag:s29], $0x4000  }
0x439: {  	[sflag:s29] =	ssyncset.done $0x0  }
0x43a: {  	s30 =	simm.s32 $0x680;
	s9 =	simm.s32 $0x8800;
	[sflag:s29] =	ssyncadd.s32 $0xFFFFC000  }
0x43b: {  	[tilespmem:s9], [sflag:$0x1] =	stream.indirect.gather [spmem:s5], $0x40, s30, s26, $0xb8;
	[tilespmem:$0x1A920] =	vst v63  }
0x43c: {  	_ =	swait.ge [sflag:s29], $0x2000  }
0x43d: {  	[sflag:s29] =	ssyncset.done $0x0  }
0x43e: {  	s31 =	simm.s32 $0x0;
	[sflag:s29] =	ssyncadd.s32 $0xFFFFE000  }
0x43f: {  	v0 =	vld [tilespmem:s31+$0x8800];
	_ =	sdelay $0x3  }
0x440: {  	s6 =	simm.s32 $0x840  }
0x441: {  	[tilespmem:s6+$0xFFFFFFC0] =	vst v0  }
0x442: {  	v0 =	vld [tilespmem:s31+$0x8810];
	_ =	sdelay $0x4  }
0x443: {  	[tilespmem:s6+$0xFFFFFFD0] =	vst v0  }
0x444: {  	v0 =	vld [tilespmem:s31+$0x8820];
	_ =	sdelay $0x4  }
0x445: {  	[tilespmem:s6+$0xFFFFFFE0] =	vst v0  }
0x446: {  	v0 =	vimm.f32 $0.0e+00;
	v1 =	vld [tilespmem:s31+$0x8830]  }
0x447: {  	[tilespmem:s6+$0x0] =	vst v0  }
0x448: {  	[tilespmem:s6+$0x10] =	vst v0  }
0x449: {  	[tilespmem:s6+$0x20] =	vst v0  }
0x44a: {  	[tilespmem:s6+$0x30] =	vst v0  }
0x44b: {  	s8 =	simm.s32 $0x40;
	s7 =	simm.s32 $0x200;
	[tilespmem:s6+$0xFFFFFFF0] =	vst v1  }
.LBB2_43:
0x44c: {  	p0 =	sne.s32 s7, $0x7F00;
	v1 =	vld [tilespmem:s8+$0x8800];
	_ =	sdelay $0x3  }
0x44d: {  	s6 =	sadd.s32 $0x80, s6  }
0x44e: {  	[tilespmem:s6+$0xFFFFFFC0] =	vst v1  }
0x44f: {  	v1 =	vld [tilespmem:s8+$0x8810];
	_ =	sdelay $0x4  }
0x450: {  	[tilespmem:s6+$0xFFFFFFD0] =	vst v1  }
0x451: {  	v1 =	vld [tilespmem:s8+$0x8820];
	_ =	sdelay $0x4  }
0x452: {  	[tilespmem:s6+$0xFFFFFFE0] =	vst v1  }
0x453: {  	v1 =	vld [tilespmem:s8+$0x8830];
	[tilespmem:s6+$0x0] =	vst v0  }
.Ltmp21:
0x454: {  	[tilespmem:s6+$0x10] =	vst v0;
	(pc) =	sbr.rel @p0 .LBB2_43-.Ltmp21, $3  }
0x455: {  	[tilespmem:s6+$0x20] =	vst v0  }
0x456: {  	[tilespmem:s6+$0x30] =	vst v0;
	_ =	sdelay $0x1  }
0x457: {  	s8 =	sshra.s32 s7, $0x2;
	s7 =	sadd.s32 $0x100, s7;
	[tilespmem:s6+$0xFFFFFFF0] =	vst v1  }
0x458: {  	v1 =	vld [tilespmem:s8+$0x8800];
	_ =	sdelay $0x3  }
0x459: {  	s6 =	sadd.s32 $0x80, s6  }
0x45a: {  	[tilespmem:s6+$0xFFFFFFC0] =	vst v1  }
0x45b: {  	v1 =	vld [tilespmem:s8+$0x8810];
	_ =	sdelay $0x4  }
0x45c: {  	[tilespmem:s6+$0xFFFFFFD0] =	vst v1  }
0x45d: {  	v1 =	vld [tilespmem:s8+$0x8820];
	_ =	sdelay $0x4  }
0x45e: {  	[tilespmem:s6+$0xFFFFFFE0] =	vst v1  }
0x45f: {  	v1 =	vld [tilespmem:s8+$0x8830]  }
0x460: {  	[tilespmem:s6+$0x0] =	vst v0  }
0x461: {  	[tilespmem:s6+$0x10] =	vst v0  }
0x462: {  	[tilespmem:s6+$0x20] =	vst v0  }
0x463: {  	s26 =	simm.s32 $0x80;
	[tilespmem:s6+$0x30] =	vst v0  }
0x464: {  	s7 =	simm.s32 $0x280;
	s28 =	simm.s32 $0x800;
	s29 =	simm.s32 $0x1;
	[tilespmem:s6+$0xFFFFFFF0] =	vst v1  }
0x465: {  	[hbm4b:s4+s26] =	stream.indirect.scatter [tilespmem:s28], [sflag:$0x1], $0x80, s7, s26, $0xb8;
	[tilespmem:$0x1A920] =	vst v63  }
0x466: {  	_ =	swait.ge [sflag:s29], $0x4000  }
0x467: {  	[sflag:s29] =	ssyncset.done $0x0  }
0x468: {  	s30 =	simm.s32 $0x700;
	s9 =	simm.s32 $0x8800;
	[sflag:s29] =	ssyncadd.s32 $0xFFFFC000  }
0x469: {  	[tilespmem:s9], [sflag:$0x1] =	stream.indirect.gather [spmem:s5], $0x40, s30, s26, $0xb8;
	[tilespmem:$0x1A920] =	vst v63  }
0x46a: {  	_ =	swait.ge [sflag:s29], $0x2000  }
0x46b: {  	[sflag:s29] =	ssyncset.done $0x0  }
0x46c: {  	s31 =	simm.s32 $0x0;
	[sflag:s29] =	ssyncadd.s32 $0xFFFFE000  }
0x46d: {  	v0 =	vld [tilespmem:s31+$0x8800];
	_ =	sdelay $0x3  }
0x46e: {  	s6 =	simm.s32 $0x840  }
0x46f: {  	[tilespmem:s6+$0xFFFFFFC0] =	vst v0  }
0x470: {  	v0 =	vld [tilespmem:s31+$0x8810];
	_ =	sdelay $0x4  }
0x471: {  	[tilespmem:s6+$0xFFFFFFD0] =	vst v0  }
0x472: {  	v0 =	vld [tilespmem:s31+$0x8820];
	_ =	sdelay $0x4  }
0x473: {  	[tilespmem:s6+$0xFFFFFFE0] =	vst v0  }
0x474: {  	v0 =	vimm.f32 $0.0e+00;
	v1 =	vld [tilespmem:s31+$0x8830]  }
0x475: {  	[tilespmem:s6+$0x0] =	vst v0  }
0x476: {  	[tilespmem:s6+$0x10] =	vst v0  }
0x477: {  	[tilespmem:s6+$0x20] =	vst v0  }
0x478: {  	[tilespmem:s6+$0x30] =	vst v0  }
0x479: {  	s8 =	simm.s32 $0x40;
	s7 =	simm.s32 $0x200;
	[tilespmem:s6+$0xFFFFFFF0] =	vst v1  }
.LBB2_45:
0x47a: {  	p0 =	sne.s32 s7, $0x7F00;
	v1 =	vld [tilespmem:s8+$0x8800];
	_ =	sdelay $0x3  }
0x47b: {  	s6 =	sadd.s32 $0x80, s6  }
0x47c: {  	[tilespmem:s6+$0xFFFFFFC0] =	vst v1  }
0x47d: {  	v1 =	vld [tilespmem:s8+$0x8810];
	_ =	sdelay $0x4  }
0x47e: {  	[tilespmem:s6+$0xFFFFFFD0] =	vst v1  }
0x47f: {  	v1 =	vld [tilespmem:s8+$0x8820];
	_ =	sdelay $0x4  }
0x480: {  	[tilespmem:s6+$0xFFFFFFE0] =	vst v1  }
0x481: {  	v1 =	vld [tilespmem:s8+$0x8830];
	[tilespmem:s6+$0x0] =	vst v0  }
.Ltmp22:
0x482: {  	[tilespmem:s6+$0x10] =	vst v0;
	(pc) =	sbr.rel @p0 .LBB2_45-.Ltmp22, $3  }
0x483: {  	[tilespmem:s6+$0x20] =	vst v0  }
0x484: {  	[tilespmem:s6+$0x30] =	vst v0;
	_ =	sdelay $0x1  }
0x485: {  	s8 =	sshra.s32 s7, $0x2;
	s7 =	sadd.s32 $0x100, s7;
	[tilespmem:s6+$0xFFFFFFF0] =	vst v1  }
0x486: {  	v1 =	vld [tilespmem:s8+$0x8800];
	_ =	sdelay $0x3  }
0x487: {  	s6 =	sadd.s32 $0x80, s6  }
0x488: {  	[tilespmem:s6+$0xFFFFFFC0] =	vst v1  }
0x489: {  	v1 =	vld [tilespmem:s8+$0x8810];
	_ =	sdelay $0x4  }
0x48a: {  	[tilespmem:s6+$0xFFFFFFD0] =	vst v1  }
0x48b: {  	v1 =	vld [tilespmem:s8+$0x8820];
	_ =	sdelay $0x4  }
0x48c: {  	[tilespmem:s6+$0xFFFFFFE0] =	vst v1  }
0x48d: {  	v1 =	vld [tilespmem:s8+$0x8830]  }
0x48e: {  	[tilespmem:s6+$0x0] =	vst v0  }
0x48f: {  	[tilespmem:s6+$0x10] =	vst v0  }
0x490: {  	[tilespmem:s6+$0x20] =	vst v0  }
0x491: {  	s26 =	simm.s32 $0x80;
	[tilespmem:s6+$0x30] =	vst v0  }
0x492: {  	s7 =	simm.s32 $0x300;
	s28 =	simm.s32 $0x800;
	s29 =	simm.s32 $0x1;
	[tilespmem:s6+$0xFFFFFFF0] =	vst v1  }
0x493: {  	[hbm4b:s4+s26] =	stream.indirect.scatter [tilespmem:s28], [sflag:$0x1], $0x80, s7, s26, $0xb8;
	[tilespmem:$0x1A920] =	vst v63  }
0x494: {  	_ =	swait.ge [sflag:s29], $0x4000  }
0x495: {  	[sflag:s29] =	ssyncset.done $0x0  }
0x496: {  	s30 =	simm.s32 $0x780;
	s9 =	simm.s32 $0x8800;
	[sflag:s29] =	ssyncadd.s32 $0xFFFFC000  }
0x497: {  	[tilespmem:s9], [sflag:$0x1] =	stream.indirect.gather [spmem:s5], $0x40, s30, s26, $0xb8;
	[tilespmem:$0x1A920] =	vst v63  }
0x498: {  	_ =	swait.ge [sflag:s29], $0x2000  }
0x499: {  	[sflag:s29] =	ssyncset.done $0x0  }
0x49a: {  	s31 =	simm.s32 $0x0;
	[sflag:s29] =	ssyncadd.s32 $0xFFFFE000  }
0x49b: {  	v0 =	vld [tilespmem:s31+$0x8800];
	_ =	sdelay $0x3  }
0x49c: {  	s5 =	simm.s32 $0x840  }
0x49d: {  	[tilespmem:s5+$0xFFFFFFC0] =	vst v0  }
0x49e: {  	v0 =	vld [tilespmem:s31+$0x8810];
	_ =	sdelay $0x4  }
0x49f: {  	[tilespmem:s5+$0xFFFFFFD0] =	vst v0  }
0x4a0: {  	v0 =	vld [tilespmem:s31+$0x8820];
	_ =	sdelay $0x4  }
0x4a1: {  	[tilespmem:s5+$0xFFFFFFE0] =	vst v0  }
0x4a2: {  	v0 =	vimm.f32 $0.0e+00;
	v1 =	vld [tilespmem:s31+$0x8830]  }
0x4a3: {  	[tilespmem:s5+$0x0] =	vst v0  }
0x4a4: {  	[tilespmem:s5+$0x10] =	vst v0  }
0x4a5: {  	[tilespmem:s5+$0x20] =	vst v0  }
0x4a6: {  	[tilespmem:s5+$0x30] =	vst v0  }
0x4a7: {  	s6 =	simm.s32 $0x200;
	s7 =	simm.s32 $0x40;
	[tilespmem:s5+$0xFFFFFFF0] =	vst v1  }
.LBB2_47:
0x4a8: {  	p0 =	sne.s32 s6, $0x7F00;
	v1 =	vld [tilespmem:s7+$0x8800];
	_ =	sdelay $0x3  }
0x4a9: {  	s5 =	sadd.s32 $0x80, s5  }
0x4aa: {  	[tilespmem:s5+$0xFFFFFFC0] =	vst v1  }
0x4ab: {  	v1 =	vld [tilespmem:s7+$0x8810];
	_ =	sdelay $0x4  }
0x4ac: {  	[tilespmem:s5+$0xFFFFFFD0] =	vst v1  }
0x4ad: {  	v1 =	vld [tilespmem:s7+$0x8820];
	_ =	sdelay $0x4  }
0x4ae: {  	[tilespmem:s5+$0xFFFFFFE0] =	vst v1  }
0x4af: {  	v1 =	vld [tilespmem:s7+$0x8830];
	[tilespmem:s5+$0x0] =	vst v0  }
.Ltmp23:
0x4b0: {  	[tilespmem:s5+$0x10] =	vst v0;
	(pc) =	sbr.rel @p0 .LBB2_47-.Ltmp23, $3  }
0x4b1: {  	[tilespmem:s5+$0x20] =	vst v0  }
0x4b2: {  	[tilespmem:s5+$0x30] =	vst v0;
	_ =	sdelay $0x1  }
0x4b3: {  	s7 =	sshra.s32 s6, $0x2;
	s6 =	sadd.s32 $0x100, s6;
	[tilespmem:s5+$0xFFFFFFF0] =	vst v1  }
0x4b4: {  	v1 =	vld [tilespmem:s7+$0x8800];
	_ =	sdelay $0x3  }
0x4b5: {  	s5 =	sadd.s32 $0x80, s5  }
0x4b6: {  	[tilespmem:s5+$0xFFFFFFC0] =	vst v1  }
0x4b7: {  	v1 =	vld [tilespmem:s7+$0x8810];
	_ =	sdelay $0x4  }
0x4b8: {  	[tilespmem:s5+$0xFFFFFFD0] =	vst v1  }
0x4b9: {  	v1 =	vld [tilespmem:s7+$0x8820];
	_ =	sdelay $0x4  }
0x4ba: {  	[tilespmem:s5+$0xFFFFFFE0] =	vst v1  }
0x4bb: {  	v1 =	vld [tilespmem:s7+$0x8830]  }
0x4bc: {  	[tilespmem:s5+$0x0] =	vst v0  }
0x4bd: {  	[tilespmem:s5+$0x10] =	vst v0  }
0x4be: {  	[tilespmem:s5+$0x20] =	vst v0  }
0x4bf: {  	s29 =	simm.s32 $0x80;
	[tilespmem:s5+$0x30] =	vst v0  }
0x4c0: {  	s6 =	simm.s32 $0x380;
	s30 =	simm.s32 $0x800;
	s31 =	simm.s32 $0x1;
	[tilespmem:s5+$0xFFFFFFF0] =	vst v1  }
0x4c1: {  	[hbm4b:s4+s29] =	stream.indirect.scatter [tilespmem:s30], [sflag:$0x1], $0x80, s6, s29, $0xb8;
	[tilespmem:$0x1A920] =	vst v63  }
0x4c2: {  	_ =	swait.ge [sflag:s31], $0x4000  }
0x4c3: {  	[sflag:s31] =	ssyncset.done $0x0  }
0x4c4: {  	p0 =	sne.s32 s3, $0x0;
	[sflag:s31] =	ssyncadd.s32 $0xFFFFC000  }
0x4c5: {  	_ =	sfence.sel @p0 $0x180000  }
0x4c6: {  	[bflag:$0x0] =	sbarrier.arrive @p0 $0xFFFF  }
0x4c7: {  	_ =	strace @p0 $0x9000004A  }
0x4c8: {  	s3 =	simm.s32 @!p0 $0xA810;
	[bflag:$0x2] =	sbarrier.arrive @p0 $0xFFFF  }
0x4c9: {  	[tilespmem:s3], [sflag:$0x1] =	stream.linear.gather @!p0 [spmem:s2], $0x100, $0x38;
	[tilespmem:$0x1A920] =	vst v63  }
0x4ca: {  	s2 =	simm.s32 @!p0 $0x1  }
0x4cb: {  	_ =	swait.ge @!p0 [sflag:s2], $0x100  }
0x4cc: {  	[sflag:s2] =	ssyncset.done @!p0 $0x0  }
0x4cd: {  	[sflag:s2] =	ssyncadd.s32 @!p0 $0xFFFFFF00  }
0x4ce: {  	v0 =	vld @!p0 [tilespmem:$0xA810];
	_ =	sdelay $0x1  }
0x4cf: {  	v1 =	vld @!p0 [tilespmem:$0xA820];
	_ =	sdelay $0x1  }
0x4d0: {  	v2 =	vld @!p0 [tilespmem:$0xA830]  }
0x4d1: {  	v0 =	vadd.f32 @!p0 $0.0e+00, v0  }
0x4d2: {  	v3 =	vld @!p0 [tilespmem:$0xA840]  }
0x4d3: {  	v0 =	vadd.f32 @!p0 v1, v0  }
0x4d4: {  	v1 =	vld @!p0 [tilespmem:$0xA850]  }
0x4d5: {  	v0 =	vadd.f32 @!p0 v2, v0  }
0x4d6: {  	v2 =	vld @!p0 [tilespmem:$0xA860]  }
0x4d7: {  	v0 =	vadd.f32 @!p0 v3, v0  }
0x4d8: {  	v3 =	vld @!p0 [tilespmem:$0xA870]  }
0x4d9: {  	v0 =	vadd.f32 @!p0 v1, v0  }
0x4da: {  	v1 =	vld @!p0 [tilespmem:$0xA880]  }
0x4db: {  	v0 =	vadd.f32 @!p0 v2, v0  }
0x4dc: {  	v2 =	vld @!p0 [tilespmem:$0xA890]  }
0x4dd: {  	v0 =	vadd.f32 @!p0 v3, v0  }
0x4de: {  	v3 =	vld @!p0 [tilespmem:$0xA8A0]  }
0x4df: {  	v0 =	vadd.f32 @!p0 v1, v0  }
0x4e0: {  	v1 =	vld @!p0 [tilespmem:$0xA8B0]  }
0x4e1: {  	v0 =	vadd.f32 @!p0 v2, v0  }
0x4e2: {  	v2 =	vld @!p0 [tilespmem:$0xA8C0]  }
0x4e3: {  	v0 =	vadd.f32 @!p0 v3, v0  }
0x4e4: {  	v3 =	vld @!p0 [tilespmem:$0xA8D0]  }
0x4e5: {  	v0 =	vadd.f32 @!p0 v1, v0  }
0x4e6: {  	v1 =	vld @!p0 [tilespmem:$0xA8E0]  }
0x4e7: {  	v0 =	vadd.f32 @!p0 v2, v0  }
0x4e8: {  	v2 =	vld @!p0 [tilespmem:$0xA8F0]  }
0x4e9: {  	v0 =	vadd.f32 @!p0 v3, v0  }
0x4ea: {  	v3 =	vld @!p0 [tilespmem:$0xA900]  }
0x4eb: {  	v0 =	vadd.f32 @!p0 v1, v0;
	_ =	sdelay $0x1  }
0x4ec: {  	v0 =	vadd.f32 @!p0 v2, v0;
	_ =	sdelay $0x1  }
0x4ed: {  	v0 =	vadd.f32 @!p0 v3, v0;
	_ =	sdelay $0x1  }
0x4ee: {  	(xrf2) =	vadd.scan.msk.f32 @!p0 $0xffff, v0;
	_ =	sdelay $0x9  }
0x4ef: {  	v0, _, _ =	vpop @!p0 (xrf2)  }
0x4f0: {  	v0 =	vbroadcast @!p0 v0, $0xF;
	_ =	sdelay $0x1  }
0x4f1: {  	s4 =	simm.s32 @!p0 $0xA800;
	s3 =	simm.s32 @!p0 $0x0;
	[tilespmem:$0xA800] =	vst @!p0 v0  }
0x4f2: {  	[hbm4b:s1+s3] =	stream.linear.scatter @!p0 [tilespmem:s4], [sflag:$0x1], $0x10, $0x38;
	[tilespmem:$0x1A920] =	vst v63  }
0x4f3: {  	_ =	swait.ge @!p0 [sflag:s2], $0x10  }
0x4f4: {  	[sflag:s2] =	ssyncset.done @!p0 $0x0  }
0x4f5: {  	[sflag:s2] =	ssyncadd.s32 @!p0 $0xFFFFFFF0  }
0x4f6: {  	_ =	sfence.sel @!p0 $0x180000  }
0x4f7: {  	[bflag:$0x0] =	sbarrier.arrive @!p0 $0xFFFF  }
0x4f8: {  	_ =	strace @!p0 $0x9000004A  }
0x4f9: {  	s0 =	sadd.s32 @!p0 $0x100000, s0;
	[bflag:$0x2] =	sbarrier.arrive @!p0 $0xFFFF  }
0x4fa: {  	[sflag:s0] =	ssyncadd.tile.s32 @!p0 $0x1;
	_ =	shalt  }
.Lfunc_end2:
_tile_overlayer_lowered:
.L_overlay_start_2:
0x4fb: {  	(tag) =	ssettag $0x2  }
0x4fc: {  	s0 =	rddreg [dreg:$0x0];
	s2 =	stileid.u32  }
0x4fd: {  	s1 =	rddreg [dreg:$0x1];
	p0 =	sne.s32 s2, $0x0  }
0x4fe: {  	s3 =	rddreg [dreg:$0x2];
	[bflag:$0x3] =	sbarrier.arrive $0xFFFF;
	s2 =	simm.s32 @!p0 $0x1C01  }
0x4ff: {  	[timem:s3], [sflag:s2] =	dma.local @!p0 [hbm:s0], s1  }
0x500: {  	s0 =	simm.s32 @!p0 $0x1  }
0x501: {  	_ =	swait.ge @!p0 [sflag:s0], s1  }
0x502: {  	s1 =	ssub.s32 @!p0 $0x0, s1;
	[sflag:s0] =	ssyncset.done @!p0 $0x0  }
0x503: {  	[sflag:s0] =	ssyncadd.s32 @!p0 s1  }
0x504: {  	[bflag:$0x3] =	sbarrier.arrive $0xFFFF  }
0x505: {  	_ =	shalt  }

// kernel: sparse-core-data-format-call.cloned.1.call-start
scs
called_computation_lowered:
.L_overlay_start_0:
0x0: {  	s2 =	sld [smem:$0x3FD9]  }
0x1: {  	s3 =	sld [smem:$0x3FFE];
	_ =	sdelay $0x1  }
0x2: {  	s1 =	srdreg.scid  }
0x3: {  	s0 =	sand.u32 $0x1, s1  }
0x4: {  	s15 =	sshll.u32 s0, $0xA;
	s2 =	sadd.s32 s3, s2  }
0x5: {  	s2 =	sadd.s32 s2, s15  }
0x6: {  	[smem:$0x3FC5] =	sst s2  }
0x7: {  	_ = 	snop  }
0x8: {  	s2 =	sld [smem:$0x3FD0];
	_ =	sdelay $0x2  }
0x9: {  	s16 =	simm.s32 $0xA;
	s4 =	simm.s32 $0x10  }
0xa: {  	[smem:s4], [sflag:s16] =	dma.local [hbm:s2], $0x1  }
0xb: {  	_ =	swait.eq [sflag:s16], $0x1  }
0xc: {  	[sflag:s16] =	ssyncset.done $0x0  }
0xd: {  	[sflag:s16] =	ssyncadd.s32 $0xFFFFFFFF  }
0xe: {  	s17 =	sld [smem:$0x11];
	(tm) =	ssettm $0x1  }
0xf: {  	s18 =	sld [smem:$0x3FFB];
	_ =	sdelay $0x3  }
0x10: {  	_ =	strace s18  }
0x11: {  	s3 =	sld [smem:$0x3FFC];
	_ =	sdelay $0x3  }
0x12: {  	_ =	strace s3  }
0x13: {  	s3 =	sld [smem:$0x3FFD];
	_ =	sdelay $0x3  }
0x14: {  	_ =	strace s3  }
0x15: {  	_ =	strace $0x8FFFFFFF  }
0x16: {  	s19 =	sld [smem:$0x3FDB];
	_ =	sdelay $0x1  }
0x17: {  	s20 =	simm.s32 $_scs_section_size  }
0x18: {  	s5 =	simm.s32 $_size__tile_overlayer_lowered;
	s6 =	simm.s32 $_tile_overlayer_lowered  }
0x19: {  	s23 =	simm.s32 $0x1BFF;
	s22 =	sshll.u32 s6, $0x1;
	s3 =	sadd.s32 s20, s19  }
0x1a: {  	s7 =	simm.s32 $0x0;
	s21 =	sshll.u32 s5, $0x1;
	s5 =	sadd.s32 s22, s3  }
0x1b: {  	[timem:s7], [sflag:s23] =	dma.local [hbm:s5], s21  }
0x1c: {  	_ =	swait.ge [sflag:s23], s21  }
0x1d: {  	s4 =	ssub.s32 $0x0, s21;
	[sflag:s23] =	ssyncset.done $0x0  }
0x1e: {  	[sflag:s23] =	ssyncadd.s32 s4;
	_ =	sdelay $0x1  }
0x1f: {  	s24 =	simm.s32 $0x1B8B  }
0x20: {  	_ =	swait.ge [sflag:s24], $0x1  }
0x21: {  	[sflag:s24] =	ssyncset.done $0x0  }
0x22: {  	s26 =	simm.s32 $0x1B8E;
	s25 =	sld [smem:$0x3FFE];
	[sflag:s24] =	ssyncadd.s32 $0xFFFFFFFF  }
0x23: {  	s27 =	simm.s32 $execute0_lowered;
	[smem:$0x3FD2] =	sst s26  }
0x24: {  	s5 =	sshll.u32 s27, $0x1;
	_ =	strace $0x8000004C;
	[dreg:$0x1] =	wrdreg $0xFFFFFFFF  }
0x25: {  	s28 =	simm.s32 $_size_execute0_lowered;
	s3 =	sadd.s32 s3, s5;
	[dreg:$0x0] =	wrdreg $0x0  }
0x26: {  	s5 =	sshll.u32 s28, $0x1;
	[dreg:$0x2] =	wrdreg s3  }
0x27: {  	[dreg:$0x3] =	wrdreg s5  }
0x28: {  	[dreg:$0x4] =	wrdreg $0xC0  }
0x29: {  	_ =	task [dreg:s7], $0x5FFFF  }
0x2a: {  	[dreg:$0x1] =	wrdreg $0xFFFFFFFF  }
0x2b: {  	[dreg:$0x0] =	wrdreg $0x60  }
0x2c: {  	[dreg:$0x2] =	wrdreg s25  }
0x2d: {  	[dreg:$0x3] =	wrdreg s17  }
0x2e: {  	[dreg:$0x4] =	wrdreg $0x9  }
0x2f: {  	_ =	task.clear_ibuf [dreg:s7], $0x5FFFF;
	_ =	strace $0x9000004C  }
0x30: {  	s29 =	simm.s32 $0x9;
	_ =	strace $0x8000004E  }
0x31: {  	_ =	swait.ge [sflag:s29], $0x1  }
0x32: {  	[sflag:s29] =	ssyncadd.s32 $0xFFFFFFFF  }
0x33: {  	_ =	strace $0x9000004E  }
0x34: {  	_ =	sfence  }
0x35: {  	s30 =	sld [smem:$0x0];
	_ =	sdelay $0x2  }
0x36: {  	s31 =	sshll.u32 s1, $0xD;
	s1 =	sshrl.u32 s1, $0x2  }
0x37: {  	s3 =	sand.u32 $0x4000, s31;
	s1 =	sadd.s32 s1, s30  }
0x38: {  	s0 =	sor.u32 s3, s0;
	s1 =	sshll.u32 s1, $0x11  }
0x39: {  	s0 =	sor.u32 s1, s0  }
0x3a: {  	s0 =	sadd.s32 $0x8F2B, s0  }
0x3b: {  	[sflag:s0] =	ssyncadd.remote.s32 $0x1  }
0x3c: {  	_ =	sfence.sel $0xFFFF  }
0x3d: {  	[dreg:$0x0] =	wrdreg $0xFFFFFFFF;
	(pc) =	sbr.abs _section_cstart, $3  }
0x3e: {  	[dreg:$0x1] =	wrdreg $0xFFFFFFFF  }
0x3f: {  	_ =	task.clear_ibuf [dreg:s7], $0x2FFFF;
	_ =	strace $0x9FFFFFFF  }
0x40: {  	(tm) =	ssettm $0x7FFFFFFF  }
0x41: {  	_ =	shalt  }
tec
execute0_lowered:
.L_overlay_start_1:
0x0: {  	(tag) =	ssettag $0x1  }
0x1: {  	s4 =	rddreg [dreg:$0x0]  }
0x2: {  	s0 =	srdreg.scid;
	s2 =	rddreg [dreg:$0x1]  }
0x3: {  	s1 =	stileid.u32;
	s5 =	simm.s32 $0x1;
	s0 =	sshll.u32 s0, $0x4  }
0x4: {  	s7 =	simm.s32 $0x2;
	s11 =	simm.s32 $0x0;
	s3 =	sand.u32 $0x10, s0  }
.Ltmp0:
0x5: {  	p0 =	por $0x0, $0x0;
	s3 =	sor.u32 s1, s3;
	(pc) =	sbr.rel .LBB1_1-.Ltmp0, $4  }
0x6: {  	s8 =	simm.s32 $0x7A1400;
	s10 =	simm.s32 $0x0;
	s3 =	sshll.u32 s3, $0x7  }
0x7: {  	s0 =	rddreg [dreg:$0x2];
	_ =	strace $0x8000004D;
	s6 =	ssub.s32 $0xF4200, s3  }
0x8: {  	s4 =	sadd.s32 $0xF62200, s4;
	[sflag:s5] =	ssyncpa.u1 $0x0;
	s6 =	sshrl.u32 s6, $0xC  }
0x9: {  	[sflag:s7] =	ssyncpa.u1 $0x0;
	s9 =	smov.u32 s3;
	s7 =	sadd.s32 $0x2, s6  }
.LBB1_5:
0xa: {  	s13 =	sadd.s32 $0x1000, s9  }
0xb: {  	p2 =	sgt.s32 s13, $0xF423F  }
0xc: {  	s13 =	smov.u32 @p2 s3;
	p2 =	sne.s32 s10, s7  }
.Ltmp1:
0xd: {  	p1 =	slt.u32 s10, $0x2;
	(pc) =	sbr.rel @!p2 .LBB1_6-.Ltmp1, $4  }
0xe: {  	s12 =	simm.s32 @!p1 $0x2  }
0xf: {  	s14 =	sadd.s32 $0x1, s10;
	_ =	swait.ge @!p1 [sflag:s12], $0x2000  }
0x10: {  	s11 =	smov.u32 s9;
	p0 =	por !p0, !p0;
	[sflag:s12] =	ssyncset.done @!p1 $0x0  }
0x11: {  	s10 =	smov.u32 s14;
	s9 =	smov.u32 s13;
	[sflag:s12] =	ssyncadd.s32 @!p1 $0xFFFFE000  }
.LBB1_1:
0x12: {  	p1 =	sgt.u32 s10, s6  }
0x13: {  	s13 =	smov.u32 s9;
	p2 =	sgt.s32 @!p1 s9, $0xF41C0  }
0x14: {  	s12 =	sand.u32 @!p1 $0x1FFFFFF, s9;
	s14 =	sshra.s32 @!p1 s9, $0x1F;
	p2 =	por !p2, p1  }
0x15: {  	s15 =	smulhi.u32 @!p1 $0x218DEF5, s12;
	s14 =	sand.u32 @!p1 s14, s9;
	s13 =	simm.s32 @p2 $0xF41C0  }
0x16: {  	s13 =	ssub.s32 @!p1 s13, s14  }
0x17: {  	s14 =	sshrl.u32 @!p1 s15, $0xD;
	s13 =	sadd.s32 @!p1 $0xFFF0BE40, s13  }
0x18: {  	s15 =	sxor.u32 @!p1 $0xFFFFFFFF, s10;
	s14 =	smul.u32 @!p1 $0xF4240, s14;
	s16 =	sshll.u32 @!p1 s13, $0x8  }
0x19: {  	s15 =	sshll.u32 @!p1 s15, $0xD;
	p2 =	sgt.s32 @!p1 s13, $0x7F;
	s13 =	ssub.s32 @!p1 $0x8000, s16  }
0x1a: {  	s12 =	ssub.s32 @!p1 s12, s14;
	p2 =	por !p2, p1;
	s14 =	sand.u32 @!p1 $0x2000, s15  }
0x1b: {  	s15 =	simm.s32 @!p1 $0x40;
	s13 =	sshrl.u32 @!p1 s13, $0x2;
	s12 =	sshll.u32 @!p1 s12, $0x4  }
0x1c: {  	s16 =	simm.s32 @!p1 $0x80;
	s13 =	simm.s32 @!p2 $0x0;
	s12 =	sadd.s32 @!p1 s4, s12  }
0x1d: {  	[tilespmem:s14], [sflag:$0x1] =	stream.strided.gather @!p1 [hbm4b:s12+s15], s13, s16, s15, $0x38;
	[tilespmem:$0x8080] =	vst v63  }
0x1e: {  	p1 =	seq.s32 s10, $0x0  }
0x1f: {  	p2 =	sge.u32 @!p1 s10, s7  }
0x20: {  	p1 =	por p1, p2  }
.Ltmp2:
0x21: {  	_ = 	snop;
	(pc) =	sbr.rel @p1 .LBB1_5-.Ltmp2, $1  }
0x22: {  	_ =	sdelay $0x3  }
0x23: {  	p1 =	sgt.s32 s11, $0xF41C0;
	s12 =	smov.u32 s11;
	s13 =	sshra.s32 s11, $0x1F  }
0x24: {  	s12 =	simm.s32 @!p1 $0xF41C0;
	s13 =	sand.u32 s13, s11  }
0x25: {  	s12 =	ssub.s32 s12, s13  }
0x26: {  	s12 =	sadd.s32 $0xFFF0BE40, s12  }
0x27: {  	s28 =	sshll.u32 s12, $0x8  }
0x28: {  	s13 =	ssub.s32 $0x8000, s28  }
0x29: {  	p1 =	sgt.s32 s12, $0x7F;
	s12 =	sshrl.u32 s13, $0x2  }
0x2a: {  	s13 =	simm.s32 $0x1;
	s12 =	simm.s32 @p1 $0x0  }
0x2b: {  	s13 =	simm.s32 @!p0 $0x0;
	_ =	swait.ge [sflag:s5], s12  }
0x2c: {  	s14 =	sshll.u32 s13, $0xD;
	s12 =	ssub.s32 $0x0, s12;
	[sflag:s5] =	ssyncset.done $0x0  }
0x2d: {  	s16 =	sor.u32 $0x20, s14;
	[sflag:s5] =	ssyncadd.s32 s12  }
0x2e: {  	s29 =	smul.u32 $0x8100, s13;
	v3 =	vld [tilespmem:s16+$0x10]  }
0x2f: {  	s30 =	sand.u32 $0x1, s10;
	v2 =	vld [tilespmem:s16+$0xFFFFFFF0]  }
0x30: {  	s13 =	smul.u32 $0x8100, s30;
	s12 =	sshrl.u32 s29, $0x2;
	v0 =	vld [tilespmem:s16+$0x0]  }
0x31: {  	s14 =	sor.u32 $0x4000, s12;
	v1 =	vld [tilespmem:s16+$0xFFFFFFE0]  }
0x32: {  	s31 =	sshrl.u32 s13, $0x2;
	s13 =	sadd.s32 $0x0, s14  }
0x33: {  	s15 =	simm.s32 $0x4;
	s12 =	sor.u32 $0x4000, s31;
	s16 =	sadd.s32 $0x40, s16;
	[tilespmem:s13+$0x1830 ss:$0x81] =	vst.msk $0xffff, v3  }
.LBB1_3:
0x34: {  	v3 =	vld [tilespmem:s16+$0x10];
	p1 =	sne.s32 s15, $0x1FC;
	[tilespmem:s13+$0x810 ss:$0x81] =	vst.msk $0xffff, v2;
	s17 =	smov.u32 s15;
	s15 =	sadd.s32 $0x4, s15  }
.Ltmp3:
0x35: {  	v2 =	vld [tilespmem:s16+$0xFFFFFFF0];
	[tilespmem:s13+$0x1020 ss:$0x81] =	vst.msk $0xffff, v0;
	(pc) =	sbr.rel @p1 .LBB1_3-.Ltmp3, $4  }
0x36: {  	v0 =	vld [tilespmem:s16+$0x0];
	[tilespmem:s13+$0x0 ss:$0x81] =	vst.msk $0xffff, v1  }
0x37: {  	s13 =	sshra.s32 s17, $0x2;
	v1 =	vld [tilespmem:s16+$0xFFFFFFE0]  }
0x38: {  	s13 =	sadd.s32 s13, s14  }
0x39: {  	s16 =	sadd.s32 $0x40, s16;
	[tilespmem:s13+$0x1830 ss:$0x81] =	vst.msk $0xffff, v3  }
0x3a: {  	s14 =	sshll.u32 s11, $0x3  }
0x3b: {  	s30 =	sand.u32 $0x7F, s11;
	s14 =	sand.u32 $0xFFFFFC00, s14  }
0x3c: {  	s11 =	sor.u32 s30, s14  }
0x3d: {  	s15 =	smulhi.u32 $0x218D6287, s11;
	_ =	sdelay $0x1  }
0x3e: {  	s14 =	smulhi.u32 $0x218D6287, s14;
	s15 =	sshrl.u32 s15, $0x11  }
0x3f: {  	s15 =	smul.u32 $0xF4280, s15  }
0x40: {  	s14 =	sshrl.u32 s14, $0x11  }
.Ltmp4:
0x41: {  	s14 =	sand.u32 $0x3F, s14;
	s11 =	ssub.s32 s11, s15;
	(pc) =	sbr.rel .LBB1_5-.Ltmp4, $4  }
0x42: {  	[tilespmem:s13+$0x810 ss:$0x81] =	vst.msk $0xffff, v2;
	s14 =	smul.u32 $0x1E850, s14;
	s15 =	sshrl.u32 s11, $0x3;
	s11 =	sand.u32 $0x7, s11  }
0x43: {  	[tilespmem:s13+$0x1020 ss:$0x81] =	vst.msk $0xffff, v0;
	s15 =	sadd.s32 s2, s15;
	s11 =	sshll.u32 s11, $0x12  }
0x44: {  	[tilespmem:s13+$0x0 ss:$0x81] =	vst.msk $0xffff, v1;
	s31 =	sadd.s32 s14, s15;
	s11 =	sor.u32 $0x400, s11  }
0x45: {  	[hbm4b:s31+s11] =	stream.strided.scatter [tilespmem:s12], [sflag:$0x2], $0x2000, s8, s11, $0x20;
	[tilespmem:$0x8080] =	vst v63  }
.LBB1_6:
0x46: {  	_ =	sfence.sel $0x180000  }
0x47: {  	s2 =	simm.s32 $0x1;
	[bflag:$0x0] =	sbarrier.arrive $0xFFFF  }
0x48: {  	s31 =	simm.s32 $0x2;
	[sflag:s2] =	ssyncpa.u1 $0x1  }
0x49: {  	[sflag:s31] =	ssyncpa.u1 $0x1  }
0x4a: {  	p0 =	sne.s32 s1, $0x0;
	_ =	strace $0x9000004D  }
0x4b: {  	s0 =	sadd.s32 @!p0 $0x100000, s0;
	[bflag:$0x2] =	sbarrier.arrive $0xFFFF  }
0x4c: {  	[sflag:s0] =	ssyncadd.tile.s32 @!p0 $0x1;
	_ =	shalt  }
.Lfunc_end1:
_tile_overlayer_lowered:
.L_overlay_start_2:
0x4d: {  	(tag) =	ssettag $0x2  }
0x4e: {  	s0 =	rddreg [dreg:$0x0];
	s2 =	stileid.u32  }
0x4f: {  	s1 =	rddreg [dreg:$0x1];
	p0 =	sne.s32 s2, $0x0  }
0x50: {  	s3 =	rddreg [dreg:$0x2];
	[bflag:$0x3] =	sbarrier.arrive $0xFFFF;
	s2 =	simm.s32 @!p0 $0x1C01  }
0x51: {  	[timem:s3], [sflag:s2] =	dma.local @!p0 [hbm:s0], s1  }
0x52: {  	s0 =	simm.s32 @!p0 $0x1  }
0x53: {  	_ =	swait.ge @!p0 [sflag:s0], s1  }
0x54: {  	s1 =	ssub.s32 @!p0 $0x0, s1;
	[sflag:s0] =	ssyncset.done @!p0 $0x0  }
0x55: {  	[sflag:s0] =	ssyncadd.s32 @!p0 s1  }
0x56: {  	[bflag:$0x3] =	sbarrier.arrive $0xFFFF  }
0x57: {  	_ =	shalt  }

</sc_bundles>
